<compile_context>
chip_gen: v7x
topology: tpu7x:2x2x1
jax: 0.10.2.dev20260603
libtpu: 0.0.44.dev20260713+nightly
codegen_flags: <defaults>
</compile_context>

<pallas_src>
import functools

import jax
import jax.numpy as jnp
from jax import lax
from jax.experimental import pallas as pl
from jax.experimental.pallas import tpu as pltpu
from jax.experimental.pallas import tpu_sc as plsc

F32 = jnp.float32

NC = 2
NS = 16
NW = NC * NS


def _cond_body(src_ref, srcs_ref, dst_ref, dsts_ref,
               vx_ref, vy_ref, vz_ref, vxs_ref, vys_ref, vzs_ref,
               aw1_ref, ab1_ref, ag_ref, abt_ref,
               mask_ref, o_ref):
    s = src_ref[...]
    ss = srcs_ref[...]
    d = dst_ref[...]
    ds = dsts_ref[...]
    cond = (s == ss) & (s != d) & (ss != ds)
    rows, cols = cond.shape
    idx = (lax.broadcasted_iota(jnp.int32, (rows, cols), 0) * cols
           + lax.broadcasted_iota(jnp.int32, (rows, cols), 1))
    last = jnp.max(jnp.where(cond, idx, -1))
    m = (cond & (idx != last)).astype(F32)
    mask_ref[...] = m
    col0 = m[:, 0:1]
    col0_up = jnp.concatenate([col0[1:], jnp.zeros((1, 1), F32)], axis=0)
    mn = jnp.concatenate([m[:, 1:], col0_up], axis=1)

    vx = vx_ref[...]
    vy = vy_ref[...]
    vz = vz_ref[...]
    vxs = vxs_ref[...]
    vys = vys_ref[...]
    vzs = vzs_ref[...]
    nv = jnp.sqrt(vx * vx + vy * vy + vz * vz)
    nvs = jnp.sqrt(vxs * vxs + vys * vys + vzs * vzs)
    dot = vx * vxs + vy * vys + vz * vzs
    cos = (m * mn * dot
           / (jnp.maximum(nv, 1e-12) * jnp.maximum(nvs, 1e-12)))

    nf = 16
    acc = jnp.zeros_like(cos)
    for j in range(nf):
        t = cos * aw1_ref[0, j] + ab1_ref[0, j]
        o_ref[j] = t
        acc = acc + t
    mu = acc * (1.0 / nf)
    acc = jnp.zeros_like(cos)
    for j in range(nf):
        dj = o_ref[j] - mu
        acc = acc + dj * dj
    inv = lax.rsqrt(acc * (1.0 / nf) + 1e-6)
    for j in range(nf):
        u = (o_ref[j] - mu) * inv * ag_ref[0, j] + abt_ref[0, j]
        o_ref[j] = u * jax.nn.sigmoid(u)


def _make_cond(src2d, srcs2d, dst2d, dsts2d, v2d, vs2d, aw1, ab1, ag, abt):
    nrow, ncol = src2d.shape
    return pl.pallas_call(
        _cond_body,
        grid=(1,),
        in_specs=([pl.BlockSpec((nrow, ncol), lambda i: (0, 0))] * 10
                  + [pl.BlockSpec(memory_space=pltpu.SMEM)] * 4),
        out_specs=[
            pl.BlockSpec((nrow, ncol), lambda i: (0, 0)),
            pl.BlockSpec((16, nrow, ncol), lambda i: (0, 0, 0)),
        ],
        out_shape=[
            jax.ShapeDtypeStruct((nrow, ncol), F32),
            jax.ShapeDtypeStruct((16, nrow, ncol), F32),
        ],
    )(src2d, srcs2d, dst2d, dsts2d, *v2d, *vs2d, aw1, ab1, ag, abt)


def _tables_body(atom_ref, wp_ref, wq_ref, wr_ref, p_ref, q_ref, r_ref):
    at = atom_ref[...]
    p_ref[...] = jnp.dot(at, wp_ref[...], preferred_element_type=F32)
    q_ref[...] = jnp.dot(at, wq_ref[...], preferred_element_type=F32)
    r_ref[...] = jnp.dot(at, wr_ref[...], preferred_element_type=F32)


def _make_tables(atom, wp, wq, wr, bn):
    n, a = atom.shape
    w = wp.shape[1]
    return pl.pallas_call(
        _tables_body,
        grid=(n // bn,),
        in_specs=[
            pl.BlockSpec((bn, a), lambda i: (i, 0)),
            pl.BlockSpec((a, w), lambda i: (0, 0)),
            pl.BlockSpec((a, w), lambda i: (0, 0)),
            pl.BlockSpec((a, w), lambda i: (0, 0)),
        ],
        out_specs=[pl.BlockSpec((bn, w), lambda i: (i, 0))] * 3,
        out_shape=[jax.ShapeDtypeStruct((n, w), F32)] * 3,
    )(atom, wp, wq, wr)


def _make_gather_sum(width, e, chunk, nbuf=2):
    per_tile = e // NW
    iters = per_tile // chunk
    mesh = plsc.VectorSubcoreMesh(core_axis_name="c", subcore_axis_name="s",
                                  num_cores=NC, num_subcores=NS)

    @functools.partial(
        pl.kernel,
        out_type=jax.ShapeDtypeStruct((e, width), F32),
        mesh=mesh,
        scratch_types=(
            [pltpu.VMEM((per_tile,), jnp.int32)] * 3
            + [pltpu.VMEM((chunk, width), F32)] * (3 * nbuf)
            + [pltpu.SemaphoreType.DMA] * (2 * nbuf)
        ),
    )
    def gsum_kernel(*refs):
        tables = refs[:3]
        idxs = refs[3:6]
        out = refs[6]
        scr = refs[7:]
        idx_all = scr[:3]
        bufs = [scr[3 + 3 * j:3 + 3 * j + 3] for j in range(nbuf)]
        gsem = scr[3 + 3 * nbuf:3 + 4 * nbuf]
        wsem = scr[3 + 4 * nbuf:3 + 5 * nbuf]
        wid = lax.axis_index("s") * NC + lax.axis_index("c")
        base0 = pl.multiple_of(wid * per_tile, 8)

        for t in range(3):
            pltpu.sync_copy(idxs[t].at[pl.ds(base0, per_tile)], idx_all[t])

        def isl(t, k):
            return idx_all[t].at[pl.ds(pl.multiple_of(k * chunk, 8), chunk)]

        def start(k, j):
            for t in range(3):
                pltpu.async_copy(tables[t].at[isl(t, k)], bufs[j][t],
                                 gsem[j])

        def wait_gathers(k, j):
            for t in range(3):
                pltpu.make_async_copy(tables[t].at[isl(t, k)], bufs[j][t],
                                      gsem[j]).wait()

        def tec_sum(j):
            b0, b1, b2 = bufs[j]

            def srow(r, _):
                for c in range(width // 16):
                    cs = pl.ds(c * 16, 16)
                    b0[r, cs] = b0[r, cs] + b1[r, cs] + b2[r, cs]
                return 0

            lax.fori_loop(0, chunk, srow, 0, unroll=False)

        def start_wb(k, j):
            b = pl.multiple_of(base0 + k * chunk, 8)
            pltpu.async_copy(bufs[j][0], out.at[pl.ds(b, chunk)], wsem[j])

        def wait_wb(k, j):
            b = pl.multiple_of(base0 + k * chunk, 8)
            pltpu.make_async_copy(bufs[j][0], out.at[pl.ds(b, chunk)],
                                  wsem[j]).wait()

        for j in range(min(nbuf, iters)):
            start(j, j)

        def body(it, _):
            for j in range(nbuf):
                k = it * nbuf + j

                @pl.when(k < iters)
                def _():
                    wait_gathers(k, j)
                    tec_sum(j)
                    start_wb(k, j)

                    @pl.when(k + nbuf < iters)
                    def _():
                        wait_wb(k, j)
                        start(k + nbuf, j)
            return 0

        lax.fori_loop(0, (iters + nbuf - 1) // nbuf, body, 0, unroll=False)
        for j in range(min(nbuf, iters)):
            klast = iters - 1 - ((iters - 1 - j) % nbuf)
            wait_wb(klast, j)

    return gsum_kernel


def _make_gather_pair(hm, e, chunk, nbuf=2):
    width = 128
    per_tile = e // NW
    iters = per_tile // chunk
    mesh = plsc.VectorSubcoreMesh(core_axis_name="c", subcore_axis_name="s",
                                  num_cores=NC, num_subcores=NS)

    @functools.partial(
        pl.kernel,
        out_type=jax.ShapeDtypeStruct((e, width), F32),
        mesh=mesh,
        scratch_types=(
            [pltpu.VMEM((per_tile,), jnp.int32)] * 2
            + [pltpu.VMEM((chunk, width), F32)] * (2 * nbuf)
            + [pltpu.SemaphoreType.DMA] * (2 * nbuf)
        ),
    )
    def gpair_kernel(*refs):
        tables = refs[:2]
        idxs = refs[2:4]
        out = refs[4]
        scr = refs[5:]
        idx_all = scr[:2]
        bufs = [scr[2 + 2 * j:2 + 2 * j + 2] for j in range(nbuf)]
        gsem = scr[2 + 2 * nbuf:2 + 3 * nbuf]
        wsem = scr[2 + 3 * nbuf:2 + 4 * nbuf]
        wid = lax.axis_index("s") * NC + lax.axis_index("c")
        base0 = pl.multiple_of(wid * per_tile, 8)

        for t in range(2):
            pltpu.sync_copy(idxs[t].at[pl.ds(base0, per_tile)], idx_all[t])

        def isl(t, k):
            return idx_all[t].at[pl.ds(pl.multiple_of(k * chunk, 8), chunk)]

        def start(k, j):
            for t in range(2):
                pltpu.async_copy(tables[t].at[isl(t, k)], bufs[j][t],
                                 gsem[j])

        def wait_gathers(k, j):
            for t in range(2):
                pltpu.make_async_copy(tables[t].at[isl(t, k)], bufs[j][t],
                                      gsem[j]).wait()

        def tec_pair(j):
            b0, b1 = bufs[j]

            def srow(r, _):
                for c in range(hm // 16):
                    cs = pl.ds(hm + c * 16, 16)
                    b0[r, cs] = b1[r, cs]
                return 0

            lax.fori_loop(0, chunk, srow, 0, unroll=False)

        def start_wb(k, j):
            b = pl.multiple_of(base0 + k * chunk, 8)
            pltpu.async_copy(bufs[j][0], out.at[pl.ds(b, chunk)], wsem[j])

        def wait_wb(k, j):
            b = pl.multiple_of(base0 + k * chunk, 8)
            pltpu.make_async_copy(bufs[j][0], out.at[pl.ds(b, chunk)],
                                  wsem[j]).wait()

        for j in range(min(nbuf, iters)):
            start(j, j)

        def body(it, _):
            for j in range(nbuf):
                k = it * nbuf + j

                @pl.when(k < iters)
                def _():
                    wait_gathers(k, j)
                    tec_pair(j)
                    start_wb(k, j)

                    @pl.when(k + nbuf < iters)
                    def _():
                        wait_wb(k, j)
                        start(k + nbuf, j)
            return 0

        lax.fori_loop(0, (iters + nbuf - 1) // nbuf, body, 0, unroll=False)
        for j in range(min(nbuf, iters)):
            klast = iters - 1 - ((iters - 1 - j) % nbuf)
            wait_wb(klast, j)

    return gpair_kernel


def _make_gather(n_tables, width, e, chunk, nbuf=4, dtype=F32):
    per_tile = e // NW
    iters = per_tile // chunk
    mesh = plsc.VectorSubcoreMesh(core_axis_name="c", subcore_axis_name="s",
                                  num_cores=NC, num_subcores=NS)

    @functools.partial(
        pl.kernel,
        out_type=[jax.ShapeDtypeStruct((e, width), dtype)] * n_tables,
        mesh=mesh,
        scratch_types=(
            [pltpu.VMEM((per_tile,), jnp.int32)] * n_tables
            + [pltpu.VMEM((chunk, width), dtype)] * nbuf
            + [pltpu.SemaphoreType.DMA] * (2 * nbuf)
        ),
    )
    def gather_kernel(*refs):
        tables = refs[:n_tables]
        idxs = refs[n_tables:2 * n_tables]
        outs = refs[2 * n_tables:3 * n_tables]
        scr = refs[3 * n_tables:]
        idx_all = scr[:n_tables]
        rows_v = scr[n_tables:n_tables + nbuf]
        gsem = scr[n_tables + nbuf:n_tables + 2 * nbuf]
        wsem = scr[n_tables + 2 * nbuf:n_tables + 3 * nbuf]
        wid = lax.axis_index("s") * NC + lax.axis_index("c")
        base0 = pl.multiple_of(wid * per_tile, 8)

        for t in range(n_tables):
            pltpu.sync_copy(idxs[t].at[pl.ds(base0, per_tile)], idx_all[t])

        for t, (tbl, out) in enumerate(zip(tables, outs)):
            iall = idx_all[t]

            def islice(k):
                return iall.at[pl.ds(pl.multiple_of(k * chunk, 8), chunk)]

            def start(k, j):
                pltpu.async_copy(tbl.at[islice(k)], rows_v[j], gsem[j])

            def wait_gather(k, j):
                pltpu.make_async_copy(tbl.at[islice(k)], rows_v[j],
                                      gsem[j]).wait()

            def start_wb(k, j):
                b = pl.multiple_of(base0 + k * chunk, 8)
                pltpu.async_copy(rows_v[j], out.at[pl.ds(b, chunk)], wsem[j])

            def wait_wb(k, j):
                b = pl.multiple_of(base0 + k * chunk, 8)
                pltpu.make_async_copy(rows_v[j], out.at[pl.ds(b, chunk)],
                                      wsem[j]).wait()

            for j in range(min(nbuf, iters)):
                start(j, j)

            def body(it, _):
                for j in range(nbuf):
                    k = it * nbuf + j

                    @pl.when(k < iters)
                    def _():
                        wait_gather(k, j)
                        start_wb(k, j)

                        @pl.when(k + nbuf < iters)
                        def _():
                            wait_wb(k, j)
                            start(k + nbuf, j)
                return 0

            lax.fori_loop(0, (iters + nbuf - 1) // nbuf, body, 0,
                          unroll=False)
            for j in range(min(nbuf, iters)):
                klast = iters - 1 - ((iters - 1 - j) % nbuf)
                wait_wb(klast, j)

    return gather_kernel


def _make_scatter_add(n, width, e, chunk):
    per_core = e // NC
    per_tile = per_core // NS
    iters = per_tile // chunk
    nrows_tile = n // NS
    mesh = plsc.VectorSubcoreMesh(core_axis_name="c", subcore_axis_name="s",
                                  num_cores=NC, num_subcores=NS)

    nbuf = 2

    @functools.partial(
        pl.kernel,
        out_type=jax.ShapeDtypeStruct((NC, n, width), F32),
        mesh=mesh,
        scratch_types=(
            [pltpu.VMEM((per_tile,), jnp.int32)]
            + [pltpu.VMEM((chunk, width), F32)] * nbuf
            + [pltpu.VMEM_SHARED((n, width), F32)]
            + [pltpu.SemaphoreType.DMA] * (2 * nbuf)
        ),
    )
    def scatter_kernel(x_hbm, dst_hbm, zeros_hbm, out_hbm,
                       idx_all, rb0, rb1, acc_sh, rs0, rs1, ss0, ss1):
        rbuf = (rb0, rb1)
        rsem = (rs0, rs1)
        ssem = (ss0, ss1)
        cid = lax.axis_index("c")
        sid = lax.axis_index("s")
        r0 = pl.multiple_of(sid * nrows_tile, 8)
        pltpu.sync_copy(zeros_hbm.at[pl.ds(r0, nrows_tile)],
                        acc_sh.at[pl.ds(r0, nrows_tile)])
        base0 = pl.multiple_of(cid * per_core + sid * per_tile, 8)
        pltpu.sync_copy(dst_hbm.at[pl.ds(base0, per_tile)], idx_all)
        plsc.subcore_barrier()

        def islice(k):
            return idx_all.at[pl.ds(pl.multiple_of(k * chunk, 8), chunk)]

        if True:
            def start_read(k, j):
                b = pl.multiple_of(base0 + k * chunk, 8)
                pltpu.async_copy(x_hbm.at[pl.ds(b, chunk)], rbuf[j], rsem[j])

            def wait_read(k, j):
                b = pl.multiple_of(base0 + k * chunk, 8)
                pltpu.make_async_copy(x_hbm.at[pl.ds(b, chunk)], rbuf[j],
                                      rsem[j]).wait()

            def start_scat(k, j):
                pltpu.async_copy(rbuf[j], acc_sh.at[islice(k)], ssem[j],
                                 add=True)

            def wait_scat(k, j):
                pltpu.make_async_copy(rbuf[j], acc_sh.at[islice(k)],
                                      ssem[j]).wait()

            for j in range(min(nbuf, iters)):
                start_read(j, j)

            def body(it, _):
                for j in range(nbuf):
                    k = it * nbuf + j

                    @pl.when(k < iters)
                    def _():
                        wait_read(k, j)
                        start_scat(k, j)

                        @pl.when(k + nbuf < iters)
                        def _():
                            wait_scat(k, j)
                            start_read(k + nbuf, j)
                return 0

            lax.fori_loop(0, (iters + nbuf - 1) // nbuf, body, 0,
                          unroll=False)
            for j in range(min(nbuf, iters)):
                klast = iters - 1 - ((iters - 1 - j) % nbuf)
                wait_scat(klast, j)

        plsc.subcore_barrier()
        pltpu.sync_copy(acc_sh.at[pl.ds(r0, nrows_tile)],
                        out_hbm.at[cid].at[pl.ds(r0, nrows_tile)])

    return scatter_kernel


def _edge_body(z_ref, ele_ref, eles_ref,
               m_ref, ang_ref,
               we_ref, wes_ref, wan_ref,
               ib1_ref, ig_ref, ibt_ref,
               out_ref):
    b = m_ref.shape[0]
    hw = we_ref.shape[1]
    m = m_ref[...]

    lin = (z_ref[...][:, :hw]
           + jnp.dot(ele_ref[...], we_ref[...], preferred_element_type=F32)
           + jnp.dot(eles_ref[...], wes_ref[...], preferred_element_type=F32)
           + jnp.dot(ang_ref[...], wan_ref[...], preferred_element_type=F32))
    h = m * lin + ib1_ref[...]
    jmat = jnp.full((hw, hw), 1.0 / hw, F32)
    mu = jnp.dot(h, jmat, preferred_element_type=F32)
    s2 = jnp.dot(h * h, jmat, preferred_element_type=F32)
    var = jnp.maximum(s2 - mu * mu, 0.0)
    h = (h - mu) * lax.rsqrt(var + 1e-6) * ig_ref[...] + ibt_ref[...]
    h = h * jax.nn.sigmoid(h)
    out_ref[...] = jnp.concatenate(
        [h, jnp.ones((b, 1), F32), jnp.zeros((b, 127 - hw), F32)], axis=1)


def _node_body(pa_ref, pb_ref, iw2_ref, ib2_ref, ms_ref, md_ref,
               inv_ref, st_ref):
    hw = iw2_ref.shape[0]
    hm = ms_ref.shape[1]
    b = pa_ref.shape[0]
    acc = pa_ref[...] + pb_ref[...]
    h2s = acc[:, :hw]
    cnt = acc[:, hw:hw + 1]
    inv = (jnp.dot(h2s, iw2_ref[...], preferred_element_type=F32)
           + cnt * ib2_ref[...])
    inv_ref[...] = inv
    st_ref[...] = jnp.concatenate(
        [jnp.dot(inv, ms_ref[...], preferred_element_type=F32),
         jnp.dot(inv, md_ref[...], preferred_element_type=F32),
         jnp.zeros((b, 128 - 2 * hm), F32)], axis=1)


def _merge_body(z5_ref, ele_ref, me_ref,
                mb1_ref, mg_ref, mbt_ref, mw2_ref, mb2_ref, out_ref):
    hm = me_ref.shape[1]
    z5 = z5_ref[...]
    h = (z5[:, :hm] + z5[:, hm:2 * hm]
         + jnp.dot(ele_ref[...], me_ref[...], preferred_element_type=F32)
         + mb1_ref[...])
    jmat = jnp.full((hm, hm), 1.0 / hm, F32)
    mu = jnp.dot(h, jmat, preferred_element_type=F32)
    s2 = jnp.dot(h * h, jmat, preferred_element_type=F32)
    var = jnp.maximum(s2 - mu * mu, 0.0)
    h = (h - mu) * lax.rsqrt(var + 1e-6) * mg_ref[...] + mbt_ref[...]
    h = h * jax.nn.sigmoid(h)
    out_ref[...] = (jnp.dot(h, mw2_ref[...], preferred_element_type=F32)
                    + mb2_ref[...])


def _row(x):
    return x.reshape(1, -1)


@jax.jit
def kernel(atom_embedded, edge_length_embedded, edge_vec, edge_index,
           aw1, ab1, ag, abt, aw2, ab2,
           iw1, ib1, ig, ibt, iw2, ib2,
           mw1, mb1, mg, mbt, mw2, mb2):
    n, a = atom_embedded.shape
    e, f = edge_length_embedded.shape
    dn = iw2.shape[1]
    de = mw2.shape[1]
    h_inv = iw1.shape[1]
    waug = 128

    src = edge_index[0].astype(jnp.int32)
    dst = edge_index[1].astype(jnp.int32)
    zi = jnp.zeros((1,), jnp.int32)
    srcs = jnp.concatenate([src[1:], zi])
    dsts = jnp.concatenate([dst[1:], zi])

    w_src = iw1[0:a]
    w_dst = iw1[a:2 * a]
    w_e = iw1[2 * a:2 * a + f]
    w_dss = iw1[2 * a + f:3 * a + f]
    w_es = iw1[3 * a + f:3 * a + 2 * f]
    w_n = iw1[3 * a + 2 * f:]

    ncol = 128
    evs_full = jnp.concatenate([edge_vec[1:], jnp.zeros((1, 3), F32)], axis=0)
    v2d = [edge_vec[:, j].reshape(-1, ncol) for j in range(3)]
    vs2d = [evs_full[:, j].reshape(-1, ncol) for j in range(3)]
    mask2d, o3d = _make_cond(
        src.reshape(-1, ncol), srcs.reshape(-1, ncol),
        dst.reshape(-1, ncol), dsts.reshape(-1, ncol), v2d, vs2d,
        _row(aw1), _row(ab1), _row(ag), _row(abt))
    mask_e = mask2d.reshape(e, 1)
    angle16 = o3d.reshape(16, e).T

    zcol = jnp.zeros((a, 128 - h_inv), F32)
    p_tbl, q_tbl, r_tbl = _make_tables(
        atom_embedded,
        jnp.concatenate([w_src, zcol], axis=1),
        jnp.concatenate([w_dst, zcol], axis=1),
        jnp.concatenate([w_dss, zcol], axis=1), 2000)
    z_edge = _make_gather_sum(128, e, 40, nbuf=4)(p_tbl, q_tbl, r_tbl,
                                                  src, dst, dsts)

    ele = edge_length_embedded
    eles = jnp.concatenate([ele[1:], jnp.zeros((1, f), F32)], axis=0)

    w_an = aw2 @ w_n
    ib1_eff = _row(ib1) + _row(ab2) @ w_n

    be = 3200
    h2aug = pl.pallas_call(
        _edge_body,
        grid=(e // be,),
        in_specs=[
            pl.BlockSpec((be, 128), lambda i: (i, 0)),
            pl.BlockSpec((be, f), lambda i: (i, 0)),
            pl.BlockSpec((be, f), lambda i: (i, 0)),
            pl.BlockSpec((be, 1), lambda i: (i, 0)),
            pl.BlockSpec((be, f), lambda i: (i, 0)),
            pl.BlockSpec((f, h_inv), lambda i: (0, 0)),
            pl.BlockSpec((f, h_inv), lambda i: (0, 0)),
            pl.BlockSpec((f, h_inv), lambda i: (0, 0)),
            pl.BlockSpec((1, h_inv), lambda i: (0, 0)),
            pl.BlockSpec((1, h_inv), lambda i: (0, 0)),
            pl.BlockSpec((1, h_inv), lambda i: (0, 0)),
        ],
        out_specs=pl.BlockSpec((be, waug), lambda i: (i, 0)),
        out_shape=jax.ShapeDtypeStruct((e, waug), F32),
    )(z_edge, ele, eles, mask_e, angle16,
      w_e, w_es, w_an,
      ib1_eff, _row(ig), _row(ibt))

    npad = 10240
    zeros_init = jnp.zeros((npad, waug), F32)
    partials = _make_scatter_add(npad, waug, e, 40)(h2aug, dst, zeros_init)
    pa, pb = partials[0], partials[1]

    h_mrg = mw1.shape[1]
    m_s = mw1[0:dn]
    m_d = mw1[dn:2 * dn]
    m_e = mw1[2 * dn:]

    bn2 = 2048
    inv_pad, st_tbl = pl.pallas_call(
        _node_body,
        grid=(npad // bn2,),
        in_specs=[
            pl.BlockSpec((bn2, waug), lambda i: (i, 0)),
            pl.BlockSpec((bn2, waug), lambda i: (i, 0)),
            pl.BlockSpec((h_inv, dn), lambda i: (0, 0)),
            pl.BlockSpec((1, dn), lambda i: (0, 0)),
            pl.BlockSpec((dn, h_mrg), lambda i: (0, 0)),
            pl.BlockSpec((dn, h_mrg), lambda i: (0, 0)),
        ],
        out_specs=[
            pl.BlockSpec((bn2, dn), lambda i: (i, 0)),
            pl.BlockSpec((bn2, 128), lambda i: (i, 0)),
        ],
        out_shape=[
            jax.ShapeDtypeStruct((npad, dn), F32),
            jax.ShapeDtypeStruct((npad, 128), F32),
        ],
    )(pa, pb, iw2, _row(ib2), m_s, m_d)
    inv_node = inv_pad[:n]

    z5 = _make_gather_pair(h_mrg, e, 200)(st_tbl, st_tbl, src, dst)

    inv_fea_edge = pl.pallas_call(
        _merge_body,
        grid=(e // be,),
        in_specs=[
            pl.BlockSpec((be, 128), lambda i: (i, 0)),
            pl.BlockSpec((be, f), lambda i: (i, 0)),
            pl.BlockSpec((f, h_mrg), lambda i: (0, 0)),
            pl.BlockSpec((1, h_mrg), lambda i: (0, 0)),
            pl.BlockSpec((1, h_mrg), lambda i: (0, 0)),
            pl.BlockSpec((1, h_mrg), lambda i: (0, 0)),
            pl.BlockSpec((h_mrg, de), lambda i: (0, 0)),
            pl.BlockSpec((1, de), lambda i: (0, 0)),
        ],
        out_specs=pl.BlockSpec((be, de), lambda i: (i, 0)),
        out_shape=jax.ShapeDtypeStruct((e, de), F32),
    )(z5, ele, m_e,
      _row(mb1), _row(mg), _row(mbt), mw2, _row(mb2))

    return (inv_node, inv_fea_edge)

# --- scband reference (transcript-rebuilt; emitter-appended) ---
"""Pipeline reference for scband-invariance-fea-extractor-71554155151863 (READ-ONLY COPY).

The authoritative reference and input builder live on the scoring server;
editing this copy changes nothing except your own understanding.
"""

import jax, jax.numpy as jnp
import numpy as np

N = 10000
E = 160000
A = 128   # atom_embedded_len
F = 16    # invariance_fea_len
DN = 128  # dim_node
DE = 16   # dim_edge


def _layernorm(x, g, b, eps=1e-6):
    mu = jnp.mean(x, axis=-1, keepdims=True)
    var = jnp.mean((x - mu) ** 2, axis=-1, keepdims=True)
    return (x - mu) / jnp.sqrt(var + eps) * g + b


def _silu(x):
    return x * jax.nn.sigmoid(x)


def _mlp(x, w1, b1, g, bt, w2, b2):
    h = x @ w1 + b1
    h = _layernorm(h, g, bt)
    h = _silu(h)
    return h @ w2 + b2


def setup_inputs(seed: int = 0) -> dict:
    key = jax.random.key(seed)
    ks = jax.random.split(key, 24)
    atom_embedded = jax.random.normal(ks[0], (N, A), dtype=jnp.float32)
    edge_length_embedded = jax.random.normal(ks[1], (E, F), dtype=jnp.float32)
    edge_vec = jax.random.normal(ks[2], (E, 3), dtype=jnp.float32)
    # sorted source nodes (typical neighbor-list ordering), random destinations
    src = jnp.sort(jax.random.randint(ks[3], (E,), 0, N))
    dst = jax.random.randint(ks[4], (E,), 0, N)
    edge_index = jnp.stack([src, dst]).astype(jnp.int64)

    def lin(k, fi, fo):
        lim = 1.0 / np.sqrt(fi)
        return jax.random.uniform(k, (fi, fo), jnp.float32, -lim, lim)

    H_inv = 4 * F + 2 * F  # 96
    H_mrg = 2 * F          # 32
    params = {
        'aw1': lin(ks[5], 1, F), 'ab1': jnp.zeros((F,), jnp.float32),
        'ag': jnp.ones((F,), jnp.float32), 'abt': jnp.zeros((F,), jnp.float32),
        'aw2': lin(ks[6], F, F), 'ab2': jnp.zeros((F,), jnp.float32),
        'iw1': lin(ks[7], 3 * F + 3 * A, H_inv), 'ib1': jnp.zeros((H_inv,), jnp.float32),
        'ig': jnp.ones((H_inv,), jnp.float32), 'ibt': jnp.zeros((H_inv,), jnp.float32),
        'iw2': lin(ks[8], H_inv, DN), 'ib2': jnp.zeros((DN,), jnp.float32),
        'mw1': lin(ks[9], 2 * DN + F, H_mrg), 'mb1': jnp.zeros((H_mrg,), jnp.float32),
        'mg': jnp.ones((H_mrg,), jnp.float32), 'mbt': jnp.zeros((H_mrg,), jnp.float32),
        'mw2': lin(ks[10], H_mrg, DE), 'mb2': jnp.zeros((DE,), jnp.float32),
    }
    out = {'atom_embedded': atom_embedded, 'edge_length_embedded': edge_length_embedded,
           'edge_vec': edge_vec, 'edge_index': edge_index}
    out.update(params)
    return out


def reference(atom_embedded, edge_length_embedded, edge_vec, edge_index,
              aw1, ab1, ag, abt, aw2, ab2,
              iw1, ib1, ig, ibt, iw2, ib2,
              mw1, mb1, mg, mbt, mw2, mb2):
    src = edge_index[0]
    dst = edge_index[1]
    Ecur = src.shape[0]
    src_shift = jnp.concatenate([src[1:], jnp.zeros((1,), src.dtype)])
    dst_shift = jnp.concatenate([dst[1:], jnp.zeros((1,), dst.dtype)])
    cond = (src == src_shift) & (src != dst) & (src_shift != dst_shift)
    remaining = jnp.cumsum(cond[::-1])[::-1]
    mask = cond & (remaining > 1)

    nrm = jnp.sqrt(jnp.sum(edge_vec ** 2, axis=-1, keepdims=True))
    edge_vec_norm = jnp.where(mask[:, None], edge_vec / jnp.maximum(nrm, 1e-12), 0.0)
    edge_vec_norm_shift = jnp.concatenate(
        [edge_vec_norm[1:], jnp.zeros((1, 3), edge_vec_norm.dtype)], axis=0)
    cos_angle_fea = jnp.sum(edge_vec_norm * edge_vec_norm_shift, axis=-1, keepdims=True)
    neu_angle_fea = _mlp(cos_angle_fea, aw1, ab1, ag, abt, aw2, ab2)

    ele_shift = jnp.concatenate(
        [edge_length_embedded[1:],
         jnp.zeros((1, edge_length_embedded.shape[1]), edge_length_embedded.dtype)], axis=0)

    expand = jnp.concatenate([
        atom_embedded[src], atom_embedded[dst], edge_length_embedded,
        atom_embedded[dst_shift], ele_shift, neu_angle_fea], axis=-1)
    expand_mask = jnp.where(mask[:, None], expand, 0.0)

    inv_edge = _mlp(expand_mask, iw1, ib1, ig, ibt, iw2, ib2)
    inv_node = jax.ops.segment_sum(inv_edge, dst, num_segments=atom_embedded.shape[0])

    inv_fea_edge = _mlp(
        jnp.concatenate([inv_node[src], inv_node[dst], edge_length_embedded], axis=-1),
        mw1, mb1, mg, mbt, mw2, mb2)
    return (inv_node, inv_fea_edge)

if __name__ == "__main__":
    import jax
    _d = setup_inputs()
    print(jax.jit(kernel)(*tuple(_d.values())))

</pallas_src>

<mosaic_0001>
#map = affine_map<(d0, d1) -> (0, 0)>
#map1 = affine_map<(d0, d1) -> (0)>
module attributes {stable_mosaic.version = 14 : i64} {
  func.func @gsum_kernel(%arg0: i32, %arg1: i32, %arg2: memref<10000x128xf32, #tpu.memory_space<hbm>>, %arg3: memref<10000x128xf32, #tpu.memory_space<hbm>>, %arg4: memref<10000x128xf32, #tpu.memory_space<hbm>>, %arg5: memref<160000xi32, #tpu.memory_space<hbm>>, %arg6: memref<160000xi32, #tpu.memory_space<hbm>>, %arg7: memref<160000xi32, #tpu.memory_space<hbm>>, %arg8: memref<160000x128xf32, #tpu.memory_space<hbm>>, %arg9: memref<5000xi32, #tpu.memory_space<vmem>>, %arg10: memref<5000xi32, #tpu.memory_space<vmem>>, %arg11: memref<5000xi32, #tpu.memory_space<vmem>>, %arg12: memref<40x128xf32, #tpu.memory_space<vmem>>, %arg13: memref<40x128xf32, #tpu.memory_space<vmem>>, %arg14: memref<40x128xf32, #tpu.memory_space<vmem>>, %arg15: memref<40x128xf32, #tpu.memory_space<vmem>>, %arg16: memref<40x128xf32, #tpu.memory_space<vmem>>, %arg17: memref<40x128xf32, #tpu.memory_space<vmem>>, %arg18: memref<40x128xf32, #tpu.memory_space<vmem>>, %arg19: memref<40x128xf32, #tpu.memory_space<vmem>>, %arg20: memref<40x128xf32, #tpu.memory_space<vmem>>, %arg21: memref<40x128xf32, #tpu.memory_space<vmem>>, %arg22: memref<40x128xf32, #tpu.memory_space<vmem>>, %arg23: memref<40x128xf32, #tpu.memory_space<vmem>>, %arg24: memref<!tpu.dma_semaphore, #tpu.memory_space<semaphore_mem>>, %arg25: memref<!tpu.dma_semaphore, #tpu.memory_space<semaphore_mem>>, %arg26: memref<!tpu.dma_semaphore, #tpu.memory_space<semaphore_mem>>, %arg27: memref<!tpu.dma_semaphore, #tpu.memory_space<semaphore_mem>>, %arg28: memref<!tpu.dma_semaphore, #tpu.memory_space<semaphore_mem>>, %arg29: memref<!tpu.dma_semaphore, #tpu.memory_space<semaphore_mem>>, %arg30: memref<!tpu.dma_semaphore, #tpu.memory_space<semaphore_mem>>, %arg31: memref<!tpu.dma_semaphore, #tpu.memory_space<semaphore_mem>>) attributes {dimension_semantics = [#tpu.dimension_semantics<core_parallel>, #tpu.dimension_semantics<subcore_parallel>], iteration_bounds = array<i64: 2, 16>, scalar_prefetch = 0 : i64, scratch_operands = 23 : i64, tpu.core_type = #tpu.core_type<sc_vector_subcore>, window_params = [{transform_indices = #map}, {transform_indices = #map}, {transform_indices = #map}, {transform_indices = #map1}, {transform_indices = #map1}, {transform_indices = #map1}, {transform_indices = #map}]} {
    %mul3A = arith.constant 2 : i32
    %mul3A_0 = arith.muli %arg1, %mul3A : i32
    %add3A = arith.addi %mul3A_0, %arg0 : i32
    %mul3A_1 = arith.constant 5000 : i32
    %mul3A_2 = arith.muli %add3A, %mul3A_1 : i32
    %multiple_of3A = tpu.assume_multiple %mul3A_2, 8 : i32
    "tpu.region"() ({
      %run_scoped3A = tpu.sem_alloc : memref<!tpu.dma_semaphore, #tpu.memory_space<semaphore_mem>>
      %dma_start3A_107 = tpu.memref_slice %arg5[%multiple_of3A] : memref<160000xi32, #tpu.memory_space<hbm>> -> memref<5000xi32, #tpu.memory_space<hbm>>
      %dma_start3A_108 = tpu.memref_slice %arg5[%multiple_of3A] : memref<160000xi32, #tpu.memory_space<hbm>> -> memref<5000xi32, #tpu.memory_space<hbm>>
      tpu.enqueue_dma source(%dma_start3A_108 : memref<5000xi32, #tpu.memory_space<hbm>>) target(%arg9 : memref<5000xi32, #tpu.memory_space<vmem>>) target_semaphore(%run_scoped3A : memref<!tpu.dma_semaphore, #tpu.memory_space<semaphore_mem>>)
      %dma_wait3A_109 = tpu.memref_slice %arg5[%multiple_of3A] : memref<160000xi32, #tpu.memory_space<hbm>> -> memref<5000xi32, #tpu.memory_space<hbm>>
      %dma_wait3A_110 = tpu.memref_slice %arg5[%multiple_of3A] : memref<160000xi32, #tpu.memory_space<hbm>> -> memref<5000xi32, #tpu.memory_space<hbm>>
      tpu.wait_dma2 semaphore(%run_scoped3A : memref<!tpu.dma_semaphore, #tpu.memory_space<semaphore_mem>>) src(%dma_wait3A_110 : memref<5000xi32, #tpu.memory_space<hbm>>) dst(%arg9 : memref<5000xi32, #tpu.memory_space<vmem>>)
      tpu.yield
    }) : () -> ()
    "tpu.region"() ({
      %run_scoped3A = tpu.sem_alloc : memref<!tpu.dma_semaphore, #tpu.memory_space<semaphore_mem>>
      %dma_start3A_107 = tpu.memref_slice %arg6[%multiple_of3A] : memref<160000xi32, #tpu.memory_space<hbm>> -> memref<5000xi32, #tpu.memory_space<hbm>>
      %dma_start3A_108 = tpu.memref_slice %arg6[%multiple_of3A] : memref<160000xi32, #tpu.memory_space<hbm>> -> memref<5000xi32, #tpu.memory_space<hbm>>
      tpu.enqueue_dma source(%dma_start3A_108 : memref<5000xi32, #tpu.memory_space<hbm>>) target(%arg10 : memref<5000xi32, #tpu.memory_space<vmem>>) target_semaphore(%run_scoped3A : memref<!tpu.dma_semaphore, #tpu.memory_space<semaphore_mem>>)
      %dma_wait3A_109 = tpu.memref_slice %arg6[%multiple_of3A] : memref<160000xi32, #tpu.memory_space<hbm>> -> memref<5000xi32, #tpu.memory_space<hbm>>
      %dma_wait3A_110 = tpu.memref_slice %arg6[%multiple_of3A] : memref<160000xi32, #tpu.memory_space<hbm>> -> memref<5000xi32, #tpu.memory_space<hbm>>
      tpu.wait_dma2 semaphore(%run_scoped3A : memref<!tpu.dma_semaphore, #tpu.memory_space<semaphore_mem>>) src(%dma_wait3A_110 : memref<5000xi32, #tpu.memory_space<hbm>>) dst(%arg10 : memref<5000xi32, #tpu.memory_space<vmem>>)
      tpu.yield
    }) : () -> ()
    "tpu.region"() ({
      %run_scoped3A = tpu.sem_alloc : memref<!tpu.dma_semaphore, #tpu.memory_space<semaphore_mem>>
      %dma_start3A_107 = tpu.memref_slice %arg7[%multiple_of3A] : memref<160000xi32, #tpu.memory_space<hbm>> -> memref<5000xi32, #tpu.memory_space<hbm>>
      %dma_start3A_108 = tpu.memref_slice %arg7[%multiple_of3A] : memref<160000xi32, #tpu.memory_space<hbm>> -> memref<5000xi32, #tpu.memory_space<hbm>>
      tpu.enqueue_dma source(%dma_start3A_108 : memref<5000xi32, #tpu.memory_space<hbm>>) target(%arg11 : memref<5000xi32, #tpu.memory_space<vmem>>) target_semaphore(%run_scoped3A : memref<!tpu.dma_semaphore, #tpu.memory_space<semaphore_mem>>)
      %dma_wait3A_109 = tpu.memref_slice %arg7[%multiple_of3A] : memref<160000xi32, #tpu.memory_space<hbm>> -> memref<5000xi32, #tpu.memory_space<hbm>>
      %dma_wait3A_110 = tpu.memref_slice %arg7[%multiple_of3A] : memref<160000xi32, #tpu.memory_space<hbm>> -> memref<5000xi32, #tpu.memory_space<hbm>>
      tpu.wait_dma2 semaphore(%run_scoped3A : memref<!tpu.dma_semaphore, #tpu.memory_space<semaphore_mem>>) src(%dma_wait3A_110 : memref<5000xi32, #tpu.memory_space<hbm>>) dst(%arg11 : memref<5000xi32, #tpu.memory_space<vmem>>)
      tpu.yield
    }) : () -> ()
    %multiple_of3A_3 = arith.constant 0 : i32
    %multiple_of3A_4 = tpu.assume_multiple %multiple_of3A_3, 8 : i32
    %dma_start3A = tpu.memref_slice %arg9[%multiple_of3A_4] : memref<5000xi32, #tpu.memory_space<vmem>> -> memref<40xi32, #tpu.memory_space<vmem>>
    %dma_start3A_5 = arith.constant 0 : i32
    %dma_start3A_6 = arith.constant 0 : i32
    %dma_start3A_7 = tpu.memref_slice %arg2[%dma_start3A_5, %dma_start3A_6] : memref<10000x128xf32, #tpu.memory_space<hbm>> -> memref<10000x128xf32, #tpu.memory_space<hbm>>
    tpu.enqueue_indirect_dma source(%dma_start3A_7 : memref<10000x128xf32, #tpu.memory_space<hbm>>) target(%arg12 : memref<40x128xf32, #tpu.memory_space<vmem>>) offsets(%dma_start3A : memref<40xi32, #tpu.memory_space<vmem>>) semaphore(%arg24 : memref<!tpu.dma_semaphore, #tpu.memory_space<semaphore_mem>>)
    %multiple_of3A_8 = arith.constant 0 : i32
    %multiple_of3A_9 = tpu.assume_multiple %multiple_of3A_8, 8 : i32
    %dma_start3A_10 = tpu.memref_slice %arg10[%multiple_of3A_9] : memref<5000xi32, #tpu.memory_space<vmem>> -> memref<40xi32, #tpu.memory_space<vmem>>
    %dma_start3A_11 = arith.constant 0 : i32
    %dma_start3A_12 = arith.constant 0 : i32
    %dma_start3A_13 = tpu.memref_slice %arg3[%dma_start3A_11, %dma_start3A_12] : memref<10000x128xf32, #tpu.memory_space<hbm>> -> memref<10000x128xf32, #tpu.memory_space<hbm>>
    tpu.enqueue_indirect_dma source(%dma_start3A_13 : memref<10000x128xf32, #tpu.memory_space<hbm>>) target(%arg13 : memref<40x128xf32, #tpu.memory_space<vmem>>) offsets(%dma_start3A_10 : memref<40xi32, #tpu.memory_space<vmem>>) semaphore(%arg24 : memref<!tpu.dma_semaphore, #tpu.memory_space<semaphore_mem>>)
    %multiple_of3A_14 = arith.constant 0 : i32
    %multiple_of3A_15 = tpu.assume_multiple %multiple_of3A_14, 8 : i32
    %dma_start3A_16 = tpu.memref_slice %arg11[%multiple_of3A_15] : memref<5000xi32, #tpu.memory_space<vmem>> -> memref<40xi32, #tpu.memory_space<vmem>>
    %dma_start3A_17 = arith.constant 0 : i32
    %dma_start3A_18 = arith.constant 0 : i32
    %dma_start3A_19 = tpu.memref_slice %arg4[%dma_start3A_17, %dma_start3A_18] : memref<10000x128xf32, #tpu.memory_space<hbm>> -> memref<10000x128xf32, #tpu.memory_space<hbm>>
    tpu.enqueue_indirect_dma source(%dma_start3A_19 : memref<10000x128xf32, #tpu.memory_space<hbm>>) target(%arg14 : memref<40x128xf32, #tpu.memory_space<vmem>>) offsets(%dma_start3A_16 : memref<40xi32, #tpu.memory_space<vmem>>) semaphore(%arg24 : memref<!tpu.dma_semaphore, #tpu.memory_space<semaphore_mem>>)
    %multiple_of3A_20 = arith.constant 40 : i32
    %multiple_of3A_21 = tpu.assume_multiple %multiple_of3A_20, 8 : i32
    %dma_start3A_22 = tpu.memref_slice %arg9[%multiple_of3A_21] : memref<5000xi32, #tpu.memory_space<vmem>> -> memref<40xi32, #tpu.memory_space<vmem>>
    %dma_start3A_23 = arith.constant 0 : i32
    %dma_start3A_24 = arith.constant 0 : i32
    %dma_start3A_25 = tpu.memref_slice %arg2[%dma_start3A_23, %dma_start3A_24] : memref<10000x128xf32, #tpu.memory_space<hbm>> -> memref<10000x128xf32, #tpu.memory_space<hbm>>
    tpu.enqueue_indirect_dma source(%dma_start3A_25 : memref<10000x128xf32, #tpu.memory_space<hbm>>) target(%arg15 : memref<40x128xf32, #tpu.memory_space<vmem>>) offsets(%dma_start3A_22 : memref<40xi32, #tpu.memory_space<vmem>>) semaphore(%arg25 : memref<!tpu.dma_semaphore, #tpu.memory_space<semaphore_mem>>)
    %multiple_of3A_26 = arith.constant 40 : i32
    %multiple_of3A_27 = tpu.assume_multiple %multiple_of3A_26, 8 : i32
    %dma_start3A_28 = tpu.memref_slice %arg10[%multiple_of3A_27] : memref<5000xi32, #tpu.memory_space<vmem>> -> memref<40xi32, #tpu.memory_space<vmem>>
    %dma_start3A_29 = arith.constant 0 : i32
    %dma_start3A_30 = arith.constant 0 : i32
    %dma_start3A_31 = tpu.memref_slice %arg3[%dma_start3A_29, %dma_start3A_30] : memref<10000x128xf32, #tpu.memory_space<hbm>> -> memref<10000x128xf32, #tpu.memory_space<hbm>>
    tpu.enqueue_indirect_dma source(%dma_start3A_31 : memref<10000x128xf32, #tpu.memory_space<hbm>>) target(%arg16 : memref<40x128xf32, #tpu.memory_space<vmem>>) offsets(%dma_start3A_28 : memref<40xi32, #tpu.memory_space<vmem>>) semaphore(%arg25 : memref<!tpu.dma_semaphore, #tpu.memory_space<semaphore_mem>>)
    %multiple_of3A_32 = arith.constant 40 : i32
    %multiple_of3A_33 = tpu.assume_multiple %multiple_of3A_32, 8 : i32
    %dma_start3A_34 = tpu.memref_slice %arg11[%multiple_of3A_33] : memref<5000xi32, #tpu.memory_space<vmem>> -> memref<40xi32, #tpu.memory_space<vmem>>
    %dma_start3A_35 = arith.constant 0 : i32
    %dma_start3A_36 = arith.constant 0 : i32
    %dma_start3A_37 = tpu.memref_slice %arg4[%dma_start3A_35, %dma_start3A_36] : memref<10000x128xf32, #tpu.memory_space<hbm>> -> memref<10000x128xf32, #tpu.memory_space<hbm>>
    tpu.enqueue_indirect_dma source(%dma_start3A_37 : memref<10000x128xf32, #tpu.memory_space<hbm>>) target(%arg17 : memref<40x128xf32, #tpu.memory_space<vmem>>) offsets(%dma_start3A_34 : memref<40xi32, #tpu.memory_space<vmem>>) semaphore(%arg25 : memref<!tpu.dma_semaphore, #tpu.memory_space<semaphore_mem>>)
    %multiple_of3A_38 = arith.constant 80 : i32
    %multiple_of3A_39 = tpu.assume_multiple %multiple_of3A_38, 8 : i32
    %dma_start3A_40 = tpu.memref_slice %arg9[%multiple_of3A_39] : memref<5000xi32, #tpu.memory_space<vmem>> -> memref<40xi32, #tpu.memory_space<vmem>>
    %dma_start3A_41 = arith.constant 0 : i32
    %dma_start3A_42 = arith.constant 0 : i32
    %dma_start3A_43 = tpu.memref_slice %arg2[%dma_start3A_41, %dma_start3A_42] : memref<10000x128xf32, #tpu.memory_space<hbm>> -> memref<10000x128xf32, #tpu.memory_space<hbm>>
    tpu.enqueue_indirect_dma source(%dma_start3A_43 : memref<10000x128xf32, #tpu.memory_space<hbm>>) target(%arg18 : memref<40x128xf32, #tpu.memory_space<vmem>>) offsets(%dma_start3A_40 : memref<40xi32, #tpu.memory_space<vmem>>) semaphore(%arg26 : memref<!tpu.dma_semaphore, #tpu.memory_space<semaphore_mem>>)
    %multiple_of3A_44 = arith.constant 80 : i32
    %multiple_of3A_45 = tpu.assume_multiple %multiple_of3A_44, 8 : i32
    %dma_start3A_46 = tpu.memref_slice %arg10[%multiple_of3A_45] : memref<5000xi32, #tpu.memory_space<vmem>> -> memref<40xi32, #tpu.memory_space<vmem>>
    %dma_start3A_47 = arith.constant 0 : i32
    %dma_start3A_48 = arith.constant 0 : i32
    %dma_start3A_49 = tpu.memref_slice %arg3[%dma_start3A_47, %dma_start3A_48] : memref<10000x128xf32, #tpu.memory_space<hbm>> -> memref<10000x128xf32, #tpu.memory_space<hbm>>
    tpu.enqueue_indirect_dma source(%dma_start3A_49 : memref<10000x128xf32, #tpu.memory_space<hbm>>) target(%arg19 : memref<40x128xf32, #tpu.memory_space<vmem>>) offsets(%dma_start3A_46 : memref<40xi32, #tpu.memory_space<vmem>>) semaphore(%arg26 : memref<!tpu.dma_semaphore, #tpu.memory_space<semaphore_mem>>)
    %multiple_of3A_50 = arith.constant 80 : i32
    %multiple_of3A_51 = tpu.assume_multiple %multiple_of3A_50, 8 : i32
    %dma_start3A_52 = tpu.memref_slice %arg11[%multiple_of3A_51] : memref<5000xi32, #tpu.memory_space<vmem>> -> memref<40xi32, #tpu.memory_space<vmem>>
    %dma_start3A_53 = arith.constant 0 : i32
    %dma_start3A_54 = arith.constant 0 : i32
    %dma_start3A_55 = tpu.memref_slice %arg4[%dma_start3A_53, %dma_start3A_54] : memref<10000x128xf32, #tpu.memory_space<hbm>> -> memref<10000x128xf32, #tpu.memory_space<hbm>>
    tpu.enqueue_indirect_dma source(%dma_start3A_55 : memref<10000x128xf32, #tpu.memory_space<hbm>>) target(%arg20 : memref<40x128xf32, #tpu.memory_space<vmem>>) offsets(%dma_start3A_52 : memref<40xi32, #tpu.memory_space<vmem>>) semaphore(%arg26 : memref<!tpu.dma_semaphore, #tpu.memory_space<semaphore_mem>>)
    %multiple_of3A_56 = arith.constant 120 : i32
    %multiple_of3A_57 = tpu.assume_multiple %multiple_of3A_56, 8 : i32
    %dma_start3A_58 = tpu.memref_slice %arg9[%multiple_of3A_57] : memref<5000xi32, #tpu.memory_space<vmem>> -> memref<40xi32, #tpu.memory_space<vmem>>
    %dma_start3A_59 = arith.constant 0 : i32
    %dma_start3A_60 = arith.constant 0 : i32
    %dma_start3A_61 = tpu.memref_slice %arg2[%dma_start3A_59, %dma_start3A_60] : memref<10000x128xf32, #tpu.memory_space<hbm>> -> memref<10000x128xf32, #tpu.memory_space<hbm>>
    tpu.enqueue_indirect_dma source(%dma_start3A_61 : memref<10000x128xf32, #tpu.memory_space<hbm>>) target(%arg21 : memref<40x128xf32, #tpu.memory_space<vmem>>) offsets(%dma_start3A_58 : memref<40xi32, #tpu.memory_space<vmem>>) semaphore(%arg27 : memref<!tpu.dma_semaphore, #tpu.memory_space<semaphore_mem>>)
    %multiple_of3A_62 = arith.constant 120 : i32
    %multiple_of3A_63 = tpu.assume_multiple %multiple_of3A_62, 8 : i32
    %dma_start3A_64 = tpu.memref_slice %arg10[%multiple_of3A_63] : memref<5000xi32, #tpu.memory_space<vmem>> -> memref<40xi32, #tpu.memory_space<vmem>>
    %dma_start3A_65 = arith.constant 0 : i32
    %dma_start3A_66 = arith.constant 0 : i32
    %dma_start3A_67 = tpu.memref_slice %arg3[%dma_start3A_65, %dma_start3A_66] : memref<10000x128xf32, #tpu.memory_space<hbm>> -> memref<10000x128xf32, #tpu.memory_space<hbm>>
    tpu.enqueue_indirect_dma source(%dma_start3A_67 : memref<10000x128xf32, #tpu.memory_space<hbm>>) target(%arg22 : memref<40x128xf32, #tpu.memory_space<vmem>>) offsets(%dma_start3A_64 : memref<40xi32, #tpu.memory_space<vmem>>) semaphore(%arg27 : memref<!tpu.dma_semaphore, #tpu.memory_space<semaphore_mem>>)
    %multiple_of3A_68 = arith.constant 120 : i32
    %multiple_of3A_69 = tpu.assume_multiple %multiple_of3A_68, 8 : i32
    %dma_start3A_70 = tpu.memref_slice %arg11[%multiple_of3A_69] : memref<5000xi32, #tpu.memory_space<vmem>> -> memref<40xi32, #tpu.memory_space<vmem>>
    %dma_start3A_71 = arith.constant 0 : i32
    %dma_start3A_72 = arith.constant 0 : i32
    %dma_start3A_73 = tpu.memref_slice %arg4[%dma_start3A_71, %dma_start3A_72] : memref<10000x128xf32, #tpu.memory_space<hbm>> -> memref<10000x128xf32, #tpu.memory_space<hbm>>
    tpu.enqueue_indirect_dma source(%dma_start3A_73 : memref<10000x128xf32, #tpu.memory_space<hbm>>) target(%arg23 : memref<40x128xf32, #tpu.memory_space<vmem>>) offsets(%dma_start3A_70 : memref<40xi32, #tpu.memory_space<vmem>>) semaphore(%arg27 : memref<!tpu.dma_semaphore, #tpu.memory_space<semaphore_mem>>)
    %scan3A = arith.constant 0 : i32
    %scan3A_74 = arith.constant 0 : i32
    %scan3A_75 = arith.constant 32 : i32
    %scan3A_76 = arith.addi %scan3A_74, %scan3A_75 : i32
    %scan3A_77 = arith.constant 1 : i32
    %scan3A_78 = scf.for %scan3A_107 = %scan3A_74 to %scan3A_76 step %scan3A_77 iter_args(%scan3A_108 = %scan3A) -> (i32)  : i32 {
      %mul3A_109 = arith.constant 4 : i32
      %mul3A_110 = arith.muli %scan3A_107, %mul3A_109 : i32
      %add3A_111 = arith.constant 0 : i32
      %add3A_112 = arith.addi %mul3A_110, %add3A_111 : i32
      %lt3A = arith.constant 125 : i32
      %lt3A_113 = arith.cmpi slt, %add3A_112, %lt3A : i32
      %convert_element_type3A = arith.extui %lt3A_113 : i1 to i32
      %cond3A = arith.constant 0 : i32
      %cond3A_114 = arith.cmpi ne, %convert_element_type3A, %cond3A : i32
      scf.if %cond3A_114 {
        %mul3A_143 = arith.constant 40 : i32
        %mul3A_144 = arith.muli %add3A_112, %mul3A_143 : i32
        %multiple_of3A_145 = tpu.assume_multiple %mul3A_144, 8 : i32
        %dma_wait3A_146 = tpu.memref_slice %arg9[%multiple_of3A_145] : memref<5000xi32, #tpu.memory_space<vmem>> -> memref<40xi32, #tpu.memory_space<vmem>>
        %dma_wait3A_147 = arith.constant 0 : i32
        %dma_wait3A_148 = arith.constant 0 : i32
        %dma_wait3A_149 = tpu.memref_slice %arg2[%dma_wait3A_147, %dma_wait3A_148] : memref<10000x128xf32, #tpu.memory_space<hbm>> -> memref<10000x128xf32, #tpu.memory_space<hbm>>
        tpu.wait_indirect_dma semaphore(%arg24 : memref<!tpu.dma_semaphore, #tpu.memory_space<semaphore_mem>>) src(%dma_wait3A_149 : memref<10000x128xf32, #tpu.memory_space<hbm>>) dst(%arg12 : memref<40x128xf32, #tpu.memory_space<vmem>>)
        %mul3A_150 = arith.constant 40 : i32
        %mul3A_151 = arith.muli %add3A_112, %mul3A_150 : i32
        %multiple_of3A_152 = tpu.assume_multiple %mul3A_151, 8 : i32
        %dma_wait3A_153 = tpu.memref_slice %arg10[%multiple_of3A_152] : memref<5000xi32, #tpu.memory_space<vmem>> -> memref<40xi32, #tpu.memory_space<vmem>>
        %dma_wait3A_154 = arith.constant 0 : i32
        %dma_wait3A_155 = arith.constant 0 : i32
        %dma_wait3A_156 = tpu.memref_slice %arg3[%dma_wait3A_154, %dma_wait3A_155] : memref<10000x128xf32, #tpu.memory_space<hbm>> -> memref<10000x128xf32, #tpu.memory_space<hbm>>
        tpu.wait_indirect_dma semaphore(%arg24 : memref<!tpu.dma_semaphore, #tpu.memory_space<semaphore_mem>>) src(%dma_wait3A_156 : memref<10000x128xf32, #tpu.memory_space<hbm>>) dst(%arg13 : memref<40x128xf32, #tpu.memory_space<vmem>>)
        %mul3A_157 = arith.constant 40 : i32
        %mul3A_158 = arith.muli %add3A_112, %mul3A_157 : i32
        %multiple_of3A_159 = tpu.assume_multiple %mul3A_158, 8 : i32
        %dma_wait3A_160 = tpu.memref_slice %arg11[%multiple_of3A_159] : memref<5000xi32, #tpu.memory_space<vmem>> -> memref<40xi32, #tpu.memory_space<vmem>>
        %dma_wait3A_161 = arith.constant 0 : i32
        %dma_wait3A_162 = arith.constant 0 : i32
        %dma_wait3A_163 = tpu.memref_slice %arg4[%dma_wait3A_161, %dma_wait3A_162] : memref<10000x128xf32, #tpu.memory_space<hbm>> -> memref<10000x128xf32, #tpu.memory_space<hbm>>
        tpu.wait_indirect_dma semaphore(%arg24 : memref<!tpu.dma_semaphore, #tpu.memory_space<semaphore_mem>>) src(%dma_wait3A_163 : memref<10000x128xf32, #tpu.memory_space<hbm>>) dst(%arg14 : memref<40x128xf32, #tpu.memory_space<vmem>>)
        %scan3A_164 = arith.constant 0 : i32
        %scan3A_165 = arith.constant 0 : i32
        %scan3A_166 = arith.constant 40 : i32
        %scan3A_167 = arith.addi %scan3A_165, %scan3A_166 : i32
        %scan3A_168 = arith.constant 1 : i32
        %scan3A_169 = scf.for %scan3A_186 = %scan3A_165 to %scan3A_167 step %scan3A_168 iter_args(%scan3A_187 = %scan3A_164) -> (i32)  : i32 {
          %get3A = arith.index_cast %scan3A_186 : i32 to index
          %get3A_188 = arith.constant 0 : index
          %get3A_189 = tpu.vector_load %arg12[%get3A, %get3A_188] {strides = array<i32>} : memref<40x128xf32, #tpu.memory_space<vmem>>, vector<1x16xf32>,
          %get3A_190 = vector.shape_cast %get3A_189 : vector<1x16xf32> to vector<16xf32>
          %get3A_191 = arith.index_cast %scan3A_186 : i32 to index
          %get3A_192 = arith.constant 0 : index
          %get3A_193 = tpu.vector_load %arg13[%get3A_191, %get3A_192] {strides = array<i32>} : memref<40x128xf32, #tpu.memory_space<vmem>>, vector<1x16xf32>,
          %get3A_194 = vector.shape_cast %get3A_193 : vector<1x16xf32> to vector<16xf32>
          %add3A_195 = arith.addf %get3A_190, %get3A_194 : vector<16xf32>
          %get3A_196 = arith.index_cast %scan3A_186 : i32 to index
          %get3A_197 = arith.constant 0 : index
          %get3A_198 = tpu.vector_load %arg14[%get3A_196, %get3A_197] {strides = array<i32>} : memref<40x128xf32, #tpu.memory_space<vmem>>, vector<1x16xf32>,
          %get3A_199 = vector.shape_cast %get3A_198 : vector<1x16xf32> to vector<16xf32>
          %add3A_200 = arith.addf %add3A_195, %get3A_199 : vector<16xf32>
          %swap3A = arith.index_cast %scan3A_186 : i32 to index
          %swap3A_201 = arith.constant 0 : index
          %swap3A_202 = tpu.vector_load %arg12[%swap3A, %swap3A_201] {strides = array<i32>} : memref<40x128xf32, #tpu.memory_space<vmem>>, vector<1x16xf32>,
          %swap3A_203 = vector.shape_cast %swap3A_202 : vector<1x16xf32> to vector<16xf32>
          %swap3A_204 = vector.shape_cast %add3A_200 : vector<16xf32> to vector<1x16xf32>
          tpu.vector_store %arg12[%swap3A, %swap3A_201], %swap3A_204 {strides = array<i32>} : memref<40x128xf32, #tpu.memory_space<vmem>>, vector<1x16xf32>,
          %get3A_205 = arith.index_cast %scan3A_186 : i32 to index
          %get3A_206 = arith.constant 16 : index
          %get3A_207 = tpu.vector_load %arg12[%get3A_205, %get3A_206] {strides = array<i32>} : memref<40x128xf32, #tpu.memory_space<vmem>>, vector<1x16xf32>,
          %get3A_208 = vector.shape_cast %get3A_207 : vector<1x16xf32> to vector<16xf32>
          %get3A_209 = arith.index_cast %scan3A_186 : i32 to index
          %get3A_210 = arith.constant 16 : index
          %get3A_211 = tpu.vector_load %arg13[%get3A_209, %get3A_210] {strides = array<i32>} : memref<40x128xf32, #tpu.memory_space<vmem>>, vector<1x16xf32>,
          %get3A_212 = vector.shape_cast %get3A_211 : vector<1x16xf32> to vector<16xf32>
          %add3A_213 = arith.addf %get3A_208, %get3A_212 : vector<16xf32>
          %get3A_214 = arith.index_cast %scan3A_186 : i32 to index
          %get3A_215 = arith.constant 16 : index
          %get3A_216 = tpu.vector_load %arg14[%get3A_214, %get3A_215] {strides = array<i32>} : memref<40x128xf32, #tpu.memory_space<vmem>>, vector<1x16xf32>,
          %get3A_217 = vector.shape_cast %get3A_216 : vector<1x16xf32> to vector<16xf32>
          %add3A_218 = arith.addf %add3A_213, %get3A_217 : vector<16xf32>
          %swap3A_219 = arith.index_cast %scan3A_186 : i32 to index
          %swap3A_220 = arith.constant 16 : index
          %swap3A_221 = tpu.vector_load %arg12[%swap3A_219, %swap3A_220] {strides = array<i32>} : memref<40x128xf32, #tpu.memory_space<vmem>>, vector<1x16xf32>,
          %swap3A_222 = vector.shape_cast %swap3A_221 : vector<1x16xf32> to vector<16xf32>
          %swap3A_223 = vector.shape_cast %add3A_218 : vector<16xf32> to vector<1x16xf32>
          tpu.vector_store %arg12[%swap3A_219, %swap3A_220], %swap3A_223 {strides = array<i32>} : memref<40x128xf32, #tpu.memory_space<vmem>>, vector<1x16xf32>,
          %get3A_224 = arith.index_cast %scan3A_186 : i32 to index
          %get3A_225 = arith.constant 32 : index
          %get3A_226 = tpu.vector_load %arg12[%get3A_224, %get3A_225] {strides = array<i32>} : memref<40x128xf32, #tpu.memory_space<vmem>>, vector<1x16xf32>,
          %get3A_227 = vector.shape_cast %get3A_226 : vector<1x16xf32> to vector<16xf32>
          %get3A_228 = arith.index_cast %scan3A_186 : i32 to index
          %get3A_229 = arith.constant 32 : index
          %get3A_230 = tpu.vector_load %arg13[%get3A_228, %get3A_229] {strides = array<i32>} : memref<40x128xf32, #tpu.memory_space<vmem>>, vector<1x16xf32>,
          %get3A_231 = vector.shape_cast %get3A_230 : vector<1x16xf32> to vector<16xf32>
          %add3A_232 = arith.addf %get3A_227, %get3A_231 : vector<16xf32>
          %get3A_233 = arith.index_cast %scan3A_186 : i32 to index
          %get3A_234 = arith.constant 32 : index
          %get3A_235 = tpu.vector_load %arg14[%get3A_233, %get3A_234] {strides = array<i32>} : memref<40x128xf32, #tpu.memory_space<vmem>>, vector<1x16xf32>,
          %get3A_236 = vector.shape_cast %get3A_235 : vector<1x16xf32> to vector<16xf32>
          %add3A_237 = arith.addf %add3A_232, %get3A_236 : vector<16xf32>
          %swap3A_238 = arith.index_cast %scan3A_186 : i32 to index
          %swap3A_239 = arith.constant 32 : index
          %swap3A_240 = tpu.vector_load %arg12[%swap3A_238, %swap3A_239] {strides = array<i32>} : memref<40x128xf32, #tpu.memory_space<vmem>>, vector<1x16xf32>,
          %swap3A_241 = vector.shape_cast %swap3A_240 : vector<1x16xf32> to vector<16xf32>
          %swap3A_242 = vector.shape_cast %add3A_237 : vector<16xf32> to vector<1x16xf32>
          tpu.vector_store %arg12[%swap3A_238, %swap3A_239], %swap3A_242 {strides = array<i32>} : memref<40x128xf32, #tpu.memory_space<vmem>>, vector<1x16xf32>,
          %get3A_243 = arith.index_cast %scan3A_186 : i32 to index
          %get3A_244 = arith.constant 48 : index
          %get3A_245 = tpu.vector_load %arg12[%get3A_243, %get3A_244] {strides = array<i32>} : memref<40x128xf32, #tpu.memory_space<vmem>>, vector<1x16xf32>,
          %get3A_246 = vector.shape_cast %get3A_245 : vector<1x16xf32> to vector<16xf32>
          %get3A_247 = arith.index_cast %scan3A_186 : i32 to index
          %get3A_248 = arith.constant 48 : index
          %get3A_249 = tpu.vector_load %arg13[%get3A_247, %get3A_248] {strides = array<i32>} : memref<40x128xf32, #tpu.memory_space<vmem>>, vector<1x16xf32>,
          %get3A_250 = vector.shape_cast %get3A_249 : vector<1x16xf32> to vector<16xf32>
          %add3A_251 = arith.addf %get3A_246, %get3A_250 : vector<16xf32>
          %get3A_252 = arith.index_cast %scan3A_186 : i32 to index
          %get3A_253 = arith.constant 48 : index
          %get3A_254 = tpu.vector_load %arg14[%get3A_252, %get3A_253] {strides = array<i32>} : memref<40x128xf32, #tpu.memory_space<vmem>>, vector<1x16xf32>,
          %get3A_255 = vector.shape_cast %get3A_254 : vector<1x16xf32> to vector<16xf32>
          %add3A_256 = arith.addf %add3A_251, %get3A_255 : vector<16xf32>
          %swap3A_257 = arith.index_cast %scan3A_186 : i32 to index
          %swap3A_258 = arith.constant 48 : index
          %swap3A_259 = tpu.vector_load %arg12[%swap3A_257, %swap3A_258] {strides = array<i32>} : memref<40x128xf32, #tpu.memory_space<vmem>>, vector<1x16xf32>,
          %swap3A_260 = vector.shape_cast %swap3A_259 : vector<1x16xf32> to vector<16xf32>
          %swap3A_261 = vector.shape_cast %add3A_256 : vector<16xf32> to vector<1x16xf32>
          tpu.vector_store %arg12[%swap3A_257, %swap3A_258], %swap3A_261 {strides = array<i32>} : memref<40x128xf32, #tpu.memory_space<vmem>>, vector<1x16xf32>,
          %get3A_262 = arith.index_cast %scan3A_186 : i32 to index
          %get3A_263 = arith.constant 64 : index
          %get3A_264 = tpu.vector_load %arg12[%get3A_262, %get3A_263] {strides = array<i32>} : memref<40x128xf32, #tpu.memory_space<vmem>>, vector<1x16xf32>,
          %get3A_265 = vector.shape_cast %get3A_264 : vector<1x16xf32> to vector<16xf32>
          %get3A_266 = arith.index_cast %scan3A_186 : i32 to index
          %get3A_267 = arith.constant 64 : index
          %get3A_268 = tpu.vector_load %arg13[%get3A_266, %get3A_267] {strides = array<i32>} : memref<40x128xf32, #tpu.memory_space<vmem>>, vector<1x16xf32>,
          %get3A_269 = vector.shape_cast %get3A_268 : vector<1x16xf32> to vector<16xf32>
          %add3A_270 = arith.addf %get3A_265, %get3A_269 : vector<16xf32>
          %get3A_271 = arith.index_cast %scan3A_186 : i32 to index
          %get3A_272 = arith.constant 64 : index
          %get3A_273 = tpu.vector_load %arg14[%get3A_271, %get3A_272] {strides = array<i32>} : memref<40x128xf32, #tpu.memory_space<vmem>>, vector<1x16xf32>,
          %get3A_274 = vector.shape_cast %get3A_273 : vector<1x16xf32> to vector<16xf32>
          %add3A_275 = arith.addf %add3A_270, %get3A_274 : vector<16xf32>
          %swap3A_276 = arith.index_cast %scan3A_186 : i32 to index
          %swap3A_277 = arith.constant 64 : index
          %swap3A_278 = tpu.vector_load %arg12[%swap3A_276, %swap3A_277] {strides = array<i32>} : memref<40x128xf32, #tpu.memory_space<vmem>>, vector<1x16xf32>,
          %swap3A_279 = vector.shape_cast %swap3A_278 : vector<1x16xf32> to vector<16xf32>
          %swap3A_280 = vector.shape_cast %add3A_275 : vector<16xf32> to vector<1x16xf32>
          tpu.vector_store %arg12[%swap3A_276, %swap3A_277], %swap3A_280 {strides = array<i32>} : memref<40x128xf32, #tpu.memory_space<vmem>>, vector<1x16xf32>,
          %get3A_281 = arith.index_cast %scan3A_186 : i32 to index
          %get3A_282 = arith.constant 80 : index
          %get3A_283 = tpu.vector_load %arg12[%get3A_281, %get3A_282] {strides = array<i32>} : memref<40x128xf32, #tpu.memory_space<vmem>>, vector<1x16xf32>,
          %get3A_284 = vector.shape_cast %get3A_283 : vector<1x16xf32> to vector<16xf32>
          %get3A_285 = arith.index_cast %scan3A_186 : i32 to index
          %get3A_286 = arith.constant 80 : index
          %get3A_287 = tpu.vector_load %arg13[%get3A_285, %get3A_286] {strides = array<i32>} : memref<40x128xf32, #tpu.memory_space<vmem>>, vector<1x16xf32>,
          %get3A_288 = vector.shape_cast %get3A_287 : vector<1x16xf32> to vector<16xf32>
          %add3A_289 = arith.addf %get3A_284, %get3A_288 : vector<16xf32>
          %get3A_290 = arith.index_cast %scan3A_186 : i32 to index
          %get3A_291 = arith.constant 80 : index
          %get3A_292 = tpu.vector_load %arg14[%get3A_290, %get3A_291] {strides = array<i32>} : memref<40x128xf32, #tpu.memory_space<vmem>>, vector<1x16xf32>,
          %get3A_293 = vector.shape_cast %get3A_292 : vector<1x16xf32> to vector<16xf32>
          %add3A_294 = arith.addf %add3A_289, %get3A_293 : vector<16xf32>
          %swap3A_295 = arith.index_cast %scan3A_186 : i32 to index
          %swap3A_296 = arith.constant 80 : index
          %swap3A_297 = tpu.vector_load %arg12[%swap3A_295, %swap3A_296] {strides = array<i32>} : memref<40x128xf32, #tpu.memory_space<vmem>>, vector<1x16xf32>,
          %swap3A_298 = vector.shape_cast %swap3A_297 : vector<1x16xf32> to vector<16xf32>
          %swap3A_299 = vector.shape_cast %add3A_294 : vector<16xf32> to vector<1x16xf32>
          tpu.vector_store %arg12[%swap3A_295, %swap3A_296], %swap3A_299 {strides = array<i32>} : memref<40x128xf32, #tpu.memory_space<vmem>>, vector<1x16xf32>,
          %get3A_300 = arith.index_cast %scan3A_186 : i32 to index
          %get3A_301 = arith.constant 96 : index
          %get3A_302 = tpu.vector_load %arg12[%get3A_300, %get3A_301] {strides = array<i32>} : memref<40x128xf32, #tpu.memory_space<vmem>>, vector<1x16xf32>,
          %get3A_303 = vector.shape_cast %get3A_302 : vector<1x16xf32> to vector<16xf32>
          %get3A_304 = arith.index_cast %scan3A_186 : i32 to index
          %get3A_305 = arith.constant 96 : index
          %get3A_306 = tpu.vector_load %arg13[%get3A_304, %get3A_305] {strides = array<i32>} : memref<40x128xf32, #tpu.memory_space<vmem>>, vector<1x16xf32>,
          %get3A_307 = vector.shape_cast %get3A_306 : vector<1x16xf32> to vector<16xf32>
          %add3A_308 = arith.addf %get3A_303, %get3A_307 : vector<16xf32>
          %get3A_309 = arith.index_cast %scan3A_186 : i32 to index
          %get3A_310 = arith.constant 96 : index
          %get3A_311 = tpu.vector_load %arg14[%get3A_309, %get3A_310] {strides = array<i32>} : memref<40x128xf32, #tpu.memory_space<vmem>>, vector<1x16xf32>,
          %get3A_312 = vector.shape_cast %get3A_311 : vector<1x16xf32> to vector<16xf32>
          %add3A_313 = arith.addf %add3A_308, %get3A_312 : vector<16xf32>
          %swap3A_314 = arith.index_cast %scan3A_186 : i32 to index
          %swap3A_315 = arith.constant 96 : index
          %swap3A_316 = tpu.vector_load %arg12[%swap3A_314, %swap3A_315] {strides = array<i32>} : memref<40x128xf32, #tpu.memory_space<vmem>>, vector<1x16xf32>,
          %swap3A_317 = vector.shape_cast %swap3A_316 : vector<1x16xf32> to vector<16xf32>
          %swap3A_318 = vector.shape_cast %add3A_313 : vector<16xf32> to vector<1x16xf32>
          tpu.vector_store %arg12[%swap3A_314, %swap3A_315], %swap3A_318 {strides = array<i32>} : memref<40x128xf32, #tpu.memory_space<vmem>>, vector<1x16xf32>,
          %get3A_319 = arith.index_cast %scan3A_186 : i32 to index
          %get3A_320 = arith.constant 112 : index
          %get3A_321 = tpu.vector_load %arg12[%get3A_319, %get3A_320] {strides = array<i32>} : memref<40x128xf32, #tpu.memory_space<vmem>>, vector<1x16xf32>,
          %get3A_322 = vector.shape_cast %get3A_321 : vector<1x16xf32> to vector<16xf32>
          %get3A_323 = arith.index_cast %scan3A_186 : i32 to index
          %get3A_324 = arith.constant 112 : index
          %get3A_325 = tpu.vector_load %arg13[%get3A_323, %get3A_324] {strides = array<i32>} : memref<40x128xf32, #tpu.memory_space<vmem>>, vector<1x16xf32>,
          %get3A_326 = vector.shape_cast %get3A_325 : vector<1x16xf32> to vector<16xf32>
          %add3A_327 = arith.addf %get3A_322, %get3A_326 : vector<16xf32>
          %get3A_328 = arith.index_cast %scan3A_186 : i32 to index
          %get3A_329 = arith.constant 112 : index
          %get3A_330 = tpu.vector_load %arg14[%get3A_328, %get3A_329] {strides = array<i32>} : memref<40x128xf32, #tpu.memory_space<vmem>>, vector<1x16xf32>,
          %get3A_331 = vector.shape_cast %get3A_330 : vector<1x16xf32> to vector<16xf32>
          %add3A_332 = arith.addf %add3A_327, %get3A_331 : vector<16xf32>
          %swap3A_333 = arith.index_cast %scan3A_186 : i32 to index
          %swap3A_334 = arith.constant 112 : index
          %swap3A_335 = tpu.vector_load %arg12[%swap3A_333, %swap3A_334] {strides = array<i32>} : memref<40x128xf32, #tpu.memory_space<vmem>>, vector<1x16xf32>,
          %swap3A_336 = vector.shape_cast %swap3A_335 : vector<1x16xf32> to vector<16xf32>
          %swap3A_337 = vector.shape_cast %add3A_332 : vector<16xf32> to vector<1x16xf32>
          tpu.vector_store %arg12[%swap3A_333, %swap3A_334], %swap3A_337 {strides = array<i32>} : memref<40x128xf32, #tpu.memory_space<vmem>>, vector<1x16xf32>,
          %scan3A_338 = arith.constant 0 : i32
          scf.yield %scan3A_338 : i32
        }
        %scan3A_170 = arith.constant 40 : i32
        %mul3A_171 = arith.constant 40 : i32
        %mul3A_172 = arith.muli %add3A_112, %mul3A_171 : i32
        %add3A_173 = arith.addi %multiple_of3A, %mul3A_172 : i32
        %multiple_of3A_174 = tpu.assume_multiple %add3A_173, 8 : i32
        %dma_start3A_175 = arith.constant 0 : i32
        %dma_start3A_176 = tpu.memref_slice %arg8[%multiple_of3A_174, %dma_start3A_175] : memref<160000x128xf32, #tpu.memory_space<hbm>> -> memref<40x128xf32, #tpu.memory_space<hbm>>
        %dma_start3A_177 = arith.constant 0 : i32
        %dma_start3A_178 = tpu.memref_slice %arg8[%multiple_of3A_174, %dma_start3A_177] : memref<160000x128xf32, #tpu.memory_space<hbm>> -> memref<40x128xf32, #tpu.memory_space<hbm>>
        tpu.enqueue_dma source(%arg12 : memref<40x128xf32, #tpu.memory_space<vmem>>) target(%dma_start3A_178 : memref<40x128xf32, #tpu.memory_space<hbm>>) target_semaphore(%arg28 : memref<!tpu.dma_semaphore, #tpu.memory_space<semaphore_mem>>)
        %add3A_179 = arith.constant 4 : i32
        %add3A_180 = arith.addi %add3A_112, %add3A_179 : i32
        %lt3A_181 = arith.constant 125 : i32
        %lt3A_182 = arith.cmpi slt, %add3A_180, %lt3A_181 : i32
        %convert_element_type3A_183 = arith.extui %lt3A_182 : i1 to i32
        %cond3A_184 = arith.constant 0 : i32
        %cond3A_185 = arith.cmpi ne, %convert_element_type3A_183, %cond3A_184 : i32
        scf.if %cond3A_185 {
          %mul3A_186 = arith.constant 40 : i32
          %mul3A_187 = arith.muli %add3A_112, %mul3A_186 : i32
          %add3A_188 = arith.addi %multiple_of3A, %mul3A_187 : i32
          %multiple_of3A_189 = tpu.assume_multiple %add3A_188, 8 : i32
          %dma_wait3A_190 = arith.constant 0 : i32
          %dma_wait3A_191 = tpu.memref_slice %arg8[%multiple_of3A_189, %dma_wait3A_190] : memref<160000x128xf32, #tpu.memory_space<hbm>> -> memref<40x128xf32, #tpu.memory_space<hbm>>
          %dma_wait3A_192 = arith.constant 0 : i32
          %dma_wait3A_193 = tpu.memref_slice %arg8[%multiple_of3A_189, %dma_wait3A_192] : memref<160000x128xf32, #tpu.memory_space<hbm>> -> memref<40x128xf32, #tpu.memory_space<hbm>>
          tpu.wait_dma2 semaphore(%arg28 : memref<!tpu.dma_semaphore, #tpu.memory_space<semaphore_mem>>) src(%arg12 : memref<40x128xf32, #tpu.memory_space<vmem>>) dst(%dma_wait3A_193 : memref<40x128xf32, #tpu.memory_space<hbm>>)
          %add3A_194 = arith.constant 4 : i32
          %add3A_195 = arith.addi %add3A_112, %add3A_194 : i32
          %mul3A_196 = arith.constant 40 : i32
          %mul3A_197 = arith.muli %add3A_195, %mul3A_196 : i32
          %multiple_of3A_198 = tpu.assume_multiple %mul3A_197, 8 : i32
          %dma_start3A_199 = tpu.memref_slice %arg9[%multiple_of3A_198] : memref<5000xi32, #tpu.memory_space<vmem>> -> memref<40xi32, #tpu.memory_space<vmem>>
          %dma_start3A_200 = arith.constant 0 : i32
          %dma_start3A_201 = arith.constant 0 : i32
          %dma_start3A_202 = tpu.memref_slice %arg2[%dma_start3A_200, %dma_start3A_201] : memref<10000x128xf32, #tpu.memory_space<hbm>> -> memref<10000x128xf32, #tpu.memory_space<hbm>>
          tpu.enqueue_indirect_dma source(%dma_start3A_202 : memref<10000x128xf32, #tpu.memory_space<hbm>>) target(%arg12 : memref<40x128xf32, #tpu.memory_space<vmem>>) offsets(%dma_start3A_199 : memref<40xi32, #tpu.memory_space<vmem>>) semaphore(%arg24 : memref<!tpu.dma_semaphore, #tpu.memory_space<semaphore_mem>>)
          %mul3A_203 = arith.constant 40 : i32
          %mul3A_204 = arith.muli %add3A_195, %mul3A_203 : i32
          %multiple_of3A_205 = tpu.assume_multiple %mul3A_204, 8 : i32
          %dma_start3A_206 = tpu.memref_slice %arg10[%multiple_of3A_205] : memref<5000xi32, #tpu.memory_space<vmem>> -> memref<40xi32, #tpu.memory_space<vmem>>
          %dma_start3A_207 = arith.constant 0 : i32
          %dma_start3A_208 = arith.constant 0 : i32
          %dma_start3A_209 = tpu.memref_slice %arg3[%dma_start3A_207, %dma_start3A_208] : memref<10000x128xf32, #tpu.memory_space<hbm>> -> memref<10000x128xf32, #tpu.memory_space<hbm>>
          tpu.enqueue_indirect_dma source(%dma_start3A_209 : memref<10000x128xf32, #tpu.memory_space<hbm>>) target(%arg13 : memref<40x128xf32, #tpu.memory_space<vmem>>) offsets(%dma_start3A_206 : memref<40xi32, #tpu.memory_space<vmem>>) semaphore(%arg24 : memref<!tpu.dma_semaphore, #tpu.memory_space<semaphore_mem>>)
          %mul3A_210 = arith.constant 40 : i32
          %mul3A_211 = arith.muli %add3A_195, %mul3A_210 : i32
          %multiple_of3A_212 = tpu.assume_multiple %mul3A_211, 8 : i32
          %dma_start3A_213 = tpu.memref_slice %arg11[%multiple_of3A_212] : memref<5000xi32, #tpu.memory_space<vmem>> -> memref<40xi32, #tpu.memory_space<vmem>>
          %dma_start3A_214 = arith.constant 0 : i32
          %dma_start3A_215 = arith.constant 0 : i32
          %dma_start3A_216 = tpu.memref_slice %arg4[%dma_start3A_214, %dma_start3A_215] : memref<10000x128xf32, #tpu.memory_space<hbm>> -> memref<10000x128xf32, #tpu.memory_space<hbm>>
          tpu.enqueue_indirect_dma source(%dma_start3A_216 : memref<10000x128xf32, #tpu.memory_space<hbm>>) target(%arg14 : memref<40x128xf32, #tpu.memory_space<vmem>>) offsets(%dma_start3A_213 : memref<40xi32, #tpu.memory_space<vmem>>) semaphore(%arg24 : memref<!tpu.dma_semaphore, #tpu.memory_space<semaphore_mem>>)
        } else {
        }
      } else {
      }
      %mul3A_115 = arith.constant 4 : i32
      %mul3A_116 = arith.muli %scan3A_107, %mul3A_115 : i32
      %add3A_117 = arith.constant 1 : i32
      %add3A_118 = arith.addi %mul3A_116, %add3A_117 : i32
      %lt3A_119 = arith.constant 125 : i32
      %lt3A_120 = arith.cmpi slt, %add3A_118, %lt3A_119 : i32
      %convert_element_type3A_121 = arith.extui %lt3A_120 : i1 to i32
      %cond3A_122 = arith.constant 0 : i32
      %cond3A_123 = arith.cmpi ne, %convert_element_type3A_121, %cond3A_122 : i32
      scf.if %cond3A_123 {
        %mul3A_143 = arith.constant 40 : i32
        %mul3A_144 = arith.muli %add3A_118, %mul3A_143 : i32
        %multiple_of3A_145 = tpu.assume_multiple %mul3A_144, 8 : i32
        %dma_wait3A_146 = tpu.memref_slice %arg9[%multiple_of3A_145] : memref<5000xi32, #tpu.memory_space<vmem>> -> memref<40xi32, #tpu.memory_space<vmem>>
        %dma_wait3A_147 = arith.constant 0 : i32
        %dma_wait3A_148 = arith.constant 0 : i32
        %dma_wait3A_149 = tpu.memref_slice %arg2[%dma_wait3A_147, %dma_wait3A_148] : memref<10000x128xf32, #tpu.memory_space<hbm>> -> memref<10000x128xf32, #tpu.memory_space<hbm>>
        tpu.wait_indirect_dma semaphore(%arg25 : memref<!tpu.dma_semaphore, #tpu.memory_space<semaphore_mem>>) src(%dma_wait3A_149 : memref<10000x128xf32, #tpu.memory_space<hbm>>) dst(%arg15 : memref<40x128xf32, #tpu.memory_space<vmem>>)
        %mul3A_150 = arith.constant 40 : i32
        %mul3A_151 = arith.muli %add3A_118, %mul3A_150 : i32
        %multiple_of3A_152 = tpu.assume_multiple %mul3A_151, 8 : i32
        %dma_wait3A_153 = tpu.memref_slice %arg10[%multiple_of3A_152] : memref<5000xi32, #tpu.memory_space<vmem>> -> memref<40xi32, #tpu.memory_space<vmem>>
        %dma_wait3A_154 = arith.constant 0 : i32
        %dma_wait3A_155 = arith.constant 0 : i32
        %dma_wait3A_156 = tpu.memref_slice %arg3[%dma_wait3A_154, %dma_wait3A_155] : memref<10000x128xf32, #tpu.memory_space<hbm>> -> memref<10000x128xf32, #tpu.memory_space<hbm>>
        tpu.wait_indirect_dma semaphore(%arg25 : memref<!tpu.dma_semaphore, #tpu.memory_space<semaphore_mem>>) src(%dma_wait3A_156 : memref<10000x128xf32, #tpu.memory_space<hbm>>) dst(%arg16 : memref<40x128xf32, #tpu.memory_space<vmem>>)
        %mul3A_157 = arith.constant 40 : i32
        %mul3A_158 = arith.muli %add3A_118, %mul3A_157 : i32
        %multiple_of3A_159 = tpu.assume_multiple %mul3A_158, 8 : i32
        %dma_wait3A_160 = tpu.memref_slice %arg11[%multiple_of3A_159] : memref<5000xi32, #tpu.memory_space<vmem>> -> memref<40xi32, #tpu.memory_space<vmem>>
        %dma_wait3A_161 = arith.constant 0 : i32
        %dma_wait3A_162 = arith.constant 0 : i32
        %dma_wait3A_163 = tpu.memref_slice %arg4[%dma_wait3A_161, %dma_wait3A_162] : memref<10000x128xf32, #tpu.memory_space<hbm>> -> memref<10000x128xf32, #tpu.memory_space<hbm>>
        tpu.wait_indirect_dma semaphore(%arg25 : memref<!tpu.dma_semaphore, #tpu.memory_space<semaphore_mem>>) src(%dma_wait3A_163 : memref<10000x128xf32, #tpu.memory_space<hbm>>) dst(%arg17 : memref<40x128xf32, #tpu.memory_space<vmem>>)
        %scan3A_164 = arith.constant 0 : i32
        %scan3A_165 = arith.constant 0 : i32
        %scan3A_166 = arith.constant 40 : i32
        %scan3A_167 = arith.addi %scan3A_165, %scan3A_166 : i32
        %scan3A_168 = arith.constant 1 : i32
        %scan3A_169 = scf.for %scan3A_186 = %scan3A_165 to %scan3A_167 step %scan3A_168 iter_args(%scan3A_187 = %scan3A_164) -> (i32)  : i32 {
          %get3A = arith.index_cast %scan3A_186 : i32 to index
          %get3A_188 = arith.constant 0 : index
          %get3A_189 = tpu.vector_load %arg15[%get3A, %get3A_188] {strides = array<i32>} : memref<40x128xf32, #tpu.memory_space<vmem>>, vector<1x16xf32>,
          %get3A_190 = vector.shape_cast %get3A_189 : vector<1x16xf32> to vector<16xf32>
          %get3A_191 = arith.index_cast %scan3A_186 : i32 to index
          %get3A_192 = arith.constant 0 : index
          %get3A_193 = tpu.vector_load %arg16[%get3A_191, %get3A_192] {strides = array<i32>} : memref<40x128xf32, #tpu.memory_space<vmem>>, vector<1x16xf32>,
          %get3A_194 = vector.shape_cast %get3A_193 : vector<1x16xf32> to vector<16xf32>
          %add3A_195 = arith.addf %get3A_190, %get3A_194 : vector<16xf32>
          %get3A_196 = arith.index_cast %scan3A_186 : i32 to index
          %get3A_197 = arith.constant 0 : index
          %get3A_198 = tpu.vector_load %arg17[%get3A_196, %get3A_197] {strides = array<i32>} : memref<40x128xf32, #tpu.memory_space<vmem>>, vector<1x16xf32>,
          %get3A_199 = vector.shape_cast %get3A_198 : vector<1x16xf32> to vector<16xf32>
          %add3A_200 = arith.addf %add3A_195, %get3A_199 : vector<16xf32>
          %swap3A = arith.index_cast %scan3A_186 : i32 to index
          %swap3A_201 = arith.constant 0 : index
          %swap3A_202 = tpu.vector_load %arg15[%swap3A, %swap3A_201] {strides = array<i32>} : memref<40x128xf32, #tpu.memory_space<vmem>>, vector<1x16xf32>,
          %swap3A_203 = vector.shape_cast %swap3A_202 : vector<1x16xf32> to vector<16xf32>
          %swap3A_204 = vector.shape_cast %add3A_200 : vector<16xf32> to vector<1x16xf32>
          tpu.vector_store %arg15[%swap3A, %swap3A_201], %swap3A_204 {strides = array<i32>} : memref<40x128xf32, #tpu.memory_space<vmem>>, vector<1x16xf32>,
          %get3A_205 = arith.index_cast %scan3A_186 : i32 to index
          %get3A_206 = arith.constant 16 : index
          %get3A_207 = tpu.vector_load %arg15[%get3A_205, %get3A_206] {strides = array<i32>} : memref<40x128xf32, #tpu.memory_space<vmem>>, vector<1x16xf32>,
          %get3A_208 = vector.shape_cast %get3A_207 : vector<1x16xf32> to vector<16xf32>
          %get3A_209 = arith.index_cast %scan3A_186 : i32 to index
          %get3A_210 = arith.constant 16 : index
          %get3A_211 = tpu.vector_load %arg16[%get3A_209, %get3A_210] {strides = array<i32>} : memref<40x128xf32, #tpu.memory_space<vmem>>, vector<1x16xf32>,
          %get3A_212 = vector.shape_cast %get3A_211 : vector<1x16xf32> to vector<16xf32>
          %add3A_213 = arith.addf %get3A_208, %get3A_212 : vector<16xf32>
          %get3A_214 = arith.index_cast %scan3A_186 : i32 to index
          %get3A_215 = arith.constant 16 : index
          %get3A_216 = tpu.vector_load %arg17[%get3A_214, %get3A_215] {strides = array<i32>} : memref<40x128xf32, #tpu.memory_space<vmem>>, vector<1x16xf32>,
          %get3A_217 = vector.shape_cast %get3A_216 : vector<1x16xf32> to vector<16xf32>
          %add3A_218 = arith.addf %add3A_213, %get3A_217 : vector<16xf32>
          %swap3A_219 = arith.index_cast %scan3A_186 : i32 to index
          %swap3A_220 = arith.constant 16 : index
          %swap3A_221 = tpu.vector_load %arg15[%swap3A_219, %swap3A_220] {strides = array<i32>} : memref<40x128xf32, #tpu.memory_space<vmem>>, vector<1x16xf32>,
          %swap3A_222 = vector.shape_cast %swap3A_221 : vector<1x16xf32> to vector<16xf32>
          %swap3A_223 = vector.shape_cast %add3A_218 : vector<16xf32> to vector<1x16xf32>
          tpu.vector_store %arg15[%swap3A_219, %swap3A_220], %swap3A_223 {strides = array<i32>} : memref<40x128xf32, #tpu.memory_space<vmem>>, vector<1x16xf32>,
          %get3A_224 = arith.index_cast %scan3A_186 : i32 to index
          %get3A_225 = arith.constant 32 : index
          %get3A_226 = tpu.vector_load %arg15[%get3A_224, %get3A_225] {strides = array<i32>} : memref<40x128xf32, #tpu.memory_space<vmem>>, vector<1x16xf32>,
          %get3A_227 = vector.shape_cast %get3A_226 : vector<1x16xf32> to vector<16xf32>
          %get3A_228 = arith.index_cast %scan3A_186 : i32 to index
          %get3A_229 = arith.constant 32 : index
          %get3A_230 = tpu.vector_load %arg16[%get3A_228, %get3A_229] {strides = array<i32>} : memref<40x128xf32, #tpu.memory_space<vmem>>, vector<1x16xf32>,
          %get3A_231 = vector.shape_cast %get3A_230 : vector<1x16xf32> to vector<16xf32>
          %add3A_232 = arith.addf %get3A_227, %get3A_231 : vector<16xf32>
          %get3A_233 = arith.index_cast %scan3A_186 : i32 to index
          %get3A_234 = arith.constant 32 : index
          %get3A_235 = tpu.vector_load %arg17[%get3A_233, %get3A_234] {strides = array<i32>} : memref<40x128xf32, #tpu.memory_space<vmem>>, vector<1x16xf32>,
          %get3A_236 = vector.shape_cast %get3A_235 : vector<1x16xf32> to vector<16xf32>
          %add3A_237 = arith.addf %add3A_232, %get3A_236 : vector<16xf32>
          %swap3A_238 = arith.index_cast %scan3A_186 : i32 to index
          %swap3A_239 = arith.constant 32 : index
          %swap3A_240 = tpu.vector_load %arg15[%swap3A_238, %swap3A_239] {strides = array<i32>} : memref<40x128xf32, #tpu.memory_space<vmem>>, vector<1x16xf32>,
          %swap3A_241 = vector.shape_cast %swap3A_240 : vector<1x16xf32> to vector<16xf32>
          %swap3A_242 = vector.shape_cast %add3A_237 : vector<16xf32> to vector<1x16xf32>
          tpu.vector_store %arg15[%swap3A_238, %swap3A_239], %swap3A_242 {strides = array<i32>} : memref<40x128xf32, #tpu.memory_space<vmem>>, vector<1x16xf32>,
          %get3A_243 = arith.index_cast %scan3A_186 : i32 to index
          %get3A_244 = arith.constant 48 : index
          %get3A_245 = tpu.vector_load %arg15[%get3A_243, %get3A_244] {strides = array<i32>} : memref<40x128xf32, #tpu.memory_space<vmem>>, vector<1x16xf32>,
          %get3A_246 = vector.shape_cast %get3A_245 : vector<1x16xf32> to vector<16xf32>
          %get3A_247 = arith.index_cast %scan3A_186 : i32 to index
          %get3A_248 = arith.constant 48 : index
          %get3A_249 = tpu.vector_load %arg16[%get3A_247, %get3A_248] {strides = array<i32>} : memref<40x128xf32, #tpu.memory_space<vmem>>, vector<1x16xf32>,
          %get3A_250 = vector.shape_cast %get3A_249 : vector<1x16xf32> to vector<16xf32>
          %add3A_251 = arith.addf %get3A_246, %get3A_250 : vector<16xf32>
          %get3A_252 = arith.index_cast %scan3A_186 : i32 to index
          %get3A_253 = arith.constant 48 : index
          %get3A_254 = tpu.vector_load %arg17[%get3A_252, %get3A_253] {strides = array<i32>} : memref<40x128xf32, #tpu.memory_space<vmem>>, vector<1x16xf32>,
          %get3A_255 = vector.shape_cast %get3A_254 : vector<1x16xf32> to vector<16xf32>
          %add3A_256 = arith.addf %add3A_251, %get3A_255 : vector<16xf32>
          %swap3A_257 = arith.index_cast %scan3A_186 : i32 to index
          %swap3A_258 = arith.constant 48 : index
          %swap3A_259 = tpu.vector_load %arg15[%swap3A_257, %swap3A_258] {strides = array<i32>} : memref<40x128xf32, #tpu.memory_space<vmem>>, vector<1x16xf32>,
          %swap3A_260 = vector.shape_cast %swap3A_259 : vector<1x16xf32> to vector<16xf32>
          %swap3A_261 = vector.shape_cast %add3A_256 : vector<16xf32> to vector<1x16xf32>
          tpu.vector_store %arg15[%swap3A_257, %swap3A_258], %swap3A_261 {strides = array<i32>} : memref<40x128xf32, #tpu.memory_space<vmem>>, vector<1x16xf32>,
          %get3A_262 = arith.index_cast %scan3A_186 : i32 to index
          %get3A_263 = arith.constant 64 : index
          %get3A_264 = tpu.vector_load %arg15[%get3A_262, %get3A_263] {strides = array<i32>} : memref<40x128xf32, #tpu.memory_space<vmem>>, vector<1x16xf32>,
          %get3A_265 = vector.shape_cast %get3A_264 : vector<1x16xf32> to vector<16xf32>
          %get3A_266 = arith.index_cast %scan3A_186 : i32 to index
          %get3A_267 = arith.constant 64 : index
          %get3A_268 = tpu.vector_load %arg16[%get3A_266, %get3A_267] {strides = array<i32>} : memref<40x128xf32, #tpu.memory_space<vmem>>, vector<1x16xf32>,
          %get3A_269 = vector.shape_cast %get3A_268 : vector<1x16xf32> to vector<16xf32>
          %add3A_270 = arith.addf %get3A_265, %get3A_269 : vector<16xf32>
          %get3A_271 = arith.index_cast %scan3A_186 : i32 to index
          %get3A_272 = arith.constant 64 : index
          %get3A_273 = tpu.vector_load %arg17[%get3A_271, %get3A_272] {strides = array<i32>} : memref<40x128xf32, #tpu.memory_space<vmem>>, vector<1x16xf32>,
          %get3A_274 = vector.shape_cast %get3A_273 : vector<1x16xf32> to vector<16xf32>
          %add3A_275 = arith.addf %add3A_270, %get3A_274 : vector<16xf32>
          %swap3A_276 = arith.index_cast %scan3A_186 : i32 to index
          %swap3A_277 = arith.constant 64 : index
          %swap3A_278 = tpu.vector_load %arg15[%swap3A_276, %swap3A_277] {strides = array<i32>} : memref<40x128xf32, #tpu.memory_space<vmem>>, vector<1x16xf32>,
          %swap3A_279 = vector.shape_cast %swap3A_278 : vector<1x16xf32> to vector<16xf32>
          %swap3A_280 = vector.shape_cast %add3A_275 : vector<16xf32> to vector<1x16xf32>
          tpu.vector_store %arg15[%swap3A_276, %swap3A_277], %swap3A_280 {strides = array<i32>} : memref<40x128xf32, #tpu.memory_space<vmem>>, vector<1x16xf32>,
          %get3A_281 = arith.index_cast %scan3A_186 : i32 to index
          %get3A_282 = arith.constant 80 : index
          %get3A_283 = tpu.vector_load %arg15[%get3A_281, %get3A_282] {strides = array<i32>} : memref<40x128xf32, #tpu.memory_space<vmem>>, vector<1x16xf32>,
          %get3A_284 = vector.shape_cast %get3A_283 : vector<1x16xf32> to vector<16xf32>
          %get3A_285 = arith.index_cast %scan3A_186 : i32 to index
          %get3A_286 = arith.constant 80 : index
          %get3A_287 = tpu.vector_load %arg16[%get3A_285, %get3A_286] {strides = array<i32>} : memref<40x128xf32, #tpu.memory_space<vmem>>, vector<1x16xf32>,
          %get3A_288 = vector.shape_cast %get3A_287 : vector<1x16xf32> to vector<16xf32>
          %add3A_289 = arith.addf %get3A_284, %get3A_288 : vector<16xf32>
          %get3A_290 = arith.index_cast %scan3A_186 : i32 to index
          %get3A_291 = arith.constant 80 : index
          %get3A_292 = tpu.vector_load %arg17[%get3A_290, %get3A_291] {strides = array<i32>} : memref<40x128xf32, #tpu.memory_space<vmem>>, vector<1x16xf32>,
          %get3A_293 = vector.shape_cast %get3A_292 : vector<1x16xf32> to vector<16xf32>
          %add3A_294 = arith.addf %add3A_289, %get3A_293 : vector<16xf32>
          %swap3A_295 = arith.index_cast %scan3A_186 : i32 to index
          %swap3A_296 = arith.constant 80 : index
          %swap3A_297 = tpu.vector_load %arg15[%swap3A_295, %swap3A_296] {strides = array<i32>} : memref<40x128xf32, #tpu.memory_space<vmem>>, vector<1x16xf32>,
          %swap3A_298 = vector.shape_cast %swap3A_297 : vector<1x16xf32> to vector<16xf32>
          %swap3A_299 = vector.shape_cast %add3A_294 : vector<16xf32> to vector<1x16xf32>
          tpu.vector_store %arg15[%swap3A_295, %swap3A_296], %swap3A_299 {strides = array<i32>} : memref<40x128xf32, #tpu.memory_space<vmem>>, vector<1x16xf32>,
          %get3A_300 = arith.index_cast %scan3A_186 : i32 to index
          %get3A_301 = arith.constant 96 : index
          %get3A_302 = tpu.vector_load %arg15[%get3A_300, %get3A_301] {strides = array<i32>} : memref<40x128xf32, #tpu.memory_space<vmem>>, vector<1x16xf32>,
          %get3A_303 = vector.shape_cast %get3A_302 : vector<1x16xf32> to vector<16xf32>
          %get3A_304 = arith.index_cast %scan3A_186 : i32 to index
          %get3A_305 = arith.constant 96 : index
          %get3A_306 = tpu.vector_load %arg16[%get3A_304, %get3A_305] {strides = array<i32>} : memref<40x128xf32, #tpu.memory_space<vmem>>, vector<1x16xf32>,
          %get3A_307 = vector.shape_cast %get3A_306 : vector<1x16xf32> to vector<16xf32>
          %add3A_308 = arith.addf %get3A_303, %get3A_307 : vector<16xf32>
          %get3A_309 = arith.index_cast %scan3A_186 : i32 to index
          %get3A_310 = arith.constant 96 : index
          %get3A_311 = tpu.vector_load %arg17[%get3A_309, %get3A_310] {strides = array<i32>} : memref<40x128xf32, #tpu.memory_space<vmem>>, vector<1x16xf32>,
          %get3A_312 = vector.shape_cast %get3A_311 : vector<1x16xf32> to vector<16xf32>
          %add3A_313 = arith.addf %add3A_308, %get3A_312 : vector<16xf32>
          %swap3A_314 = arith.index_cast %scan3A_186 : i32 to index
          %swap3A_315 = arith.constant 96 : index
          %swap3A_316 = tpu.vector_load %arg15[%swap3A_314, %swap3A_315] {strides = array<i32>} : memref<40x128xf32, #tpu.memory_space<vmem>>, vector<1x16xf32>,
          %swap3A_317 = vector.shape_cast %swap3A_316 : vector<1x16xf32> to vector<16xf32>
          %swap3A_318 = vector.shape_cast %add3A_313 : vector<16xf32> to vector<1x16xf32>
          tpu.vector_store %arg15[%swap3A_314, %swap3A_315], %swap3A_318 {strides = array<i32>} : memref<40x128xf32, #tpu.memory_space<vmem>>, vector<1x16xf32>,
          %get3A_319 = arith.index_cast %scan3A_186 : i32 to index
          %get3A_320 = arith.constant 112 : index
          %get3A_321 = tpu.vector_load %arg15[%get3A_319, %get3A_320] {strides = array<i32>} : memref<40x128xf32, #tpu.memory_space<vmem>>, vector<1x16xf32>,
          %get3A_322 = vector.shape_cast %get3A_321 : vector<1x16xf32> to vector<16xf32>
          %get3A_323 = arith.index_cast %scan3A_186 : i32 to index
          %get3A_324 = arith.constant 112 : index
          %get3A_325 = tpu.vector_load %arg16[%get3A_323, %get3A_324] {strides = array<i32>} : memref<40x128xf32, #tpu.memory_space<vmem>>, vector<1x16xf32>,
          %get3A_326 = vector.shape_cast %get3A_325 : vector<1x16xf32> to vector<16xf32>
          %add3A_327 = arith.addf %get3A_322, %get3A_326 : vector<16xf32>
          %get3A_328 = arith.index_cast %scan3A_186 : i32 to index
          %get3A_329 = arith.constant 112 : index
          %get3A_330 = tpu.vector_load %arg17[%get3A_328, %get3A_329] {strides = array<i32>} : memref<40x128xf32, #tpu.memory_space<vmem>>, vector<1x16xf32>,
          %get3A_331 = vector.shape_cast %get3A_330 : vector<1x16xf32> to vector<16xf32>
          %add3A_332 = arith.addf %add3A_327, %get3A_331 : vector<16xf32>
          %swap3A_333 = arith.index_cast %scan3A_186 : i32 to index
          %swap3A_334 = arith.constant 112 : index
          %swap3A_335 = tpu.vector_load %arg15[%swap3A_333, %swap3A_334] {strides = array<i32>} : memref<40x128xf32, #tpu.memory_space<vmem>>, vector<1x16xf32>,
          %swap3A_336 = vector.shape_cast %swap3A_335 : vector<1x16xf32> to vector<16xf32>
          %swap3A_337 = vector.shape_cast %add3A_332 : vector<16xf32> to vector<1x16xf32>
          tpu.vector_store %arg15[%swap3A_333, %swap3A_334], %swap3A_337 {strides = array<i32>} : memref<40x128xf32, #tpu.memory_space<vmem>>, vector<1x16xf32>,
          %scan3A_338 = arith.constant 0 : i32
          scf.yield %scan3A_338 : i32
        }
        %scan3A_170 = arith.constant 40 : i32
        %mul3A_171 = arith.constant 40 : i32
        %mul3A_172 = arith.muli %add3A_118, %mul3A_171 : i32
        %add3A_173 = arith.addi %multiple_of3A, %mul3A_172 : i32
        %multiple_of3A_174 = tpu.assume_multiple %add3A_173, 8 : i32
        %dma_start3A_175 = arith.constant 0 : i32
        %dma_start3A_176 = tpu.memref_slice %arg8[%multiple_of3A_174, %dma_start3A_175] : memref<160000x128xf32, #tpu.memory_space<hbm>> -> memref<40x128xf32, #tpu.memory_space<hbm>>
        %dma_start3A_177 = arith.constant 0 : i32
        %dma_start3A_178 = tpu.memref_slice %arg8[%multiple_of3A_174, %dma_start3A_177] : memref<160000x128xf32, #tpu.memory_space<hbm>> -> memref<40x128xf32, #tpu.memory_space<hbm>>
        tpu.enqueue_dma source(%arg15 : memref<40x128xf32, #tpu.memory_space<vmem>>) target(%dma_start3A_178 : memref<40x128xf32, #tpu.memory_space<hbm>>) target_semaphore(%arg29 : memref<!tpu.dma_semaphore, #tpu.memory_space<semaphore_mem>>)
        %add3A_179 = arith.constant 4 : i32
        %add3A_180 = arith.addi %add3A_118, %add3A_179 : i32
        %lt3A_181 = arith.constant 125 : i32
        %lt3A_182 = arith.cmpi slt, %add3A_180, %lt3A_181 : i32
        %convert_element_type3A_183 = arith.extui %lt3A_182 : i1 to i32
        %cond3A_184 = arith.constant 0 : i32
        %cond3A_185 = arith.cmpi ne, %convert_element_type3A_183, %cond3A_184 : i32
        scf.if %cond3A_185 {
          %mul3A_186 = arith.constant 40 : i32
          %mul3A_187 = arith.muli %add3A_118, %mul3A_186 : i32
          %add3A_188 = arith.addi %multiple_of3A, %mul3A_187 : i32
          %multiple_of3A_189 = tpu.assume_multiple %add3A_188, 8 : i32
          %dma_wait3A_190 = arith.constant 0 : i32
          %dma_wait3A_191 = tpu.memref_slice %arg8[%multiple_of3A_189, %dma_wait3A_190] : memref<160000x128xf32, #tpu.memory_space<hbm>> -> memref<40x128xf32, #tpu.memory_space<hbm>>
          %dma_wait3A_192 = arith.constant 0 : i32
          %dma_wait3A_193 = tpu.memref_slice %arg8[%multiple_of3A_189, %dma_wait3A_192] : memref<160000x128xf32, #tpu.memory_space<hbm>> -> memref<40x128xf32, #tpu.memory_space<hbm>>
          tpu.wait_dma2 semaphore(%arg29 : memref<!tpu.dma_semaphore, #tpu.memory_space<semaphore_mem>>) src(%arg15 : memref<40x128xf32, #tpu.memory_space<vmem>>) dst(%dma_wait3A_193 : memref<40x128xf32, #tpu.memory_space<hbm>>)
          %add3A_194 = arith.constant 4 : i32
          %add3A_195 = arith.addi %add3A_118, %add3A_194 : i32
          %mul3A_196 = arith.constant 40 : i32
          %mul3A_197 = arith.muli %add3A_195, %mul3A_196 : i32
          %multiple_of3A_198 = tpu.assume_multiple %mul3A_197, 8 : i32
          %dma_start3A_199 = tpu.memref_slice %arg9[%multiple_of3A_198] : memref<5000xi32, #tpu.memory_space<vmem>> -> memref<40xi32, #tpu.memory_space<vmem>>
          %dma_start3A_200 = arith.constant 0 : i32
          %dma_start3A_201 = arith.constant 0 : i32
          %dma_start3A_202 = tpu.memref_slice %arg2[%dma_start3A_200, %dma_start3A_201] : memref<10000x128xf32, #tpu.memory_space<hbm>> -> memref<10000x128xf32, #tpu.memory_space<hbm>>
          tpu.enqueue_indirect_dma source(%dma_start3A_202 : memref<10000x128xf32, #tpu.memory_space<hbm>>) target(%arg15 : memref<40x128xf32, #tpu.memory_space<vmem>>) offsets(%dma_start3A_199 : memref<40xi32, #tpu.memory_space<vmem>>) semaphore(%arg25 : memref<!tpu.dma_semaphore, #tpu.memory_space<semaphore_mem>>)
          %mul3A_203 = arith.constant 40 : i32
          %mul3A_204 = arith.muli %add3A_195, %mul3A_203 : i32
          %multiple_of3A_205 = tpu.assume_multiple %mul3A_204, 8 : i32
          %dma_start3A_206 = tpu.memref_slice %arg10[%multiple_of3A_205] : memref<5000xi32, #tpu.memory_space<vmem>> -> memref<40xi32, #tpu.memory_space<vmem>>
          %dma_start3A_207 = arith.constant 0 : i32
          %dma_start3A_208 = arith.constant 0 : i32
          %dma_start3A_209 = tpu.memref_slice %arg3[%dma_start3A_207, %dma_start3A_208] : memref<10000x128xf32, #tpu.memory_space<hbm>> -> memref<10000x128xf32, #tpu.memory_space<hbm>>
          tpu.enqueue_indirect_dma source(%dma_start3A_209 : memref<10000x128xf32, #tpu.memory_space<hbm>>) target(%arg16 : memref<40x128xf32, #tpu.memory_space<vmem>>) offsets(%dma_start3A_206 : memref<40xi32, #tpu.memory_space<vmem>>) semaphore(%arg25 : memref<!tpu.dma_semaphore, #tpu.memory_space<semaphore_mem>>)
          %mul3A_210 = arith.constant 40 : i32
          %mul3A_211 = arith.muli %add3A_195, %mul3A_210 : i32
          %multiple_of3A_212 = tpu.assume_multiple %mul3A_211, 8 : i32
          %dma_start3A_213 = tpu.memref_slice %arg11[%multiple_of3A_212] : memref<5000xi32, #tpu.memory_space<vmem>> -> memref<40xi32, #tpu.memory_space<vmem>>
          %dma_start3A_214 = arith.constant 0 : i32
          %dma_start3A_215 = arith.constant 0 : i32
          %dma_start3A_216 = tpu.memref_slice %arg4[%dma_start3A_214, %dma_start3A_215] : memref<10000x128xf32, #tpu.memory_space<hbm>> -> memref<10000x128xf32, #tpu.memory_space<hbm>>
          tpu.enqueue_indirect_dma source(%dma_start3A_216 : memref<10000x128xf32, #tpu.memory_space<hbm>>) target(%arg17 : memref<40x128xf32, #tpu.memory_space<vmem>>) offsets(%dma_start3A_213 : memref<40xi32, #tpu.memory_space<vmem>>) semaphore(%arg25 : memref<!tpu.dma_semaphore, #tpu.memory_space<semaphore_mem>>)
        } else {
        }
      } else {
      }
      %mul3A_124 = arith.constant 4 : i32
      %mul3A_125 = arith.muli %scan3A_107, %mul3A_124 : i32
      %add3A_126 = arith.constant 2 : i32
      %add3A_127 = arith.addi %mul3A_125, %add3A_126 : i32
      %lt3A_128 = arith.constant 125 : i32
      %lt3A_129 = arith.cmpi slt, %add3A_127, %lt3A_128 : i32
      %convert_element_type3A_130 = arith.extui %lt3A_129 : i1 to i32
      %cond3A_131 = arith.constant 0 : i32
      %cond3A_132 = arith.cmpi ne, %convert_element_type3A_130, %cond3A_131 : i32
      scf.if %cond3A_132 {
        %mul3A_143 = arith.constant 40 : i32
        %mul3A_144 = arith.muli %add3A_127, %mul3A_143 : i32
        %multiple_of3A_145 = tpu.assume_multiple %mul3A_144, 8 : i32
        %dma_wait3A_146 = tpu.memref_slice %arg9[%multiple_of3A_145] : memref<5000xi32, #tpu.memory_space<vmem>> -> memref<40xi32, #tpu.memory_space<vmem>>
        %dma_wait3A_147 = arith.constant 0 : i32
        %dma_wait3A_148 = arith.constant 0 : i32
        %dma_wait3A_149 = tpu.memref_slice %arg2[%dma_wait3A_147, %dma_wait3A_148] : memref<10000x128xf32, #tpu.memory_space<hbm>> -> memref<10000x128xf32, #tpu.memory_space<hbm>>
        tpu.wait_indirect_dma semaphore(%arg26 : memref<!tpu.dma_semaphore, #tpu.memory_space<semaphore_mem>>) src(%dma_wait3A_149 : memref<10000x128xf32, #tpu.memory_space<hbm>>) dst(%arg18 : memref<40x128xf32, #tpu.memory_space<vmem>>)
        %mul3A_150 = arith.constant 40 : i32
        %mul3A_151 = arith.muli %add3A_127, %mul3A_150 : i32
        %multiple_of3A_152 = tpu.assume_multiple %mul3A_151, 8 : i32
        %dma_wait3A_153 = tpu.memref_slice %arg10[%multiple_of3A_152] : memref<5000xi32, #tpu.memory_space<vmem>> -> memref<40xi32, #tpu.memory_space<vmem>>
        %dma_wait3A_154 = arith.constant 0 : i32
        %dma_wait3A_155 = arith.constant 0 : i32
        %dma_wait3A_156 = tpu.memref_slice %arg3[%dma_wait3A_154, %dma_wait3A_155] : memref<10000x128xf32, #tpu.memory_space<hbm>> -> memref<10000x128xf32, #tpu.memory_space<hbm>>
        tpu.wait_indirect_dma semaphore(%arg26 : memref<!tpu.dma_semaphore, #tpu.memory_space<semaphore_mem>>) src(%dma_wait3A_156 : memref<10000x128xf32, #tpu.memory_space<hbm>>) dst(%arg19 : memref<40x128xf32, #tpu.memory_space<vmem>>)
        %mul3A_157 = arith.constant 40 : i32
        %mul3A_158 = arith.muli %add3A_127, %mul3A_157 : i32
        %multiple_of3A_159 = tpu.assume_multiple %mul3A_158, 8 : i32
        %dma_wait3A_160 = tpu.memref_slice %arg11[%multiple_of3A_159] : memref<5000xi32, #tpu.memory_space<vmem>> -> memref<40xi32, #tpu.memory_space<vmem>>
        %dma_wait3A_161 = arith.constant 0 : i32
        %dma_wait3A_162 = arith.constant 0 : i32
        %dma_wait3A_163 = tpu.memref_slice %arg4[%dma_wait3A_161, %dma_wait3A_162] : memref<10000x128xf32, #tpu.memory_space<hbm>> -> memref<10000x128xf32, #tpu.memory_space<hbm>>
        tpu.wait_indirect_dma semaphore(%arg26 : memref<!tpu.dma_semaphore, #tpu.memory_space<semaphore_mem>>) src(%dma_wait3A_163 : memref<10000x128xf32, #tpu.memory_space<hbm>>) dst(%arg20 : memref<40x128xf32, #tpu.memory_space<vmem>>)
        %scan3A_164 = arith.constant 0 : i32
        %scan3A_165 = arith.constant 0 : i32
        %scan3A_166 = arith.constant 40 : i32
        %scan3A_167 = arith.addi %scan3A_165, %scan3A_166 : i32
        %scan3A_168 = arith.constant 1 : i32
        %scan3A_169 = scf.for %scan3A_186 = %scan3A_165 to %scan3A_167 step %scan3A_168 iter_args(%scan3A_187 = %scan3A_164) -> (i32)  : i32 {
          %get3A = arith.index_cast %scan3A_186 : i32 to index
          %get3A_188 = arith.constant 0 : index
          %get3A_189 = tpu.vector_load %arg18[%get3A, %get3A_188] {strides = array<i32>} : memref<40x128xf32, #tpu.memory_space<vmem>>, vector<1x16xf32>,
          %get3A_190 = vector.shape_cast %get3A_189 : vector<1x16xf32> to vector<16xf32>
          %get3A_191 = arith.index_cast %scan3A_186 : i32 to index
          %get3A_192 = arith.constant 0 : index
          %get3A_193 = tpu.vector_load %arg19[%get3A_191, %get3A_192] {strides = array<i32>} : memref<40x128xf32, #tpu.memory_space<vmem>>, vector<1x16xf32>,
          %get3A_194 = vector.shape_cast %get3A_193 : vector<1x16xf32> to vector<16xf32>
          %add3A_195 = arith.addf %get3A_190, %get3A_194 : vector<16xf32>
          %get3A_196 = arith.index_cast %scan3A_186 : i32 to index
          %get3A_197 = arith.constant 0 : index
          %get3A_198 = tpu.vector_load %arg20[%get3A_196, %get3A_197] {strides = array<i32>} : memref<40x128xf32, #tpu.memory_space<vmem>>, vector<1x16xf32>,
          %get3A_199 = vector.shape_cast %get3A_198 : vector<1x16xf32> to vector<16xf32>
          %add3A_200 = arith.addf %add3A_195, %get3A_199 : vector<16xf32>
          %swap3A = arith.index_cast %scan3A_186 : i32 to index
          %swap3A_201 = arith.constant 0 : index
          %swap3A_202 = tpu.vector_load %arg18[%swap3A, %swap3A_201] {strides = array<i32>} : memref<40x128xf32, #tpu.memory_space<vmem>>, vector<1x16xf32>,
          %swap3A_203 = vector.shape_cast %swap3A_202 : vector<1x16xf32> to vector<16xf32>
          %swap3A_204 = vector.shape_cast %add3A_200 : vector<16xf32> to vector<1x16xf32>
          tpu.vector_store %arg18[%swap3A, %swap3A_201], %swap3A_204 {strides = array<i32>} : memref<40x128xf32, #tpu.memory_space<vmem>>, vector<1x16xf32>,
          %get3A_205 = arith.index_cast %scan3A_186 : i32 to index
          %get3A_206 = arith.constant 16 : index
          %get3A_207 = tpu.vector_load %arg18[%get3A_205, %get3A_206] {strides = array<i32>} : memref<40x128xf32, #tpu.memory_space<vmem>>, vector<1x16xf32>,
          %get3A_208 = vector.shape_cast %get3A_207 : vector<1x16xf32> to vector<16xf32>
          %get3A_209 = arith.index_cast %scan3A_186 : i32 to index
          %get3A_210 = arith.constant 16 : index
          %get3A_211 = tpu.vector_load %arg19[%get3A_209, %get3A_210] {strides = array<i32>} : memref<40x128xf32, #tpu.memory_space<vmem>>, vector<1x16xf32>,
          %get3A_212 = vector.shape_cast %get3A_211 : vector<1x16xf32> to vector<16xf32>
          %add3A_213 = arith.addf %get3A_208, %get3A_212 : vector<16xf32>
          %get3A_214 = arith.index_cast %scan3A_186 : i32 to index
          %get3A_215 = arith.constant 16 : index
          %get3A_216 = tpu.vector_load %arg20[%get3A_214, %get3A_215] {strides = array<i32>} : memref<40x128xf32, #tpu.memory_space<vmem>>, vector<1x16xf32>,
          %get3A_217 = vector.shape_cast %get3A_216 : vector<1x16xf32> to vector<16xf32>
          %add3A_218 = arith.addf %add3A_213, %get3A_217 : vector<16xf32>
          %swap3A_219 = arith.index_cast %scan3A_186 : i32 to index
          %swap3A_220 = arith.constant 16 : index
          %swap3A_221 = tpu.vector_load %arg18[%swap3A_219, %swap3A_220] {strides = array<i32>} : memref<40x128xf32, #tpu.memory_space<vmem>>, vector<1x16xf32>,
          %swap3A_222 = vector.shape_cast %swap3A_221 : vector<1x16xf32> to vector<16xf32>
          %swap3A_223 = vector.shape_cast %add3A_218 : vector<16xf32> to vector<1x16xf32>
          tpu.vector_store %arg18[%swap3A_219, %swap3A_220], %swap3A_223 {strides = array<i32>} : memref<40x128xf32, #tpu.memory_space<vmem>>, vector<1x16xf32>,
          %get3A_224 = arith.index_cast %scan3A_186 : i32 to index
          %get3A_225 = arith.constant 32 : index
          %get3A_226 = tpu.vector_load %arg18[%get3A_224, %get3A_225] {strides = array<i32>} : memref<40x128xf32, #tpu.memory_space<vmem>>, vector<1x16xf32>,
          %get3A_227 = vector.shape_cast %get3A_226 : vector<1x16xf32> to vector<16xf32>
          %get3A_228 = arith.index_cast %scan3A_186 : i32 to index
          %get3A_229 = arith.constant 32 : index
          %get3A_230 = tpu.vector_load %arg19[%get3A_228, %get3A_229] {strides = array<i32>} : memref<40x128xf32, #tpu.memory_space<vmem>>, vector<1x16xf32>,
          %get3A_231 = vector.shape_cast %get3A_230 : vector<1x16xf32> to vector<16xf32>
          %add3A_232 = arith.addf %get3A_227, %get3A_231 : vector<16xf32>
          %get3A_233 = arith.index_cast %scan3A_186 : i32 to index
          %get3A_234 = arith.constant 32 : index
          %get3A_235 = tpu.vector_load %arg20[%get3A_233, %get3A_234] {strides = array<i32>} : memref<40x128xf32, #tpu.memory_space<vmem>>, vector<1x16xf32>,
          %get3A_236 = vector.shape_cast %get3A_235 : vector<1x16xf32> to vector<16xf32>
          %add3A_237 = arith.addf %add3A_232, %get3A_236 : vector<16xf32>
          %swap3A_238 = arith.index_cast %scan3A_186 : i32 to index
          %swap3A_239 = arith.constant 32 : index
          %swap3A_240 = tpu.vector_load %arg18[%swap3A_238, %swap3A_239] {strides = array<i32>} : memref<40x128xf32, #tpu.memory_space<vmem>>, vector<1x16xf32>,
          %swap3A_241 = vector.shape_cast %swap3A_240 : vector<1x16xf32> to vector<16xf32>
          %swap3A_242 = vector.shape_cast %add3A_237 : vector<16xf32> to vector<1x16xf32>
          tpu.vector_store %arg18[%swap3A_238, %swap3A_239], %swap3A_242 {strides = array<i32>} : memref<40x128xf32, #tpu.memory_space<vmem>>, vector<1x16xf32>,
          %get3A_243 = arith.index_cast %scan3A_186 : i32 to index
          %get3A_244 = arith.constant 48 : index
          %get3A_245 = tpu.vector_load %arg18[%get3A_243, %get3A_244] {strides = array<i32>} : memref<40x128xf32, #tpu.memory_space<vmem>>, vector<1x16xf32>,
          %get3A_246 = vector.shape_cast %get3A_245 : vector<1x16xf32> to vector<16xf32>
          %get3A_247 = arith.index_cast %scan3A_186 : i32 to index
          %get3A_248 = arith.constant 48 : index
          %get3A_249 = tpu.vector_load %arg19[%get3A_247, %get3A_248] {strides = array<i32>} : memref<40x128xf32, #tpu.memory_space<vmem>>, vector<1x16xf32>,
          %get3A_250 = vector.shape_cast %get3A_249 : vector<1x16xf32> to vector<16xf32>
          %add3A_251 = arith.addf %get3A_246, %get3A_250 : vector<16xf32>
          %get3A_252 = arith.index_cast %scan3A_186 : i32 to index
          %get3A_253 = arith.constant 48 : index
          %get3A_254 = tpu.vector_load %arg20[%get3A_252, %get3A_253] {strides = array<i32>} : memref<40x128xf32, #tpu.memory_space<vmem>>, vector<1x16xf32>,
          %get3A_255 = vector.shape_cast %get3A_254 : vector<1x16xf32> to vector<16xf32>
          %add3A_256 = arith.addf %add3A_251, %get3A_255 : vector<16xf32>
          %swap3A_257 = arith.index_cast %scan3A_186 : i32 to index
          %swap3A_258 = arith.constant 48 : index
          %swap3A_259 = tpu.vector_load %arg18[%swap3A_257, %swap3A_258] {strides = array<i32>} : memref<40x128xf32, #tpu.memory_space<vmem>>, vector<1x16xf32>,
          %swap3A_260 = vector.shape_cast %swap3A_259 : vector<1x16xf32> to vector<16xf32>
          %swap3A_261 = vector.shape_cast %add3A_256 : vector<16xf32> to vector<1x16xf32>
          tpu.vector_store %arg18[%swap3A_257, %swap3A_258], %swap3A_261 {strides = array<i32>} : memref<40x128xf32, #tpu.memory_space<vmem>>, vector<1x16xf32>,
          %get3A_262 = arith.index_cast %scan3A_186 : i32 to index
          %get3A_263 = arith.constant 64 : index
          %get3A_264 = tpu.vector_load %arg18[%get3A_262, %get3A_263] {strides = array<i32>} : memref<40x128xf32, #tpu.memory_space<vmem>>, vector<1x16xf32>,
          %get3A_265 = vector.shape_cast %get3A_264 : vector<1x16xf32> to vector<16xf32>
          %get3A_266 = arith.index_cast %scan3A_186 : i32 to index
          %get3A_267 = arith.constant 64 : index
          %get3A_268 = tpu.vector_load %arg19[%get3A_266, %get3A_267] {strides = array<i32>} : memref<40x128xf32, #tpu.memory_space<vmem>>, vector<1x16xf32>,
          %get3A_269 = vector.shape_cast %get3A_268 : vector<1x16xf32> to vector<16xf32>
          %add3A_270 = arith.addf %get3A_265, %get3A_269 : vector<16xf32>
          %get3A_271 = arith.index_cast %scan3A_186 : i32 to index
          %get3A_272 = arith.constant 64 : index
          %get3A_273 = tpu.vector_load %arg20[%get3A_271, %get3A_272] {strides = array<i32>} : memref<40x128xf32, #tpu.memory_space<vmem>>, vector<1x16xf32>,
          %get3A_274 = vector.shape_cast %get3A_273 : vector<1x16xf32> to vector<16xf32>
          %add3A_275 = arith.addf %add3A_270, %get3A_274 : vector<16xf32>
          %swap3A_276 = arith.index_cast %scan3A_186 : i32 to index
          %swap3A_277 = arith.constant 64 : index
          %swap3A_278 = tpu.vector_load %arg18[%swap3A_276, %swap3A_277] {strides = array<i32>} : memref<40x128xf32, #tpu.memory_space<vmem>>, vector<1x16xf32>,
          %swap3A_279 = vector.shape_cast %swap3A_278 : vector<1x16xf32> to vector<16xf32>
          %swap3A_280 = vector.shape_cast %add3A_275 : vector<16xf32> to vector<1x16xf32>
          tpu.vector_store %arg18[%swap3A_276, %swap3A_277], %swap3A_280 {strides = array<i32>} : memref<40x128xf32, #tpu.memory_space<vmem>>, vector<1x16xf32>,
          %get3A_281 = arith.index_cast %scan3A_186 : i32 to index
          %get3A_282 = arith.constant 80 : index
          %get3A_283 = tpu.vector_load %arg18[%get3A_281, %get3A_282] {strides = array<i32>} : memref<40x128xf32, #tpu.memory_space<vmem>>, vector<1x16xf32>,
          %get3A_284 = vector.shape_cast %get3A_283 : vector<1x16xf32> to vector<16xf32>
          %get3A_285 = arith.index_cast %scan3A_186 : i32 to index
          %get3A_286 = arith.constant 80 : index
          %get3A_287 = tpu.vector_load %arg19[%get3A_285, %get3A_286] {strides = array<i32>} : memref<40x128xf32, #tpu.memory_space<vmem>>, vector<1x16xf32>,
          %get3A_288 = vector.shape_cast %get3A_287 : vector<1x16xf32> to vector<16xf32>
          %add3A_289 = arith.addf %get3A_284, %get3A_288 : vector<16xf32>
          %get3A_290 = arith.index_cast %scan3A_186 : i32 to index
          %get3A_291 = arith.constant 80 : index
          %get3A_292 = tpu.vector_load %arg20[%get3A_290, %get3A_291] {strides = array<i32>} : memref<40x128xf32, #tpu.memory_space<vmem>>, vector<1x16xf32>,
          %get3A_293 = vector.shape_cast %get3A_292 : vector<1x16xf32> to vector<16xf32>
          %add3A_294 = arith.addf %add3A_289, %get3A_293 : vector<16xf32>
          %swap3A_295 = arith.index_cast %scan3A_186 : i32 to index
          %swap3A_296 = arith.constant 80 : index
          %swap3A_297 = tpu.vector_load %arg18[%swap3A_295, %swap3A_296] {strides = array<i32>} : memref<40x128xf32, #tpu.memory_space<vmem>>, vector<1x16xf32>,
          %swap3A_298 = vector.shape_cast %swap3A_297 : vector<1x16xf32> to vector<16xf32>
          %swap3A_299 = vector.shape_cast %add3A_294 : vector<16xf32> to vector<1x16xf32>
          tpu.vector_store %arg18[%swap3A_295, %swap3A_296], %swap3A_299 {strides = array<i32>} : memref<40x128xf32, #tpu.memory_space<vmem>>, vector<1x16xf32>,
          %get3A_300 = arith.index_cast %scan3A_186 : i32 to index
          %get3A_301 = arith.constant 96 : index
          %get3A_302 = tpu.vector_load %arg18[%get3A_300, %get3A_301] {strides = array<i32>} : memref<40x128xf32, #tpu.memory_space<vmem>>, vector<1x16xf32>,
          %get3A_303 = vector.shape_cast %get3A_302 : vector<1x16xf32> to vector<16xf32>
          %get3A_304 = arith.index_cast %scan3A_186 : i32 to index
          %get3A_305 = arith.constant 96 : index
          %get3A_306 = tpu.vector_load %arg19[%get3A_304, %get3A_305] {strides = array<i32>} : memref<40x128xf32, #tpu.memory_space<vmem>>, vector<1x16xf32>,
          %get3A_307 = vector.shape_cast %get3A_306 : vector<1x16xf32> to vector<16xf32>
          %add3A_308 = arith.addf %get3A_303, %get3A_307 : vector<16xf32>
          %get3A_309 = arith.index_cast %scan3A_186 : i32 to index
          %get3A_310 = arith.constant 96 : index
          %get3A_311 = tpu.vector_load %arg20[%get3A_309, %get3A_310] {strides = array<i32>} : memref<40x128xf32, #tpu.memory_space<vmem>>, vector<1x16xf32>,
          %get3A_312 = vector.shape_cast %get3A_311 : vector<1x16xf32> to vector<16xf32>
          %add3A_313 = arith.addf %add3A_308, %get3A_312 : vector<16xf32>
          %swap3A_314 = arith.index_cast %scan3A_186 : i32 to index
          %swap3A_315 = arith.constant 96 : index
          %swap3A_316 = tpu.vector_load %arg18[%swap3A_314, %swap3A_315] {strides = array<i32>} : memref<40x128xf32, #tpu.memory_space<vmem>>, vector<1x16xf32>,
          %swap3A_317 = vector.shape_cast %swap3A_316 : vector<1x16xf32> to vector<16xf32>
          %swap3A_318 = vector.shape_cast %add3A_313 : vector<16xf32> to vector<1x16xf32>
          tpu.vector_store %arg18[%swap3A_314, %swap3A_315], %swap3A_318 {strides = array<i32>} : memref<40x128xf32, #tpu.memory_space<vmem>>, vector<1x16xf32>,
          %get3A_319 = arith.index_cast %scan3A_186 : i32 to index
          %get3A_320 = arith.constant 112 : index
          %get3A_321 = tpu.vector_load %arg18[%get3A_319, %get3A_320] {strides = array<i32>} : memref<40x128xf32, #tpu.memory_space<vmem>>, vector<1x16xf32>,
          %get3A_322 = vector.shape_cast %get3A_321 : vector<1x16xf32> to vector<16xf32>
          %get3A_323 = arith.index_cast %scan3A_186 : i32 to index
          %get3A_324 = arith.constant 112 : index
          %get3A_325 = tpu.vector_load %arg19[%get3A_323, %get3A_324] {strides = array<i32>} : memref<40x128xf32, #tpu.memory_space<vmem>>, vector<1x16xf32>,
          %get3A_326 = vector.shape_cast %get3A_325 : vector<1x16xf32> to vector<16xf32>
          %add3A_327 = arith.addf %get3A_322, %get3A_326 : vector<16xf32>
          %get3A_328 = arith.index_cast %scan3A_186 : i32 to index
          %get3A_329 = arith.constant 112 : index
          %get3A_330 = tpu.vector_load %arg20[%get3A_328, %get3A_329] {strides = array<i32>} : memref<40x128xf32, #tpu.memory_space<vmem>>, vector<1x16xf32>,
          %get3A_331 = vector.shape_cast %get3A_330 : vector<1x16xf32> to vector<16xf32>
          %add3A_332 = arith.addf %add3A_327, %get3A_331 : vector<16xf32>
          %swap3A_333 = arith.index_cast %scan3A_186 : i32 to index
          %swap3A_334 = arith.constant 112 : index
          %swap3A_335 = tpu.vector_load %arg18[%swap3A_333, %swap3A_334] {strides = array<i32>} : memref<40x128xf32, #tpu.memory_space<vmem>>, vector<1x16xf32>,
          %swap3A_336 = vector.shape_cast %swap3A_335 : vector<1x16xf32> to vector<16xf32>
          %swap3A_337 = vector.shape_cast %add3A_332 : vector<16xf32> to vector<1x16xf32>
          tpu.vector_store %arg18[%swap3A_333, %swap3A_334], %swap3A_337 {strides = array<i32>} : memref<40x128xf32, #tpu.memory_space<vmem>>, vector<1x16xf32>,
          %scan3A_338 = arith.constant 0 : i32
          scf.yield %scan3A_338 : i32
        }
        %scan3A_170 = arith.constant 40 : i32
        %mul3A_171 = arith.constant 40 : i32
        %mul3A_172 = arith.muli %add3A_127, %mul3A_171 : i32
        %add3A_173 = arith.addi %multiple_of3A, %mul3A_172 : i32
        %multiple_of3A_174 = tpu.assume_multiple %add3A_173, 8 : i32
        %dma_start3A_175 = arith.constant 0 : i32
        %dma_start3A_176 = tpu.memref_slice %arg8[%multiple_of3A_174, %dma_start3A_175] : memref<160000x128xf32, #tpu.memory_space<hbm>> -> memref<40x128xf32, #tpu.memory_space<hbm>>
        %dma_start3A_177 = arith.constant 0 : i32
        %dma_start3A_178 = tpu.memref_slice %arg8[%multiple_of3A_174, %dma_start3A_177] : memref<160000x128xf32, #tpu.memory_space<hbm>> -> memref<40x128xf32, #tpu.memory_space<hbm>>
        tpu.enqueue_dma source(%arg18 : memref<40x128xf32, #tpu.memory_space<vmem>>) target(%dma_start3A_178 : memref<40x128xf32, #tpu.memory_space<hbm>>) target_semaphore(%arg30 : memref<!tpu.dma_semaphore, #tpu.memory_space<semaphore_mem>>)
        %add3A_179 = arith.constant 4 : i32
        %add3A_180 = arith.addi %add3A_127, %add3A_179 : i32
        %lt3A_181 = arith.constant 125 : i32
        %lt3A_182 = arith.cmpi slt, %add3A_180, %lt3A_181 : i32
        %convert_element_type3A_183 = arith.extui %lt3A_182 : i1 to i32
        %cond3A_184 = arith.constant 0 : i32
        %cond3A_185 = arith.cmpi ne, %convert_element_type3A_183, %cond3A_184 : i32
        scf.if %cond3A_185 {
          %mul3A_186 = arith.constant 40 : i32
          %mul3A_187 = arith.muli %add3A_127, %mul3A_186 : i32
          %add3A_188 = arith.addi %multiple_of3A, %mul3A_187 : i32
          %multiple_of3A_189 = tpu.assume_multiple %add3A_188, 8 : i32
          %dma_wait3A_190 = arith.constant 0 : i32
          %dma_wait3A_191 = tpu.memref_slice %arg8[%multiple_of3A_189, %dma_wait3A_190] : memref<160000x128xf32, #tpu.memory_space<hbm>> -> memref<40x128xf32, #tpu.memory_space<hbm>>
          %dma_wait3A_192 = arith.constant 0 : i32
          %dma_wait3A_193 = tpu.memref_slice %arg8[%multiple_of3A_189, %dma_wait3A_192] : memref<160000x128xf32, #tpu.memory_space<hbm>> -> memref<40x128xf32, #tpu.memory_space<hbm>>
          tpu.wait_dma2 semaphore(%arg30 : memref<!tpu.dma_semaphore, #tpu.memory_space<semaphore_mem>>) src(%arg18 : memref<40x128xf32, #tpu.memory_space<vmem>>) dst(%dma_wait3A_193 : memref<40x128xf32, #tpu.memory_space<hbm>>)
          %add3A_194 = arith.constant 4 : i32
          %add3A_195 = arith.addi %add3A_127, %add3A_194 : i32
          %mul3A_196 = arith.constant 40 : i32
          %mul3A_197 = arith.muli %add3A_195, %mul3A_196 : i32
          %multiple_of3A_198 = tpu.assume_multiple %mul3A_197, 8 : i32
          %dma_start3A_199 = tpu.memref_slice %arg9[%multiple_of3A_198] : memref<5000xi32, #tpu.memory_space<vmem>> -> memref<40xi32, #tpu.memory_space<vmem>>
          %dma_start3A_200 = arith.constant 0 : i32
          %dma_start3A_201 = arith.constant 0 : i32
          %dma_start3A_202 = tpu.memref_slice %arg2[%dma_start3A_200, %dma_start3A_201] : memref<10000x128xf32, #tpu.memory_space<hbm>> -> memref<10000x128xf32, #tpu.memory_space<hbm>>
          tpu.enqueue_indirect_dma source(%dma_start3A_202 : memref<10000x128xf32, #tpu.memory_space<hbm>>) target(%arg18 : memref<40x128xf32, #tpu.memory_space<vmem>>) offsets(%dma_start3A_199 : memref<40xi32, #tpu.memory_space<vmem>>) semaphore(%arg26 : memref<!tpu.dma_semaphore, #tpu.memory_space<semaphore_mem>>)
          %mul3A_203 = arith.constant 40 : i32
          %mul3A_204 = arith.muli %add3A_195, %mul3A_203 : i32
          %multiple_of3A_205 = tpu.assume_multiple %mul3A_204, 8 : i32
          %dma_start3A_206 = tpu.memref_slice %arg10[%multiple_of3A_205] : memref<5000xi32, #tpu.memory_space<vmem>> -> memref<40xi32, #tpu.memory_space<vmem>>
          %dma_start3A_207 = arith.constant 0 : i32
          %dma_start3A_208 = arith.constant 0 : i32
          %dma_start3A_209 = tpu.memref_slice %arg3[%dma_start3A_207, %dma_start3A_208] : memref<10000x128xf32, #tpu.memory_space<hbm>> -> memref<10000x128xf32, #tpu.memory_space<hbm>>
          tpu.enqueue_indirect_dma source(%dma_start3A_209 : memref<10000x128xf32, #tpu.memory_space<hbm>>) target(%arg19 : memref<40x128xf32, #tpu.memory_space<vmem>>) offsets(%dma_start3A_206 : memref<40xi32, #tpu.memory_space<vmem>>) semaphore(%arg26 : memref<!tpu.dma_semaphore, #tpu.memory_space<semaphore_mem>>)
          %mul3A_210 = arith.constant 40 : i32
          %mul3A_211 = arith.muli %add3A_195, %mul3A_210 : i32
          %multiple_of3A_212 = tpu.assume_multiple %mul3A_211, 8 : i32
          %dma_start3A_213 = tpu.memref_slice %arg11[%multiple_of3A_212] : memref<5000xi32, #tpu.memory_space<vmem>> -> memref<40xi32, #tpu.memory_space<vmem>>
          %dma_start3A_214 = arith.constant 0 : i32
          %dma_start3A_215 = arith.constant 0 : i32
          %dma_start3A_216 = tpu.memref_slice %arg4[%dma_start3A_214, %dma_start3A_215] : memref<10000x128xf32, #tpu.memory_space<hbm>> -> memref<10000x128xf32, #tpu.memory_space<hbm>>
          tpu.enqueue_indirect_dma source(%dma_start3A_216 : memref<10000x128xf32, #tpu.memory_space<hbm>>) target(%arg20 : memref<40x128xf32, #tpu.memory_space<vmem>>) offsets(%dma_start3A_213 : memref<40xi32, #tpu.memory_space<vmem>>) semaphore(%arg26 : memref<!tpu.dma_semaphore, #tpu.memory_space<semaphore_mem>>)
        } else {
        }
      } else {
      }
      %mul3A_133 = arith.constant 4 : i32
      %mul3A_134 = arith.muli %scan3A_107, %mul3A_133 : i32
      %add3A_135 = arith.constant 3 : i32
      %add3A_136 = arith.addi %mul3A_134, %add3A_135 : i32
      %lt3A_137 = arith.constant 125 : i32
      %lt3A_138 = arith.cmpi slt, %add3A_136, %lt3A_137 : i32
      %convert_element_type3A_139 = arith.extui %lt3A_138 : i1 to i32
      %cond3A_140 = arith.constant 0 : i32
      %cond3A_141 = arith.cmpi ne, %convert_element_type3A_139, %cond3A_140 : i32
      scf.if %cond3A_141 {
        %mul3A_143 = arith.constant 40 : i32
        %mul3A_144 = arith.muli %add3A_136, %mul3A_143 : i32
        %multiple_of3A_145 = tpu.assume_multiple %mul3A_144, 8 : i32
        %dma_wait3A_146 = tpu.memref_slice %arg9[%multiple_of3A_145] : memref<5000xi32, #tpu.memory_space<vmem>> -> memref<40xi32, #tpu.memory_space<vmem>>
        %dma_wait3A_147 = arith.constant 0 : i32
        %dma_wait3A_148 = arith.constant 0 : i32
        %dma_wait3A_149 = tpu.memref_slice %arg2[%dma_wait3A_147, %dma_wait3A_148] : memref<10000x128xf32, #tpu.memory_space<hbm>> -> memref<10000x128xf32, #tpu.memory_space<hbm>>
        tpu.wait_indirect_dma semaphore(%arg27 : memref<!tpu.dma_semaphore, #tpu.memory_space<semaphore_mem>>) src(%dma_wait3A_149 : memref<10000x128xf32, #tpu.memory_space<hbm>>) dst(%arg21 : memref<40x128xf32, #tpu.memory_space<vmem>>)
        %mul3A_150 = arith.constant 40 : i32
        %mul3A_151 = arith.muli %add3A_136, %mul3A_150 : i32
        %multiple_of3A_152 = tpu.assume_multiple %mul3A_151, 8 : i32
        %dma_wait3A_153 = tpu.memref_slice %arg10[%multiple_of3A_152] : memref<5000xi32, #tpu.memory_space<vmem>> -> memref<40xi32, #tpu.memory_space<vmem>>
        %dma_wait3A_154 = arith.constant 0 : i32
        %dma_wait3A_155 = arith.constant 0 : i32
        %dma_wait3A_156 = tpu.memref_slice %arg3[%dma_wait3A_154, %dma_wait3A_155] : memref<10000x128xf32, #tpu.memory_space<hbm>> -> memref<10000x128xf32, #tpu.memory_space<hbm>>
        tpu.wait_indirect_dma semaphore(%arg27 : memref<!tpu.dma_semaphore, #tpu.memory_space<semaphore_mem>>) src(%dma_wait3A_156 : memref<10000x128xf32, #tpu.memory_space<hbm>>) dst(%arg22 : memref<40x128xf32, #tpu.memory_space<vmem>>)
        %mul3A_157 = arith.constant 40 : i32
        %mul3A_158 = arith.muli %add3A_136, %mul3A_157 : i32
        %multiple_of3A_159 = tpu.assume_multiple %mul3A_158, 8 : i32
        %dma_wait3A_160 = tpu.memref_slice %arg11[%multiple_of3A_159] : memref<5000xi32, #tpu.memory_space<vmem>> -> memref<40xi32, #tpu.memory_space<vmem>>
        %dma_wait3A_161 = arith.constant 0 : i32
        %dma_wait3A_162 = arith.constant 0 : i32
        %dma_wait3A_163 = tpu.memref_slice %arg4[%dma_wait3A_161, %dma_wait3A_162] : memref<10000x128xf32, #tpu.memory_space<hbm>> -> memref<10000x128xf32, #tpu.memory_space<hbm>>
        tpu.wait_indirect_dma semaphore(%arg27 : memref<!tpu.dma_semaphore, #tpu.memory_space<semaphore_mem>>) src(%dma_wait3A_163 : memref<10000x128xf32, #tpu.memory_space<hbm>>) dst(%arg23 : memref<40x128xf32, #tpu.memory_space<vmem>>)
        %scan3A_164 = arith.constant 0 : i32
        %scan3A_165 = arith.constant 0 : i32
        %scan3A_166 = arith.constant 40 : i32
        %scan3A_167 = arith.addi %scan3A_165, %scan3A_166 : i32
        %scan3A_168 = arith.constant 1 : i32
        %scan3A_169 = scf.for %scan3A_186 = %scan3A_165 to %scan3A_167 step %scan3A_168 iter_args(%scan3A_187 = %scan3A_164) -> (i32)  : i32 {
          %get3A = arith.index_cast %scan3A_186 : i32 to index
          %get3A_188 = arith.constant 0 : index
          %get3A_189 = tpu.vector_load %arg21[%get3A, %get3A_188] {strides = array<i32>} : memref<40x128xf32, #tpu.memory_space<vmem>>, vector<1x16xf32>,
          %get3A_190 = vector.shape_cast %get3A_189 : vector<1x16xf32> to vector<16xf32>
          %get3A_191 = arith.index_cast %scan3A_186 : i32 to index
          %get3A_192 = arith.constant 0 : index
          %get3A_193 = tpu.vector_load %arg22[%get3A_191, %get3A_192] {strides = array<i32>} : memref<40x128xf32, #tpu.memory_space<vmem>>, vector<1x16xf32>,
          %get3A_194 = vector.shape_cast %get3A_193 : vector<1x16xf32> to vector<16xf32>
          %add3A_195 = arith.addf %get3A_190, %get3A_194 : vector<16xf32>
          %get3A_196 = arith.index_cast %scan3A_186 : i32 to index
          %get3A_197 = arith.constant 0 : index
          %get3A_198 = tpu.vector_load %arg23[%get3A_196, %get3A_197] {strides = array<i32>} : memref<40x128xf32, #tpu.memory_space<vmem>>, vector<1x16xf32>,
          %get3A_199 = vector.shape_cast %get3A_198 : vector<1x16xf32> to vector<16xf32>
          %add3A_200 = arith.addf %add3A_195, %get3A_199 : vector<16xf32>
          %swap3A = arith.index_cast %scan3A_186 : i32 to index
          %swap3A_201 = arith.constant 0 : index
          %swap3A_202 = tpu.vector_load %arg21[%swap3A, %swap3A_201] {strides = array<i32>} : memref<40x128xf32, #tpu.memory_space<vmem>>, vector<1x16xf32>,
          %swap3A_203 = vector.shape_cast %swap3A_202 : vector<1x16xf32> to vector<16xf32>
          %swap3A_204 = vector.shape_cast %add3A_200 : vector<16xf32> to vector<1x16xf32>
          tpu.vector_store %arg21[%swap3A, %swap3A_201], %swap3A_204 {strides = array<i32>} : memref<40x128xf32, #tpu.memory_space<vmem>>, vector<1x16xf32>,
          %get3A_205 = arith.index_cast %scan3A_186 : i32 to index
          %get3A_206 = arith.constant 16 : index
          %get3A_207 = tpu.vector_load %arg21[%get3A_205, %get3A_206] {strides = array<i32>} : memref<40x128xf32, #tpu.memory_space<vmem>>, vector<1x16xf32>,
          %get3A_208 = vector.shape_cast %get3A_207 : vector<1x16xf32> to vector<16xf32>
          %get3A_209 = arith.index_cast %scan3A_186 : i32 to index
          %get3A_210 = arith.constant 16 : index
          %get3A_211 = tpu.vector_load %arg22[%get3A_209, %get3A_210] {strides = array<i32>} : memref<40x128xf32, #tpu.memory_space<vmem>>, vector<1x16xf32>,
          %get3A_212 = vector.shape_cast %get3A_211 : vector<1x16xf32> to vector<16xf32>
          %add3A_213 = arith.addf %get3A_208, %get3A_212 : vector<16xf32>
          %get3A_214 = arith.index_cast %scan3A_186 : i32 to index
          %get3A_215 = arith.constant 16 : index
          %get3A_216 = tpu.vector_load %arg23[%get3A_214, %get3A_215] {strides = array<i32>} : memref<40x128xf32, #tpu.memory_space<vmem>>, vector<1x16xf32>,
          %get3A_217 = vector.shape_cast %get3A_216 : vector<1x16xf32> to vector<16xf32>
          %add3A_218 = arith.addf %add3A_213, %get3A_217 : vector<16xf32>
          %swap3A_219 = arith.index_cast %scan3A_186 : i32 to index
          %swap3A_220 = arith.constant 16 : index
          %swap3A_221 = tpu.vector_load %arg21[%swap3A_219, %swap3A_220] {strides = array<i32>} : memref<40x128xf32, #tpu.memory_space<vmem>>, vector<1x16xf32>,
          %swap3A_222 = vector.shape_cast %swap3A_221 : vector<1x16xf32> to vector<16xf32>
          %swap3A_223 = vector.shape_cast %add3A_218 : vector<16xf32> to vector<1x16xf32>
          tpu.vector_store %arg21[%swap3A_219, %swap3A_220], %swap3A_223 {strides = array<i32>} : memref<40x128xf32, #tpu.memory_space<vmem>>, vector<1x16xf32>,
          %get3A_224 = arith.index_cast %scan3A_186 : i32 to index
          %get3A_225 = arith.constant 32 : index
          %get3A_226 = tpu.vector_load %arg21[%get3A_224, %get3A_225] {strides = array<i32>} : memref<40x128xf32, #tpu.memory_space<vmem>>, vector<1x16xf32>,
          %get3A_227 = vector.shape_cast %get3A_226 : vector<1x16xf32> to vector<16xf32>
          %get3A_228 = arith.index_cast %scan3A_186 : i32 to index
          %get3A_229 = arith.constant 32 : index
          %get3A_230 = tpu.vector_load %arg22[%get3A_228, %get3A_229] {strides = array<i32>} : memref<40x128xf32, #tpu.memory_space<vmem>>, vector<1x16xf32>,
          %get3A_231 = vector.shape_cast %get3A_230 : vector<1x16xf32> to vector<16xf32>
          %add3A_232 = arith.addf %get3A_227, %get3A_231 : vector<16xf32>
          %get3A_233 = arith.index_cast %scan3A_186 : i32 to index
          %get3A_234 = arith.constant 32 : index
          %get3A_235 = tpu.vector_load %arg23[%get3A_233, %get3A_234] {strides = array<i32>} : memref<40x128xf32, #tpu.memory_space<vmem>>, vector<1x16xf32>,
          %get3A_236 = vector.shape_cast %get3A_235 : vector<1x16xf32> to vector<16xf32>
          %add3A_237 = arith.addf %add3A_232, %get3A_236 : vector<16xf32>
          %swap3A_238 = arith.index_cast %scan3A_186 : i32 to index
          %swap3A_239 = arith.constant 32 : index
          %swap3A_240 = tpu.vector_load %arg21[%swap3A_238, %swap3A_239] {strides = array<i32>} : memref<40x128xf32, #tpu.memory_space<vmem>>, vector<1x16xf32>,
          %swap3A_241 = vector.shape_cast %swap3A_240 : vector<1x16xf32> to vector<16xf32>
          %swap3A_242 = vector.shape_cast %add3A_237 : vector<16xf32> to vector<1x16xf32>
          tpu.vector_store %arg21[%swap3A_238, %swap3A_239], %swap3A_242 {strides = array<i32>} : memref<40x128xf32, #tpu.memory_space<vmem>>, vector<1x16xf32>,
          %get3A_243 = arith.index_cast %scan3A_186 : i32 to index
          %get3A_244 = arith.constant 48 : index
          %get3A_245 = tpu.vector_load %arg21[%get3A_243, %get3A_244] {strides = array<i32>} : memref<40x128xf32, #tpu.memory_space<vmem>>, vector<1x16xf32>,
          %get3A_246 = vector.shape_cast %get3A_245 : vector<1x16xf32> to vector<16xf32>
          %get3A_247 = arith.index_cast %scan3A_186 : i32 to index
          %get3A_248 = arith.constant 48 : index
          %get3A_249 = tpu.vector_load %arg22[%get3A_247, %get3A_248] {strides = array<i32>} : memref<40x128xf32, #tpu.memory_space<vmem>>, vector<1x16xf32>,
          %get3A_250 = vector.shape_cast %get3A_249 : vector<1x16xf32> to vector<16xf32>
          %add3A_251 = arith.addf %get3A_246, %get3A_250 : vector<16xf32>
          %get3A_252 = arith.index_cast %scan3A_186 : i32 to index
          %get3A_253 = arith.constant 48 : index
          %get3A_254 = tpu.vector_load %arg23[%get3A_252, %get3A_253] {strides = array<i32>} : memref<40x128xf32, #tpu.memory_space<vmem>>, vector<1x16xf32>,
          %get3A_255 = vector.shape_cast %get3A_254 : vector<1x16xf32> to vector<16xf32>
          %add3A_256 = arith.addf %add3A_251, %get3A_255 : vector<16xf32>
          %swap3A_257 = arith.index_cast %scan3A_186 : i32 to index
          %swap3A_258 = arith.constant 48 : index
          %swap3A_259 = tpu.vector_load %arg21[%swap3A_257, %swap3A_258] {strides = array<i32>} : memref<40x128xf32, #tpu.memory_space<vmem>>, vector<1x16xf32>,
          %swap3A_260 = vector.shape_cast %swap3A_259 : vector<1x16xf32> to vector<16xf32>
          %swap3A_261 = vector.shape_cast %add3A_256 : vector<16xf32> to vector<1x16xf32>
          tpu.vector_store %arg21[%swap3A_257, %swap3A_258], %swap3A_261 {strides = array<i32>} : memref<40x128xf32, #tpu.memory_space<vmem>>, vector<1x16xf32>,
          %get3A_262 = arith.index_cast %scan3A_186 : i32 to index
          %get3A_263 = arith.constant 64 : index
          %get3A_264 = tpu.vector_load %arg21[%get3A_262, %get3A_263] {strides = array<i32>} : memref<40x128xf32, #tpu.memory_space<vmem>>, vector<1x16xf32>,
          %get3A_265 = vector.shape_cast %get3A_264 : vector<1x16xf32> to vector<16xf32>
          %get3A_266 = arith.index_cast %scan3A_186 : i32 to index
          %get3A_267 = arith.constant 64 : index
          %get3A_268 = tpu.vector_load %arg22[%get3A_266, %get3A_267] {strides = array<i32>} : memref<40x128xf32, #tpu.memory_space<vmem>>, vector<1x16xf32>,
          %get3A_269 = vector.shape_cast %get3A_268 : vector<1x16xf32> to vector<16xf32>
          %add3A_270 = arith.addf %get3A_265, %get3A_269 : vector<16xf32>
          %get3A_271 = arith.index_cast %scan3A_186 : i32 to index
          %get3A_272 = arith.constant 64 : index
          %get3A_273 = tpu.vector_load %arg23[%get3A_271, %get3A_272] {strides = array<i32>} : memref<40x128xf32, #tpu.memory_space<vmem>>, vector<1x16xf32>,
          %get3A_274 = vector.shape_cast %get3A_273 : vector<1x16xf32> to vector<16xf32>
          %add3A_275 = arith.addf %add3A_270, %get3A_274 : vector<16xf32>
          %swap3A_276 = arith.index_cast %scan3A_186 : i32 to index
          %swap3A_277 = arith.constant 64 : index
          %swap3A_278 = tpu.vector_load %arg21[%swap3A_276, %swap3A_277] {strides = array<i32>} : memref<40x128xf32, #tpu.memory_space<vmem>>, vector<1x16xf32>,
          %swap3A_279 = vector.shape_cast %swap3A_278 : vector<1x16xf32> to vector<16xf32>
          %swap3A_280 = vector.shape_cast %add3A_275 : vector<16xf32> to vector<1x16xf32>
          tpu.vector_store %arg21[%swap3A_276, %swap3A_277], %swap3A_280 {strides = array<i32>} : memref<40x128xf32, #tpu.memory_space<vmem>>, vector<1x16xf32>,
          %get3A_281 = arith.index_cast %scan3A_186 : i32 to index
          %get3A_282 = arith.constant 80 : index
          %get3A_283 = tpu.vector_load %arg21[%get3A_281, %get3A_282] {strides = array<i32>} : memref<40x128xf32, #tpu.memory_space<vmem>>, vector<1x16xf32>,
          %get3A_284 = vector.shape_cast %get3A_283 : vector<1x16xf32> to vector<16xf32>
          %get3A_285 = arith.index_cast %scan3A_186 : i32 to index
          %get3A_286 = arith.constant 80 : index
          %get3A_287 = tpu.vector_load %arg22[%get3A_285, %get3A_286] {strides = array<i32>} : memref<40x128xf32, #tpu.memory_space<vmem>>, vector<1x16xf32>,
          %get3A_288 = vector.shape_cast %get3A_287 : vector<1x16xf32> to vector<16xf32>
          %add3A_289 = arith.addf %get3A_284, %get3A_288 : vector<16xf32>
          %get3A_290 = arith.index_cast %scan3A_186 : i32 to index
          %get3A_291 = arith.constant 80 : index
          %get3A_292 = tpu.vector_load %arg23[%get3A_290, %get3A_291] {strides = array<i32>} : memref<40x128xf32, #tpu.memory_space<vmem>>, vector<1x16xf32>,
          %get3A_293 = vector.shape_cast %get3A_292 : vector<1x16xf32> to vector<16xf32>
          %add3A_294 = arith.addf %add3A_289, %get3A_293 : vector<16xf32>
          %swap3A_295 = arith.index_cast %scan3A_186 : i32 to index
          %swap3A_296 = arith.constant 80 : index
          %swap3A_297 = tpu.vector_load %arg21[%swap3A_295, %swap3A_296] {strides = array<i32>} : memref<40x128xf32, #tpu.memory_space<vmem>>, vector<1x16xf32>,
          %swap3A_298 = vector.shape_cast %swap3A_297 : vector<1x16xf32> to vector<16xf32>
          %swap3A_299 = vector.shape_cast %add3A_294 : vector<16xf32> to vector<1x16xf32>
          tpu.vector_store %arg21[%swap3A_295, %swap3A_296], %swap3A_299 {strides = array<i32>} : memref<40x128xf32, #tpu.memory_space<vmem>>, vector<1x16xf32>,
          %get3A_300 = arith.index_cast %scan3A_186 : i32 to index
          %get3A_301 = arith.constant 96 : index
          %get3A_302 = tpu.vector_load %arg21[%get3A_300, %get3A_301] {strides = array<i32>} : memref<40x128xf32, #tpu.memory_space<vmem>>, vector<1x16xf32>,
          %get3A_303 = vector.shape_cast %get3A_302 : vector<1x16xf32> to vector<16xf32>
          %get3A_304 = arith.index_cast %scan3A_186 : i32 to index
          %get3A_305 = arith.constant 96 : index
          %get3A_306 = tpu.vector_load %arg22[%get3A_304, %get3A_305] {strides = array<i32>} : memref<40x128xf32, #tpu.memory_space<vmem>>, vector<1x16xf32>,
          %get3A_307 = vector.shape_cast %get3A_306 : vector<1x16xf32> to vector<16xf32>
          %add3A_308 = arith.addf %get3A_303, %get3A_307 : vector<16xf32>
          %get3A_309 = arith.index_cast %scan3A_186 : i32 to index
          %get3A_310 = arith.constant 96 : index
          %get3A_311 = tpu.vector_load %arg23[%get3A_309, %get3A_310] {strides = array<i32>} : memref<40x128xf32, #tpu.memory_space<vmem>>, vector<1x16xf32>,
          %get3A_312 = vector.shape_cast %get3A_311 : vector<1x16xf32> to vector<16xf32>
          %add3A_313 = arith.addf %add3A_308, %get3A_312 : vector<16xf32>
          %swap3A_314 = arith.index_cast %scan3A_186 : i32 to index
          %swap3A_315 = arith.constant 96 : index
          %swap3A_316 = tpu.vector_load %arg21[%swap3A_314, %swap3A_315] {strides = array<i32>} : memref<40x128xf32, #tpu.memory_space<vmem>>, vector<1x16xf32>,
          %swap3A_317 = vector.shape_cast %swap3A_316 : vector<1x16xf32> to vector<16xf32>
          %swap3A_318 = vector.shape_cast %add3A_313 : vector<16xf32> to vector<1x16xf32>
          tpu.vector_store %arg21[%swap3A_314, %swap3A_315], %swap3A_318 {strides = array<i32>} : memref<40x128xf32, #tpu.memory_space<vmem>>, vector<1x16xf32>,
          %get3A_319 = arith.index_cast %scan3A_186 : i32 to index
          %get3A_320 = arith.constant 112 : index
          %get3A_321 = tpu.vector_load %arg21[%get3A_319, %get3A_320] {strides = array<i32>} : memref<40x128xf32, #tpu.memory_space<vmem>>, vector<1x16xf32>,
          %get3A_322 = vector.shape_cast %get3A_321 : vector<1x16xf32> to vector<16xf32>
          %get3A_323 = arith.index_cast %scan3A_186 : i32 to index
          %get3A_324 = arith.constant 112 : index
          %get3A_325 = tpu.vector_load %arg22[%get3A_323, %get3A_324] {strides = array<i32>} : memref<40x128xf32, #tpu.memory_space<vmem>>, vector<1x16xf32>,
          %get3A_326 = vector.shape_cast %get3A_325 : vector<1x16xf32> to vector<16xf32>
          %add3A_327 = arith.addf %get3A_322, %get3A_326 : vector<16xf32>
          %get3A_328 = arith.index_cast %scan3A_186 : i32 to index
          %get3A_329 = arith.constant 112 : index
          %get3A_330 = tpu.vector_load %arg23[%get3A_328, %get3A_329] {strides = array<i32>} : memref<40x128xf32, #tpu.memory_space<vmem>>, vector<1x16xf32>,
          %get3A_331 = vector.shape_cast %get3A_330 : vector<1x16xf32> to vector<16xf32>
          %add3A_332 = arith.addf %add3A_327, %get3A_331 : vector<16xf32>
          %swap3A_333 = arith.index_cast %scan3A_186 : i32 to index
          %swap3A_334 = arith.constant 112 : index
          %swap3A_335 = tpu.vector_load %arg21[%swap3A_333, %swap3A_334] {strides = array<i32>} : memref<40x128xf32, #tpu.memory_space<vmem>>, vector<1x16xf32>,
          %swap3A_336 = vector.shape_cast %swap3A_335 : vector<1x16xf32> to vector<16xf32>
          %swap3A_337 = vector.shape_cast %add3A_332 : vector<16xf32> to vector<1x16xf32>
          tpu.vector_store %arg21[%swap3A_333, %swap3A_334], %swap3A_337 {strides = array<i32>} : memref<40x128xf32, #tpu.memory_space<vmem>>, vector<1x16xf32>,
          %scan3A_338 = arith.constant 0 : i32
          scf.yield %scan3A_338 : i32
        }
        %scan3A_170 = arith.constant 40 : i32
        %mul3A_171 = arith.constant 40 : i32
        %mul3A_172 = arith.muli %add3A_136, %mul3A_171 : i32
        %add3A_173 = arith.addi %multiple_of3A, %mul3A_172 : i32
        %multiple_of3A_174 = tpu.assume_multiple %add3A_173, 8 : i32
        %dma_start3A_175 = arith.constant 0 : i32
        %dma_start3A_176 = tpu.memref_slice %arg8[%multiple_of3A_174, %dma_start3A_175] : memref<160000x128xf32, #tpu.memory_space<hbm>> -> memref<40x128xf32, #tpu.memory_space<hbm>>
        %dma_start3A_177 = arith.constant 0 : i32
        %dma_start3A_178 = tpu.memref_slice %arg8[%multiple_of3A_174, %dma_start3A_177] : memref<160000x128xf32, #tpu.memory_space<hbm>> -> memref<40x128xf32, #tpu.memory_space<hbm>>
        tpu.enqueue_dma source(%arg21 : memref<40x128xf32, #tpu.memory_space<vmem>>) target(%dma_start3A_178 : memref<40x128xf32, #tpu.memory_space<hbm>>) target_semaphore(%arg31 : memref<!tpu.dma_semaphore, #tpu.memory_space<semaphore_mem>>)
        %add3A_179 = arith.constant 4 : i32
        %add3A_180 = arith.addi %add3A_136, %add3A_179 : i32
        %lt3A_181 = arith.constant 125 : i32
        %lt3A_182 = arith.cmpi slt, %add3A_180, %lt3A_181 : i32
        %convert_element_type3A_183 = arith.extui %lt3A_182 : i1 to i32
        %cond3A_184 = arith.constant 0 : i32
        %cond3A_185 = arith.cmpi ne, %convert_element_type3A_183, %cond3A_184 : i32
        scf.if %cond3A_185 {
          %mul3A_186 = arith.constant 40 : i32
          %mul3A_187 = arith.muli %add3A_136, %mul3A_186 : i32
          %add3A_188 = arith.addi %multiple_of3A, %mul3A_187 : i32
          %multiple_of3A_189 = tpu.assume_multiple %add3A_188, 8 : i32
          %dma_wait3A_190 = arith.constant 0 : i32
          %dma_wait3A_191 = tpu.memref_slice %arg8[%multiple_of3A_189, %dma_wait3A_190] : memref<160000x128xf32, #tpu.memory_space<hbm>> -> memref<40x128xf32, #tpu.memory_space<hbm>>
          %dma_wait3A_192 = arith.constant 0 : i32
          %dma_wait3A_193 = tpu.memref_slice %arg8[%multiple_of3A_189, %dma_wait3A_192] : memref<160000x128xf32, #tpu.memory_space<hbm>> -> memref<40x128xf32, #tpu.memory_space<hbm>>
          tpu.wait_dma2 semaphore(%arg31 : memref<!tpu.dma_semaphore, #tpu.memory_space<semaphore_mem>>) src(%arg21 : memref<40x128xf32, #tpu.memory_space<vmem>>) dst(%dma_wait3A_193 : memref<40x128xf32, #tpu.memory_space<hbm>>)
          %add3A_194 = arith.constant 4 : i32
          %add3A_195 = arith.addi %add3A_136, %add3A_194 : i32
          %mul3A_196 = arith.constant 40 : i32
          %mul3A_197 = arith.muli %add3A_195, %mul3A_196 : i32
          %multiple_of3A_198 = tpu.assume_multiple %mul3A_197, 8 : i32
          %dma_start3A_199 = tpu.memref_slice %arg9[%multiple_of3A_198] : memref<5000xi32, #tpu.memory_space<vmem>> -> memref<40xi32, #tpu.memory_space<vmem>>
          %dma_start3A_200 = arith.constant 0 : i32
          %dma_start3A_201 = arith.constant 0 : i32
          %dma_start3A_202 = tpu.memref_slice %arg2[%dma_start3A_200, %dma_start3A_201] : memref<10000x128xf32, #tpu.memory_space<hbm>> -> memref<10000x128xf32, #tpu.memory_space<hbm>>
          tpu.enqueue_indirect_dma source(%dma_start3A_202 : memref<10000x128xf32, #tpu.memory_space<hbm>>) target(%arg21 : memref<40x128xf32, #tpu.memory_space<vmem>>) offsets(%dma_start3A_199 : memref<40xi32, #tpu.memory_space<vmem>>) semaphore(%arg27 : memref<!tpu.dma_semaphore, #tpu.memory_space<semaphore_mem>>)
          %mul3A_203 = arith.constant 40 : i32
          %mul3A_204 = arith.muli %add3A_195, %mul3A_203 : i32
          %multiple_of3A_205 = tpu.assume_multiple %mul3A_204, 8 : i32
          %dma_start3A_206 = tpu.memref_slice %arg10[%multiple_of3A_205] : memref<5000xi32, #tpu.memory_space<vmem>> -> memref<40xi32, #tpu.memory_space<vmem>>
          %dma_start3A_207 = arith.constant 0 : i32
          %dma_start3A_208 = arith.constant 0 : i32
          %dma_start3A_209 = tpu.memref_slice %arg3[%dma_start3A_207, %dma_start3A_208] : memref<10000x128xf32, #tpu.memory_space<hbm>> -> memref<10000x128xf32, #tpu.memory_space<hbm>>
          tpu.enqueue_indirect_dma source(%dma_start3A_209 : memref<10000x128xf32, #tpu.memory_space<hbm>>) target(%arg22 : memref<40x128xf32, #tpu.memory_space<vmem>>) offsets(%dma_start3A_206 : memref<40xi32, #tpu.memory_space<vmem>>) semaphore(%arg27 : memref<!tpu.dma_semaphore, #tpu.memory_space<semaphore_mem>>)
          %mul3A_210 = arith.constant 40 : i32
          %mul3A_211 = arith.muli %add3A_195, %mul3A_210 : i32
          %multiple_of3A_212 = tpu.assume_multiple %mul3A_211, 8 : i32
          %dma_start3A_213 = tpu.memref_slice %arg11[%multiple_of3A_212] : memref<5000xi32, #tpu.memory_space<vmem>> -> memref<40xi32, #tpu.memory_space<vmem>>
          %dma_start3A_214 = arith.constant 0 : i32
          %dma_start3A_215 = arith.constant 0 : i32
          %dma_start3A_216 = tpu.memref_slice %arg4[%dma_start3A_214, %dma_start3A_215] : memref<10000x128xf32, #tpu.memory_space<hbm>> -> memref<10000x128xf32, #tpu.memory_space<hbm>>
          tpu.enqueue_indirect_dma source(%dma_start3A_216 : memref<10000x128xf32, #tpu.memory_space<hbm>>) target(%arg23 : memref<40x128xf32, #tpu.memory_space<vmem>>) offsets(%dma_start3A_213 : memref<40xi32, #tpu.memory_space<vmem>>) semaphore(%arg27 : memref<!tpu.dma_semaphore, #tpu.memory_space<semaphore_mem>>)
        } else {
        }
      } else {
      }
      %scan3A_142 = arith.constant 0 : i32
      scf.yield %scan3A_142 : i32
    }
    %scan3A_79 = arith.constant 32 : i32
    %add3A_80 = arith.constant 4960 : i32
    %add3A_81 = arith.addi %multiple_of3A, %add3A_80 : i32
    %multiple_of3A_82 = tpu.assume_multiple %add3A_81, 8 : i32
    %dma_wait3A = arith.constant 0 : i32
    %dma_wait3A_83 = tpu.memref_slice %arg8[%multiple_of3A_82, %dma_wait3A] : memref<160000x128xf32, #tpu.memory_space<hbm>> -> memref<40x128xf32, #tpu.memory_space<hbm>>
    %dma_wait3A_84 = arith.constant 0 : i32
    %dma_wait3A_85 = tpu.memref_slice %arg8[%multiple_of3A_82, %dma_wait3A_84] : memref<160000x128xf32, #tpu.memory_space<hbm>> -> memref<40x128xf32, #tpu.memory_space<hbm>>
    tpu.wait_dma2 semaphore(%arg28 : memref<!tpu.dma_semaphore, #tpu.memory_space<semaphore_mem>>) src(%arg12 : memref<40x128xf32, #tpu.memory_space<vmem>>) dst(%dma_wait3A_85 : memref<40x128xf32, #tpu.memory_space<hbm>>)
    %add3A_86 = arith.constant 4840 : i32
    %add3A_87 = arith.addi %multiple_of3A, %add3A_86 : i32
    %multiple_of3A_88 = tpu.assume_multiple %add3A_87, 8 : i32
    %dma_wait3A_89 = arith.constant 0 : i32
    %dma_wait3A_90 = tpu.memref_slice %arg8[%multiple_of3A_88, %dma_wait3A_89] : memref<160000x128xf32, #tpu.memory_space<hbm>> -> memref<40x128xf32, #tpu.memory_space<hbm>>
    %dma_wait3A_91 = arith.constant 0 : i32
    %dma_wait3A_92 = tpu.memref_slice %arg8[%multiple_of3A_88, %dma_wait3A_91] : memref<160000x128xf32, #tpu.memory_space<hbm>> -> memref<40x128xf32, #tpu.memory_space<hbm>>
    tpu.wait_dma2 semaphore(%arg29 : memref<!tpu.dma_semaphore, #tpu.memory_space<semaphore_mem>>) src(%arg15 : memref<40x128xf32, #tpu.memory_space<vmem>>) dst(%dma_wait3A_92 : memref<40x128xf32, #tpu.memory_space<hbm>>)
    %add3A_93 = arith.constant 4880 : i32
    %add3A_94 = arith.addi %multiple_of3A, %add3A_93 : i32
    %multiple_of3A_95 = tpu.assume_multiple %add3A_94, 8 : i32
    %dma_wait3A_96 = arith.constant 0 : i32
    %dma_wait3A_97 = tpu.memref_slice %arg8[%multiple_of3A_95, %dma_wait3A_96] : memref<160000x128xf32, #tpu.memory_space<hbm>> -> memref<40x128xf32, #tpu.memory_space<hbm>>
    %dma_wait3A_98 = arith.constant 0 : i32
    %dma_wait3A_99 = tpu.memref_slice %arg8[%multiple_of3A_95, %dma_wait3A_98] : memref<160000x128xf32, #tpu.memory_space<hbm>> -> memref<40x128xf32, #tpu.memory_space<hbm>>
    tpu.wait_dma2 semaphore(%arg30 : memref<!tpu.dma_semaphore, #tpu.memory_space<semaphore_mem>>) src(%arg18 : memref<40x128xf32, #tpu.memory_space<vmem>>) dst(%dma_wait3A_99 : memref<40x128xf32, #tpu.memory_space<hbm>>)
    %add3A_100 = arith.constant 4920 : i32
    %add3A_101 = arith.addi %multiple_of3A, %add3A_100 : i32
    %multiple_of3A_102 = tpu.assume_multiple %add3A_101, 8 : i32
    %dma_wait3A_103 = arith.constant 0 : i32
    %dma_wait3A_104 = tpu.memref_slice %arg8[%multiple_of3A_102, %dma_wait3A_103] : memref<160000x128xf32, #tpu.memory_space<hbm>> -> memref<40x128xf32, #tpu.memory_space<hbm>>
    %dma_wait3A_105 = arith.constant 0 : i32
    %dma_wait3A_106 = tpu.memref_slice %arg8[%multiple_of3A_102, %dma_wait3A_105] : memref<160000x128xf32, #tpu.memory_space<hbm>> -> memref<40x128xf32, #tpu.memory_space<hbm>>
    tpu.wait_dma2 semaphore(%arg31 : memref<!tpu.dma_semaphore, #tpu.memory_space<semaphore_mem>>) src(%arg21 : memref<40x128xf32, #tpu.memory_space<vmem>>) dst(%dma_wait3A_106 : memref<40x128xf32, #tpu.memory_space<hbm>>)
    return
  }
}

#map = affine_map<(d0, d1) -> (0, 0)>
#map1 = affine_map<(d0, d1) -> (0)>
module attributes {stable_mosaic.version = 14 : i64} {
  func.func @gpair_kernel(%arg0: i32, %arg1: i32, %arg2: memref<10240x128xf32, #tpu.memory_space<hbm>>, %arg3: memref<10240x128xf32, #tpu.memory_space<hbm>>, %arg4: memref<160000xi32, #tpu.memory_space<hbm>>, %arg5: memref<160000xi32, #tpu.memory_space<hbm>>, %arg6: memref<160000x128xf32, #tpu.memory_space<hbm>>, %arg7: memref<5000xi32, #tpu.memory_space<vmem>>, %arg8: memref<5000xi32, #tpu.memory_space<vmem>>, %arg9: memref<200x128xf32, #tpu.memory_space<vmem>>, %arg10: memref<200x128xf32, #tpu.memory_space<vmem>>, %arg11: memref<200x128xf32, #tpu.memory_space<vmem>>, %arg12: memref<200x128xf32, #tpu.memory_space<vmem>>, %arg13: memref<!tpu.dma_semaphore, #tpu.memory_space<semaphore_mem>>, %arg14: memref<!tpu.dma_semaphore, #tpu.memory_space<semaphore_mem>>, %arg15: memref<!tpu.dma_semaphore, #tpu.memory_space<semaphore_mem>>, %arg16: memref<!tpu.dma_semaphore, #tpu.memory_space<semaphore_mem>>) attributes {dimension_semantics = [#tpu.dimension_semantics<core_parallel>, #tpu.dimension_semantics<subcore_parallel>], iteration_bounds = array<i64: 2, 16>, scalar_prefetch = 0 : i64, scratch_operands = 10 : i64, tpu.core_type = #tpu.core_type<sc_vector_subcore>, window_params = [{transform_indices = #map}, {transform_indices = #map}, {transform_indices = #map1}, {transform_indices = #map1}, {transform_indices = #map}]} {
    %mul3A = arith.constant 2 : i32
    %mul3A_0 = arith.muli %arg1, %mul3A : i32
    %add3A = arith.addi %mul3A_0, %arg0 : i32
    %mul3A_1 = arith.constant 5000 : i32
    %mul3A_2 = arith.muli %add3A, %mul3A_1 : i32
    %multiple_of3A = tpu.assume_multiple %mul3A_2, 8 : i32
    "tpu.region"() ({
      %run_scoped3A = tpu.sem_alloc : memref<!tpu.dma_semaphore, #tpu.memory_space<semaphore_mem>>
      %dma_start3A_45 = tpu.memref_slice %arg4[%multiple_of3A] : memref<160000xi32, #tpu.memory_space<hbm>> -> memref<5000xi32, #tpu.memory_space<hbm>>
      %dma_start3A_46 = tpu.memref_slice %arg4[%multiple_of3A] : memref<160000xi32, #tpu.memory_space<hbm>> -> memref<5000xi32, #tpu.memory_space<hbm>>
      tpu.enqueue_dma source(%dma_start3A_46 : memref<5000xi32, #tpu.memory_space<hbm>>) target(%arg7 : memref<5000xi32, #tpu.memory_space<vmem>>) target_semaphore(%run_scoped3A : memref<!tpu.dma_semaphore, #tpu.memory_space<semaphore_mem>>)
      %dma_wait3A_47 = tpu.memref_slice %arg4[%multiple_of3A] : memref<160000xi32, #tpu.memory_space<hbm>> -> memref<5000xi32, #tpu.memory_space<hbm>>
      %dma_wait3A_48 = tpu.memref_slice %arg4[%multiple_of3A] : memref<160000xi32, #tpu.memory_space<hbm>> -> memref<5000xi32, #tpu.memory_space<hbm>>
      tpu.wait_dma2 semaphore(%run_scoped3A : memref<!tpu.dma_semaphore, #tpu.memory_space<semaphore_mem>>) src(%dma_wait3A_48 : memref<5000xi32, #tpu.memory_space<hbm>>) dst(%arg7 : memref<5000xi32, #tpu.memory_space<vmem>>)
      tpu.yield
    }) : () -> ()
    "tpu.region"() ({
      %run_scoped3A = tpu.sem_alloc : memref<!tpu.dma_semaphore, #tpu.memory_space<semaphore_mem>>
      %dma_start3A_45 = tpu.memref_slice %arg5[%multiple_of3A] : memref<160000xi32, #tpu.memory_space<hbm>> -> memref<5000xi32, #tpu.memory_space<hbm>>
      %dma_start3A_46 = tpu.memref_slice %arg5[%multiple_of3A] : memref<160000xi32, #tpu.memory_space<hbm>> -> memref<5000xi32, #tpu.memory_space<hbm>>
      tpu.enqueue_dma source(%dma_start3A_46 : memref<5000xi32, #tpu.memory_space<hbm>>) target(%arg8 : memref<5000xi32, #tpu.memory_space<vmem>>) target_semaphore(%run_scoped3A : memref<!tpu.dma_semaphore, #tpu.memory_space<semaphore_mem>>)
      %dma_wait3A_47 = tpu.memref_slice %arg5[%multiple_of3A] : memref<160000xi32, #tpu.memory_space<hbm>> -> memref<5000xi32, #tpu.memory_space<hbm>>
      %dma_wait3A_48 = tpu.memref_slice %arg5[%multiple_of3A] : memref<160000xi32, #tpu.memory_space<hbm>> -> memref<5000xi32, #tpu.memory_space<hbm>>
      tpu.wait_dma2 semaphore(%run_scoped3A : memref<!tpu.dma_semaphore, #tpu.memory_space<semaphore_mem>>) src(%dma_wait3A_48 : memref<5000xi32, #tpu.memory_space<hbm>>) dst(%arg8 : memref<5000xi32, #tpu.memory_space<vmem>>)
      tpu.yield
    }) : () -> ()
    %multiple_of3A_3 = arith.constant 0 : i32
    %multiple_of3A_4 = tpu.assume_multiple %multiple_of3A_3, 8 : i32
    %dma_start3A = tpu.memref_slice %arg7[%multiple_of3A_4] : memref<5000xi32, #tpu.memory_space<vmem>> -> memref<200xi32, #tpu.memory_space<vmem>>
    %dma_start3A_5 = arith.constant 0 : i32
    %dma_start3A_6 = arith.constant 0 : i32
    %dma_start3A_7 = tpu.memref_slice %arg2[%dma_start3A_5, %dma_start3A_6] : memref<10240x128xf32, #tpu.memory_space<hbm>> -> memref<10240x128xf32, #tpu.memory_space<hbm>>
    tpu.enqueue_indirect_dma source(%dma_start3A_7 : memref<10240x128xf32, #tpu.memory_space<hbm>>) target(%arg9 : memref<200x128xf32, #tpu.memory_space<vmem>>) offsets(%dma_start3A : memref<200xi32, #tpu.memory_space<vmem>>) semaphore(%arg13 : memref<!tpu.dma_semaphore, #tpu.memory_space<semaphore_mem>>)
    %multiple_of3A_8 = arith.constant 0 : i32
    %multiple_of3A_9 = tpu.assume_multiple %multiple_of3A_8, 8 : i32
    %dma_start3A_10 = tpu.memref_slice %arg8[%multiple_of3A_9] : memref<5000xi32, #tpu.memory_space<vmem>> -> memref<200xi32, #tpu.memory_space<vmem>>
    %dma_start3A_11 = arith.constant 0 : i32
    %dma_start3A_12 = arith.constant 0 : i32
    %dma_start3A_13 = tpu.memref_slice %arg3[%dma_start3A_11, %dma_start3A_12] : memref<10240x128xf32, #tpu.memory_space<hbm>> -> memref<10240x128xf32, #tpu.memory_space<hbm>>
    tpu.enqueue_indirect_dma source(%dma_start3A_13 : memref<10240x128xf32, #tpu.memory_space<hbm>>) target(%arg10 : memref<200x128xf32, #tpu.memory_space<vmem>>) offsets(%dma_start3A_10 : memref<200xi32, #tpu.memory_space<vmem>>) semaphore(%arg13 : memref<!tpu.dma_semaphore, #tpu.memory_space<semaphore_mem>>)
    %multiple_of3A_14 = arith.constant 200 : i32
    %multiple_of3A_15 = tpu.assume_multiple %multiple_of3A_14, 8 : i32
    %dma_start3A_16 = tpu.memref_slice %arg7[%multiple_of3A_15] : memref<5000xi32, #tpu.memory_space<vmem>> -> memref<200xi32, #tpu.memory_space<vmem>>
    %dma_start3A_17 = arith.constant 0 : i32
    %dma_start3A_18 = arith.constant 0 : i32
    %dma_start3A_19 = tpu.memref_slice %arg2[%dma_start3A_17, %dma_start3A_18] : memref<10240x128xf32, #tpu.memory_space<hbm>> -> memref<10240x128xf32, #tpu.memory_space<hbm>>
    tpu.enqueue_indirect_dma source(%dma_start3A_19 : memref<10240x128xf32, #tpu.memory_space<hbm>>) target(%arg11 : memref<200x128xf32, #tpu.memory_space<vmem>>) offsets(%dma_start3A_16 : memref<200xi32, #tpu.memory_space<vmem>>) semaphore(%arg14 : memref<!tpu.dma_semaphore, #tpu.memory_space<semaphore_mem>>)
    %multiple_of3A_20 = arith.constant 200 : i32
    %multiple_of3A_21 = tpu.assume_multiple %multiple_of3A_20, 8 : i32
    %dma_start3A_22 = tpu.memref_slice %arg8[%multiple_of3A_21] : memref<5000xi32, #tpu.memory_space<vmem>> -> memref<200xi32, #tpu.memory_space<vmem>>
    %dma_start3A_23 = arith.constant 0 : i32
    %dma_start3A_24 = arith.constant 0 : i32
    %dma_start3A_25 = tpu.memref_slice %arg3[%dma_start3A_23, %dma_start3A_24] : memref<10240x128xf32, #tpu.memory_space<hbm>> -> memref<10240x128xf32, #tpu.memory_space<hbm>>
    tpu.enqueue_indirect_dma source(%dma_start3A_25 : memref<10240x128xf32, #tpu.memory_space<hbm>>) target(%arg12 : memref<200x128xf32, #tpu.memory_space<vmem>>) offsets(%dma_start3A_22 : memref<200xi32, #tpu.memory_space<vmem>>) semaphore(%arg14 : memref<!tpu.dma_semaphore, #tpu.memory_space<semaphore_mem>>)
    %scan3A = arith.constant 0 : i32
    %scan3A_26 = arith.constant 0 : i32
    %scan3A_27 = arith.constant 13 : i32
    %scan3A_28 = arith.addi %scan3A_26, %scan3A_27 : i32
    %scan3A_29 = arith.constant 1 : i32
    %scan3A_30 = scf.for %scan3A_45 = %scan3A_26 to %scan3A_28 step %scan3A_29 iter_args(%scan3A_46 = %scan3A) -> (i32)  : i32 {
      %mul3A_47 = arith.constant 2 : i32
      %mul3A_48 = arith.muli %scan3A_45, %mul3A_47 : i32
      %add3A_49 = arith.constant 0 : i32
      %add3A_50 = arith.addi %mul3A_48, %add3A_49 : i32
      %lt3A = arith.constant 25 : i32
      %lt3A_51 = arith.cmpi slt, %add3A_50, %lt3A : i32
      %convert_element_type3A = arith.extui %lt3A_51 : i1 to i32
      %cond3A = arith.constant 0 : i32
      %cond3A_52 = arith.cmpi ne, %convert_element_type3A, %cond3A : i32
      scf.if %cond3A_52 {
        %mul3A_63 = arith.constant 200 : i32
        %mul3A_64 = arith.muli %add3A_50, %mul3A_63 : i32
        %multiple_of3A_65 = tpu.assume_multiple %mul3A_64, 8 : i32
        %dma_wait3A_66 = tpu.memref_slice %arg7[%multiple_of3A_65] : memref<5000xi32, #tpu.memory_space<vmem>> -> memref<200xi32, #tpu.memory_space<vmem>>
        %dma_wait3A_67 = arith.constant 0 : i32
        %dma_wait3A_68 = arith.constant 0 : i32
        %dma_wait3A_69 = tpu.memref_slice %arg2[%dma_wait3A_67, %dma_wait3A_68] : memref<10240x128xf32, #tpu.memory_space<hbm>> -> memref<10240x128xf32, #tpu.memory_space<hbm>>
        tpu.wait_indirect_dma semaphore(%arg13 : memref<!tpu.dma_semaphore, #tpu.memory_space<semaphore_mem>>) src(%dma_wait3A_69 : memref<10240x128xf32, #tpu.memory_space<hbm>>) dst(%arg9 : memref<200x128xf32, #tpu.memory_space<vmem>>)
        %mul3A_70 = arith.constant 200 : i32
        %mul3A_71 = arith.muli %add3A_50, %mul3A_70 : i32
        %multiple_of3A_72 = tpu.assume_multiple %mul3A_71, 8 : i32
        %dma_wait3A_73 = tpu.memref_slice %arg8[%multiple_of3A_72] : memref<5000xi32, #tpu.memory_space<vmem>> -> memref<200xi32, #tpu.memory_space<vmem>>
        %dma_wait3A_74 = arith.constant 0 : i32
        %dma_wait3A_75 = arith.constant 0 : i32
        %dma_wait3A_76 = tpu.memref_slice %arg3[%dma_wait3A_74, %dma_wait3A_75] : memref<10240x128xf32, #tpu.memory_space<hbm>> -> memref<10240x128xf32, #tpu.memory_space<hbm>>
        tpu.wait_indirect_dma semaphore(%arg13 : memref<!tpu.dma_semaphore, #tpu.memory_space<semaphore_mem>>) src(%dma_wait3A_76 : memref<10240x128xf32, #tpu.memory_space<hbm>>) dst(%arg10 : memref<200x128xf32, #tpu.memory_space<vmem>>)
        %scan3A_77 = arith.constant 0 : i32
        %scan3A_78 = arith.constant 0 : i32
        %scan3A_79 = arith.constant 200 : i32
        %scan3A_80 = arith.addi %scan3A_78, %scan3A_79 : i32
        %scan3A_81 = arith.constant 1 : i32
        %scan3A_82 = scf.for %scan3A_99 = %scan3A_78 to %scan3A_80 step %scan3A_81 iter_args(%scan3A_100 = %scan3A_77) -> (i32)  : i32 {
          %get3A = arith.index_cast %scan3A_99 : i32 to index
          %get3A_101 = arith.constant 32 : index
          %get3A_102 = tpu.vector_load %arg10[%get3A, %get3A_101] {strides = array<i32>} : memref<200x128xf32, #tpu.memory_space<vmem>>, vector<1x16xf32>,
          %get3A_103 = vector.shape_cast %get3A_102 : vector<1x16xf32> to vector<16xf32>
          %swap3A = arith.index_cast %scan3A_99 : i32 to index
          %swap3A_104 = arith.constant 32 : index
          %swap3A_105 = tpu.vector_load %arg9[%swap3A, %swap3A_104] {strides = array<i32>} : memref<200x128xf32, #tpu.memory_space<vmem>>, vector<1x16xf32>,
          %swap3A_106 = vector.shape_cast %swap3A_105 : vector<1x16xf32> to vector<16xf32>
          %swap3A_107 = vector.shape_cast %get3A_103 : vector<16xf32> to vector<1x16xf32>
          tpu.vector_store %arg9[%swap3A, %swap3A_104], %swap3A_107 {strides = array<i32>} : memref<200x128xf32, #tpu.memory_space<vmem>>, vector<1x16xf32>,
          %get3A_108 = arith.index_cast %scan3A_99 : i32 to index
          %get3A_109 = arith.constant 48 : index
          %get3A_110 = tpu.vector_load %arg10[%get3A_108, %get3A_109] {strides = array<i32>} : memref<200x128xf32, #tpu.memory_space<vmem>>, vector<1x16xf32>,
          %get3A_111 = vector.shape_cast %get3A_110 : vector<1x16xf32> to vector<16xf32>
          %swap3A_112 = arith.index_cast %scan3A_99 : i32 to index
          %swap3A_113 = arith.constant 48 : index
          %swap3A_114 = tpu.vector_load %arg9[%swap3A_112, %swap3A_113] {strides = array<i32>} : memref<200x128xf32, #tpu.memory_space<vmem>>, vector<1x16xf32>,
          %swap3A_115 = vector.shape_cast %swap3A_114 : vector<1x16xf32> to vector<16xf32>
          %swap3A_116 = vector.shape_cast %get3A_111 : vector<16xf32> to vector<1x16xf32>
          tpu.vector_store %arg9[%swap3A_112, %swap3A_113], %swap3A_116 {strides = array<i32>} : memref<200x128xf32, #tpu.memory_space<vmem>>, vector<1x16xf32>,
          %scan3A_117 = arith.constant 0 : i32
          scf.yield %scan3A_117 : i32
        }
        %scan3A_83 = arith.constant 200 : i32
        %mul3A_84 = arith.constant 200 : i32
        %mul3A_85 = arith.muli %add3A_50, %mul3A_84 : i32
        %add3A_86 = arith.addi %multiple_of3A, %mul3A_85 : i32
        %multiple_of3A_87 = tpu.assume_multiple %add3A_86, 8 : i32
        %dma_start3A_88 = arith.constant 0 : i32
        %dma_start3A_89 = tpu.memref_slice %arg6[%multiple_of3A_87, %dma_start3A_88] : memref<160000x128xf32, #tpu.memory_space<hbm>> -> memref<200x128xf32, #tpu.memory_space<hbm>>
        %dma_start3A_90 = arith.constant 0 : i32
        %dma_start3A_91 = tpu.memref_slice %arg6[%multiple_of3A_87, %dma_start3A_90] : memref<160000x128xf32, #tpu.memory_space<hbm>> -> memref<200x128xf32, #tpu.memory_space<hbm>>
        tpu.enqueue_dma source(%arg9 : memref<200x128xf32, #tpu.memory_space<vmem>>) target(%dma_start3A_91 : memref<200x128xf32, #tpu.memory_space<hbm>>) target_semaphore(%arg15 : memref<!tpu.dma_semaphore, #tpu.memory_space<semaphore_mem>>)
        %add3A_92 = arith.constant 2 : i32
        %add3A_93 = arith.addi %add3A_50, %add3A_92 : i32
        %lt3A_94 = arith.constant 25 : i32
        %lt3A_95 = arith.cmpi slt, %add3A_93, %lt3A_94 : i32
        %convert_element_type3A_96 = arith.extui %lt3A_95 : i1 to i32
        %cond3A_97 = arith.constant 0 : i32
        %cond3A_98 = arith.cmpi ne, %convert_element_type3A_96, %cond3A_97 : i32
        scf.if %cond3A_98 {
          %mul3A_99 = arith.constant 200 : i32
          %mul3A_100 = arith.muli %add3A_50, %mul3A_99 : i32
          %add3A_101 = arith.addi %multiple_of3A, %mul3A_100 : i32
          %multiple_of3A_102 = tpu.assume_multiple %add3A_101, 8 : i32
          %dma_wait3A_103 = arith.constant 0 : i32
          %dma_wait3A_104 = tpu.memref_slice %arg6[%multiple_of3A_102, %dma_wait3A_103] : memref<160000x128xf32, #tpu.memory_space<hbm>> -> memref<200x128xf32, #tpu.memory_space<hbm>>
          %dma_wait3A_105 = arith.constant 0 : i32
          %dma_wait3A_106 = tpu.memref_slice %arg6[%multiple_of3A_102, %dma_wait3A_105] : memref<160000x128xf32, #tpu.memory_space<hbm>> -> memref<200x128xf32, #tpu.memory_space<hbm>>
          tpu.wait_dma2 semaphore(%arg15 : memref<!tpu.dma_semaphore, #tpu.memory_space<semaphore_mem>>) src(%arg9 : memref<200x128xf32, #tpu.memory_space<vmem>>) dst(%dma_wait3A_106 : memref<200x128xf32, #tpu.memory_space<hbm>>)
          %add3A_107 = arith.constant 2 : i32
          %add3A_108 = arith.addi %add3A_50, %add3A_107 : i32
          %mul3A_109 = arith.constant 200 : i32
          %mul3A_110 = arith.muli %add3A_108, %mul3A_109 : i32
          %multiple_of3A_111 = tpu.assume_multiple %mul3A_110, 8 : i32
          %dma_start3A_112 = tpu.memref_slice %arg7[%multiple_of3A_111] : memref<5000xi32, #tpu.memory_space<vmem>> -> memref<200xi32, #tpu.memory_space<vmem>>
          %dma_start3A_113 = arith.constant 0 : i32
          %dma_start3A_114 = arith.constant 0 : i32
          %dma_start3A_115 = tpu.memref_slice %arg2[%dma_start3A_113, %dma_start3A_114] : memref<10240x128xf32, #tpu.memory_space<hbm>> -> memref<10240x128xf32, #tpu.memory_space<hbm>>
          tpu.enqueue_indirect_dma source(%dma_start3A_115 : memref<10240x128xf32, #tpu.memory_space<hbm>>) target(%arg9 : memref<200x128xf32, #tpu.memory_space<vmem>>) offsets(%dma_start3A_112 : memref<200xi32, #tpu.memory_space<vmem>>) semaphore(%arg13 : memref<!tpu.dma_semaphore, #tpu.memory_space<semaphore_mem>>)
          %mul3A_116 = arith.constant 200 : i32
          %mul3A_117 = arith.muli %add3A_108, %mul3A_116 : i32
          %multiple_of3A_118 = tpu.assume_multiple %mul3A_117, 8 : i32
          %dma_start3A_119 = tpu.memref_slice %arg8[%multiple_of3A_118] : memref<5000xi32, #tpu.memory_space<vmem>> -> memref<200xi32, #tpu.memory_space<vmem>>
          %dma_start3A_120 = arith.constant 0 : i32
          %dma_start3A_121 = arith.constant 0 : i32
          %dma_start3A_122 = tpu.memref_slice %arg3[%dma_start3A_120, %dma_start3A_121] : memref<10240x128xf32, #tpu.memory_space<hbm>> -> memref<10240x128xf32, #tpu.memory_space<hbm>>
          tpu.enqueue_indirect_dma source(%dma_start3A_122 : memref<10240x128xf32, #tpu.memory_space<hbm>>) target(%arg10 : memref<200x128xf32, #tpu.memory_space<vmem>>) offsets(%dma_start3A_119 : memref<200xi32, #tpu.memory_space<vmem>>) semaphore(%arg13 : memref<!tpu.dma_semaphore, #tpu.memory_space<semaphore_mem>>)
        } else {
        }
      } else {
      }
      %mul3A_53 = arith.constant 2 : i32
      %mul3A_54 = arith.muli %scan3A_45, %mul3A_53 : i32
      %add3A_55 = arith.constant 1 : i32
      %add3A_56 = arith.addi %mul3A_54, %add3A_55 : i32
      %lt3A_57 = arith.constant 25 : i32
      %lt3A_58 = arith.cmpi slt, %add3A_56, %lt3A_57 : i32
      %convert_element_type3A_59 = arith.extui %lt3A_58 : i1 to i32
      %cond3A_60 = arith.constant 0 : i32
      %cond3A_61 = arith.cmpi ne, %convert_element_type3A_59, %cond3A_60 : i32
      scf.if %cond3A_61 {
        %mul3A_63 = arith.constant 200 : i32
        %mul3A_64 = arith.muli %add3A_56, %mul3A_63 : i32
        %multiple_of3A_65 = tpu.assume_multiple %mul3A_64, 8 : i32
        %dma_wait3A_66 = tpu.memref_slice %arg7[%multiple_of3A_65] : memref<5000xi32, #tpu.memory_space<vmem>> -> memref<200xi32, #tpu.memory_space<vmem>>
        %dma_wait3A_67 = arith.constant 0 : i32
        %dma_wait3A_68 = arith.constant 0 : i32
        %dma_wait3A_69 = tpu.memref_slice %arg2[%dma_wait3A_67, %dma_wait3A_68] : memref<10240x128xf32, #tpu.memory_space<hbm>> -> memref<10240x128xf32, #tpu.memory_space<hbm>>
        tpu.wait_indirect_dma semaphore(%arg14 : memref<!tpu.dma_semaphore, #tpu.memory_space<semaphore_mem>>) src(%dma_wait3A_69 : memref<10240x128xf32, #tpu.memory_space<hbm>>) dst(%arg11 : memref<200x128xf32, #tpu.memory_space<vmem>>)
        %mul3A_70 = arith.constant 200 : i32
        %mul3A_71 = arith.muli %add3A_56, %mul3A_70 : i32
        %multiple_of3A_72 = tpu.assume_multiple %mul3A_71, 8 : i32
        %dma_wait3A_73 = tpu.memref_slice %arg8[%multiple_of3A_72] : memref<5000xi32, #tpu.memory_space<vmem>> -> memref<200xi32, #tpu.memory_space<vmem>>
        %dma_wait3A_74 = arith.constant 0 : i32
        %dma_wait3A_75 = arith.constant 0 : i32
        %dma_wait3A_76 = tpu.memref_slice %arg3[%dma_wait3A_74, %dma_wait3A_75] : memref<10240x128xf32, #tpu.memory_space<hbm>> -> memref<10240x128xf32, #tpu.memory_space<hbm>>
        tpu.wait_indirect_dma semaphore(%arg14 : memref<!tpu.dma_semaphore, #tpu.memory_space<semaphore_mem>>) src(%dma_wait3A_76 : memref<10240x128xf32, #tpu.memory_space<hbm>>) dst(%arg12 : memref<200x128xf32, #tpu.memory_space<vmem>>)
        %scan3A_77 = arith.constant 0 : i32
        %scan3A_78 = arith.constant 0 : i32
        %scan3A_79 = arith.constant 200 : i32
        %scan3A_80 = arith.addi %scan3A_78, %scan3A_79 : i32
        %scan3A_81 = arith.constant 1 : i32
        %scan3A_82 = scf.for %scan3A_99 = %scan3A_78 to %scan3A_80 step %scan3A_81 iter_args(%scan3A_100 = %scan3A_77) -> (i32)  : i32 {
          %get3A = arith.index_cast %scan3A_99 : i32 to index
          %get3A_101 = arith.constant 32 : index
          %get3A_102 = tpu.vector_load %arg12[%get3A, %get3A_101] {strides = array<i32>} : memref<200x128xf32, #tpu.memory_space<vmem>>, vector<1x16xf32>,
          %get3A_103 = vector.shape_cast %get3A_102 : vector<1x16xf32> to vector<16xf32>
          %swap3A = arith.index_cast %scan3A_99 : i32 to index
          %swap3A_104 = arith.constant 32 : index
          %swap3A_105 = tpu.vector_load %arg11[%swap3A, %swap3A_104] {strides = array<i32>} : memref<200x128xf32, #tpu.memory_space<vmem>>, vector<1x16xf32>,
          %swap3A_106 = vector.shape_cast %swap3A_105 : vector<1x16xf32> to vector<16xf32>
          %swap3A_107 = vector.shape_cast %get3A_103 : vector<16xf32> to vector<1x16xf32>
          tpu.vector_store %arg11[%swap3A, %swap3A_104], %swap3A_107 {strides = array<i32>} : memref<200x128xf32, #tpu.memory_space<vmem>>, vector<1x16xf32>,
          %get3A_108 = arith.index_cast %scan3A_99 : i32 to index
          %get3A_109 = arith.constant 48 : index
          %get3A_110 = tpu.vector_load %arg12[%get3A_108, %get3A_109] {strides = array<i32>} : memref<200x128xf32, #tpu.memory_space<vmem>>, vector<1x16xf32>,
          %get3A_111 = vector.shape_cast %get3A_110 : vector<1x16xf32> to vector<16xf32>
          %swap3A_112 = arith.index_cast %scan3A_99 : i32 to index
          %swap3A_113 = arith.constant 48 : index
          %swap3A_114 = tpu.vector_load %arg11[%swap3A_112, %swap3A_113] {strides = array<i32>} : memref<200x128xf32, #tpu.memory_space<vmem>>, vector<1x16xf32>,
          %swap3A_115 = vector.shape_cast %swap3A_114 : vector<1x16xf32> to vector<16xf32>
          %swap3A_116 = vector.shape_cast %get3A_111 : vector<16xf32> to vector<1x16xf32>
          tpu.vector_store %arg11[%swap3A_112, %swap3A_113], %swap3A_116 {strides = array<i32>} : memref<200x128xf32, #tpu.memory_space<vmem>>, vector<1x16xf32>,
          %scan3A_117 = arith.constant 0 : i32
          scf.yield %scan3A_117 : i32
        }
        %scan3A_83 = arith.constant 200 : i32
        %mul3A_84 = arith.constant 200 : i32
        %mul3A_85 = arith.muli %add3A_56, %mul3A_84 : i32
        %add3A_86 = arith.addi %multiple_of3A, %mul3A_85 : i32
        %multiple_of3A_87 = tpu.assume_multiple %add3A_86, 8 : i32
        %dma_start3A_88 = arith.constant 0 : i32
        %dma_start3A_89 = tpu.memref_slice %arg6[%multiple_of3A_87, %dma_start3A_88] : memref<160000x128xf32, #tpu.memory_space<hbm>> -> memref<200x128xf32, #tpu.memory_space<hbm>>
        %dma_start3A_90 = arith.constant 0 : i32
        %dma_start3A_91 = tpu.memref_slice %arg6[%multiple_of3A_87, %dma_start3A_90] : memref<160000x128xf32, #tpu.memory_space<hbm>> -> memref<200x128xf32, #tpu.memory_space<hbm>>
        tpu.enqueue_dma source(%arg11 : memref<200x128xf32, #tpu.memory_space<vmem>>) target(%dma_start3A_91 : memref<200x128xf32, #tpu.memory_space<hbm>>) target_semaphore(%arg16 : memref<!tpu.dma_semaphore, #tpu.memory_space<semaphore_mem>>)
        %add3A_92 = arith.constant 2 : i32
        %add3A_93 = arith.addi %add3A_56, %add3A_92 : i32
        %lt3A_94 = arith.constant 25 : i32
        %lt3A_95 = arith.cmpi slt, %add3A_93, %lt3A_94 : i32
        %convert_element_type3A_96 = arith.extui %lt3A_95 : i1 to i32
        %cond3A_97 = arith.constant 0 : i32
        %cond3A_98 = arith.cmpi ne, %convert_element_type3A_96, %cond3A_97 : i32
        scf.if %cond3A_98 {
          %mul3A_99 = arith.constant 200 : i32
          %mul3A_100 = arith.muli %add3A_56, %mul3A_99 : i32
          %add3A_101 = arith.addi %multiple_of3A, %mul3A_100 : i32
          %multiple_of3A_102 = tpu.assume_multiple %add3A_101, 8 : i32
          %dma_wait3A_103 = arith.constant 0 : i32
          %dma_wait3A_104 = tpu.memref_slice %arg6[%multiple_of3A_102, %dma_wait3A_103] : memref<160000x128xf32, #tpu.memory_space<hbm>> -> memref<200x128xf32, #tpu.memory_space<hbm>>
          %dma_wait3A_105 = arith.constant 0 : i32
          %dma_wait3A_106 = tpu.memref_slice %arg6[%multiple_of3A_102, %dma_wait3A_105] : memref<160000x128xf32, #tpu.memory_space<hbm>> -> memref<200x128xf32, #tpu.memory_space<hbm>>
          tpu.wait_dma2 semaphore(%arg16 : memref<!tpu.dma_semaphore, #tpu.memory_space<semaphore_mem>>) src(%arg11 : memref<200x128xf32, #tpu.memory_space<vmem>>) dst(%dma_wait3A_106 : memref<200x128xf32, #tpu.memory_space<hbm>>)
          %add3A_107 = arith.constant 2 : i32
          %add3A_108 = arith.addi %add3A_56, %add3A_107 : i32
          %mul3A_109 = arith.constant 200 : i32
          %mul3A_110 = arith.muli %add3A_108, %mul3A_109 : i32
          %multiple_of3A_111 = tpu.assume_multiple %mul3A_110, 8 : i32
          %dma_start3A_112 = tpu.memref_slice %arg7[%multiple_of3A_111] : memref<5000xi32, #tpu.memory_space<vmem>> -> memref<200xi32, #tpu.memory_space<vmem>>
          %dma_start3A_113 = arith.constant 0 : i32
          %dma_start3A_114 = arith.constant 0 : i32
          %dma_start3A_115 = tpu.memref_slice %arg2[%dma_start3A_113, %dma_start3A_114] : memref<10240x128xf32, #tpu.memory_space<hbm>> -> memref<10240x128xf32, #tpu.memory_space<hbm>>
          tpu.enqueue_indirect_dma source(%dma_start3A_115 : memref<10240x128xf32, #tpu.memory_space<hbm>>) target(%arg11 : memref<200x128xf32, #tpu.memory_space<vmem>>) offsets(%dma_start3A_112 : memref<200xi32, #tpu.memory_space<vmem>>) semaphore(%arg14 : memref<!tpu.dma_semaphore, #tpu.memory_space<semaphore_mem>>)
          %mul3A_116 = arith.constant 200 : i32
          %mul3A_117 = arith.muli %add3A_108, %mul3A_116 : i32
          %multiple_of3A_118 = tpu.assume_multiple %mul3A_117, 8 : i32
          %dma_start3A_119 = tpu.memref_slice %arg8[%multiple_of3A_118] : memref<5000xi32, #tpu.memory_space<vmem>> -> memref<200xi32, #tpu.memory_space<vmem>>
          %dma_start3A_120 = arith.constant 0 : i32
          %dma_start3A_121 = arith.constant 0 : i32
          %dma_start3A_122 = tpu.memref_slice %arg3[%dma_start3A_120, %dma_start3A_121] : memref<10240x128xf32, #tpu.memory_space<hbm>> -> memref<10240x128xf32, #tpu.memory_space<hbm>>
          tpu.enqueue_indirect_dma source(%dma_start3A_122 : memref<10240x128xf32, #tpu.memory_space<hbm>>) target(%arg12 : memref<200x128xf32, #tpu.memory_space<vmem>>) offsets(%dma_start3A_119 : memref<200xi32, #tpu.memory_space<vmem>>) semaphore(%arg14 : memref<!tpu.dma_semaphore, #tpu.memory_space<semaphore_mem>>)
        } else {
        }
      } else {
      }
      %scan3A_62 = arith.constant 0 : i32
      scf.yield %scan3A_62 : i32
    }
    %scan3A_31 = arith.constant 13 : i32
    %add3A_32 = arith.constant 4800 : i32
    %add3A_33 = arith.addi %multiple_of3A, %add3A_32 : i32
    %multiple_of3A_34 = tpu.assume_multiple %add3A_33, 8 : i32
    %dma_wait3A = arith.constant 0 : i32
    %dma_wait3A_35 = tpu.memref_slice %arg6[%multiple_of3A_34, %dma_wait3A] : memref<160000x128xf32, #tpu.memory_space<hbm>> -> memref<200x128xf32, #tpu.memory_space<hbm>>
    %dma_wait3A_36 = arith.constant 0 : i32
    %dma_wait3A_37 = tpu.memref_slice %arg6[%multiple_of3A_34, %dma_wait3A_36] : memref<160000x128xf32, #tpu.memory_space<hbm>> -> memref<200x128xf32, #tpu.memory_space<hbm>>
    tpu.wait_dma2 semaphore(%arg15 : memref<!tpu.dma_semaphore, #tpu.memory_space<semaphore_mem>>) src(%arg9 : memref<200x128xf32, #tpu.memory_space<vmem>>) dst(%dma_wait3A_37 : memref<200x128xf32, #tpu.memory_space<hbm>>)
    %add3A_38 = arith.constant 4600 : i32
    %add3A_39 = arith.addi %multiple_of3A, %add3A_38 : i32
    %multiple_of3A_40 = tpu.assume_multiple %add3A_39, 8 : i32
    %dma_wait3A_41 = arith.constant 0 : i32
    %dma_wait3A_42 = tpu.memref_slice %arg6[%multiple_of3A_40, %dma_wait3A_41] : memref<160000x128xf32, #tpu.memory_space<hbm>> -> memref<200x128xf32, #tpu.memory_space<hbm>>
    %dma_wait3A_43 = arith.constant 0 : i32
    %dma_wait3A_44 = tpu.memref_slice %arg6[%multiple_of3A_40, %dma_wait3A_43] : memref<160000x128xf32, #tpu.memory_space<hbm>> -> memref<200x128xf32, #tpu.memory_space<hbm>>
    tpu.wait_dma2 semaphore(%arg16 : memref<!tpu.dma_semaphore, #tpu.memory_space<semaphore_mem>>) src(%arg11 : memref<200x128xf32, #tpu.memory_space<vmem>>) dst(%dma_wait3A_44 : memref<200x128xf32, #tpu.memory_space<hbm>>)
    return
  }
}

#map = affine_map<(d0, d1) -> (0, 0)>
#map1 = affine_map<(d0, d1) -> (0)>
#map2 = affine_map<(d0, d1) -> (0, 0, 0)>
module attributes {stable_mosaic.version = 14 : i64} {
  func.func @scatter_kernel(%arg0: i32, %arg1: i32, %arg2: memref<160000x128xf32, #tpu.memory_space<hbm>>, %arg3: memref<160000xi32, #tpu.memory_space<hbm>>, %arg4: memref<10240x128xf32, #tpu.memory_space<hbm>>, %arg5: memref<2x10240x128xf32, #tpu.memory_space<hbm>>, %arg6: memref<5000xi32, #tpu.memory_space<vmem>>, %arg7: memref<40x128xf32, #tpu.memory_space<vmem>>, %arg8: memref<40x128xf32, #tpu.memory_space<vmem>>, %arg9: memref<10240x128xf32, #tpu.memory_space<vmem_shared>>, %arg10: memref<!tpu.dma_semaphore, #tpu.memory_space<semaphore_mem>>, %arg11: memref<!tpu.dma_semaphore, #tpu.memory_space<semaphore_mem>>, %arg12: memref<!tpu.dma_semaphore, #tpu.memory_space<semaphore_mem>>, %arg13: memref<!tpu.dma_semaphore, #tpu.memory_space<semaphore_mem>>) attributes {dimension_semantics = [#tpu.dimension_semantics<core_parallel>, #tpu.dimension_semantics<subcore_parallel>], iteration_bounds = array<i64: 2, 16>, scalar_prefetch = 0 : i64, scratch_operands = 8 : i64, tpu.core_type = #tpu.core_type<sc_vector_subcore>, window_params = [{transform_indices = #map}, {transform_indices = #map1}, {transform_indices = #map}, {transform_indices = #map2}]} {
    %mul3A = arith.constant 640 : i32
    %mul3A_0 = arith.muli %arg1, %mul3A : i32
    %multiple_of3A = tpu.assume_multiple %mul3A_0, 8 : i32
    "tpu.region"() ({
      %run_scoped3A = tpu.sem_alloc : memref<!tpu.dma_semaphore, #tpu.memory_space<semaphore_mem>>
      %dma_start3A_37 = arith.constant 0 : i32
      %dma_start3A_38 = tpu.memref_slice %arg9[%multiple_of3A, %dma_start3A_37] : memref<10240x128xf32, #tpu.memory_space<vmem_shared>> -> memref<640x128xf32, #tpu.memory_space<vmem_shared>>
      %dma_start3A_39 = arith.constant 0 : i32
      %dma_start3A_40 = tpu.memref_slice %arg4[%multiple_of3A, %dma_start3A_39] : memref<10240x128xf32, #tpu.memory_space<hbm>> -> memref<640x128xf32, #tpu.memory_space<hbm>>
      tpu.enqueue_dma source(%dma_start3A_40 : memref<640x128xf32, #tpu.memory_space<hbm>>) target(%dma_start3A_38 : memref<640x128xf32, #tpu.memory_space<vmem_shared>>) target_semaphore(%run_scoped3A : memref<!tpu.dma_semaphore, #tpu.memory_space<semaphore_mem>>)
      %dma_wait3A_41 = arith.constant 0 : i32
      %dma_wait3A_42 = tpu.memref_slice %arg9[%multiple_of3A, %dma_wait3A_41] : memref<10240x128xf32, #tpu.memory_space<vmem_shared>> -> memref<640x128xf32, #tpu.memory_space<vmem_shared>>
      %dma_wait3A_43 = arith.constant 0 : i32
      %dma_wait3A_44 = tpu.memref_slice %arg4[%multiple_of3A, %dma_wait3A_43] : memref<10240x128xf32, #tpu.memory_space<hbm>> -> memref<640x128xf32, #tpu.memory_space<hbm>>
      tpu.wait_dma2 semaphore(%run_scoped3A : memref<!tpu.dma_semaphore, #tpu.memory_space<semaphore_mem>>) src(%dma_wait3A_44 : memref<640x128xf32, #tpu.memory_space<hbm>>) dst(%dma_wait3A_42 : memref<640x128xf32, #tpu.memory_space<vmem_shared>>)
      tpu.yield
    }) : () -> ()
    %mul3A_1 = arith.constant 80000 : i32
    %mul3A_2 = arith.muli %arg0, %mul3A_1 : i32
    %mul3A_3 = arith.constant 5000 : i32
    %mul3A_4 = arith.muli %arg1, %mul3A_3 : i32
    %add3A = arith.addi %mul3A_2, %mul3A_4 : i32
    %multiple_of3A_5 = tpu.assume_multiple %add3A, 8 : i32
    "tpu.region"() ({
      %run_scoped3A = tpu.sem_alloc : memref<!tpu.dma_semaphore, #tpu.memory_space<semaphore_mem>>
      %dma_start3A_37 = tpu.memref_slice %arg3[%multiple_of3A_5] : memref<160000xi32, #tpu.memory_space<hbm>> -> memref<5000xi32, #tpu.memory_space<hbm>>
      %dma_start3A_38 = tpu.memref_slice %arg3[%multiple_of3A_5] : memref<160000xi32, #tpu.memory_space<hbm>> -> memref<5000xi32, #tpu.memory_space<hbm>>
      tpu.enqueue_dma source(%dma_start3A_38 : memref<5000xi32, #tpu.memory_space<hbm>>) target(%arg6 : memref<5000xi32, #tpu.memory_space<vmem>>) target_semaphore(%run_scoped3A : memref<!tpu.dma_semaphore, #tpu.memory_space<semaphore_mem>>)
      %dma_wait3A_39 = tpu.memref_slice %arg3[%multiple_of3A_5] : memref<160000xi32, #tpu.memory_space<hbm>> -> memref<5000xi32, #tpu.memory_space<hbm>>
      %dma_wait3A_40 = tpu.memref_slice %arg3[%multiple_of3A_5] : memref<160000xi32, #tpu.memory_space<hbm>> -> memref<5000xi32, #tpu.memory_space<hbm>>
      tpu.wait_dma2 semaphore(%run_scoped3A : memref<!tpu.dma_semaphore, #tpu.memory_space<semaphore_mem>>) src(%dma_wait3A_40 : memref<5000xi32, #tpu.memory_space<hbm>>) dst(%arg6 : memref<5000xi32, #tpu.memory_space<vmem>>)
      tpu.yield
    }) : () -> ()
    %barrier3A = arith.constant 0 : index
    tpu.barrier barrier_id(%barrier3A)
    %add3A_6 = arith.constant 0 : i32
    %add3A_7 = arith.addi %multiple_of3A_5, %add3A_6 : i32
    %multiple_of3A_8 = tpu.assume_multiple %add3A_7, 8 : i32
    %dma_start3A = arith.constant 0 : i32
    %dma_start3A_9 = tpu.memref_slice %arg2[%multiple_of3A_8, %dma_start3A] : memref<160000x128xf32, #tpu.memory_space<hbm>> -> memref<40x128xf32, #tpu.memory_space<hbm>>
    %dma_start3A_10 = arith.constant 0 : i32
    %dma_start3A_11 = tpu.memref_slice %arg2[%multiple_of3A_8, %dma_start3A_10] : memref<160000x128xf32, #tpu.memory_space<hbm>> -> memref<40x128xf32, #tpu.memory_space<hbm>>
    tpu.enqueue_dma source(%dma_start3A_11 : memref<40x128xf32, #tpu.memory_space<hbm>>) target(%arg7 : memref<40x128xf32, #tpu.memory_space<vmem>>) target_semaphore(%arg10 : memref<!tpu.dma_semaphore, #tpu.memory_space<semaphore_mem>>)
    %add3A_12 = arith.constant 40 : i32
    %add3A_13 = arith.addi %multiple_of3A_5, %add3A_12 : i32
    %multiple_of3A_14 = tpu.assume_multiple %add3A_13, 8 : i32
    %dma_start3A_15 = arith.constant 0 : i32
    %dma_start3A_16 = tpu.memref_slice %arg2[%multiple_of3A_14, %dma_start3A_15] : memref<160000x128xf32, #tpu.memory_space<hbm>> -> memref<40x128xf32, #tpu.memory_space<hbm>>
    %dma_start3A_17 = arith.constant 0 : i32
    %dma_start3A_18 = tpu.memref_slice %arg2[%multiple_of3A_14, %dma_start3A_17] : memref<160000x128xf32, #tpu.memory_space<hbm>> -> memref<40x128xf32, #tpu.memory_space<hbm>>
    tpu.enqueue_dma source(%dma_start3A_18 : memref<40x128xf32, #tpu.memory_space<hbm>>) target(%arg8 : memref<40x128xf32, #tpu.memory_space<vmem>>) target_semaphore(%arg11 : memref<!tpu.dma_semaphore, #tpu.memory_space<semaphore_mem>>)
    %scan3A = arith.constant 0 : i32
    %scan3A_19 = arith.constant 0 : i32
    %scan3A_20 = arith.constant 63 : i32
    %scan3A_21 = arith.addi %scan3A_19, %scan3A_20 : i32
    %scan3A_22 = arith.constant 1 : i32
    %scan3A_23 = scf.for %scan3A_37 = %scan3A_19 to %scan3A_21 step %scan3A_22 iter_args(%scan3A_38 = %scan3A) -> (i32)  : i32 {
      %mul3A_39 = arith.constant 2 : i32
      %mul3A_40 = arith.muli %scan3A_37, %mul3A_39 : i32
      %add3A_41 = arith.constant 0 : i32
      %add3A_42 = arith.addi %mul3A_40, %add3A_41 : i32
      %lt3A = arith.constant 125 : i32
      %lt3A_43 = arith.cmpi slt, %add3A_42, %lt3A : i32
      %convert_element_type3A = arith.extui %lt3A_43 : i1 to i32
      %cond3A = arith.constant 0 : i32
      %cond3A_44 = arith.cmpi ne, %convert_element_type3A, %cond3A : i32
      scf.if %cond3A_44 {
        %mul3A_55 = arith.constant 40 : i32
        %mul3A_56 = arith.muli %add3A_42, %mul3A_55 : i32
        %add3A_57 = arith.addi %multiple_of3A_5, %mul3A_56 : i32
        %multiple_of3A_58 = tpu.assume_multiple %add3A_57, 8 : i32
        %dma_wait3A_59 = arith.constant 0 : i32
        %dma_wait3A_60 = tpu.memref_slice %arg2[%multiple_of3A_58, %dma_wait3A_59] : memref<160000x128xf32, #tpu.memory_space<hbm>> -> memref<40x128xf32, #tpu.memory_space<hbm>>
        %dma_wait3A_61 = arith.constant 0 : i32
        %dma_wait3A_62 = tpu.memref_slice %arg2[%multiple_of3A_58, %dma_wait3A_61] : memref<160000x128xf32, #tpu.memory_space<hbm>> -> memref<40x128xf32, #tpu.memory_space<hbm>>
        tpu.wait_dma2 semaphore(%arg10 : memref<!tpu.dma_semaphore, #tpu.memory_space<semaphore_mem>>) src(%dma_wait3A_62 : memref<40x128xf32, #tpu.memory_space<hbm>>) dst(%arg7 : memref<40x128xf32, #tpu.memory_space<vmem>>)
        %mul3A_63 = arith.constant 40 : i32
        %mul3A_64 = arith.muli %add3A_42, %mul3A_63 : i32
        %multiple_of3A_65 = tpu.assume_multiple %mul3A_64, 8 : i32
        %dma_start3A_66 = tpu.memref_slice %arg6[%multiple_of3A_65] : memref<5000xi32, #tpu.memory_space<vmem>> -> memref<40xi32, #tpu.memory_space<vmem>>
        %dma_start3A_67 = arith.constant 0 : i32
        %dma_start3A_68 = arith.constant 0 : i32
        %dma_start3A_69 = tpu.memref_slice %arg9[%dma_start3A_67, %dma_start3A_68] : memref<10240x128xf32, #tpu.memory_space<vmem_shared>> -> memref<10240x128xf32, #tpu.memory_space<vmem_shared>>
        tpu.enqueue_indirect_dma source(%arg7 : memref<40x128xf32, #tpu.memory_space<vmem>>) target(%dma_start3A_69 : memref<10240x128xf32, #tpu.memory_space<vmem_shared>>) offsets(%dma_start3A_66 : memref<40xi32, #tpu.memory_space<vmem>>) semaphore(%arg12 : memref<!tpu.dma_semaphore, #tpu.memory_space<semaphore_mem>>) {add = true}
        %add3A_70 = arith.constant 2 : i32
        %add3A_71 = arith.addi %add3A_42, %add3A_70 : i32
        %lt3A_72 = arith.constant 125 : i32
        %lt3A_73 = arith.cmpi slt, %add3A_71, %lt3A_72 : i32
        %convert_element_type3A_74 = arith.extui %lt3A_73 : i1 to i32
        %cond3A_75 = arith.constant 0 : i32
        %cond3A_76 = arith.cmpi ne, %convert_element_type3A_74, %cond3A_75 : i32
        scf.if %cond3A_76 {
          %mul3A_77 = arith.constant 40 : i32
          %mul3A_78 = arith.muli %add3A_42, %mul3A_77 : i32
          %multiple_of3A_79 = tpu.assume_multiple %mul3A_78, 8 : i32
          %dma_wait3A_80 = tpu.memref_slice %arg6[%multiple_of3A_79] : memref<5000xi32, #tpu.memory_space<vmem>> -> memref<40xi32, #tpu.memory_space<vmem>>
          %dma_wait3A_81 = arith.constant 0 : i32
          %dma_wait3A_82 = arith.constant 0 : i32
          %dma_wait3A_83 = tpu.memref_slice %arg9[%dma_wait3A_81, %dma_wait3A_82] : memref<10240x128xf32, #tpu.memory_space<vmem_shared>> -> memref<10240x128xf32, #tpu.memory_space<vmem_shared>>
          tpu.wait_indirect_dma semaphore(%arg12 : memref<!tpu.dma_semaphore, #tpu.memory_space<semaphore_mem>>) src(%arg7 : memref<40x128xf32, #tpu.memory_space<vmem>>) dst(%dma_wait3A_83 : memref<10240x128xf32, #tpu.memory_space<vmem_shared>>)
          %add3A_84 = arith.constant 2 : i32
          %add3A_85 = arith.addi %add3A_42, %add3A_84 : i32
          %mul3A_86 = arith.constant 40 : i32
          %mul3A_87 = arith.muli %add3A_85, %mul3A_86 : i32
          %add3A_88 = arith.addi %multiple_of3A_5, %mul3A_87 : i32
          %multiple_of3A_89 = tpu.assume_multiple %add3A_88, 8 : i32
          %dma_start3A_90 = arith.constant 0 : i32
          %dma_start3A_91 = tpu.memref_slice %arg2[%multiple_of3A_89, %dma_start3A_90] : memref<160000x128xf32, #tpu.memory_space<hbm>> -> memref<40x128xf32, #tpu.memory_space<hbm>>
          %dma_start3A_92 = arith.constant 0 : i32
          %dma_start3A_93 = tpu.memref_slice %arg2[%multiple_of3A_89, %dma_start3A_92] : memref<160000x128xf32, #tpu.memory_space<hbm>> -> memref<40x128xf32, #tpu.memory_space<hbm>>
          tpu.enqueue_dma source(%dma_start3A_93 : memref<40x128xf32, #tpu.memory_space<hbm>>) target(%arg7 : memref<40x128xf32, #tpu.memory_space<vmem>>) target_semaphore(%arg10 : memref<!tpu.dma_semaphore, #tpu.memory_space<semaphore_mem>>)
        } else {
        }
      } else {
      }
      %mul3A_45 = arith.constant 2 : i32
      %mul3A_46 = arith.muli %scan3A_37, %mul3A_45 : i32
      %add3A_47 = arith.constant 1 : i32
      %add3A_48 = arith.addi %mul3A_46, %add3A_47 : i32
      %lt3A_49 = arith.constant 125 : i32
      %lt3A_50 = arith.cmpi slt, %add3A_48, %lt3A_49 : i32
      %convert_element_type3A_51 = arith.extui %lt3A_50 : i1 to i32
      %cond3A_52 = arith.constant 0 : i32
      %cond3A_53 = arith.cmpi ne, %convert_element_type3A_51, %cond3A_52 : i32
      scf.if %cond3A_53 {
        %mul3A_55 = arith.constant 40 : i32
        %mul3A_56 = arith.muli %add3A_48, %mul3A_55 : i32
        %add3A_57 = arith.addi %multiple_of3A_5, %mul3A_56 : i32
        %multiple_of3A_58 = tpu.assume_multiple %add3A_57, 8 : i32
        %dma_wait3A_59 = arith.constant 0 : i32
        %dma_wait3A_60 = tpu.memref_slice %arg2[%multiple_of3A_58, %dma_wait3A_59] : memref<160000x128xf32, #tpu.memory_space<hbm>> -> memref<40x128xf32, #tpu.memory_space<hbm>>
        %dma_wait3A_61 = arith.constant 0 : i32
        %dma_wait3A_62 = tpu.memref_slice %arg2[%multiple_of3A_58, %dma_wait3A_61] : memref<160000x128xf32, #tpu.memory_space<hbm>> -> memref<40x128xf32, #tpu.memory_space<hbm>>
        tpu.wait_dma2 semaphore(%arg11 : memref<!tpu.dma_semaphore, #tpu.memory_space<semaphore_mem>>) src(%dma_wait3A_62 : memref<40x128xf32, #tpu.memory_space<hbm>>) dst(%arg8 : memref<40x128xf32, #tpu.memory_space<vmem>>)
        %mul3A_63 = arith.constant 40 : i32
        %mul3A_64 = arith.muli %add3A_48, %mul3A_63 : i32
        %multiple_of3A_65 = tpu.assume_multiple %mul3A_64, 8 : i32
        %dma_start3A_66 = tpu.memref_slice %arg6[%multiple_of3A_65] : memref<5000xi32, #tpu.memory_space<vmem>> -> memref<40xi32, #tpu.memory_space<vmem>>
        %dma_start3A_67 = arith.constant 0 : i32
        %dma_start3A_68 = arith.constant 0 : i32
        %dma_start3A_69 = tpu.memref_slice %arg9[%dma_start3A_67, %dma_start3A_68] : memref<10240x128xf32, #tpu.memory_space<vmem_shared>> -> memref<10240x128xf32, #tpu.memory_space<vmem_shared>>
        tpu.enqueue_indirect_dma source(%arg8 : memref<40x128xf32, #tpu.memory_space<vmem>>) target(%dma_start3A_69 : memref<10240x128xf32, #tpu.memory_space<vmem_shared>>) offsets(%dma_start3A_66 : memref<40xi32, #tpu.memory_space<vmem>>) semaphore(%arg13 : memref<!tpu.dma_semaphore, #tpu.memory_space<semaphore_mem>>) {add = true}
        %add3A_70 = arith.constant 2 : i32
        %add3A_71 = arith.addi %add3A_48, %add3A_70 : i32
        %lt3A_72 = arith.constant 125 : i32
        %lt3A_73 = arith.cmpi slt, %add3A_71, %lt3A_72 : i32
        %convert_element_type3A_74 = arith.extui %lt3A_73 : i1 to i32
        %cond3A_75 = arith.constant 0 : i32
        %cond3A_76 = arith.cmpi ne, %convert_element_type3A_74, %cond3A_75 : i32
        scf.if %cond3A_76 {
          %mul3A_77 = arith.constant 40 : i32
          %mul3A_78 = arith.muli %add3A_48, %mul3A_77 : i32
          %multiple_of3A_79 = tpu.assume_multiple %mul3A_78, 8 : i32
          %dma_wait3A_80 = tpu.memref_slice %arg6[%multiple_of3A_79] : memref<5000xi32, #tpu.memory_space<vmem>> -> memref<40xi32, #tpu.memory_space<vmem>>
          %dma_wait3A_81 = arith.constant 0 : i32
          %dma_wait3A_82 = arith.constant 0 : i32
          %dma_wait3A_83 = tpu.memref_slice %arg9[%dma_wait3A_81, %dma_wait3A_82] : memref<10240x128xf32, #tpu.memory_space<vmem_shared>> -> memref<10240x128xf32, #tpu.memory_space<vmem_shared>>
          tpu.wait_indirect_dma semaphore(%arg13 : memref<!tpu.dma_semaphore, #tpu.memory_space<semaphore_mem>>) src(%arg8 : memref<40x128xf32, #tpu.memory_space<vmem>>) dst(%dma_wait3A_83 : memref<10240x128xf32, #tpu.memory_space<vmem_shared>>)
          %add3A_84 = arith.constant 2 : i32
          %add3A_85 = arith.addi %add3A_48, %add3A_84 : i32
          %mul3A_86 = arith.constant 40 : i32
          %mul3A_87 = arith.muli %add3A_85, %mul3A_86 : i32
          %add3A_88 = arith.addi %multiple_of3A_5, %mul3A_87 : i32
          %multiple_of3A_89 = tpu.assume_multiple %add3A_88, 8 : i32
          %dma_start3A_90 = arith.constant 0 : i32
          %dma_start3A_91 = tpu.memref_slice %arg2[%multiple_of3A_89, %dma_start3A_90] : memref<160000x128xf32, #tpu.memory_space<hbm>> -> memref<40x128xf32, #tpu.memory_space<hbm>>
          %dma_start3A_92 = arith.constant 0 : i32
          %dma_start3A_93 = tpu.memref_slice %arg2[%multiple_of3A_89, %dma_start3A_92] : memref<160000x128xf32, #tpu.memory_space<hbm>> -> memref<40x128xf32, #tpu.memory_space<hbm>>
          tpu.enqueue_dma source(%dma_start3A_93 : memref<40x128xf32, #tpu.memory_space<hbm>>) target(%arg8 : memref<40x128xf32, #tpu.memory_space<vmem>>) target_semaphore(%arg11 : memref<!tpu.dma_semaphore, #tpu.memory_space<semaphore_mem>>)
        } else {
        }
      } else {
      }
      %scan3A_54 = arith.constant 0 : i32
      scf.yield %scan3A_54 : i32
    }
    %scan3A_24 = arith.constant 63 : i32
    %multiple_of3A_25 = arith.constant 4960 : i32
    %multiple_of3A_26 = tpu.assume_multiple %multiple_of3A_25, 8 : i32
    %dma_wait3A = tpu.memref_slice %arg6[%multiple_of3A_26] : memref<5000xi32, #tpu.memory_space<vmem>> -> memref<40xi32, #tpu.memory_space<vmem>>
    %dma_wait3A_27 = arith.constant 0 : i32
    %dma_wait3A_28 = arith.constant 0 : i32
    %dma_wait3A_29 = tpu.memref_slice %arg9[%dma_wait3A_27, %dma_wait3A_28] : memref<10240x128xf32, #tpu.memory_space<vmem_shared>> -> memref<10240x128xf32, #tpu.memory_space<vmem_shared>>
    tpu.wait_indirect_dma semaphore(%arg12 : memref<!tpu.dma_semaphore, #tpu.memory_space<semaphore_mem>>) src(%arg7 : memref<40x128xf32, #tpu.memory_space<vmem>>) dst(%dma_wait3A_29 : memref<10240x128xf32, #tpu.memory_space<vmem_shared>>)
    %multiple_of3A_30 = arith.constant 4920 : i32
    %multiple_of3A_31 = tpu.assume_multiple %multiple_of3A_30, 8 : i32
    %dma_wait3A_32 = tpu.memref_slice %arg6[%multiple_of3A_31] : memref<5000xi32, #tpu.memory_space<vmem>> -> memref<40xi32, #tpu.memory_space<vmem>>
    %dma_wait3A_33 = arith.constant 0 : i32
    %dma_wait3A_34 = arith.constant 0 : i32
    %dma_wait3A_35 = tpu.memref_slice %arg9[%dma_wait3A_33, %dma_wait3A_34] : memref<10240x128xf32, #tpu.memory_space<vmem_shared>> -> memref<10240x128xf32, #tpu.memory_space<vmem_shared>>
    tpu.wait_indirect_dma semaphore(%arg13 : memref<!tpu.dma_semaphore, #tpu.memory_space<semaphore_mem>>) src(%arg8 : memref<40x128xf32, #tpu.memory_space<vmem>>) dst(%dma_wait3A_35 : memref<10240x128xf32, #tpu.memory_space<vmem_shared>>)
    %barrier3A_36 = arith.constant 0 : index
    tpu.barrier barrier_id(%barrier3A_36)
    "tpu.region"() ({
      %run_scoped3A = tpu.sem_alloc : memref<!tpu.dma_semaphore, #tpu.memory_space<semaphore_mem>>
      %dma_start3A_37 = arith.constant 0 : i32
      %dma_start3A_38 = arith.constant 0 : i32
      %dma_start3A_39 = tpu.memref_slice %arg5[%arg0, %dma_start3A_37, %dma_start3A_38] : memref<2x10240x128xf32, #tpu.memory_space<hbm>> -> memref<1x10240x128xf32, #tpu.memory_space<hbm>>
      %dma_start3A_40 = tpu.memref_squeeze %dma_start3A_39 : memref<1x10240x128xf32, #tpu.memory_space<hbm>> -> memref<10240x128xf32, #tpu.memory_space<hbm>>
      %dma_start3A_41 = arith.constant 0 : i32
      %dma_start3A_42 = tpu.memref_slice %dma_start3A_40[%multiple_of3A, %dma_start3A_41] : memref<10240x128xf32, #tpu.memory_space<hbm>> -> memref<640x128xf32, #tpu.memory_space<hbm>>
      %dma_start3A_43 = arith.constant 0 : i32
      %dma_start3A_44 = tpu.memref_slice %arg9[%multiple_of3A, %dma_start3A_43] : memref<10240x128xf32, #tpu.memory_space<vmem_shared>> -> memref<640x128xf32, #tpu.memory_space<vmem_shared>>
      tpu.enqueue_dma source(%dma_start3A_44 : memref<640x128xf32, #tpu.memory_space<vmem_shared>>) target(%dma_start3A_42 : memref<640x128xf32, #tpu.memory_space<hbm>>) target_semaphore(%run_scoped3A : memref<!tpu.dma_semaphore, #tpu.memory_space<semaphore_mem>>)
      %dma_wait3A_45 = arith.constant 0 : i32
      %dma_wait3A_46 = arith.constant 0 : i32
      %dma_wait3A_47 = tpu.memref_slice %arg5[%arg0, %dma_wait3A_45, %dma_wait3A_46] : memref<2x10240x128xf32, #tpu.memory_space<hbm>> -> memref<1x10240x128xf32, #tpu.memory_space<hbm>>
      %dma_wait3A_48 = tpu.memref_squeeze %dma_wait3A_47 : memref<1x10240x128xf32, #tpu.memory_space<hbm>> -> memref<10240x128xf32, #tpu.memory_space<hbm>>
      %dma_wait3A_49 = arith.constant 0 : i32
      %dma_wait3A_50 = tpu.memref_slice %dma_wait3A_48[%multiple_of3A, %dma_wait3A_49] : memref<10240x128xf32, #tpu.memory_space<hbm>> -> memref<640x128xf32, #tpu.memory_space<hbm>>
      %dma_wait3A_51 = arith.constant 0 : i32
      %dma_wait3A_52 = tpu.memref_slice %arg9[%multiple_of3A, %dma_wait3A_51] : memref<10240x128xf32, #tpu.memory_space<vmem_shared>> -> memref<640x128xf32, #tpu.memory_space<vmem_shared>>
      tpu.wait_dma2 semaphore(%run_scoped3A : memref<!tpu.dma_semaphore, #tpu.memory_space<semaphore_mem>>) src(%dma_wait3A_52 : memref<640x128xf32, #tpu.memory_space<vmem_shared>>) dst(%dma_wait3A_50 : memref<640x128xf32, #tpu.memory_space<hbm>>)
      tpu.yield
    }) : () -> ()
    return
  }
}

module attributes {stable_mosaic.version = 14 : i64} {
  func.func @_tables_body(%arg0: i32, %arg1: memref<2000x128xf32, #tpu.memory_space<vmem>>, %arg2: memref<128x128xf32, #tpu.memory_space<vmem>>, %arg3: memref<128x128xf32, #tpu.memory_space<vmem>>, %arg4: memref<128x128xf32, #tpu.memory_space<vmem>>, %arg5: memref<2000x128xf32, #tpu.memory_space<vmem>>, %arg6: memref<2000x128xf32, #tpu.memory_space<vmem>>, %arg7: memref<2000x128xf32, #tpu.memory_space<vmem>>) attributes {dimension_semantics = [#tpu.dimension_semantics<arbitrary>], iteration_bounds = array<i64: 5>, scalar_prefetch = 0 : i64, scratch_operands = 0 : i64, tpu.core_type = #tpu.core_type<tc>, window_params = [{transform_indices = @transform_0, window_bounds = array<i64: 2000, 128>}, {pipeline_mode = #tpu.pipeline_mode<synchronous>, transform_indices = @transform_1, window_bounds = array<i64: 128, 128>}, {pipeline_mode = #tpu.pipeline_mode<synchronous>, transform_indices = @transform_2, window_bounds = array<i64: 128, 128>}, {pipeline_mode = #tpu.pipeline_mode<synchronous>, transform_indices = @transform_3, window_bounds = array<i64: 128, 128>}, {transform_indices = @transform_4, window_bounds = array<i64: 2000, 128>}, {transform_indices = @transform_5, window_bounds = array<i64: 2000, 128>}, {transform_indices = @transform_6, window_bounds = array<i64: 2000, 128>}]} {
    %get3A = arith.constant 0 : index
    %get3A_0 = arith.constant 0 : index
    %get3A_1 = vector.load %arg1[%get3A, %get3A_0] : memref<2000x128xf32, #tpu.memory_space<vmem>>, vector<2000x128xf32>
    %get3A_2 = arith.constant 0 : index
    %get3A_3 = arith.constant 0 : index
    %get3A_4 = vector.load %arg2[%get3A_2, %get3A_3] : memref<128x128xf32, #tpu.memory_space<vmem>>, vector<128x128xf32>
    %dot_general3A = arith.constant dense<0.000000e+00> : vector<2000x128xf32>
    %dot_general3A_5 = tpu.matmul %get3A_1, %get3A_4, %dot_general3A {dimension_numbers = #tpu.dot_dimension_numbers<[1], [0], [0], [1], [0, 0, 1, 1], [], []>, transpose_lhs_hint = false} : vector<2000x128xf32>, vector<128x128xf32>, vector<2000x128xf32> -> vector<2000x128xf32>
    %swap3A = arith.constant 0 : index
    %swap3A_6 = arith.constant 0 : index
    %swap3A_7 = vector.load %arg5[%swap3A, %swap3A_6] : memref<2000x128xf32, #tpu.memory_space<vmem>>, vector<2000x128xf32>
    tpu.vector_store %arg5[%swap3A, %swap3A_6], %dot_general3A_5 {strides = array<i32>} : memref<2000x128xf32, #tpu.memory_space<vmem>>, vector<2000x128xf32>,
    %get3A_8 = arith.constant 0 : index
    %get3A_9 = arith.constant 0 : index
    %get3A_10 = vector.load %arg3[%get3A_8, %get3A_9] : memref<128x128xf32, #tpu.memory_space<vmem>>, vector<128x128xf32>
    %dot_general3A_11 = arith.constant dense<0.000000e+00> : vector<2000x128xf32>
    %dot_general3A_12 = tpu.matmul %get3A_1, %get3A_10, %dot_general3A_11 {dimension_numbers = #tpu.dot_dimension_numbers<[1], [0], [0], [1], [0, 0, 1, 1], [], []>, transpose_lhs_hint = false} : vector<2000x128xf32>, vector<128x128xf32>, vector<2000x128xf32> -> vector<2000x128xf32>
    %swap3A_13 = arith.constant 0 : index
    %swap3A_14 = arith.constant 0 : index
    %swap3A_15 = vector.load %arg6[%swap3A_13, %swap3A_14] : memref<2000x128xf32, #tpu.memory_space<vmem>>, vector<2000x128xf32>
    tpu.vector_store %arg6[%swap3A_13, %swap3A_14], %dot_general3A_12 {strides = array<i32>} : memref<2000x128xf32, #tpu.memory_space<vmem>>, vector<2000x128xf32>,
    %get3A_16 = arith.constant 0 : index
    %get3A_17 = arith.constant 0 : index
    %get3A_18 = vector.load %arg4[%get3A_16, %get3A_17] : memref<128x128xf32, #tpu.memory_space<vmem>>, vector<128x128xf32>
    %dot_general3A_19 = arith.constant dense<0.000000e+00> : vector<2000x128xf32>
    %dot_general3A_20 = tpu.matmul %get3A_1, %get3A_18, %dot_general3A_19 {dimension_numbers = #tpu.dot_dimension_numbers<[1], [0], [0], [1], [0, 0, 1, 1], [], []>, transpose_lhs_hint = false} : vector<2000x128xf32>, vector<128x128xf32>, vector<2000x128xf32> -> vector<2000x128xf32>
    %swap3A_21 = arith.constant 0 : index
    %swap3A_22 = arith.constant 0 : index
    %swap3A_23 = vector.load %arg7[%swap3A_21, %swap3A_22] : memref<2000x128xf32, #tpu.memory_space<vmem>>, vector<2000x128xf32>
    tpu.vector_store %arg7[%swap3A_21, %swap3A_22], %dot_general3A_20 {strides = array<i32>} : memref<2000x128xf32, #tpu.memory_space<vmem>>, vector<2000x128xf32>,
    return
  }
  func.func @transform_0(%arg0: i32) -> (i32, i32) {
    %c0_i32 = arith.constant 0 : i32
    %c0_i32_0 = arith.constant 0 : i32
    return %arg0, %c0_i32 : i32, i32
  }
  func.func @transform_1(%arg0: i32) -> (i32, i32) {
    %c0_i32 = arith.constant 0 : i32
    %c0_i32_0 = arith.constant 0 : i32
    %c0_i32_1 = arith.constant 0 : i32
    return %c0_i32, %c0_i32_0 : i32, i32
  }
  func.func @transform_2(%arg0: i32) -> (i32, i32) {
    %c0_i32 = arith.constant 0 : i32
    %c0_i32_0 = arith.constant 0 : i32
    %c0_i32_1 = arith.constant 0 : i32
    return %c0_i32, %c0_i32_0 : i32, i32
  }
  func.func @transform_3(%arg0: i32) -> (i32, i32) {
    %c0_i32 = arith.constant 0 : i32
    %c0_i32_0 = arith.constant 0 : i32
    %c0_i32_1 = arith.constant 0 : i32
    return %c0_i32, %c0_i32_0 : i32, i32
  }
  func.func @transform_4(%arg0: i32) -> (i32, i32) {
    %c0_i32 = arith.constant 0 : i32
    %c0_i32_0 = arith.constant 0 : i32
    return %arg0, %c0_i32 : i32, i32
  }
  func.func @transform_5(%arg0: i32) -> (i32, i32) {
    %c0_i32 = arith.constant 0 : i32
    %c0_i32_0 = arith.constant 0 : i32
    return %arg0, %c0_i32 : i32, i32
  }
  func.func @transform_6(%arg0: i32) -> (i32, i32) {
    %c0_i32 = arith.constant 0 : i32
    %c0_i32_0 = arith.constant 0 : i32
    return %arg0, %c0_i32 : i32, i32
  }
}

module attributes {stable_mosaic.version = 14 : i64} {
  func.func @_cond_body(%arg0: i32, %arg1: memref<1250x128xi32, #tpu.memory_space<vmem>>, %arg2: memref<1250x128xi32, #tpu.memory_space<vmem>>, %arg3: memref<1250x128xi32, #tpu.memory_space<vmem>>, %arg4: memref<1250x128xi32, #tpu.memory_space<vmem>>, %arg5: memref<1250x128xf32, #tpu.memory_space<vmem>>, %arg6: memref<1250x128xf32, #tpu.memory_space<vmem>>, %arg7: memref<1250x128xf32, #tpu.memory_space<vmem>>, %arg8: memref<1250x128xf32, #tpu.memory_space<vmem>>, %arg9: memref<1250x128xf32, #tpu.memory_space<vmem>>, %arg10: memref<1250x128xf32, #tpu.memory_space<vmem>>, %arg11: memref<1x16xf32, #tpu.memory_space<smem>>, %arg12: memref<1x16xf32, #tpu.memory_space<smem>>, %arg13: memref<1x16xf32, #tpu.memory_space<smem>>, %arg14: memref<1x16xf32, #tpu.memory_space<smem>>, %arg15: memref<1250x128xf32, #tpu.memory_space<vmem>>, %arg16: memref<16x1250x128xf32, #tpu.memory_space<vmem>>) attributes {dimension_semantics = [#tpu.dimension_semantics<arbitrary>], iteration_bounds = array<i64: 1>, scalar_prefetch = 0 : i64, scratch_operands = 0 : i64, tpu.core_type = #tpu.core_type<tc>, window_params = [{pipeline_mode = #tpu.pipeline_mode<synchronous>, transform_indices = @transform_0, window_bounds = array<i64: 1250, 128>}, {pipeline_mode = #tpu.pipeline_mode<synchronous>, transform_indices = @transform_1, window_bounds = array<i64: 1250, 128>}, {pipeline_mode = #tpu.pipeline_mode<synchronous>, transform_indices = @transform_2, window_bounds = array<i64: 1250, 128>}, {pipeline_mode = #tpu.pipeline_mode<synchronous>, transform_indices = @transform_3, window_bounds = array<i64: 1250, 128>}, {pipeline_mode = #tpu.pipeline_mode<synchronous>, transform_indices = @transform_4, window_bounds = array<i64: 1250, 128>}, {pipeline_mode = #tpu.pipeline_mode<synchronous>, transform_indices = @transform_5, window_bounds = array<i64: 1250, 128>}, {pipeline_mode = #tpu.pipeline_mode<synchronous>, transform_indices = @transform_6, window_bounds = array<i64: 1250, 128>}, {pipeline_mode = #tpu.pipeline_mode<synchronous>, transform_indices = @transform_7, window_bounds = array<i64: 1250, 128>}, {pipeline_mode = #tpu.pipeline_mode<synchronous>, transform_indices = @transform_8, window_bounds = array<i64: 1250, 128>}, {pipeline_mode = #tpu.pipeline_mode<synchronous>, transform_indices = @transform_9, window_bounds = array<i64: 1250, 128>}, {transform_indices = @transform_10, window_bounds = array<i64: 1, 16>}, {transform_indices = @transform_11, window_bounds = array<i64: 1, 16>}, {transform_indices = @transform_12, window_bounds = array<i64: 1, 16>}, {transform_indices = @transform_13, window_bounds = array<i64: 1, 16>}, {pipeline_mode = #tpu.pipeline_mode<synchronous>, transform_indices = @transform_14, window_bounds = array<i64: 1250, 128>}, {pipeline_mode = #tpu.pipeline_mode<synchronous>, transform_indices = @transform_15, window_bounds = array<i64: 16, 1250, 128>}]} {
    %get3A = arith.constant 0 : index
    %get3A_0 = arith.constant 0 : index
    %get3A_1 = vector.load %arg1[%get3A, %get3A_0] : memref<1250x128xi32, #tpu.memory_space<vmem>>, vector<1250x128xi32>
    %get3A_2 = arith.constant 0 : index
    %get3A_3 = arith.constant 0 : index
    %get3A_4 = vector.load %arg2[%get3A_2, %get3A_3] : memref<1250x128xi32, #tpu.memory_space<vmem>>, vector<1250x128xi32>
    %get3A_5 = arith.constant 0 : index
    %get3A_6 = arith.constant 0 : index
    %get3A_7 = vector.load %arg3[%get3A_5, %get3A_6] : memref<1250x128xi32, #tpu.memory_space<vmem>>, vector<1250x128xi32>
    %get3A_8 = arith.constant 0 : index
    %get3A_9 = arith.constant 0 : index
    %get3A_10 = vector.load %arg4[%get3A_8, %get3A_9] : memref<1250x128xi32, #tpu.memory_space<vmem>>, vector<1250x128xi32>
    %eq3A = arith.cmpi eq, %get3A_1, %get3A_4 : vector<1250x128xi32>
    %ne3A = arith.cmpi ne, %get3A_1, %get3A_7 : vector<1250x128xi32>
    %and3A = arith.andi %eq3A, %ne3A : vector<1250x128xi1>
    %ne3A_11 = arith.cmpi ne, %get3A_4, %get3A_10 : vector<1250x128xi32>
    %and3A_12 = arith.andi %and3A, %ne3A_11 : vector<1250x128xi1>
    %iota3A = tpu.iota {dimensions = array<i32: 0>} : vector<1250x128xi32>
    %mul3A = arith.constant 128 : i32
    %mul3A_13 = vector.broadcast %mul3A : i32 to vector<1250x128xi32>
    %mul3A_14 = arith.muli %iota3A, %mul3A_13 : vector<1250x128xi32>
    %iota3A_15 = tpu.iota {dimensions = array<i32: 1>} : vector<1250x128xi32>
    %add3A = arith.addi %mul3A_14, %iota3A_15 : vector<1250x128xi32>
    %jit3A = arith.constant -1 : i32
    %broadcast_in_dim3A = vector.broadcast %jit3A : i32 to vector<1250x128xi32>
    %select_n3A = arith.select %and3A_12, %add3A, %broadcast_in_dim3A : vector<1250x128xi1>, vector<1250x128xi32>
    %reduce_max3A = vector.shape_cast %select_n3A : vector<1250x128xi32> to vector<1x1250x128xi32>
    %reduce_max3A_16 = arith.constant dense<-2147483648> : vector<1xi32>
    %reduce_max3A_17 = vector.multi_reduction <maxsi>, %reduce_max3A, %reduce_max3A_16 [1, 2] : vector<1x1250x128xi32> to vector<1xi32>
    %reduce_max3A_18 = vector.shape_cast %reduce_max3A_17 : vector<1xi32> to vector<1x1x1xi32>
    %reduce_max3A_19 = vector.extract %reduce_max3A_18[0, 0, 0] : i32 from vector<1x1x1xi32>
    %ne3A_20 = vector.broadcast %reduce_max3A_19 : i32 to vector<1250x128xi32>
    %ne3A_21 = arith.cmpi ne, %add3A, %ne3A_20 : vector<1250x128xi32>
    %and3A_22 = arith.andi %and3A_12, %ne3A_21 : vector<1250x128xi1>
    %convert_element_type3A = arith.extui %and3A_22 : vector<1250x128xi1> to vector<1250x128xi32>
    %convert_element_type3A_23 = arith.sitofp %convert_element_type3A : vector<1250x128xi32> to vector<1250x128xf32>
    %swap3A = arith.constant 0 : index
    %swap3A_24 = arith.constant 0 : index
    %swap3A_25 = vector.load %arg15[%swap3A, %swap3A_24] : memref<1250x128xf32, #tpu.memory_space<vmem>>, vector<1250x128xf32>
    tpu.vector_store %arg15[%swap3A, %swap3A_24], %convert_element_type3A_23 {strides = array<i32>} : memref<1250x128xf32, #tpu.memory_space<vmem>>, vector<1250x128xf32>,
    %slice3A = vector.extract_strided_slice %convert_element_type3A_23 {offsets = [0, 0], sizes = [1250, 1], strides = [1, 1]} : vector<1250x128xf32> to vector<1250x1xf32>
    %slice3A_26 = vector.extract_strided_slice %slice3A {offsets = [1, 0], sizes = [1249, 1], strides = [1, 1]} : vector<1250x1xf32> to vector<1249x1xf32>
    %broadcast_in_dim3A_27 = arith.constant 0.000000e+00 : f32
    %broadcast_in_dim3A_28 = vector.broadcast %broadcast_in_dim3A_27 : f32 to vector<1x1xf32>
    %concatenate3A = tpu.concatenate %slice3A_26, %broadcast_in_dim3A_28 in 0 : vector<1249x1xf32>, vector<1x1xf32> -> vector<1250x1xf32>
    %slice3A_29 = vector.extract_strided_slice %convert_element_type3A_23 {offsets = [0, 1], sizes = [1250, 127], strides = [1, 1]} : vector<1250x128xf32> to vector<1250x127xf32>
    %concatenate3A_30 = tpu.concatenate %slice3A_29, %concatenate3A in 1 : vector<1250x127xf32>, vector<1250x1xf32> -> vector<1250x128xf32>
    %get3A_31 = arith.constant 0 : index
    %get3A_32 = arith.constant 0 : index
    %get3A_33 = vector.load %arg5[%get3A_31, %get3A_32] : memref<1250x128xf32, #tpu.memory_space<vmem>>, vector<1250x128xf32>
    %get3A_34 = arith.constant 0 : index
    %get3A_35 = arith.constant 0 : index
    %get3A_36 = vector.load %arg6[%get3A_34, %get3A_35] : memref<1250x128xf32, #tpu.memory_space<vmem>>, vector<1250x128xf32>
    %get3A_37 = arith.constant 0 : index
    %get3A_38 = arith.constant 0 : index
    %get3A_39 = vector.load %arg7[%get3A_37, %get3A_38] : memref<1250x128xf32, #tpu.memory_space<vmem>>, vector<1250x128xf32>
    %get3A_40 = arith.constant 0 : index
    %get3A_41 = arith.constant 0 : index
    %get3A_42 = vector.load %arg8[%get3A_40, %get3A_41] : memref<1250x128xf32, #tpu.memory_space<vmem>>, vector<1250x128xf32>
    %get3A_43 = arith.constant 0 : index
    %get3A_44 = arith.constant 0 : index
    %get3A_45 = vector.load %arg9[%get3A_43, %get3A_44] : memref<1250x128xf32, #tpu.memory_space<vmem>>, vector<1250x128xf32>
    %get3A_46 = arith.constant 0 : index
    %get3A_47 = arith.constant 0 : index
    %get3A_48 = vector.load %arg10[%get3A_46, %get3A_47] : memref<1250x128xf32, #tpu.memory_space<vmem>>, vector<1250x128xf32>
    %mul3A_49 = arith.mulf %get3A_33, %get3A_33 : vector<1250x128xf32>
    %mul3A_50 = arith.mulf %get3A_36, %get3A_36 : vector<1250x128xf32>
    %add3A_51 = arith.addf %mul3A_49, %mul3A_50 : vector<1250x128xf32>
    %mul3A_52 = arith.mulf %get3A_39, %get3A_39 : vector<1250x128xf32>
    %add3A_53 = arith.addf %add3A_51, %mul3A_52 : vector<1250x128xf32>
    %sqrt3A = math.sqrt %add3A_53 : vector<1250x128xf32>
    %mul3A_54 = arith.mulf %get3A_42, %get3A_42 : vector<1250x128xf32>
    %mul3A_55 = arith.mulf %get3A_45, %get3A_45 : vector<1250x128xf32>
    %add3A_56 = arith.addf %mul3A_54, %mul3A_55 : vector<1250x128xf32>
    %mul3A_57 = arith.mulf %get3A_48, %get3A_48 : vector<1250x128xf32>
    %add3A_58 = arith.addf %add3A_56, %mul3A_57 : vector<1250x128xf32>
    %sqrt3A_59 = math.sqrt %add3A_58 : vector<1250x128xf32>
    %mul3A_60 = arith.mulf %get3A_33, %get3A_42 : vector<1250x128xf32>
    %mul3A_61 = arith.mulf %get3A_36, %get3A_45 : vector<1250x128xf32>
    %add3A_62 = arith.addf %mul3A_60, %mul3A_61 : vector<1250x128xf32>
    %mul3A_63 = arith.mulf %get3A_39, %get3A_48 : vector<1250x128xf32>
    %add3A_64 = arith.addf %add3A_62, %mul3A_63 : vector<1250x128xf32>
    %mul3A_65 = arith.mulf %convert_element_type3A_23, %concatenate3A_30 : vector<1250x128xf32>
    %mul3A_66 = arith.mulf %mul3A_65, %add3A_64 : vector<1250x128xf32>
    %max3A = arith.constant 9.99999996E-13 : f32
    %max3A_67 = vector.broadcast %max3A : f32 to vector<1250x128xf32>
    %max3A_68 = arith.maximumf %sqrt3A, %max3A_67 : vector<1250x128xf32>
    %max3A_69 = arith.constant 9.99999996E-13 : f32
    %max3A_70 = vector.broadcast %max3A_69 : f32 to vector<1250x128xf32>
    %max3A_71 = arith.maximumf %sqrt3A_59, %max3A_70 : vector<1250x128xf32>
    %mul3A_72 = arith.mulf %max3A_68, %max3A_71 : vector<1250x128xf32>
    %div3A = arith.divf %mul3A_66, %mul3A_72 : vector<1250x128xf32>
    %broadcast_in_dim3A_73 = arith.constant 0.000000e+00 : f32
    %broadcast_in_dim3A_74 = vector.broadcast %broadcast_in_dim3A_73 : f32 to vector<1250x128xf32>
    %get3A_75 = arith.constant 0 : index
    %get3A_76 = arith.constant 0 : index
    %get3A_77 = memref.load %arg11[%get3A_75, %get3A_76] : memref<1x16xf32, #tpu.memory_space<smem>>
    %mul3A_78 = vector.broadcast %get3A_77 : f32 to vector<1250x128xf32>
    %mul3A_79 = arith.mulf %div3A, %mul3A_78 : vector<1250x128xf32>
    %get3A_80 = arith.constant 0 : index
    %get3A_81 = arith.constant 0 : index
    %get3A_82 = memref.load %arg12[%get3A_80, %get3A_81] : memref<1x16xf32, #tpu.memory_space<smem>>
    %add3A_83 = vector.broadcast %get3A_82 : f32 to vector<1250x128xf32>
    %add3A_84 = arith.addf %mul3A_79, %add3A_83 : vector<1250x128xf32>
    %swap3A_85 = arith.constant 0 : index
    %swap3A_86 = arith.constant 0 : index
    %swap3A_87 = arith.constant 0 : index
    %swap3A_88 = vector.load %arg16[%swap3A_85, %swap3A_86, %swap3A_87] : memref<16x1250x128xf32, #tpu.memory_space<vmem>>, vector<1x1250x128xf32>
    %swap3A_89 = vector.shape_cast %swap3A_88 : vector<1x1250x128xf32> to vector<1250x128xf32>
    %swap3A_90 = vector.shape_cast %add3A_84 : vector<1250x128xf32> to vector<1x1250x128xf32>
    tpu.vector_store %arg16[%swap3A_85, %swap3A_86, %swap3A_87], %swap3A_90 {strides = array<i32>} : memref<16x1250x128xf32, #tpu.memory_space<vmem>>, vector<1x1250x128xf32>,
    %add3A_91 = arith.addf %broadcast_in_dim3A_74, %add3A_84 : vector<1250x128xf32>
    %get3A_92 = arith.constant 0 : index
    %get3A_93 = arith.constant 1 : index
    %get3A_94 = memref.load %arg11[%get3A_92, %get3A_93] : memref<1x16xf32, #tpu.memory_space<smem>>
    %mul3A_95 = vector.broadcast %get3A_94 : f32 to vector<1250x128xf32>
    %mul3A_96 = arith.mulf %div3A, %mul3A_95 : vector<1250x128xf32>
    %get3A_97 = arith.constant 0 : index
    %get3A_98 = arith.constant 1 : index
    %get3A_99 = memref.load %arg12[%get3A_97, %get3A_98] : memref<1x16xf32, #tpu.memory_space<smem>>
    %add3A_100 = vector.broadcast %get3A_99 : f32 to vector<1250x128xf32>
    %add3A_101 = arith.addf %mul3A_96, %add3A_100 : vector<1250x128xf32>
    %swap3A_102 = arith.constant 1 : index
    %swap3A_103 = arith.constant 0 : index
    %swap3A_104 = arith.constant 0 : index
    %swap3A_105 = vector.load %arg16[%swap3A_102, %swap3A_103, %swap3A_104] : memref<16x1250x128xf32, #tpu.memory_space<vmem>>, vector<1x1250x128xf32>
    %swap3A_106 = vector.shape_cast %swap3A_105 : vector<1x1250x128xf32> to vector<1250x128xf32>
    %swap3A_107 = vector.shape_cast %add3A_101 : vector<1250x128xf32> to vector<1x1250x128xf32>
    tpu.vector_store %arg16[%swap3A_102, %swap3A_103, %swap3A_104], %swap3A_107 {strides = array<i32>} : memref<16x1250x128xf32, #tpu.memory_space<vmem>>, vector<1x1250x128xf32>,
    %add3A_108 = arith.addf %add3A_91, %add3A_101 : vector<1250x128xf32>
    %get3A_109 = arith.constant 0 : index
    %get3A_110 = arith.constant 2 : index
    %get3A_111 = memref.load %arg11[%get3A_109, %get3A_110] : memref<1x16xf32, #tpu.memory_space<smem>>
    %mul3A_112 = vector.broadcast %get3A_111 : f32 to vector<1250x128xf32>
    %mul3A_113 = arith.mulf %div3A, %mul3A_112 : vector<1250x128xf32>
    %get3A_114 = arith.constant 0 : index
    %get3A_115 = arith.constant 2 : index
    %get3A_116 = memref.load %arg12[%get3A_114, %get3A_115] : memref<1x16xf32, #tpu.memory_space<smem>>
    %add3A_117 = vector.broadcast %get3A_116 : f32 to vector<1250x128xf32>
    %add3A_118 = arith.addf %mul3A_113, %add3A_117 : vector<1250x128xf32>
    %swap3A_119 = arith.constant 2 : index
    %swap3A_120 = arith.constant 0 : index
    %swap3A_121 = arith.constant 0 : index
    %swap3A_122 = vector.load %arg16[%swap3A_119, %swap3A_120, %swap3A_121] : memref<16x1250x128xf32, #tpu.memory_space<vmem>>, vector<1x1250x128xf32>
    %swap3A_123 = vector.shape_cast %swap3A_122 : vector<1x1250x128xf32> to vector<1250x128xf32>
    %swap3A_124 = vector.shape_cast %add3A_118 : vector<1250x128xf32> to vector<1x1250x128xf32>
    tpu.vector_store %arg16[%swap3A_119, %swap3A_120, %swap3A_121], %swap3A_124 {strides = array<i32>} : memref<16x1250x128xf32, #tpu.memory_space<vmem>>, vector<1x1250x128xf32>,
    %add3A_125 = arith.addf %add3A_108, %add3A_118 : vector<1250x128xf32>
    %get3A_126 = arith.constant 0 : index
    %get3A_127 = arith.constant 3 : index
    %get3A_128 = memref.load %arg11[%get3A_126, %get3A_127] : memref<1x16xf32, #tpu.memory_space<smem>>
    %mul3A_129 = vector.broadcast %get3A_128 : f32 to vector<1250x128xf32>
    %mul3A_130 = arith.mulf %div3A, %mul3A_129 : vector<1250x128xf32>
    %get3A_131 = arith.constant 0 : index
    %get3A_132 = arith.constant 3 : index
    %get3A_133 = memref.load %arg12[%get3A_131, %get3A_132] : memref<1x16xf32, #tpu.memory_space<smem>>
    %add3A_134 = vector.broadcast %get3A_133 : f32 to vector<1250x128xf32>
    %add3A_135 = arith.addf %mul3A_130, %add3A_134 : vector<1250x128xf32>
    %swap3A_136 = arith.constant 3 : index
    %swap3A_137 = arith.constant 0 : index
    %swap3A_138 = arith.constant 0 : index
    %swap3A_139 = vector.load %arg16[%swap3A_136, %swap3A_137, %swap3A_138] : memref<16x1250x128xf32, #tpu.memory_space<vmem>>, vector<1x1250x128xf32>
    %swap3A_140 = vector.shape_cast %swap3A_139 : vector<1x1250x128xf32> to vector<1250x128xf32>
    %swap3A_141 = vector.shape_cast %add3A_135 : vector<1250x128xf32> to vector<1x1250x128xf32>
    tpu.vector_store %arg16[%swap3A_136, %swap3A_137, %swap3A_138], %swap3A_141 {strides = array<i32>} : memref<16x1250x128xf32, #tpu.memory_space<vmem>>, vector<1x1250x128xf32>,
    %add3A_142 = arith.addf %add3A_125, %add3A_135 : vector<1250x128xf32>
    %get3A_143 = arith.constant 0 : index
    %get3A_144 = arith.constant 4 : index
    %get3A_145 = memref.load %arg11[%get3A_143, %get3A_144] : memref<1x16xf32, #tpu.memory_space<smem>>
    %mul3A_146 = vector.broadcast %get3A_145 : f32 to vector<1250x128xf32>
    %mul3A_147 = arith.mulf %div3A, %mul3A_146 : vector<1250x128xf32>
    %get3A_148 = arith.constant 0 : index
    %get3A_149 = arith.constant 4 : index
    %get3A_150 = memref.load %arg12[%get3A_148, %get3A_149] : memref<1x16xf32, #tpu.memory_space<smem>>
    %add3A_151 = vector.broadcast %get3A_150 : f32 to vector<1250x128xf32>
    %add3A_152 = arith.addf %mul3A_147, %add3A_151 : vector<1250x128xf32>
    %swap3A_153 = arith.constant 4 : index
    %swap3A_154 = arith.constant 0 : index
    %swap3A_155 = arith.constant 0 : index
    %swap3A_156 = vector.load %arg16[%swap3A_153, %swap3A_154, %swap3A_155] : memref<16x1250x128xf32, #tpu.memory_space<vmem>>, vector<1x1250x128xf32>
    %swap3A_157 = vector.shape_cast %swap3A_156 : vector<1x1250x128xf32> to vector<1250x128xf32>
    %swap3A_158 = vector.shape_cast %add3A_152 : vector<1250x128xf32> to vector<1x1250x128xf32>
    tpu.vector_store %arg16[%swap3A_153, %swap3A_154, %swap3A_155], %swap3A_158 {strides = array<i32>} : memref<16x1250x128xf32, #tpu.memory_space<vmem>>, vector<1x1250x128xf32>,
    %add3A_159 = arith.addf %add3A_142, %add3A_152 : vector<1250x128xf32>
    %get3A_160 = arith.constant 0 : index
    %get3A_161 = arith.constant 5 : index
    %get3A_162 = memref.load %arg11[%get3A_160, %get3A_161] : memref<1x16xf32, #tpu.memory_space<smem>>
    %mul3A_163 = vector.broadcast %get3A_162 : f32 to vector<1250x128xf32>
    %mul3A_164 = arith.mulf %div3A, %mul3A_163 : vector<1250x128xf32>
    %get3A_165 = arith.constant 0 : index
    %get3A_166 = arith.constant 5 : index
    %get3A_167 = memref.load %arg12[%get3A_165, %get3A_166] : memref<1x16xf32, #tpu.memory_space<smem>>
    %add3A_168 = vector.broadcast %get3A_167 : f32 to vector<1250x128xf32>
    %add3A_169 = arith.addf %mul3A_164, %add3A_168 : vector<1250x128xf32>
    %swap3A_170 = arith.constant 5 : index
    %swap3A_171 = arith.constant 0 : index
    %swap3A_172 = arith.constant 0 : index
    %swap3A_173 = vector.load %arg16[%swap3A_170, %swap3A_171, %swap3A_172] : memref<16x1250x128xf32, #tpu.memory_space<vmem>>, vector<1x1250x128xf32>
    %swap3A_174 = vector.shape_cast %swap3A_173 : vector<1x1250x128xf32> to vector<1250x128xf32>
    %swap3A_175 = vector.shape_cast %add3A_169 : vector<1250x128xf32> to vector<1x1250x128xf32>
    tpu.vector_store %arg16[%swap3A_170, %swap3A_171, %swap3A_172], %swap3A_175 {strides = array<i32>} : memref<16x1250x128xf32, #tpu.memory_space<vmem>>, vector<1x1250x128xf32>,
    %add3A_176 = arith.addf %add3A_159, %add3A_169 : vector<1250x128xf32>
    %get3A_177 = arith.constant 0 : index
    %get3A_178 = arith.constant 6 : index
    %get3A_179 = memref.load %arg11[%get3A_177, %get3A_178] : memref<1x16xf32, #tpu.memory_space<smem>>
    %mul3A_180 = vector.broadcast %get3A_179 : f32 to vector<1250x128xf32>
    %mul3A_181 = arith.mulf %div3A, %mul3A_180 : vector<1250x128xf32>
    %get3A_182 = arith.constant 0 : index
    %get3A_183 = arith.constant 6 : index
    %get3A_184 = memref.load %arg12[%get3A_182, %get3A_183] : memref<1x16xf32, #tpu.memory_space<smem>>
    %add3A_185 = vector.broadcast %get3A_184 : f32 to vector<1250x128xf32>
    %add3A_186 = arith.addf %mul3A_181, %add3A_185 : vector<1250x128xf32>
    %swap3A_187 = arith.constant 6 : index
    %swap3A_188 = arith.constant 0 : index
    %swap3A_189 = arith.constant 0 : index
    %swap3A_190 = vector.load %arg16[%swap3A_187, %swap3A_188, %swap3A_189] : memref<16x1250x128xf32, #tpu.memory_space<vmem>>, vector<1x1250x128xf32>
    %swap3A_191 = vector.shape_cast %swap3A_190 : vector<1x1250x128xf32> to vector<1250x128xf32>
    %swap3A_192 = vector.shape_cast %add3A_186 : vector<1250x128xf32> to vector<1x1250x128xf32>
    tpu.vector_store %arg16[%swap3A_187, %swap3A_188, %swap3A_189], %swap3A_192 {strides = array<i32>} : memref<16x1250x128xf32, #tpu.memory_space<vmem>>, vector<1x1250x128xf32>,
    %add3A_193 = arith.addf %add3A_176, %add3A_186 : vector<1250x128xf32>
    %get3A_194 = arith.constant 0 : index
    %get3A_195 = arith.constant 7 : index
    %get3A_196 = memref.load %arg11[%get3A_194, %get3A_195] : memref<1x16xf32, #tpu.memory_space<smem>>
    %mul3A_197 = vector.broadcast %get3A_196 : f32 to vector<1250x128xf32>
    %mul3A_198 = arith.mulf %div3A, %mul3A_197 : vector<1250x128xf32>
    %get3A_199 = arith.constant 0 : index
    %get3A_200 = arith.constant 7 : index
    %get3A_201 = memref.load %arg12[%get3A_199, %get3A_200] : memref<1x16xf32, #tpu.memory_space<smem>>
    %add3A_202 = vector.broadcast %get3A_201 : f32 to vector<1250x128xf32>
    %add3A_203 = arith.addf %mul3A_198, %add3A_202 : vector<1250x128xf32>
    %swap3A_204 = arith.constant 7 : index
    %swap3A_205 = arith.constant 0 : index
    %swap3A_206 = arith.constant 0 : index
    %swap3A_207 = vector.load %arg16[%swap3A_204, %swap3A_205, %swap3A_206] : memref<16x1250x128xf32, #tpu.memory_space<vmem>>, vector<1x1250x128xf32>
    %swap3A_208 = vector.shape_cast %swap3A_207 : vector<1x1250x128xf32> to vector<1250x128xf32>
    %swap3A_209 = vector.shape_cast %add3A_203 : vector<1250x128xf32> to vector<1x1250x128xf32>
    tpu.vector_store %arg16[%swap3A_204, %swap3A_205, %swap3A_206], %swap3A_209 {strides = array<i32>} : memref<16x1250x128xf32, #tpu.memory_space<vmem>>, vector<1x1250x128xf32>,
    %add3A_210 = arith.addf %add3A_193, %add3A_203 : vector<1250x128xf32>
    %get3A_211 = arith.constant 0 : index
    %get3A_212 = arith.constant 8 : index
    %get3A_213 = memref.load %arg11[%get3A_211, %get3A_212] : memref<1x16xf32, #tpu.memory_space<smem>>
    %mul3A_214 = vector.broadcast %get3A_213 : f32 to vector<1250x128xf32>
    %mul3A_215 = arith.mulf %div3A, %mul3A_214 : vector<1250x128xf32>
    %get3A_216 = arith.constant 0 : index
    %get3A_217 = arith.constant 8 : index
    %get3A_218 = memref.load %arg12[%get3A_216, %get3A_217] : memref<1x16xf32, #tpu.memory_space<smem>>
    %add3A_219 = vector.broadcast %get3A_218 : f32 to vector<1250x128xf32>
    %add3A_220 = arith.addf %mul3A_215, %add3A_219 : vector<1250x128xf32>
    %swap3A_221 = arith.constant 8 : index
    %swap3A_222 = arith.constant 0 : index
    %swap3A_223 = arith.constant 0 : index
    %swap3A_224 = vector.load %arg16[%swap3A_221, %swap3A_222, %swap3A_223] : memref<16x1250x128xf32, #tpu.memory_space<vmem>>, vector<1x1250x128xf32>
    %swap3A_225 = vector.shape_cast %swap3A_224 : vector<1x1250x128xf32> to vector<1250x128xf32>
    %swap3A_226 = vector.shape_cast %add3A_220 : vector<1250x128xf32> to vector<1x1250x128xf32>
    tpu.vector_store %arg16[%swap3A_221, %swap3A_222, %swap3A_223], %swap3A_226 {strides = array<i32>} : memref<16x1250x128xf32, #tpu.memory_space<vmem>>, vector<1x1250x128xf32>,
    %add3A_227 = arith.addf %add3A_210, %add3A_220 : vector<1250x128xf32>
    %get3A_228 = arith.constant 0 : index
    %get3A_229 = arith.constant 9 : index
    %get3A_230 = memref.load %arg11[%get3A_228, %get3A_229] : memref<1x16xf32, #tpu.memory_space<smem>>
    %mul3A_231 = vector.broadcast %get3A_230 : f32 to vector<1250x128xf32>
    %mul3A_232 = arith.mulf %div3A, %mul3A_231 : vector<1250x128xf32>
    %get3A_233 = arith.constant 0 : index
    %get3A_234 = arith.constant 9 : index
    %get3A_235 = memref.load %arg12[%get3A_233, %get3A_234] : memref<1x16xf32, #tpu.memory_space<smem>>
    %add3A_236 = vector.broadcast %get3A_235 : f32 to vector<1250x128xf32>
    %add3A_237 = arith.addf %mul3A_232, %add3A_236 : vector<1250x128xf32>
    %swap3A_238 = arith.constant 9 : index
    %swap3A_239 = arith.constant 0 : index
    %swap3A_240 = arith.constant 0 : index
    %swap3A_241 = vector.load %arg16[%swap3A_238, %swap3A_239, %swap3A_240] : memref<16x1250x128xf32, #tpu.memory_space<vmem>>, vector<1x1250x128xf32>
    %swap3A_242 = vector.shape_cast %swap3A_241 : vector<1x1250x128xf32> to vector<1250x128xf32>
    %swap3A_243 = vector.shape_cast %add3A_237 : vector<1250x128xf32> to vector<1x1250x128xf32>
    tpu.vector_store %arg16[%swap3A_238, %swap3A_239, %swap3A_240], %swap3A_243 {strides = array<i32>} : memref<16x1250x128xf32, #tpu.memory_space<vmem>>, vector<1x1250x128xf32>,
    %add3A_244 = arith.addf %add3A_227, %add3A_237 : vector<1250x128xf32>
    %get3A_245 = arith.constant 0 : index
    %get3A_246 = arith.constant 10 : index
    %get3A_247 = memref.load %arg11[%get3A_245, %get3A_246] : memref<1x16xf32, #tpu.memory_space<smem>>
    %mul3A_248 = vector.broadcast %get3A_247 : f32 to vector<1250x128xf32>
    %mul3A_249 = arith.mulf %div3A, %mul3A_248 : vector<1250x128xf32>
    %get3A_250 = arith.constant 0 : index
    %get3A_251 = arith.constant 10 : index
    %get3A_252 = memref.load %arg12[%get3A_250, %get3A_251] : memref<1x16xf32, #tpu.memory_space<smem>>
    %add3A_253 = vector.broadcast %get3A_252 : f32 to vector<1250x128xf32>
    %add3A_254 = arith.addf %mul3A_249, %add3A_253 : vector<1250x128xf32>
    %swap3A_255 = arith.constant 10 : index
    %swap3A_256 = arith.constant 0 : index
    %swap3A_257 = arith.constant 0 : index
    %swap3A_258 = vector.load %arg16[%swap3A_255, %swap3A_256, %swap3A_257] : memref<16x1250x128xf32, #tpu.memory_space<vmem>>, vector<1x1250x128xf32>
    %swap3A_259 = vector.shape_cast %swap3A_258 : vector<1x1250x128xf32> to vector<1250x128xf32>
    %swap3A_260 = vector.shape_cast %add3A_254 : vector<1250x128xf32> to vector<1x1250x128xf32>
    tpu.vector_store %arg16[%swap3A_255, %swap3A_256, %swap3A_257], %swap3A_260 {strides = array<i32>} : memref<16x1250x128xf32, #tpu.memory_space<vmem>>, vector<1x1250x128xf32>,
    %add3A_261 = arith.addf %add3A_244, %add3A_254 : vector<1250x128xf32>
    %get3A_262 = arith.constant 0 : index
    %get3A_263 = arith.constant 11 : index
    %get3A_264 = memref.load %arg11[%get3A_262, %get3A_263] : memref<1x16xf32, #tpu.memory_space<smem>>
    %mul3A_265 = vector.broadcast %get3A_264 : f32 to vector<1250x128xf32>
    %mul3A_266 = arith.mulf %div3A, %mul3A_265 : vector<1250x128xf32>
    %get3A_267 = arith.constant 0 : index
    %get3A_268 = arith.constant 11 : index
    %get3A_269 = memref.load %arg12[%get3A_267, %get3A_268] : memref<1x16xf32, #tpu.memory_space<smem>>
    %add3A_270 = vector.broadcast %get3A_269 : f32 to vector<1250x128xf32>
    %add3A_271 = arith.addf %mul3A_266, %add3A_270 : vector<1250x128xf32>
    %swap3A_272 = arith.constant 11 : index
    %swap3A_273 = arith.constant 0 : index
    %swap3A_274 = arith.constant 0 : index
    %swap3A_275 = vector.load %arg16[%swap3A_272, %swap3A_273, %swap3A_274] : memref<16x1250x128xf32, #tpu.memory_space<vmem>>, vector<1x1250x128xf32>
    %swap3A_276 = vector.shape_cast %swap3A_275 : vector<1x1250x128xf32> to vector<1250x128xf32>
    %swap3A_277 = vector.shape_cast %add3A_271 : vector<1250x128xf32> to vector<1x1250x128xf32>
    tpu.vector_store %arg16[%swap3A_272, %swap3A_273, %swap3A_274], %swap3A_277 {strides = array<i32>} : memref<16x1250x128xf32, #tpu.memory_space<vmem>>, vector<1x1250x128xf32>,
    %add3A_278 = arith.addf %add3A_261, %add3A_271 : vector<1250x128xf32>
    %get3A_279 = arith.constant 0 : index
    %get3A_280 = arith.constant 12 : index
    %get3A_281 = memref.load %arg11[%get3A_279, %get3A_280] : memref<1x16xf32, #tpu.memory_space<smem>>
    %mul3A_282 = vector.broadcast %get3A_281 : f32 to vector<1250x128xf32>
    %mul3A_283 = arith.mulf %div3A, %mul3A_282 : vector<1250x128xf32>
    %get3A_284 = arith.constant 0 : index
    %get3A_285 = arith.constant 12 : index
    %get3A_286 = memref.load %arg12[%get3A_284, %get3A_285] : memref<1x16xf32, #tpu.memory_space<smem>>
    %add3A_287 = vector.broadcast %get3A_286 : f32 to vector<1250x128xf32>
    %add3A_288 = arith.addf %mul3A_283, %add3A_287 : vector<1250x128xf32>
    %swap3A_289 = arith.constant 12 : index
    %swap3A_290 = arith.constant 0 : index
    %swap3A_291 = arith.constant 0 : index
    %swap3A_292 = vector.load %arg16[%swap3A_289, %swap3A_290, %swap3A_291] : memref<16x1250x128xf32, #tpu.memory_space<vmem>>, vector<1x1250x128xf32>
    %swap3A_293 = vector.shape_cast %swap3A_292 : vector<1x1250x128xf32> to vector<1250x128xf32>
    %swap3A_294 = vector.shape_cast %add3A_288 : vector<1250x128xf32> to vector<1x1250x128xf32>
    tpu.vector_store %arg16[%swap3A_289, %swap3A_290, %swap3A_291], %swap3A_294 {strides = array<i32>} : memref<16x1250x128xf32, #tpu.memory_space<vmem>>, vector<1x1250x128xf32>,
    %add3A_295 = arith.addf %add3A_278, %add3A_288 : vector<1250x128xf32>
    %get3A_296 = arith.constant 0 : index
    %get3A_297 = arith.constant 13 : index
    %get3A_298 = memref.load %arg11[%get3A_296, %get3A_297] : memref<1x16xf32, #tpu.memory_space<smem>>
    %mul3A_299 = vector.broadcast %get3A_298 : f32 to vector<1250x128xf32>
    %mul3A_300 = arith.mulf %div3A, %mul3A_299 : vector<1250x128xf32>
    %get3A_301 = arith.constant 0 : index
    %get3A_302 = arith.constant 13 : index
    %get3A_303 = memref.load %arg12[%get3A_301, %get3A_302] : memref<1x16xf32, #tpu.memory_space<smem>>
    %add3A_304 = vector.broadcast %get3A_303 : f32 to vector<1250x128xf32>
    %add3A_305 = arith.addf %mul3A_300, %add3A_304 : vector<1250x128xf32>
    %swap3A_306 = arith.constant 13 : index
    %swap3A_307 = arith.constant 0 : index
    %swap3A_308 = arith.constant 0 : index
    %swap3A_309 = vector.load %arg16[%swap3A_306, %swap3A_307, %swap3A_308] : memref<16x1250x128xf32, #tpu.memory_space<vmem>>, vector<1x1250x128xf32>
    %swap3A_310 = vector.shape_cast %swap3A_309 : vector<1x1250x128xf32> to vector<1250x128xf32>
    %swap3A_311 = vector.shape_cast %add3A_305 : vector<1250x128xf32> to vector<1x1250x128xf32>
    tpu.vector_store %arg16[%swap3A_306, %swap3A_307, %swap3A_308], %swap3A_311 {strides = array<i32>} : memref<16x1250x128xf32, #tpu.memory_space<vmem>>, vector<1x1250x128xf32>,
    %add3A_312 = arith.addf %add3A_295, %add3A_305 : vector<1250x128xf32>
    %get3A_313 = arith.constant 0 : index
    %get3A_314 = arith.constant 14 : index
    %get3A_315 = memref.load %arg11[%get3A_313, %get3A_314] : memref<1x16xf32, #tpu.memory_space<smem>>
    %mul3A_316 = vector.broadcast %get3A_315 : f32 to vector<1250x128xf32>
    %mul3A_317 = arith.mulf %div3A, %mul3A_316 : vector<1250x128xf32>
    %get3A_318 = arith.constant 0 : index
    %get3A_319 = arith.constant 14 : index
    %get3A_320 = memref.load %arg12[%get3A_318, %get3A_319] : memref<1x16xf32, #tpu.memory_space<smem>>
    %add3A_321 = vector.broadcast %get3A_320 : f32 to vector<1250x128xf32>
    %add3A_322 = arith.addf %mul3A_317, %add3A_321 : vector<1250x128xf32>
    %swap3A_323 = arith.constant 14 : index
    %swap3A_324 = arith.constant 0 : index
    %swap3A_325 = arith.constant 0 : index
    %swap3A_326 = vector.load %arg16[%swap3A_323, %swap3A_324, %swap3A_325] : memref<16x1250x128xf32, #tpu.memory_space<vmem>>, vector<1x1250x128xf32>
    %swap3A_327 = vector.shape_cast %swap3A_326 : vector<1x1250x128xf32> to vector<1250x128xf32>
    %swap3A_328 = vector.shape_cast %add3A_322 : vector<1250x128xf32> to vector<1x1250x128xf32>
    tpu.vector_store %arg16[%swap3A_323, %swap3A_324, %swap3A_325], %swap3A_328 {strides = array<i32>} : memref<16x1250x128xf32, #tpu.memory_space<vmem>>, vector<1x1250x128xf32>,
    %add3A_329 = arith.addf %add3A_312, %add3A_322 : vector<1250x128xf32>
    %get3A_330 = arith.constant 0 : index
    %get3A_331 = arith.constant 15 : index
    %get3A_332 = memref.load %arg11[%get3A_330, %get3A_331] : memref<1x16xf32, #tpu.memory_space<smem>>
    %mul3A_333 = vector.broadcast %get3A_332 : f32 to vector<1250x128xf32>
    %mul3A_334 = arith.mulf %div3A, %mul3A_333 : vector<1250x128xf32>
    %get3A_335 = arith.constant 0 : index
    %get3A_336 = arith.constant 15 : index
    %get3A_337 = memref.load %arg12[%get3A_335, %get3A_336] : memref<1x16xf32, #tpu.memory_space<smem>>
    %add3A_338 = vector.broadcast %get3A_337 : f32 to vector<1250x128xf32>
    %add3A_339 = arith.addf %mul3A_334, %add3A_338 : vector<1250x128xf32>
    %swap3A_340 = arith.constant 15 : index
    %swap3A_341 = arith.constant 0 : index
    %swap3A_342 = arith.constant 0 : index
    %swap3A_343 = vector.load %arg16[%swap3A_340, %swap3A_341, %swap3A_342] : memref<16x1250x128xf32, #tpu.memory_space<vmem>>, vector<1x1250x128xf32>
    %swap3A_344 = vector.shape_cast %swap3A_343 : vector<1x1250x128xf32> to vector<1250x128xf32>
    %swap3A_345 = vector.shape_cast %add3A_339 : vector<1250x128xf32> to vector<1x1250x128xf32>
    tpu.vector_store %arg16[%swap3A_340, %swap3A_341, %swap3A_342], %swap3A_345 {strides = array<i32>} : memref<16x1250x128xf32, #tpu.memory_space<vmem>>, vector<1x1250x128xf32>,
    %add3A_346 = arith.addf %add3A_329, %add3A_339 : vector<1250x128xf32>
    %mul3A_347 = arith.constant 6.250000e-02 : f32
    %mul3A_348 = vector.broadcast %mul3A_347 : f32 to vector<1250x128xf32>
    %mul3A_349 = arith.mulf %add3A_346, %mul3A_348 : vector<1250x128xf32>
    %broadcast_in_dim3A_350 = arith.constant 0.000000e+00 : f32
    %broadcast_in_dim3A_351 = vector.broadcast %broadcast_in_dim3A_350 : f32 to vector<1250x128xf32>
    %get3A_352 = arith.constant 0 : index
    %get3A_353 = arith.constant 0 : index
    %get3A_354 = arith.constant 0 : index
    %get3A_355 = vector.load %arg16[%get3A_352, %get3A_353, %get3A_354] : memref<16x1250x128xf32, #tpu.memory_space<vmem>>, vector<1x1250x128xf32>
    %get3A_356 = vector.shape_cast %get3A_355 : vector<1x1250x128xf32> to vector<1250x128xf32>
    %sub3A = arith.subf %get3A_356, %mul3A_349 : vector<1250x128xf32>
    %mul3A_357 = arith.mulf %sub3A, %sub3A : vector<1250x128xf32>
    %add3A_358 = arith.addf %broadcast_in_dim3A_351, %mul3A_357 : vector<1250x128xf32>
    %get3A_359 = arith.constant 1 : index
    %get3A_360 = arith.constant 0 : index
    %get3A_361 = arith.constant 0 : index
    %get3A_362 = vector.load %arg16[%get3A_359, %get3A_360, %get3A_361] : memref<16x1250x128xf32, #tpu.memory_space<vmem>>, vector<1x1250x128xf32>
    %get3A_363 = vector.shape_cast %get3A_362 : vector<1x1250x128xf32> to vector<1250x128xf32>
    %sub3A_364 = arith.subf %get3A_363, %mul3A_349 : vector<1250x128xf32>
    %mul3A_365 = arith.mulf %sub3A_364, %sub3A_364 : vector<1250x128xf32>
    %add3A_366 = arith.addf %add3A_358, %mul3A_365 : vector<1250x128xf32>
    %get3A_367 = arith.constant 2 : index
    %get3A_368 = arith.constant 0 : index
    %get3A_369 = arith.constant 0 : index
    %get3A_370 = vector.load %arg16[%get3A_367, %get3A_368, %get3A_369] : memref<16x1250x128xf32, #tpu.memory_space<vmem>>, vector<1x1250x128xf32>
    %get3A_371 = vector.shape_cast %get3A_370 : vector<1x1250x128xf32> to vector<1250x128xf32>
    %sub3A_372 = arith.subf %get3A_371, %mul3A_349 : vector<1250x128xf32>
    %mul3A_373 = arith.mulf %sub3A_372, %sub3A_372 : vector<1250x128xf32>
    %add3A_374 = arith.addf %add3A_366, %mul3A_373 : vector<1250x128xf32>
    %get3A_375 = arith.constant 3 : index
    %get3A_376 = arith.constant 0 : index
    %get3A_377 = arith.constant 0 : index
    %get3A_378 = vector.load %arg16[%get3A_375, %get3A_376, %get3A_377] : memref<16x1250x128xf32, #tpu.memory_space<vmem>>, vector<1x1250x128xf32>
    %get3A_379 = vector.shape_cast %get3A_378 : vector<1x1250x128xf32> to vector<1250x128xf32>
    %sub3A_380 = arith.subf %get3A_379, %mul3A_349 : vector<1250x128xf32>
    %mul3A_381 = arith.mulf %sub3A_380, %sub3A_380 : vector<1250x128xf32>
    %add3A_382 = arith.addf %add3A_374, %mul3A_381 : vector<1250x128xf32>
    %get3A_383 = arith.constant 4 : index
    %get3A_384 = arith.constant 0 : index
    %get3A_385 = arith.constant 0 : index
    %get3A_386 = vector.load %arg16[%get3A_383, %get3A_384, %get3A_385] : memref<16x1250x128xf32, #tpu.memory_space<vmem>>, vector<1x1250x128xf32>
    %get3A_387 = vector.shape_cast %get3A_386 : vector<1x1250x128xf32> to vector<1250x128xf32>
    %sub3A_388 = arith.subf %get3A_387, %mul3A_349 : vector<1250x128xf32>
    %mul3A_389 = arith.mulf %sub3A_388, %sub3A_388 : vector<1250x128xf32>
    %add3A_390 = arith.addf %add3A_382, %mul3A_389 : vector<1250x128xf32>
    %get3A_391 = arith.constant 5 : index
    %get3A_392 = arith.constant 0 : index
    %get3A_393 = arith.constant 0 : index
    %get3A_394 = vector.load %arg16[%get3A_391, %get3A_392, %get3A_393] : memref<16x1250x128xf32, #tpu.memory_space<vmem>>, vector<1x1250x128xf32>
    %get3A_395 = vector.shape_cast %get3A_394 : vector<1x1250x128xf32> to vector<1250x128xf32>
    %sub3A_396 = arith.subf %get3A_395, %mul3A_349 : vector<1250x128xf32>
    %mul3A_397 = arith.mulf %sub3A_396, %sub3A_396 : vector<1250x128xf32>
    %add3A_398 = arith.addf %add3A_390, %mul3A_397 : vector<1250x128xf32>
    %get3A_399 = arith.constant 6 : index
    %get3A_400 = arith.constant 0 : index
    %get3A_401 = arith.constant 0 : index
    %get3A_402 = vector.load %arg16[%get3A_399, %get3A_400, %get3A_401] : memref<16x1250x128xf32, #tpu.memory_space<vmem>>, vector<1x1250x128xf32>
    %get3A_403 = vector.shape_cast %get3A_402 : vector<1x1250x128xf32> to vector<1250x128xf32>
    %sub3A_404 = arith.subf %get3A_403, %mul3A_349 : vector<1250x128xf32>
    %mul3A_405 = arith.mulf %sub3A_404, %sub3A_404 : vector<1250x128xf32>
    %add3A_406 = arith.addf %add3A_398, %mul3A_405 : vector<1250x128xf32>
    %get3A_407 = arith.constant 7 : index
    %get3A_408 = arith.constant 0 : index
    %get3A_409 = arith.constant 0 : index
    %get3A_410 = vector.load %arg16[%get3A_407, %get3A_408, %get3A_409] : memref<16x1250x128xf32, #tpu.memory_space<vmem>>, vector<1x1250x128xf32>
    %get3A_411 = vector.shape_cast %get3A_410 : vector<1x1250x128xf32> to vector<1250x128xf32>
    %sub3A_412 = arith.subf %get3A_411, %mul3A_349 : vector<1250x128xf32>
    %mul3A_413 = arith.mulf %sub3A_412, %sub3A_412 : vector<1250x128xf32>
    %add3A_414 = arith.addf %add3A_406, %mul3A_413 : vector<1250x128xf32>
    %get3A_415 = arith.constant 8 : index
    %get3A_416 = arith.constant 0 : index
    %get3A_417 = arith.constant 0 : index
    %get3A_418 = vector.load %arg16[%get3A_415, %get3A_416, %get3A_417] : memref<16x1250x128xf32, #tpu.memory_space<vmem>>, vector<1x1250x128xf32>
    %get3A_419 = vector.shape_cast %get3A_418 : vector<1x1250x128xf32> to vector<1250x128xf32>
    %sub3A_420 = arith.subf %get3A_419, %mul3A_349 : vector<1250x128xf32>
    %mul3A_421 = arith.mulf %sub3A_420, %sub3A_420 : vector<1250x128xf32>
    %add3A_422 = arith.addf %add3A_414, %mul3A_421 : vector<1250x128xf32>
    %get3A_423 = arith.constant 9 : index
    %get3A_424 = arith.constant 0 : index
    %get3A_425 = arith.constant 0 : index
    %get3A_426 = vector.load %arg16[%get3A_423, %get3A_424, %get3A_425] : memref<16x1250x128xf32, #tpu.memory_space<vmem>>, vector<1x1250x128xf32>
    %get3A_427 = vector.shape_cast %get3A_426 : vector<1x1250x128xf32> to vector<1250x128xf32>
    %sub3A_428 = arith.subf %get3A_427, %mul3A_349 : vector<1250x128xf32>
    %mul3A_429 = arith.mulf %sub3A_428, %sub3A_428 : vector<1250x128xf32>
    %add3A_430 = arith.addf %add3A_422, %mul3A_429 : vector<1250x128xf32>
    %get3A_431 = arith.constant 10 : index
    %get3A_432 = arith.constant 0 : index
    %get3A_433 = arith.constant 0 : index
    %get3A_434 = vector.load %arg16[%get3A_431, %get3A_432, %get3A_433] : memref<16x1250x128xf32, #tpu.memory_space<vmem>>, vector<1x1250x128xf32>
    %get3A_435 = vector.shape_cast %get3A_434 : vector<1x1250x128xf32> to vector<1250x128xf32>
    %sub3A_436 = arith.subf %get3A_435, %mul3A_349 : vector<1250x128xf32>
    %mul3A_437 = arith.mulf %sub3A_436, %sub3A_436 : vector<1250x128xf32>
    %add3A_438 = arith.addf %add3A_430, %mul3A_437 : vector<1250x128xf32>
    %get3A_439 = arith.constant 11 : index
    %get3A_440 = arith.constant 0 : index
    %get3A_441 = arith.constant 0 : index
    %get3A_442 = vector.load %arg16[%get3A_439, %get3A_440, %get3A_441] : memref<16x1250x128xf32, #tpu.memory_space<vmem>>, vector<1x1250x128xf32>
    %get3A_443 = vector.shape_cast %get3A_442 : vector<1x1250x128xf32> to vector<1250x128xf32>
    %sub3A_444 = arith.subf %get3A_443, %mul3A_349 : vector<1250x128xf32>
    %mul3A_445 = arith.mulf %sub3A_444, %sub3A_444 : vector<1250x128xf32>
    %add3A_446 = arith.addf %add3A_438, %mul3A_445 : vector<1250x128xf32>
    %get3A_447 = arith.constant 12 : index
    %get3A_448 = arith.constant 0 : index
    %get3A_449 = arith.constant 0 : index
    %get3A_450 = vector.load %arg16[%get3A_447, %get3A_448, %get3A_449] : memref<16x1250x128xf32, #tpu.memory_space<vmem>>, vector<1x1250x128xf32>
    %get3A_451 = vector.shape_cast %get3A_450 : vector<1x1250x128xf32> to vector<1250x128xf32>
    %sub3A_452 = arith.subf %get3A_451, %mul3A_349 : vector<1250x128xf32>
    %mul3A_453 = arith.mulf %sub3A_452, %sub3A_452 : vector<1250x128xf32>
    %add3A_454 = arith.addf %add3A_446, %mul3A_453 : vector<1250x128xf32>
    %get3A_455 = arith.constant 13 : index
    %get3A_456 = arith.constant 0 : index
    %get3A_457 = arith.constant 0 : index
    %get3A_458 = vector.load %arg16[%get3A_455, %get3A_456, %get3A_457] : memref<16x1250x128xf32, #tpu.memory_space<vmem>>, vector<1x1250x128xf32>
    %get3A_459 = vector.shape_cast %get3A_458 : vector<1x1250x128xf32> to vector<1250x128xf32>
    %sub3A_460 = arith.subf %get3A_459, %mul3A_349 : vector<1250x128xf32>
    %mul3A_461 = arith.mulf %sub3A_460, %sub3A_460 : vector<1250x128xf32>
    %add3A_462 = arith.addf %add3A_454, %mul3A_461 : vector<1250x128xf32>
    %get3A_463 = arith.constant 14 : index
    %get3A_464 = arith.constant 0 : index
    %get3A_465 = arith.constant 0 : index
    %get3A_466 = vector.load %arg16[%get3A_463, %get3A_464, %get3A_465] : memref<16x1250x128xf32, #tpu.memory_space<vmem>>, vector<1x1250x128xf32>
    %get3A_467 = vector.shape_cast %get3A_466 : vector<1x1250x128xf32> to vector<1250x128xf32>
    %sub3A_468 = arith.subf %get3A_467, %mul3A_349 : vector<1250x128xf32>
    %mul3A_469 = arith.mulf %sub3A_468, %sub3A_468 : vector<1250x128xf32>
    %add3A_470 = arith.addf %add3A_462, %mul3A_469 : vector<1250x128xf32>
    %get3A_471 = arith.constant 15 : index
    %get3A_472 = arith.constant 0 : index
    %get3A_473 = arith.constant 0 : index
    %get3A_474 = vector.load %arg16[%get3A_471, %get3A_472, %get3A_473] : memref<16x1250x128xf32, #tpu.memory_space<vmem>>, vector<1x1250x128xf32>
    %get3A_475 = vector.shape_cast %get3A_474 : vector<1x1250x128xf32> to vector<1250x128xf32>
    %sub3A_476 = arith.subf %get3A_475, %mul3A_349 : vector<1250x128xf32>
    %mul3A_477 = arith.mulf %sub3A_476, %sub3A_476 : vector<1250x128xf32>
    %add3A_478 = arith.addf %add3A_470, %mul3A_477 : vector<1250x128xf32>
    %mul3A_479 = arith.constant 6.250000e-02 : f32
    %mul3A_480 = vector.broadcast %mul3A_479 : f32 to vector<1250x128xf32>
    %mul3A_481 = arith.mulf %add3A_478, %mul3A_480 : vector<1250x128xf32>
    %add3A_482 = arith.constant 9.99999997E-7 : f32
    %add3A_483 = vector.broadcast %add3A_482 : f32 to vector<1250x128xf32>
    %add3A_484 = arith.addf %mul3A_481, %add3A_483 : vector<1250x128xf32>
    %rsqrt3A = math.rsqrt %add3A_484 : vector<1250x128xf32>
    %get3A_485 = arith.constant 0 : index
    %get3A_486 = arith.constant 0 : index
    %get3A_487 = arith.constant 0 : index
    %get3A_488 = vector.load %arg16[%get3A_485, %get3A_486, %get3A_487] : memref<16x1250x128xf32, #tpu.memory_space<vmem>>, vector<1x1250x128xf32>
    %get3A_489 = vector.shape_cast %get3A_488 : vector<1x1250x128xf32> to vector<1250x128xf32>
    %sub3A_490 = arith.subf %get3A_489, %mul3A_349 : vector<1250x128xf32>
    %mul3A_491 = arith.mulf %sub3A_490, %rsqrt3A : vector<1250x128xf32>
    %get3A_492 = arith.constant 0 : index
    %get3A_493 = arith.constant 0 : index
    %get3A_494 = memref.load %arg13[%get3A_492, %get3A_493] : memref<1x16xf32, #tpu.memory_space<smem>>
    %mul3A_495 = vector.broadcast %get3A_494 : f32 to vector<1250x128xf32>
    %mul3A_496 = arith.mulf %mul3A_491, %mul3A_495 : vector<1250x128xf32>
    %get3A_497 = arith.constant 0 : index
    %get3A_498 = arith.constant 0 : index
    %get3A_499 = memref.load %arg14[%get3A_497, %get3A_498] : memref<1x16xf32, #tpu.memory_space<smem>>
    %add3A_500 = vector.broadcast %get3A_499 : f32 to vector<1250x128xf32>
    %add3A_501 = arith.addf %mul3A_496, %add3A_500 : vector<1250x128xf32>
    %logistic3A = arith.negf %add3A_501 : vector<1250x128xf32>
    %logistic3A_502 = math.exp %logistic3A : vector<1250x128xf32>
    %logistic3A_503 = arith.constant 1.000000e+00 : f32
    %logistic3A_504 = vector.broadcast %logistic3A_503 : f32 to vector<1250x128xf32>
    %logistic3A_505 = arith.addf %logistic3A_504, %logistic3A_502 : vector<1250x128xf32>
    %logistic3A_506 = arith.divf %logistic3A_504, %logistic3A_505 : vector<1250x128xf32>
    %mul3A_507 = arith.mulf %add3A_501, %logistic3A_506 : vector<1250x128xf32>
    %swap3A_508 = arith.constant 0 : index
    %swap3A_509 = arith.constant 0 : index
    %swap3A_510 = arith.constant 0 : index
    %swap3A_511 = vector.load %arg16[%swap3A_508, %swap3A_509, %swap3A_510] : memref<16x1250x128xf32, #tpu.memory_space<vmem>>, vector<1x1250x128xf32>
    %swap3A_512 = vector.shape_cast %swap3A_511 : vector<1x1250x128xf32> to vector<1250x128xf32>
    %swap3A_513 = vector.shape_cast %mul3A_507 : vector<1250x128xf32> to vector<1x1250x128xf32>
    tpu.vector_store %arg16[%swap3A_508, %swap3A_509, %swap3A_510], %swap3A_513 {strides = array<i32>} : memref<16x1250x128xf32, #tpu.memory_space<vmem>>, vector<1x1250x128xf32>,
    %get3A_514 = arith.constant 1 : index
    %get3A_515 = arith.constant 0 : index
    %get3A_516 = arith.constant 0 : index
    %get3A_517 = vector.load %arg16[%get3A_514, %get3A_515, %get3A_516] : memref<16x1250x128xf32, #tpu.memory_space<vmem>>, vector<1x1250x128xf32>
    %get3A_518 = vector.shape_cast %get3A_517 : vector<1x1250x128xf32> to vector<1250x128xf32>
    %sub3A_519 = arith.subf %get3A_518, %mul3A_349 : vector<1250x128xf32>
    %mul3A_520 = arith.mulf %sub3A_519, %rsqrt3A : vector<1250x128xf32>
    %get3A_521 = arith.constant 0 : index
    %get3A_522 = arith.constant 1 : index
    %get3A_523 = memref.load %arg13[%get3A_521, %get3A_522] : memref<1x16xf32, #tpu.memory_space<smem>>
    %mul3A_524 = vector.broadcast %get3A_523 : f32 to vector<1250x128xf32>
    %mul3A_525 = arith.mulf %mul3A_520, %mul3A_524 : vector<1250x128xf32>
    %get3A_526 = arith.constant 0 : index
    %get3A_527 = arith.constant 1 : index
    %get3A_528 = memref.load %arg14[%get3A_526, %get3A_527] : memref<1x16xf32, #tpu.memory_space<smem>>
    %add3A_529 = vector.broadcast %get3A_528 : f32 to vector<1250x128xf32>
    %add3A_530 = arith.addf %mul3A_525, %add3A_529 : vector<1250x128xf32>
    %logistic3A_531 = arith.negf %add3A_530 : vector<1250x128xf32>
    %logistic3A_532 = math.exp %logistic3A_531 : vector<1250x128xf32>
    %logistic3A_533 = arith.constant 1.000000e+00 : f32
    %logistic3A_534 = vector.broadcast %logistic3A_533 : f32 to vector<1250x128xf32>
    %logistic3A_535 = arith.addf %logistic3A_534, %logistic3A_532 : vector<1250x128xf32>
    %logistic3A_536 = arith.divf %logistic3A_534, %logistic3A_535 : vector<1250x128xf32>
    %mul3A_537 = arith.mulf %add3A_530, %logistic3A_536 : vector<1250x128xf32>
    %swap3A_538 = arith.constant 1 : index
    %swap3A_539 = arith.constant 0 : index
    %swap3A_540 = arith.constant 0 : index
    %swap3A_541 = vector.load %arg16[%swap3A_538, %swap3A_539, %swap3A_540] : memref<16x1250x128xf32, #tpu.memory_space<vmem>>, vector<1x1250x128xf32>
    %swap3A_542 = vector.shape_cast %swap3A_541 : vector<1x1250x128xf32> to vector<1250x128xf32>
    %swap3A_543 = vector.shape_cast %mul3A_537 : vector<1250x128xf32> to vector<1x1250x128xf32>
    tpu.vector_store %arg16[%swap3A_538, %swap3A_539, %swap3A_540], %swap3A_543 {strides = array<i32>} : memref<16x1250x128xf32, #tpu.memory_space<vmem>>, vector<1x1250x128xf32>,
    %get3A_544 = arith.constant 2 : index
    %get3A_545 = arith.constant 0 : index
    %get3A_546 = arith.constant 0 : index
    %get3A_547 = vector.load %arg16[%get3A_544, %get3A_545, %get3A_546] : memref<16x1250x128xf32, #tpu.memory_space<vmem>>, vector<1x1250x128xf32>
    %get3A_548 = vector.shape_cast %get3A_547 : vector<1x1250x128xf32> to vector<1250x128xf32>
    %sub3A_549 = arith.subf %get3A_548, %mul3A_349 : vector<1250x128xf32>
    %mul3A_550 = arith.mulf %sub3A_549, %rsqrt3A : vector<1250x128xf32>
    %get3A_551 = arith.constant 0 : index
    %get3A_552 = arith.constant 2 : index
    %get3A_553 = memref.load %arg13[%get3A_551, %get3A_552] : memref<1x16xf32, #tpu.memory_space<smem>>
    %mul3A_554 = vector.broadcast %get3A_553 : f32 to vector<1250x128xf32>
    %mul3A_555 = arith.mulf %mul3A_550, %mul3A_554 : vector<1250x128xf32>
    %get3A_556 = arith.constant 0 : index
    %get3A_557 = arith.constant 2 : index
    %get3A_558 = memref.load %arg14[%get3A_556, %get3A_557] : memref<1x16xf32, #tpu.memory_space<smem>>
    %add3A_559 = vector.broadcast %get3A_558 : f32 to vector<1250x128xf32>
    %add3A_560 = arith.addf %mul3A_555, %add3A_559 : vector<1250x128xf32>
    %logistic3A_561 = arith.negf %add3A_560 : vector<1250x128xf32>
    %logistic3A_562 = math.exp %logistic3A_561 : vector<1250x128xf32>
    %logistic3A_563 = arith.constant 1.000000e+00 : f32
    %logistic3A_564 = vector.broadcast %logistic3A_563 : f32 to vector<1250x128xf32>
    %logistic3A_565 = arith.addf %logistic3A_564, %logistic3A_562 : vector<1250x128xf32>
    %logistic3A_566 = arith.divf %logistic3A_564, %logistic3A_565 : vector<1250x128xf32>
    %mul3A_567 = arith.mulf %add3A_560, %logistic3A_566 : vector<1250x128xf32>
    %swap3A_568 = arith.constant 2 : index
    %swap3A_569 = arith.constant 0 : index
    %swap3A_570 = arith.constant 0 : index
    %swap3A_571 = vector.load %arg16[%swap3A_568, %swap3A_569, %swap3A_570] : memref<16x1250x128xf32, #tpu.memory_space<vmem>>, vector<1x1250x128xf32>
    %swap3A_572 = vector.shape_cast %swap3A_571 : vector<1x1250x128xf32> to vector<1250x128xf32>
    %swap3A_573 = vector.shape_cast %mul3A_567 : vector<1250x128xf32> to vector<1x1250x128xf32>
    tpu.vector_store %arg16[%swap3A_568, %swap3A_569, %swap3A_570], %swap3A_573 {strides = array<i32>} : memref<16x1250x128xf32, #tpu.memory_space<vmem>>, vector<1x1250x128xf32>,
    %get3A_574 = arith.constant 3 : index
    %get3A_575 = arith.constant 0 : index
    %get3A_576 = arith.constant 0 : index
    %get3A_577 = vector.load %arg16[%get3A_574, %get3A_575, %get3A_576] : memref<16x1250x128xf32, #tpu.memory_space<vmem>>, vector<1x1250x128xf32>
    %get3A_578 = vector.shape_cast %get3A_577 : vector<1x1250x128xf32> to vector<1250x128xf32>
    %sub3A_579 = arith.subf %get3A_578, %mul3A_349 : vector<1250x128xf32>
    %mul3A_580 = arith.mulf %sub3A_579, %rsqrt3A : vector<1250x128xf32>
    %get3A_581 = arith.constant 0 : index
    %get3A_582 = arith.constant 3 : index
    %get3A_583 = memref.load %arg13[%get3A_581, %get3A_582] : memref<1x16xf32, #tpu.memory_space<smem>>
    %mul3A_584 = vector.broadcast %get3A_583 : f32 to vector<1250x128xf32>
    %mul3A_585 = arith.mulf %mul3A_580, %mul3A_584 : vector<1250x128xf32>
    %get3A_586 = arith.constant 0 : index
    %get3A_587 = arith.constant 3 : index
    %get3A_588 = memref.load %arg14[%get3A_586, %get3A_587] : memref<1x16xf32, #tpu.memory_space<smem>>
    %add3A_589 = vector.broadcast %get3A_588 : f32 to vector<1250x128xf32>
    %add3A_590 = arith.addf %mul3A_585, %add3A_589 : vector<1250x128xf32>
    %logistic3A_591 = arith.negf %add3A_590 : vector<1250x128xf32>
    %logistic3A_592 = math.exp %logistic3A_591 : vector<1250x128xf32>
    %logistic3A_593 = arith.constant 1.000000e+00 : f32
    %logistic3A_594 = vector.broadcast %logistic3A_593 : f32 to vector<1250x128xf32>
    %logistic3A_595 = arith.addf %logistic3A_594, %logistic3A_592 : vector<1250x128xf32>
    %logistic3A_596 = arith.divf %logistic3A_594, %logistic3A_595 : vector<1250x128xf32>
    %mul3A_597 = arith.mulf %add3A_590, %logistic3A_596 : vector<1250x128xf32>
    %swap3A_598 = arith.constant 3 : index
    %swap3A_599 = arith.constant 0 : index
    %swap3A_600 = arith.constant 0 : index
    %swap3A_601 = vector.load %arg16[%swap3A_598, %swap3A_599, %swap3A_600] : memref<16x1250x128xf32, #tpu.memory_space<vmem>>, vector<1x1250x128xf32>
    %swap3A_602 = vector.shape_cast %swap3A_601 : vector<1x1250x128xf32> to vector<1250x128xf32>
    %swap3A_603 = vector.shape_cast %mul3A_597 : vector<1250x128xf32> to vector<1x1250x128xf32>
    tpu.vector_store %arg16[%swap3A_598, %swap3A_599, %swap3A_600], %swap3A_603 {strides = array<i32>} : memref<16x1250x128xf32, #tpu.memory_space<vmem>>, vector<1x1250x128xf32>,
    %get3A_604 = arith.constant 4 : index
    %get3A_605 = arith.constant 0 : index
    %get3A_606 = arith.constant 0 : index
    %get3A_607 = vector.load %arg16[%get3A_604, %get3A_605, %get3A_606] : memref<16x1250x128xf32, #tpu.memory_space<vmem>>, vector<1x1250x128xf32>
    %get3A_608 = vector.shape_cast %get3A_607 : vector<1x1250x128xf32> to vector<1250x128xf32>
    %sub3A_609 = arith.subf %get3A_608, %mul3A_349 : vector<1250x128xf32>
    %mul3A_610 = arith.mulf %sub3A_609, %rsqrt3A : vector<1250x128xf32>
    %get3A_611 = arith.constant 0 : index
    %get3A_612 = arith.constant 4 : index
    %get3A_613 = memref.load %arg13[%get3A_611, %get3A_612] : memref<1x16xf32, #tpu.memory_space<smem>>
    %mul3A_614 = vector.broadcast %get3A_613 : f32 to vector<1250x128xf32>
    %mul3A_615 = arith.mulf %mul3A_610, %mul3A_614 : vector<1250x128xf32>
    %get3A_616 = arith.constant 0 : index
    %get3A_617 = arith.constant 4 : index
    %get3A_618 = memref.load %arg14[%get3A_616, %get3A_617] : memref<1x16xf32, #tpu.memory_space<smem>>
    %add3A_619 = vector.broadcast %get3A_618 : f32 to vector<1250x128xf32>
    %add3A_620 = arith.addf %mul3A_615, %add3A_619 : vector<1250x128xf32>
    %logistic3A_621 = arith.negf %add3A_620 : vector<1250x128xf32>
    %logistic3A_622 = math.exp %logistic3A_621 : vector<1250x128xf32>
    %logistic3A_623 = arith.constant 1.000000e+00 : f32
    %logistic3A_624 = vector.broadcast %logistic3A_623 : f32 to vector<1250x128xf32>
    %logistic3A_625 = arith.addf %logistic3A_624, %logistic3A_622 : vector<1250x128xf32>
    %logistic3A_626 = arith.divf %logistic3A_624, %logistic3A_625 : vector<1250x128xf32>
    %mul3A_627 = arith.mulf %add3A_620, %logistic3A_626 : vector<1250x128xf32>
    %swap3A_628 = arith.constant 4 : index
    %swap3A_629 = arith.constant 0 : index
    %swap3A_630 = arith.constant 0 : index
    %swap3A_631 = vector.load %arg16[%swap3A_628, %swap3A_629, %swap3A_630] : memref<16x1250x128xf32, #tpu.memory_space<vmem>>, vector<1x1250x128xf32>
    %swap3A_632 = vector.shape_cast %swap3A_631 : vector<1x1250x128xf32> to vector<1250x128xf32>
    %swap3A_633 = vector.shape_cast %mul3A_627 : vector<1250x128xf32> to vector<1x1250x128xf32>
    tpu.vector_store %arg16[%swap3A_628, %swap3A_629, %swap3A_630], %swap3A_633 {strides = array<i32>} : memref<16x1250x128xf32, #tpu.memory_space<vmem>>, vector<1x1250x128xf32>,
    %get3A_634 = arith.constant 5 : index
    %get3A_635 = arith.constant 0 : index
    %get3A_636 = arith.constant 0 : index
    %get3A_637 = vector.load %arg16[%get3A_634, %get3A_635, %get3A_636] : memref<16x1250x128xf32, #tpu.memory_space<vmem>>, vector<1x1250x128xf32>
    %get3A_638 = vector.shape_cast %get3A_637 : vector<1x1250x128xf32> to vector<1250x128xf32>
    %sub3A_639 = arith.subf %get3A_638, %mul3A_349 : vector<1250x128xf32>
    %mul3A_640 = arith.mulf %sub3A_639, %rsqrt3A : vector<1250x128xf32>
    %get3A_641 = arith.constant 0 : index
    %get3A_642 = arith.constant 5 : index
    %get3A_643 = memref.load %arg13[%get3A_641, %get3A_642] : memref<1x16xf32, #tpu.memory_space<smem>>
    %mul3A_644 = vector.broadcast %get3A_643 : f32 to vector<1250x128xf32>
    %mul3A_645 = arith.mulf %mul3A_640, %mul3A_644 : vector<1250x128xf32>
    %get3A_646 = arith.constant 0 : index
    %get3A_647 = arith.constant 5 : index
    %get3A_648 = memref.load %arg14[%get3A_646, %get3A_647] : memref<1x16xf32, #tpu.memory_space<smem>>
    %add3A_649 = vector.broadcast %get3A_648 : f32 to vector<1250x128xf32>
    %add3A_650 = arith.addf %mul3A_645, %add3A_649 : vector<1250x128xf32>
    %logistic3A_651 = arith.negf %add3A_650 : vector<1250x128xf32>
    %logistic3A_652 = math.exp %logistic3A_651 : vector<1250x128xf32>
    %logistic3A_653 = arith.constant 1.000000e+00 : f32
    %logistic3A_654 = vector.broadcast %logistic3A_653 : f32 to vector<1250x128xf32>
    %logistic3A_655 = arith.addf %logistic3A_654, %logistic3A_652 : vector<1250x128xf32>
    %logistic3A_656 = arith.divf %logistic3A_654, %logistic3A_655 : vector<1250x128xf32>
    %mul3A_657 = arith.mulf %add3A_650, %logistic3A_656 : vector<1250x128xf32>
    %swap3A_658 = arith.constant 5 : index
    %swap3A_659 = arith.constant 0 : index
    %swap3A_660 = arith.constant 0 : index
    %swap3A_661 = vector.load %arg16[%swap3A_658, %swap3A_659, %swap3A_660] : memref<16x1250x128xf32, #tpu.memory_space<vmem>>, vector<1x1250x128xf32>
    %swap3A_662 = vector.shape_cast %swap3A_661 : vector<1x1250x128xf32> to vector<1250x128xf32>
    %swap3A_663 = vector.shape_cast %mul3A_657 : vector<1250x128xf32> to vector<1x1250x128xf32>
    tpu.vector_store %arg16[%swap3A_658, %swap3A_659, %swap3A_660], %swap3A_663 {strides = array<i32>} : memref<16x1250x128xf32, #tpu.memory_space<vmem>>, vector<1x1250x128xf32>,
    %get3A_664 = arith.constant 6 : index
    %get3A_665 = arith.constant 0 : index
    %get3A_666 = arith.constant 0 : index
    %get3A_667 = vector.load %arg16[%get3A_664, %get3A_665, %get3A_666] : memref<16x1250x128xf32, #tpu.memory_space<vmem>>, vector<1x1250x128xf32>
    %get3A_668 = vector.shape_cast %get3A_667 : vector<1x1250x128xf32> to vector<1250x128xf32>
    %sub3A_669 = arith.subf %get3A_668, %mul3A_349 : vector<1250x128xf32>
    %mul3A_670 = arith.mulf %sub3A_669, %rsqrt3A : vector<1250x128xf32>
    %get3A_671 = arith.constant 0 : index
    %get3A_672 = arith.constant 6 : index
    %get3A_673 = memref.load %arg13[%get3A_671, %get3A_672] : memref<1x16xf32, #tpu.memory_space<smem>>
    %mul3A_674 = vector.broadcast %get3A_673 : f32 to vector<1250x128xf32>
    %mul3A_675 = arith.mulf %mul3A_670, %mul3A_674 : vector<1250x128xf32>
    %get3A_676 = arith.constant 0 : index
    %get3A_677 = arith.constant 6 : index
    %get3A_678 = memref.load %arg14[%get3A_676, %get3A_677] : memref<1x16xf32, #tpu.memory_space<smem>>
    %add3A_679 = vector.broadcast %get3A_678 : f32 to vector<1250x128xf32>
    %add3A_680 = arith.addf %mul3A_675, %add3A_679 : vector<1250x128xf32>
    %logistic3A_681 = arith.negf %add3A_680 : vector<1250x128xf32>
    %logistic3A_682 = math.exp %logistic3A_681 : vector<1250x128xf32>
    %logistic3A_683 = arith.constant 1.000000e+00 : f32
    %logistic3A_684 = vector.broadcast %logistic3A_683 : f32 to vector<1250x128xf32>
    %logistic3A_685 = arith.addf %logistic3A_684, %logistic3A_682 : vector<1250x128xf32>
    %logistic3A_686 = arith.divf %logistic3A_684, %logistic3A_685 : vector<1250x128xf32>
    %mul3A_687 = arith.mulf %add3A_680, %logistic3A_686 : vector<1250x128xf32>
    %swap3A_688 = arith.constant 6 : index
    %swap3A_689 = arith.constant 0 : index
    %swap3A_690 = arith.constant 0 : index
    %swap3A_691 = vector.load %arg16[%swap3A_688, %swap3A_689, %swap3A_690] : memref<16x1250x128xf32, #tpu.memory_space<vmem>>, vector<1x1250x128xf32>
    %swap3A_692 = vector.shape_cast %swap3A_691 : vector<1x1250x128xf32> to vector<1250x128xf32>
    %swap3A_693 = vector.shape_cast %mul3A_687 : vector<1250x128xf32> to vector<1x1250x128xf32>
    tpu.vector_store %arg16[%swap3A_688, %swap3A_689, %swap3A_690], %swap3A_693 {strides = array<i32>} : memref<16x1250x128xf32, #tpu.memory_space<vmem>>, vector<1x1250x128xf32>,
    %get3A_694 = arith.constant 7 : index
    %get3A_695 = arith.constant 0 : index
    %get3A_696 = arith.constant 0 : index
    %get3A_697 = vector.load %arg16[%get3A_694, %get3A_695, %get3A_696] : memref<16x1250x128xf32, #tpu.memory_space<vmem>>, vector<1x1250x128xf32>
    %get3A_698 = vector.shape_cast %get3A_697 : vector<1x1250x128xf32> to vector<1250x128xf32>
    %sub3A_699 = arith.subf %get3A_698, %mul3A_349 : vector<1250x128xf32>
    %mul3A_700 = arith.mulf %sub3A_699, %rsqrt3A : vector<1250x128xf32>
    %get3A_701 = arith.constant 0 : index
    %get3A_702 = arith.constant 7 : index
    %get3A_703 = memref.load %arg13[%get3A_701, %get3A_702] : memref<1x16xf32, #tpu.memory_space<smem>>
    %mul3A_704 = vector.broadcast %get3A_703 : f32 to vector<1250x128xf32>
    %mul3A_705 = arith.mulf %mul3A_700, %mul3A_704 : vector<1250x128xf32>
    %get3A_706 = arith.constant 0 : index
    %get3A_707 = arith.constant 7 : index
    %get3A_708 = memref.load %arg14[%get3A_706, %get3A_707] : memref<1x16xf32, #tpu.memory_space<smem>>
    %add3A_709 = vector.broadcast %get3A_708 : f32 to vector<1250x128xf32>
    %add3A_710 = arith.addf %mul3A_705, %add3A_709 : vector<1250x128xf32>
    %logistic3A_711 = arith.negf %add3A_710 : vector<1250x128xf32>
    %logistic3A_712 = math.exp %logistic3A_711 : vector<1250x128xf32>
    %logistic3A_713 = arith.constant 1.000000e+00 : f32
    %logistic3A_714 = vector.broadcast %logistic3A_713 : f32 to vector<1250x128xf32>
    %logistic3A_715 = arith.addf %logistic3A_714, %logistic3A_712 : vector<1250x128xf32>
    %logistic3A_716 = arith.divf %logistic3A_714, %logistic3A_715 : vector<1250x128xf32>
    %mul3A_717 = arith.mulf %add3A_710, %logistic3A_716 : vector<1250x128xf32>
    %swap3A_718 = arith.constant 7 : index
    %swap3A_719 = arith.constant 0 : index
    %swap3A_720 = arith.constant 0 : index
    %swap3A_721 = vector.load %arg16[%swap3A_718, %swap3A_719, %swap3A_720] : memref<16x1250x128xf32, #tpu.memory_space<vmem>>, vector<1x1250x128xf32>
    %swap3A_722 = vector.shape_cast %swap3A_721 : vector<1x1250x128xf32> to vector<1250x128xf32>
    %swap3A_723 = vector.shape_cast %mul3A_717 : vector<1250x128xf32> to vector<1x1250x128xf32>
    tpu.vector_store %arg16[%swap3A_718, %swap3A_719, %swap3A_720], %swap3A_723 {strides = array<i32>} : memref<16x1250x128xf32, #tpu.memory_space<vmem>>, vector<1x1250x128xf32>,
    %get3A_724 = arith.constant 8 : index
    %get3A_725 = arith.constant 0 : index
    %get3A_726 = arith.constant 0 : index
    %get3A_727 = vector.load %arg16[%get3A_724, %get3A_725, %get3A_726] : memref<16x1250x128xf32, #tpu.memory_space<vmem>>, vector<1x1250x128xf32>
    %get3A_728 = vector.shape_cast %get3A_727 : vector<1x1250x128xf32> to vector<1250x128xf32>
    %sub3A_729 = arith.subf %get3A_728, %mul3A_349 : vector<1250x128xf32>
    %mul3A_730 = arith.mulf %sub3A_729, %rsqrt3A : vector<1250x128xf32>
    %get3A_731 = arith.constant 0 : index
    %get3A_732 = arith.constant 8 : index
    %get3A_733 = memref.load %arg13[%get3A_731, %get3A_732] : memref<1x16xf32, #tpu.memory_space<smem>>
    %mul3A_734 = vector.broadcast %get3A_733 : f32 to vector<1250x128xf32>
    %mul3A_735 = arith.mulf %mul3A_730, %mul3A_734 : vector<1250x128xf32>
    %get3A_736 = arith.constant 0 : index
    %get3A_737 = arith.constant 8 : index
    %get3A_738 = memref.load %arg14[%get3A_736, %get3A_737] : memref<1x16xf32, #tpu.memory_space<smem>>
    %add3A_739 = vector.broadcast %get3A_738 : f32 to vector<1250x128xf32>
    %add3A_740 = arith.addf %mul3A_735, %add3A_739 : vector<1250x128xf32>
    %logistic3A_741 = arith.negf %add3A_740 : vector<1250x128xf32>
    %logistic3A_742 = math.exp %logistic3A_741 : vector<1250x128xf32>
    %logistic3A_743 = arith.constant 1.000000e+00 : f32
    %logistic3A_744 = vector.broadcast %logistic3A_743 : f32 to vector<1250x128xf32>
    %logistic3A_745 = arith.addf %logistic3A_744, %logistic3A_742 : vector<1250x128xf32>
    %logistic3A_746 = arith.divf %logistic3A_744, %logistic3A_745 : vector<1250x128xf32>
    %mul3A_747 = arith.mulf %add3A_740, %logistic3A_746 : vector<1250x128xf32>
    %swap3A_748 = arith.constant 8 : index
    %swap3A_749 = arith.constant 0 : index
    %swap3A_750 = arith.constant 0 : index
    %swap3A_751 = vector.load %arg16[%swap3A_748, %swap3A_749, %swap3A_750] : memref<16x1250x128xf32, #tpu.memory_space<vmem>>, vector<1x1250x128xf32>
    %swap3A_752 = vector.shape_cast %swap3A_751 : vector<1x1250x128xf32> to vector<1250x128xf32>
    %swap3A_753 = vector.shape_cast %mul3A_747 : vector<1250x128xf32> to vector<1x1250x128xf32>
    tpu.vector_store %arg16[%swap3A_748, %swap3A_749, %swap3A_750], %swap3A_753 {strides = array<i32>} : memref<16x1250x128xf32, #tpu.memory_space<vmem>>, vector<1x1250x128xf32>,
    %get3A_754 = arith.constant 9 : index
    %get3A_755 = arith.constant 0 : index
    %get3A_756 = arith.constant 0 : index
    %get3A_757 = vector.load %arg16[%get3A_754, %get3A_755, %get3A_756] : memref<16x1250x128xf32, #tpu.memory_space<vmem>>, vector<1x1250x128xf32>
    %get3A_758 = vector.shape_cast %get3A_757 : vector<1x1250x128xf32> to vector<1250x128xf32>
    %sub3A_759 = arith.subf %get3A_758, %mul3A_349 : vector<1250x128xf32>
    %mul3A_760 = arith.mulf %sub3A_759, %rsqrt3A : vector<1250x128xf32>
    %get3A_761 = arith.constant 0 : index
    %get3A_762 = arith.constant 9 : index
    %get3A_763 = memref.load %arg13[%get3A_761, %get3A_762] : memref<1x16xf32, #tpu.memory_space<smem>>
    %mul3A_764 = vector.broadcast %get3A_763 : f32 to vector<1250x128xf32>
    %mul3A_765 = arith.mulf %mul3A_760, %mul3A_764 : vector<1250x128xf32>
    %get3A_766 = arith.constant 0 : index
    %get3A_767 = arith.constant 9 : index
    %get3A_768 = memref.load %arg14[%get3A_766, %get3A_767] : memref<1x16xf32, #tpu.memory_space<smem>>
    %add3A_769 = vector.broadcast %get3A_768 : f32 to vector<1250x128xf32>
    %add3A_770 = arith.addf %mul3A_765, %add3A_769 : vector<1250x128xf32>
    %logistic3A_771 = arith.negf %add3A_770 : vector<1250x128xf32>
    %logistic3A_772 = math.exp %logistic3A_771 : vector<1250x128xf32>
    %logistic3A_773 = arith.constant 1.000000e+00 : f32
    %logistic3A_774 = vector.broadcast %logistic3A_773 : f32 to vector<1250x128xf32>
    %logistic3A_775 = arith.addf %logistic3A_774, %logistic3A_772 : vector<1250x128xf32>
    %logistic3A_776 = arith.divf %logistic3A_774, %logistic3A_775 : vector<1250x128xf32>
    %mul3A_777 = arith.mulf %add3A_770, %logistic3A_776 : vector<1250x128xf32>
    %swap3A_778 = arith.constant 9 : index
    %swap3A_779 = arith.constant 0 : index
    %swap3A_780 = arith.constant 0 : index
    %swap3A_781 = vector.load %arg16[%swap3A_778, %swap3A_779, %swap3A_780] : memref<16x1250x128xf32, #tpu.memory_space<vmem>>, vector<1x1250x128xf32>
    %swap3A_782 = vector.shape_cast %swap3A_781 : vector<1x1250x128xf32> to vector<1250x128xf32>
    %swap3A_783 = vector.shape_cast %mul3A_777 : vector<1250x128xf32> to vector<1x1250x128xf32>
    tpu.vector_store %arg16[%swap3A_778, %swap3A_779, %swap3A_780], %swap3A_783 {strides = array<i32>} : memref<16x1250x128xf32, #tpu.memory_space<vmem>>, vector<1x1250x128xf32>,
    %get3A_784 = arith.constant 10 : index
    %get3A_785 = arith.constant 0 : index
    %get3A_786 = arith.constant 0 : index
    %get3A_787 = vector.load %arg16[%get3A_784, %get3A_785, %get3A_786] : memref<16x1250x128xf32, #tpu.memory_space<vmem>>, vector<1x1250x128xf32>
    %get3A_788 = vector.shape_cast %get3A_787 : vector<1x1250x128xf32> to vector<1250x128xf32>
    %sub3A_789 = arith.subf %get3A_788, %mul3A_349 : vector<1250x128xf32>
    %mul3A_790 = arith.mulf %sub3A_789, %rsqrt3A : vector<1250x128xf32>
    %get3A_791 = arith.constant 0 : index
    %get3A_792 = arith.constant 10 : index
    %get3A_793 = memref.load %arg13[%get3A_791, %get3A_792] : memref<1x16xf32, #tpu.memory_space<smem>>
    %mul3A_794 = vector.broadcast %get3A_793 : f32 to vector<1250x128xf32>
    %mul3A_795 = arith.mulf %mul3A_790, %mul3A_794 : vector<1250x128xf32>
    %get3A_796 = arith.constant 0 : index
    %get3A_797 = arith.constant 10 : index
    %get3A_798 = memref.load %arg14[%get3A_796, %get3A_797] : memref<1x16xf32, #tpu.memory_space<smem>>
    %add3A_799 = vector.broadcast %get3A_798 : f32 to vector<1250x128xf32>
    %add3A_800 = arith.addf %mul3A_795, %add3A_799 : vector<1250x128xf32>
    %logistic3A_801 = arith.negf %add3A_800 : vector<1250x128xf32>
    %logistic3A_802 = math.exp %logistic3A_801 : vector<1250x128xf32>
    %logistic3A_803 = arith.constant 1.000000e+00 : f32
    %logistic3A_804 = vector.broadcast %logistic3A_803 : f32 to vector<1250x128xf32>
    %logistic3A_805 = arith.addf %logistic3A_804, %logistic3A_802 : vector<1250x128xf32>
    %logistic3A_806 = arith.divf %logistic3A_804, %logistic3A_805 : vector<1250x128xf32>
    %mul3A_807 = arith.mulf %add3A_800, %logistic3A_806 : vector<1250x128xf32>
    %swap3A_808 = arith.constant 10 : index
    %swap3A_809 = arith.constant 0 : index
    %swap3A_810 = arith.constant 0 : index
    %swap3A_811 = vector.load %arg16[%swap3A_808, %swap3A_809, %swap3A_810] : memref<16x1250x128xf32, #tpu.memory_space<vmem>>, vector<1x1250x128xf32>
    %swap3A_812 = vector.shape_cast %swap3A_811 : vector<1x1250x128xf32> to vector<1250x128xf32>
    %swap3A_813 = vector.shape_cast %mul3A_807 : vector<1250x128xf32> to vector<1x1250x128xf32>
    tpu.vector_store %arg16[%swap3A_808, %swap3A_809, %swap3A_810], %swap3A_813 {strides = array<i32>} : memref<16x1250x128xf32, #tpu.memory_space<vmem>>, vector<1x1250x128xf32>,
    %get3A_814 = arith.constant 11 : index
    %get3A_815 = arith.constant 0 : index
    %get3A_816 = arith.constant 0 : index
    %get3A_817 = vector.load %arg16[%get3A_814, %get3A_815, %get3A_816] : memref<16x1250x128xf32, #tpu.memory_space<vmem>>, vector<1x1250x128xf32>
    %get3A_818 = vector.shape_cast %get3A_817 : vector<1x1250x128xf32> to vector<1250x128xf32>
    %sub3A_819 = arith.subf %get3A_818, %mul3A_349 : vector<1250x128xf32>
    %mul3A_820 = arith.mulf %sub3A_819, %rsqrt3A : vector<1250x128xf32>
    %get3A_821 = arith.constant 0 : index
    %get3A_822 = arith.constant 11 : index
    %get3A_823 = memref.load %arg13[%get3A_821, %get3A_822] : memref<1x16xf32, #tpu.memory_space<smem>>
    %mul3A_824 = vector.broadcast %get3A_823 : f32 to vector<1250x128xf32>
    %mul3A_825 = arith.mulf %mul3A_820, %mul3A_824 : vector<1250x128xf32>
    %get3A_826 = arith.constant 0 : index
    %get3A_827 = arith.constant 11 : index
    %get3A_828 = memref.load %arg14[%get3A_826, %get3A_827] : memref<1x16xf32, #tpu.memory_space<smem>>
    %add3A_829 = vector.broadcast %get3A_828 : f32 to vector<1250x128xf32>
    %add3A_830 = arith.addf %mul3A_825, %add3A_829 : vector<1250x128xf32>
    %logistic3A_831 = arith.negf %add3A_830 : vector<1250x128xf32>
    %logistic3A_832 = math.exp %logistic3A_831 : vector<1250x128xf32>
    %logistic3A_833 = arith.constant 1.000000e+00 : f32
    %logistic3A_834 = vector.broadcast %logistic3A_833 : f32 to vector<1250x128xf32>
    %logistic3A_835 = arith.addf %logistic3A_834, %logistic3A_832 : vector<1250x128xf32>
    %logistic3A_836 = arith.divf %logistic3A_834, %logistic3A_835 : vector<1250x128xf32>
    %mul3A_837 = arith.mulf %add3A_830, %logistic3A_836 : vector<1250x128xf32>
    %swap3A_838 = arith.constant 11 : index
    %swap3A_839 = arith.constant 0 : index
    %swap3A_840 = arith.constant 0 : index
    %swap3A_841 = vector.load %arg16[%swap3A_838, %swap3A_839, %swap3A_840] : memref<16x1250x128xf32, #tpu.memory_space<vmem>>, vector<1x1250x128xf32>
    %swap3A_842 = vector.shape_cast %swap3A_841 : vector<1x1250x128xf32> to vector<1250x128xf32>
    %swap3A_843 = vector.shape_cast %mul3A_837 : vector<1250x128xf32> to vector<1x1250x128xf32>
    tpu.vector_store %arg16[%swap3A_838, %swap3A_839, %swap3A_840], %swap3A_843 {strides = array<i32>} : memref<16x1250x128xf32, #tpu.memory_space<vmem>>, vector<1x1250x128xf32>,
    %get3A_844 = arith.constant 12 : index
    %get3A_845 = arith.constant 0 : index
    %get3A_846 = arith.constant 0 : index
    %get3A_847 = vector.load %arg16[%get3A_844, %get3A_845, %get3A_846] : memref<16x1250x128xf32, #tpu.memory_space<vmem>>, vector<1x1250x128xf32>
    %get3A_848 = vector.shape_cast %get3A_847 : vector<1x1250x128xf32> to vector<1250x128xf32>
    %sub3A_849 = arith.subf %get3A_848, %mul3A_349 : vector<1250x128xf32>
    %mul3A_850 = arith.mulf %sub3A_849, %rsqrt3A : vector<1250x128xf32>
    %get3A_851 = arith.constant 0 : index
    %get3A_852 = arith.constant 12 : index
    %get3A_853 = memref.load %arg13[%get3A_851, %get3A_852] : memref<1x16xf32, #tpu.memory_space<smem>>
    %mul3A_854 = vector.broadcast %get3A_853 : f32 to vector<1250x128xf32>
    %mul3A_855 = arith.mulf %mul3A_850, %mul3A_854 : vector<1250x128xf32>
    %get3A_856 = arith.constant 0 : index
    %get3A_857 = arith.constant 12 : index
    %get3A_858 = memref.load %arg14[%get3A_856, %get3A_857] : memref<1x16xf32, #tpu.memory_space<smem>>
    %add3A_859 = vector.broadcast %get3A_858 : f32 to vector<1250x128xf32>
    %add3A_860 = arith.addf %mul3A_855, %add3A_859 : vector<1250x128xf32>
    %logistic3A_861 = arith.negf %add3A_860 : vector<1250x128xf32>
    %logistic3A_862 = math.exp %logistic3A_861 : vector<1250x128xf32>
    %logistic3A_863 = arith.constant 1.000000e+00 : f32
    %logistic3A_864 = vector.broadcast %logistic3A_863 : f32 to vector<1250x128xf32>
    %logistic3A_865 = arith.addf %logistic3A_864, %logistic3A_862 : vector<1250x128xf32>
    %logistic3A_866 = arith.divf %logistic3A_864, %logistic3A_865 : vector<1250x128xf32>
    %mul3A_867 = arith.mulf %add3A_860, %logistic3A_866 : vector<1250x128xf32>
    %swap3A_868 = arith.constant 12 : index
    %swap3A_869 = arith.constant 0 : index
    %swap3A_870 = arith.constant 0 : index
    %swap3A_871 = vector.load %arg16[%swap3A_868, %swap3A_869, %swap3A_870] : memref<16x1250x128xf32, #tpu.memory_space<vmem>>, vector<1x1250x128xf32>
    %swap3A_872 = vector.shape_cast %swap3A_871 : vector<1x1250x128xf32> to vector<1250x128xf32>
    %swap3A_873 = vector.shape_cast %mul3A_867 : vector<1250x128xf32> to vector<1x1250x128xf32>
    tpu.vector_store %arg16[%swap3A_868, %swap3A_869, %swap3A_870], %swap3A_873 {strides = array<i32>} : memref<16x1250x128xf32, #tpu.memory_space<vmem>>, vector<1x1250x128xf32>,
    %get3A_874 = arith.constant 13 : index
    %get3A_875 = arith.constant 0 : index
    %get3A_876 = arith.constant 0 : index
    %get3A_877 = vector.load %arg16[%get3A_874, %get3A_875, %get3A_876] : memref<16x1250x128xf32, #tpu.memory_space<vmem>>, vector<1x1250x128xf32>
    %get3A_878 = vector.shape_cast %get3A_877 : vector<1x1250x128xf32> to vector<1250x128xf32>
    %sub3A_879 = arith.subf %get3A_878, %mul3A_349 : vector<1250x128xf32>
    %mul3A_880 = arith.mulf %sub3A_879, %rsqrt3A : vector<1250x128xf32>
    %get3A_881 = arith.constant 0 : index
    %get3A_882 = arith.constant 13 : index
    %get3A_883 = memref.load %arg13[%get3A_881, %get3A_882] : memref<1x16xf32, #tpu.memory_space<smem>>
    %mul3A_884 = vector.broadcast %get3A_883 : f32 to vector<1250x128xf32>
    %mul3A_885 = arith.mulf %mul3A_880, %mul3A_884 : vector<1250x128xf32>
    %get3A_886 = arith.constant 0 : index
    %get3A_887 = arith.constant 13 : index
    %get3A_888 = memref.load %arg14[%get3A_886, %get3A_887] : memref<1x16xf32, #tpu.memory_space<smem>>
    %add3A_889 = vector.broadcast %get3A_888 : f32 to vector<1250x128xf32>
    %add3A_890 = arith.addf %mul3A_885, %add3A_889 : vector<1250x128xf32>
    %logistic3A_891 = arith.negf %add3A_890 : vector<1250x128xf32>
    %logistic3A_892 = math.exp %logistic3A_891 : vector<1250x128xf32>
    %logistic3A_893 = arith.constant 1.000000e+00 : f32
    %logistic3A_894 = vector.broadcast %logistic3A_893 : f32 to vector<1250x128xf32>
    %logistic3A_895 = arith.addf %logistic3A_894, %logistic3A_892 : vector<1250x128xf32>
    %logistic3A_896 = arith.divf %logistic3A_894, %logistic3A_895 : vector<1250x128xf32>
    %mul3A_897 = arith.mulf %add3A_890, %logistic3A_896 : vector<1250x128xf32>
    %swap3A_898 = arith.constant 13 : index
    %swap3A_899 = arith.constant 0 : index
    %swap3A_900 = arith.constant 0 : index
    %swap3A_901 = vector.load %arg16[%swap3A_898, %swap3A_899, %swap3A_900] : memref<16x1250x128xf32, #tpu.memory_space<vmem>>, vector<1x1250x128xf32>
    %swap3A_902 = vector.shape_cast %swap3A_901 : vector<1x1250x128xf32> to vector<1250x128xf32>
    %swap3A_903 = vector.shape_cast %mul3A_897 : vector<1250x128xf32> to vector<1x1250x128xf32>
    tpu.vector_store %arg16[%swap3A_898, %swap3A_899, %swap3A_900], %swap3A_903 {strides = array<i32>} : memref<16x1250x128xf32, #tpu.memory_space<vmem>>, vector<1x1250x128xf32>,
    %get3A_904 = arith.constant 14 : index
    %get3A_905 = arith.constant 0 : index
    %get3A_906 = arith.constant 0 : index
    %get3A_907 = vector.load %arg16[%get3A_904, %get3A_905, %get3A_906] : memref<16x1250x128xf32, #tpu.memory_space<vmem>>, vector<1x1250x128xf32>
    %get3A_908 = vector.shape_cast %get3A_907 : vector<1x1250x128xf32> to vector<1250x128xf32>
    %sub3A_909 = arith.subf %get3A_908, %mul3A_349 : vector<1250x128xf32>
    %mul3A_910 = arith.mulf %sub3A_909, %rsqrt3A : vector<1250x128xf32>
    %get3A_911 = arith.constant 0 : index
    %get3A_912 = arith.constant 14 : index
    %get3A_913 = memref.load %arg13[%get3A_911, %get3A_912] : memref<1x16xf32, #tpu.memory_space<smem>>
    %mul3A_914 = vector.broadcast %get3A_913 : f32 to vector<1250x128xf32>
    %mul3A_915 = arith.mulf %mul3A_910, %mul3A_914 : vector<1250x128xf32>
    %get3A_916 = arith.constant 0 : index
    %get3A_917 = arith.constant 14 : index
    %get3A_918 = memref.load %arg14[%get3A_916, %get3A_917] : memref<1x16xf32, #tpu.memory_space<smem>>
    %add3A_919 = vector.broadcast %get3A_918 : f32 to vector<1250x128xf32>
    %add3A_920 = arith.addf %mul3A_915, %add3A_919 : vector<1250x128xf32>
    %logistic3A_921 = arith.negf %add3A_920 : vector<1250x128xf32>
    %logistic3A_922 = math.exp %logistic3A_921 : vector<1250x128xf32>
    %logistic3A_923 = arith.constant 1.000000e+00 : f32
    %logistic3A_924 = vector.broadcast %logistic3A_923 : f32 to vector<1250x128xf32>
    %logistic3A_925 = arith.addf %logistic3A_924, %logistic3A_922 : vector<1250x128xf32>
    %logistic3A_926 = arith.divf %logistic3A_924, %logistic3A_925 : vector<1250x128xf32>
    %mul3A_927 = arith.mulf %add3A_920, %logistic3A_926 : vector<1250x128xf32>
    %swap3A_928 = arith.constant 14 : index
    %swap3A_929 = arith.constant 0 : index
    %swap3A_930 = arith.constant 0 : index
    %swap3A_931 = vector.load %arg16[%swap3A_928, %swap3A_929, %swap3A_930] : memref<16x1250x128xf32, #tpu.memory_space<vmem>>, vector<1x1250x128xf32>
    %swap3A_932 = vector.shape_cast %swap3A_931 : vector<1x1250x128xf32> to vector<1250x128xf32>
    %swap3A_933 = vector.shape_cast %mul3A_927 : vector<1250x128xf32> to vector<1x1250x128xf32>
    tpu.vector_store %arg16[%swap3A_928, %swap3A_929, %swap3A_930], %swap3A_933 {strides = array<i32>} : memref<16x1250x128xf32, #tpu.memory_space<vmem>>, vector<1x1250x128xf32>,
    %get3A_934 = arith.constant 15 : index
    %get3A_935 = arith.constant 0 : index
    %get3A_936 = arith.constant 0 : index
    %get3A_937 = vector.load %arg16[%get3A_934, %get3A_935, %get3A_936] : memref<16x1250x128xf32, #tpu.memory_space<vmem>>, vector<1x1250x128xf32>
    %get3A_938 = vector.shape_cast %get3A_937 : vector<1x1250x128xf32> to vector<1250x128xf32>
    %sub3A_939 = arith.subf %get3A_938, %mul3A_349 : vector<1250x128xf32>
    %mul3A_940 = arith.mulf %sub3A_939, %rsqrt3A : vector<1250x128xf32>
    %get3A_941 = arith.constant 0 : index
    %get3A_942 = arith.constant 15 : index
    %get3A_943 = memref.load %arg13[%get3A_941, %get3A_942] : memref<1x16xf32, #tpu.memory_space<smem>>
    %mul3A_944 = vector.broadcast %get3A_943 : f32 to vector<1250x128xf32>
    %mul3A_945 = arith.mulf %mul3A_940, %mul3A_944 : vector<1250x128xf32>
    %get3A_946 = arith.constant 0 : index
    %get3A_947 = arith.constant 15 : index
    %get3A_948 = memref.load %arg14[%get3A_946, %get3A_947] : memref<1x16xf32, #tpu.memory_space<smem>>
    %add3A_949 = vector.broadcast %get3A_948 : f32 to vector<1250x128xf32>
    %add3A_950 = arith.addf %mul3A_945, %add3A_949 : vector<1250x128xf32>
    %logistic3A_951 = arith.negf %add3A_950 : vector<1250x128xf32>
    %logistic3A_952 = math.exp %logistic3A_951 : vector<1250x128xf32>
    %logistic3A_953 = arith.constant 1.000000e+00 : f32
    %logistic3A_954 = vector.broadcast %logistic3A_953 : f32 to vector<1250x128xf32>
    %logistic3A_955 = arith.addf %logistic3A_954, %logistic3A_952 : vector<1250x128xf32>
    %logistic3A_956 = arith.divf %logistic3A_954, %logistic3A_955 : vector<1250x128xf32>
    %mul3A_957 = arith.mulf %add3A_950, %logistic3A_956 : vector<1250x128xf32>
    %swap3A_958 = arith.constant 15 : index
    %swap3A_959 = arith.constant 0 : index
    %swap3A_960 = arith.constant 0 : index
    %swap3A_961 = vector.load %arg16[%swap3A_958, %swap3A_959, %swap3A_960] : memref<16x1250x128xf32, #tpu.memory_space<vmem>>, vector<1x1250x128xf32>
    %swap3A_962 = vector.shape_cast %swap3A_961 : vector<1x1250x128xf32> to vector<1250x128xf32>
    %swap3A_963 = vector.shape_cast %mul3A_957 : vector<1250x128xf32> to vector<1x1250x128xf32>
    tpu.vector_store %arg16[%swap3A_958, %swap3A_959, %swap3A_960], %swap3A_963 {strides = array<i32>} : memref<16x1250x128xf32, #tpu.memory_space<vmem>>, vector<1x1250x128xf32>,
    return
  }
  func.func @transform_0(%arg0: i32) -> (i32, i32) {
    %c0_i32 = arith.constant 0 : i32
    %c0_i32_0 = arith.constant 0 : i32
    %c0_i32_1 = arith.constant 0 : i32
    return %c0_i32, %c0_i32_0 : i32, i32
  }
  func.func @transform_1(%arg0: i32) -> (i32, i32) {
    %c0_i32 = arith.constant 0 : i32
    %c0_i32_0 = arith.constant 0 : i32
    %c0_i32_1 = arith.constant 0 : i32
    return %c0_i32, %c0_i32_0 : i32, i32
  }
  func.func @transform_2(%arg0: i32) -> (i32, i32) {
    %c0_i32 = arith.constant 0 : i32
    %c0_i32_0 = arith.constant 0 : i32
    %c0_i32_1 = arith.constant 0 : i32
    return %c0_i32, %c0_i32_0 : i32, i32
  }
  func.func @transform_3(%arg0: i32) -> (i32, i32) {
    %c0_i32 = arith.constant 0 : i32
    %c0_i32_0 = arith.constant 0 : i32
    %c0_i32_1 = arith.constant 0 : i32
    return %c0_i32, %c0_i32_0 : i32, i32
  }
  func.func @transform_4(%arg0: i32) -> (i32, i32) {
    %c0_i32 = arith.constant 0 : i32
    %c0_i32_0 = arith.constant 0 : i32
    %c0_i32_1 = arith.constant 0 : i32
    return %c0_i32, %c0_i32_0 : i32, i32
  }
  func.func @transform_5(%arg0: i32) -> (i32, i32) {
    %c0_i32 = arith.constant 0 : i32
    %c0_i32_0 = arith.constant 0 : i32
    %c0_i32_1 = arith.constant 0 : i32
    return %c0_i32, %c0_i32_0 : i32, i32
  }
  func.func @transform_6(%arg0: i32) -> (i32, i32) {
    %c0_i32 = arith.constant 0 : i32
    %c0_i32_0 = arith.constant 0 : i32
    %c0_i32_1 = arith.constant 0 : i32
    return %c0_i32, %c0_i32_0 : i32, i32
  }
  func.func @transform_7(%arg0: i32) -> (i32, i32) {
    %c0_i32 = arith.constant 0 : i32
    %c0_i32_0 = arith.constant 0 : i32
    %c0_i32_1 = arith.constant 0 : i32
    return %c0_i32, %c0_i32_0 : i32, i32
  }
  func.func @transform_8(%arg0: i32) -> (i32, i32) {
    %c0_i32 = arith.constant 0 : i32
    %c0_i32_0 = arith.constant 0 : i32
    %c0_i32_1 = arith.constant 0 : i32
    return %c0_i32, %c0_i32_0 : i32, i32
  }
  func.func @transform_9(%arg0: i32) -> (i32, i32) {
    %c0_i32 = arith.constant 0 : i32
    %c0_i32_0 = arith.constant 0 : i32
    %c0_i32_1 = arith.constant 0 : i32
    return %c0_i32, %c0_i32_0 : i32, i32
  }
  func.func @transform_10(%arg0: i32) -> (i32, i32) {
    %c0_i32 = arith.constant 0 : i32
    %c0_i32_0 = arith.constant 0 : i32
    %c0_i32_1 = arith.constant 0 : i32
    return %c0_i32, %c0_i32_0 : i32, i32
  }
  func.func @transform_11(%arg0: i32) -> (i32, i32) {
    %c0_i32 = arith.constant 0 : i32
    %c0_i32_0 = arith.constant 0 : i32
    %c0_i32_1 = arith.constant 0 : i32
    return %c0_i32, %c0_i32_0 : i32, i32
  }
  func.func @transform_12(%arg0: i32) -> (i32, i32) {
    %c0_i32 = arith.constant 0 : i32
    %c0_i32_0 = arith.constant 0 : i32
    %c0_i32_1 = arith.constant 0 : i32
    return %c0_i32, %c0_i32_0 : i32, i32
  }
  func.func @transform_13(%arg0: i32) -> (i32, i32) {
    %c0_i32 = arith.constant 0 : i32
    %c0_i32_0 = arith.constant 0 : i32
    %c0_i32_1 = arith.constant 0 : i32
    return %c0_i32, %c0_i32_0 : i32, i32
  }
  func.func @transform_14(%arg0: i32) -> (i32, i32) {
    %c0_i32 = arith.constant 0 : i32
    %c0_i32_0 = arith.constant 0 : i32
    %c0_i32_1 = arith.constant 0 : i32
    return %c0_i32, %c0_i32_0 : i32, i32
  }
  func.func @transform_15(%arg0: i32) -> (i32, i32, i32) {
    %c0_i32 = arith.constant 0 : i32
    %c0_i32_0 = arith.constant 0 : i32
    %c0_i32_1 = arith.constant 0 : i32
    %c0_i32_2 = arith.constant 0 : i32
    return %c0_i32, %c0_i32_0, %c0_i32_1 : i32, i32, i32
  }
}

module attributes {stable_mosaic.version = 14 : i64} {
  func.func @_edge_body(%arg0: i32, %arg1: memref<3200x128xf32, #tpu.memory_space<vmem>>, %arg2: memref<3200x16xf32, #tpu.memory_space<vmem>>, %arg3: memref<3200x16xf32, #tpu.memory_space<vmem>>, %arg4: memref<3200x1xf32, #tpu.memory_space<vmem>>, %arg5: memref<3200x16xf32, #tpu.memory_space<vmem>>, %arg6: memref<16x96xf32, #tpu.memory_space<vmem>>, %arg7: memref<16x96xf32, #tpu.memory_space<vmem>>, %arg8: memref<16x96xf32, #tpu.memory_space<vmem>>, %arg9: memref<1x96xf32, #tpu.memory_space<vmem>>, %arg10: memref<1x96xf32, #tpu.memory_space<vmem>>, %arg11: memref<1x96xf32, #tpu.memory_space<vmem>>, %arg12: memref<3200x128xf32, #tpu.memory_space<vmem>>) attributes {dimension_semantics = [#tpu.dimension_semantics<arbitrary>], iteration_bounds = array<i64: 50>, scalar_prefetch = 0 : i64, scratch_operands = 0 : i64, tpu.core_type = #tpu.core_type<tc>, window_params = [{transform_indices = @transform_0, window_bounds = array<i64: 3200, 128>}, {transform_indices = @transform_1, window_bounds = array<i64: 3200, 16>}, {transform_indices = @transform_2, window_bounds = array<i64: 3200, 16>}, {transform_indices = @transform_3, window_bounds = array<i64: 3200, 1>}, {transform_indices = @transform_4, window_bounds = array<i64: 3200, 16>}, {pipeline_mode = #tpu.pipeline_mode<synchronous>, transform_indices = @transform_5, window_bounds = array<i64: 16, 96>}, {pipeline_mode = #tpu.pipeline_mode<synchronous>, transform_indices = @transform_6, window_bounds = array<i64: 16, 96>}, {pipeline_mode = #tpu.pipeline_mode<synchronous>, transform_indices = @transform_7, window_bounds = array<i64: 16, 96>}, {pipeline_mode = #tpu.pipeline_mode<synchronous>, transform_indices = @transform_8, window_bounds = array<i64: 1, 96>}, {pipeline_mode = #tpu.pipeline_mode<synchronous>, transform_indices = @transform_9, window_bounds = array<i64: 1, 96>}, {pipeline_mode = #tpu.pipeline_mode<synchronous>, transform_indices = @transform_10, window_bounds = array<i64: 1, 96>}, {transform_indices = @transform_11, window_bounds = array<i64: 3200, 128>}]} {
    %get3A = arith.constant 0 : index
    %get3A_0 = arith.constant 0 : index
    %get3A_1 = vector.load %arg4[%get3A, %get3A_0] : memref<3200x1xf32, #tpu.memory_space<vmem>>, vector<3200x1xf32>
    %get3A_2 = arith.constant 0 : index
    %get3A_3 = arith.constant 0 : index
    %get3A_4 = vector.load %arg1[%get3A_2, %get3A_3] : memref<3200x128xf32, #tpu.memory_space<vmem>>, vector<3200x128xf32>
    %slice3A = vector.extract_strided_slice %get3A_4 {offsets = [0, 0], sizes = [3200, 96], strides = [1, 1]} : vector<3200x128xf32> to vector<3200x96xf32>
    %get3A_5 = arith.constant 0 : index
    %get3A_6 = arith.constant 0 : index
    %get3A_7 = vector.load %arg2[%get3A_5, %get3A_6] : memref<3200x16xf32, #tpu.memory_space<vmem>>, vector<3200x16xf32>
    %get3A_8 = arith.constant 0 : index
    %get3A_9 = arith.constant 0 : index
    %get3A_10 = vector.load %arg6[%get3A_8, %get3A_9] : memref<16x96xf32, #tpu.memory_space<vmem>>, vector<16x96xf32>
    %dot_general3A = arith.constant dense<0.000000e+00> : vector<3200x96xf32>
    %dot_general3A_11 = tpu.matmul %get3A_7, %get3A_10, %dot_general3A {dimension_numbers = #tpu.dot_dimension_numbers<[1], [0], [0], [1], [0, 0, 1, 1], [], []>, transpose_lhs_hint = false} : vector<3200x16xf32>, vector<16x96xf32>, vector<3200x96xf32> -> vector<3200x96xf32>
    %add3A = arith.addf %slice3A, %dot_general3A_11 : vector<3200x96xf32>
    %get3A_12 = arith.constant 0 : index
    %get3A_13 = arith.constant 0 : index
    %get3A_14 = vector.load %arg3[%get3A_12, %get3A_13] : memref<3200x16xf32, #tpu.memory_space<vmem>>, vector<3200x16xf32>
    %get3A_15 = arith.constant 0 : index
    %get3A_16 = arith.constant 0 : index
    %get3A_17 = vector.load %arg7[%get3A_15, %get3A_16] : memref<16x96xf32, #tpu.memory_space<vmem>>, vector<16x96xf32>
    %dot_general3A_18 = arith.constant dense<0.000000e+00> : vector<3200x96xf32>
    %dot_general3A_19 = tpu.matmul %get3A_14, %get3A_17, %dot_general3A_18 {dimension_numbers = #tpu.dot_dimension_numbers<[1], [0], [0], [1], [0, 0, 1, 1], [], []>, transpose_lhs_hint = false} : vector<3200x16xf32>, vector<16x96xf32>, vector<3200x96xf32> -> vector<3200x96xf32>
    %add3A_20 = arith.addf %add3A, %dot_general3A_19 : vector<3200x96xf32>
    %get3A_21 = arith.constant 0 : index
    %get3A_22 = arith.constant 0 : index
    %get3A_23 = vector.load %arg5[%get3A_21, %get3A_22] : memref<3200x16xf32, #tpu.memory_space<vmem>>, vector<3200x16xf32>
    %get3A_24 = arith.constant 0 : index
    %get3A_25 = arith.constant 0 : index
    %get3A_26 = vector.load %arg8[%get3A_24, %get3A_25] : memref<16x96xf32, #tpu.memory_space<vmem>>, vector<16x96xf32>
    %dot_general3A_27 = arith.constant dense<0.000000e+00> : vector<3200x96xf32>
    %dot_general3A_28 = tpu.matmul %get3A_23, %get3A_26, %dot_general3A_27 {dimension_numbers = #tpu.dot_dimension_numbers<[1], [0], [0], [1], [0, 0, 1, 1], [], []>, transpose_lhs_hint = false} : vector<3200x16xf32>, vector<16x96xf32>, vector<3200x96xf32> -> vector<3200x96xf32>
    %add3A_29 = arith.addf %add3A_20, %dot_general3A_28 : vector<3200x96xf32>
    %mul3A = vector.broadcast %get3A_1 : vector<3200x1xf32> to vector<3200x96xf32>
    %mul3A_30 = arith.mulf %mul3A, %add3A_29 : vector<3200x96xf32>
    %get3A_31 = arith.constant 0 : index
    %get3A_32 = arith.constant 0 : index
    %get3A_33 = vector.load %arg9[%get3A_31, %get3A_32] : memref<1x96xf32, #tpu.memory_space<vmem>>, vector<1x96xf32>
    %add3A_34 = vector.broadcast %get3A_33 : vector<1x96xf32> to vector<3200x96xf32>
    %add3A_35 = arith.addf %mul3A_30, %add3A_34 : vector<3200x96xf32>
    %broadcast_in_dim3A = arith.constant 0.010416667 : f32
    %broadcast_in_dim3A_36 = vector.broadcast %broadcast_in_dim3A : f32 to vector<96x96xf32>
    %dot_general3A_37 = arith.constant dense<0.000000e+00> : vector<3200x96xf32>
    %dot_general3A_38 = tpu.matmul %add3A_35, %broadcast_in_dim3A_36, %dot_general3A_37 {dimension_numbers = #tpu.dot_dimension_numbers<[1], [0], [0], [1], [0, 0, 1, 1], [], []>, transpose_lhs_hint = false} : vector<3200x96xf32>, vector<96x96xf32>, vector<3200x96xf32> -> vector<3200x96xf32>
    %mul3A_39 = arith.mulf %add3A_35, %add3A_35 : vector<3200x96xf32>
    %dot_general3A_40 = arith.constant dense<0.000000e+00> : vector<3200x96xf32>
    %dot_general3A_41 = tpu.matmul %mul3A_39, %broadcast_in_dim3A_36, %dot_general3A_40 {dimension_numbers = #tpu.dot_dimension_numbers<[1], [0], [0], [1], [0, 0, 1, 1], [], []>, transpose_lhs_hint = false} : vector<3200x96xf32>, vector<96x96xf32>, vector<3200x96xf32> -> vector<3200x96xf32>
    %mul3A_42 = arith.mulf %dot_general3A_38, %dot_general3A_38 : vector<3200x96xf32>
    %sub3A = arith.subf %dot_general3A_41, %mul3A_42 : vector<3200x96xf32>
    %max3A = arith.constant 0.000000e+00 : f32
    %max3A_43 = vector.broadcast %max3A : f32 to vector<3200x96xf32>
    %max3A_44 = arith.maximumf %sub3A, %max3A_43 : vector<3200x96xf32>
    %sub3A_45 = arith.subf %add3A_35, %dot_general3A_38 : vector<3200x96xf32>
    %add3A_46 = arith.constant 9.99999997E-7 : f32
    %add3A_47 = vector.broadcast %add3A_46 : f32 to vector<3200x96xf32>
    %add3A_48 = arith.addf %max3A_44, %add3A_47 : vector<3200x96xf32>
    %rsqrt3A = math.rsqrt %add3A_48 : vector<3200x96xf32>
    %mul3A_49 = arith.mulf %sub3A_45, %rsqrt3A : vector<3200x96xf32>
    %get3A_50 = arith.constant 0 : index
    %get3A_51 = arith.constant 0 : index
    %get3A_52 = vector.load %arg10[%get3A_50, %get3A_51] : memref<1x96xf32, #tpu.memory_space<vmem>>, vector<1x96xf32>
    %mul3A_53 = vector.broadcast %get3A_52 : vector<1x96xf32> to vector<3200x96xf32>
    %mul3A_54 = arith.mulf %mul3A_49, %mul3A_53 : vector<3200x96xf32>
    %get3A_55 = arith.constant 0 : index
    %get3A_56 = arith.constant 0 : index
    %get3A_57 = vector.load %arg11[%get3A_55, %get3A_56] : memref<1x96xf32, #tpu.memory_space<vmem>>, vector<1x96xf32>
    %add3A_58 = vector.broadcast %get3A_57 : vector<1x96xf32> to vector<3200x96xf32>
    %add3A_59 = arith.addf %mul3A_54, %add3A_58 : vector<3200x96xf32>
    %logistic3A = arith.negf %add3A_59 : vector<3200x96xf32>
    %logistic3A_60 = math.exp %logistic3A : vector<3200x96xf32>
    %logistic3A_61 = arith.constant 1.000000e+00 : f32
    %logistic3A_62 = vector.broadcast %logistic3A_61 : f32 to vector<3200x96xf32>
    %logistic3A_63 = arith.addf %logistic3A_62, %logistic3A_60 : vector<3200x96xf32>
    %logistic3A_64 = arith.divf %logistic3A_62, %logistic3A_63 : vector<3200x96xf32>
    %mul3A_65 = arith.mulf %add3A_59, %logistic3A_64 : vector<3200x96xf32>
    %broadcast_in_dim3A_66 = arith.constant 1.000000e+00 : f32
    %broadcast_in_dim3A_67 = vector.broadcast %broadcast_in_dim3A_66 : f32 to vector<3200x1xf32>
    %broadcast_in_dim3A_68 = arith.constant 0.000000e+00 : f32
    %broadcast_in_dim3A_69 = vector.broadcast %broadcast_in_dim3A_68 : f32 to vector<3200x31xf32>
    %concatenate3A = tpu.concatenate %mul3A_65, %broadcast_in_dim3A_67, %broadcast_in_dim3A_69 in 1 : vector<3200x96xf32>, vector<3200x1xf32>, vector<3200x31xf32> -> vector<3200x128xf32>
    %swap3A = arith.constant 0 : index
    %swap3A_70 = arith.constant 0 : index
    %swap3A_71 = vector.load %arg12[%swap3A, %swap3A_70] : memref<3200x128xf32, #tpu.memory_space<vmem>>, vector<3200x128xf32>
    tpu.vector_store %arg12[%swap3A, %swap3A_70], %concatenate3A {strides = array<i32>} : memref<3200x128xf32, #tpu.memory_space<vmem>>, vector<3200x128xf32>,
    return
  }
  func.func @transform_0(%arg0: i32) -> (i32, i32) {
    %c0_i32 = arith.constant 0 : i32
    %c0_i32_0 = arith.constant 0 : i32
    return %arg0, %c0_i32 : i32, i32
  }
  func.func @transform_1(%arg0: i32) -> (i32, i32) {
    %c0_i32 = arith.constant 0 : i32
    %c0_i32_0 = arith.constant 0 : i32
    return %arg0, %c0_i32 : i32, i32
  }
  func.func @transform_2(%arg0: i32) -> (i32, i32) {
    %c0_i32 = arith.constant 0 : i32
    %c0_i32_0 = arith.constant 0 : i32
    return %arg0, %c0_i32 : i32, i32
  }
  func.func @transform_3(%arg0: i32) -> (i32, i32) {
    %c0_i32 = arith.constant 0 : i32
    %c0_i32_0 = arith.constant 0 : i32
    return %arg0, %c0_i32 : i32, i32
  }
  func.func @transform_4(%arg0: i32) -> (i32, i32) {
    %c0_i32 = arith.constant 0 : i32
    %c0_i32_0 = arith.constant 0 : i32
    return %arg0, %c0_i32 : i32, i32
  }
  func.func @transform_5(%arg0: i32) -> (i32, i32) {
    %c0_i32 = arith.constant 0 : i32
    %c0_i32_0 = arith.constant 0 : i32
    %c0_i32_1 = arith.constant 0 : i32
    return %c0_i32, %c0_i32_0 : i32, i32
  }
  func.func @transform_6(%arg0: i32) -> (i32, i32) {
    %c0_i32 = arith.constant 0 : i32
    %c0_i32_0 = arith.constant 0 : i32
    %c0_i32_1 = arith.constant 0 : i32
    return %c0_i32, %c0_i32_0 : i32, i32
  }
  func.func @transform_7(%arg0: i32) -> (i32, i32) {
    %c0_i32 = arith.constant 0 : i32
    %c0_i32_0 = arith.constant 0 : i32
    %c0_i32_1 = arith.constant 0 : i32
    return %c0_i32, %c0_i32_0 : i32, i32
  }
  func.func @transform_8(%arg0: i32) -> (i32, i32) {
    %c0_i32 = arith.constant 0 : i32
    %c0_i32_0 = arith.constant 0 : i32
    %c0_i32_1 = arith.constant 0 : i32
    return %c0_i32, %c0_i32_0 : i32, i32
  }
  func.func @transform_9(%arg0: i32) -> (i32, i32) {
    %c0_i32 = arith.constant 0 : i32
    %c0_i32_0 = arith.constant 0 : i32
    %c0_i32_1 = arith.constant 0 : i32
    return %c0_i32, %c0_i32_0 : i32, i32
  }
  func.func @transform_10(%arg0: i32) -> (i32, i32) {
    %c0_i32 = arith.constant 0 : i32
    %c0_i32_0 = arith.constant 0 : i32
    %c0_i32_1 = arith.constant 0 : i32
    return %c0_i32, %c0_i32_0 : i32, i32
  }
  func.func @transform_11(%arg0: i32) -> (i32, i32) {
    %c0_i32 = arith.constant 0 : i32
    %c0_i32_0 = arith.constant 0 : i32
    return %arg0, %c0_i32 : i32, i32
  }
}

module attributes {stable_mosaic.version = 14 : i64} {
  func.func @_node_body(%arg0: i32, %arg1: memref<2048x128xf32, #tpu.memory_space<vmem>>, %arg2: memref<2048x128xf32, #tpu.memory_space<vmem>>, %arg3: memref<96x128xf32, #tpu.memory_space<vmem>>, %arg4: memref<1x128xf32, #tpu.memory_space<vmem>>, %arg5: memref<128x32xf32, #tpu.memory_space<vmem>>, %arg6: memref<128x32xf32, #tpu.memory_space<vmem>>, %arg7: memref<2048x128xf32, #tpu.memory_space<vmem>>, %arg8: memref<2048x128xf32, #tpu.memory_space<vmem>>) attributes {dimension_semantics = [#tpu.dimension_semantics<arbitrary>], iteration_bounds = array<i64: 5>, scalar_prefetch = 0 : i64, scratch_operands = 0 : i64, tpu.core_type = #tpu.core_type<tc>, window_params = [{transform_indices = @transform_0, window_bounds = array<i64: 2048, 128>}, {transform_indices = @transform_1, window_bounds = array<i64: 2048, 128>}, {pipeline_mode = #tpu.pipeline_mode<synchronous>, transform_indices = @transform_2, window_bounds = array<i64: 96, 128>}, {pipeline_mode = #tpu.pipeline_mode<synchronous>, transform_indices = @transform_3, window_bounds = array<i64: 1, 128>}, {pipeline_mode = #tpu.pipeline_mode<synchronous>, transform_indices = @transform_4, window_bounds = array<i64: 128, 32>}, {pipeline_mode = #tpu.pipeline_mode<synchronous>, transform_indices = @transform_5, window_bounds = array<i64: 128, 32>}, {transform_indices = @transform_6, window_bounds = array<i64: 2048, 128>}, {transform_indices = @transform_7, window_bounds = array<i64: 2048, 128>}]} {
    %get3A = arith.constant 0 : index
    %get3A_0 = arith.constant 0 : index
    %get3A_1 = vector.load %arg1[%get3A, %get3A_0] : memref<2048x128xf32, #tpu.memory_space<vmem>>, vector<2048x128xf32>
    %get3A_2 = arith.constant 0 : index
    %get3A_3 = arith.constant 0 : index
    %get3A_4 = vector.load %arg2[%get3A_2, %get3A_3] : memref<2048x128xf32, #tpu.memory_space<vmem>>, vector<2048x128xf32>
    %add3A = arith.addf %get3A_1, %get3A_4 : vector<2048x128xf32>
    %slice3A = vector.extract_strided_slice %add3A {offsets = [0, 0], sizes = [2048, 96], strides = [1, 1]} : vector<2048x128xf32> to vector<2048x96xf32>
    %slice3A_5 = vector.extract_strided_slice %add3A {offsets = [0, 96], sizes = [2048, 1], strides = [1, 1]} : vector<2048x128xf32> to vector<2048x1xf32>
    %get3A_6 = arith.constant 0 : index
    %get3A_7 = arith.constant 0 : index
    %get3A_8 = vector.load %arg3[%get3A_6, %get3A_7] : memref<96x128xf32, #tpu.memory_space<vmem>>, vector<96x128xf32>
    %dot_general3A = arith.constant dense<0.000000e+00> : vector<2048x128xf32>
    %dot_general3A_9 = tpu.matmul %slice3A, %get3A_8, %dot_general3A {dimension_numbers = #tpu.dot_dimension_numbers<[1], [0], [0], [1], [0, 0, 1, 1], [], []>, transpose_lhs_hint = false} : vector<2048x96xf32>, vector<96x128xf32>, vector<2048x128xf32> -> vector<2048x128xf32>
    %get3A_10 = arith.constant 0 : index
    %get3A_11 = arith.constant 0 : index
    %get3A_12 = vector.load %arg4[%get3A_10, %get3A_11] : memref<1x128xf32, #tpu.memory_space<vmem>>, vector<1x128xf32>
    %mul3A = vector.broadcast %slice3A_5 : vector<2048x1xf32> to vector<2048x128xf32>
    %mul3A_13 = vector.broadcast %get3A_12 : vector<1x128xf32> to vector<2048x128xf32>
    %mul3A_14 = arith.mulf %mul3A, %mul3A_13 : vector<2048x128xf32>
    %add3A_15 = arith.addf %dot_general3A_9, %mul3A_14 : vector<2048x128xf32>
    %swap3A = arith.constant 0 : index
    %swap3A_16 = arith.constant 0 : index
    %swap3A_17 = vector.load %arg7[%swap3A, %swap3A_16] : memref<2048x128xf32, #tpu.memory_space<vmem>>, vector<2048x128xf32>
    tpu.vector_store %arg7[%swap3A, %swap3A_16], %add3A_15 {strides = array<i32>} : memref<2048x128xf32, #tpu.memory_space<vmem>>, vector<2048x128xf32>,
    %get3A_18 = arith.constant 0 : index
    %get3A_19 = arith.constant 0 : index
    %get3A_20 = vector.load %arg5[%get3A_18, %get3A_19] : memref<128x32xf32, #tpu.memory_space<vmem>>, vector<128x32xf32>
    %dot_general3A_21 = arith.constant dense<0.000000e+00> : vector<2048x32xf32>
    %dot_general3A_22 = tpu.matmul %add3A_15, %get3A_20, %dot_general3A_21 {dimension_numbers = #tpu.dot_dimension_numbers<[1], [0], [0], [1], [0, 0, 1, 1], [], []>, transpose_lhs_hint = false} : vector<2048x128xf32>, vector<128x32xf32>, vector<2048x32xf32> -> vector<2048x32xf32>
    %get3A_23 = arith.constant 0 : index
    %get3A_24 = arith.constant 0 : index
    %get3A_25 = vector.load %arg6[%get3A_23, %get3A_24] : memref<128x32xf32, #tpu.memory_space<vmem>>, vector<128x32xf32>
    %dot_general3A_26 = arith.constant dense<0.000000e+00> : vector<2048x32xf32>
    %dot_general3A_27 = tpu.matmul %add3A_15, %get3A_25, %dot_general3A_26 {dimension_numbers = #tpu.dot_dimension_numbers<[1], [0], [0], [1], [0, 0, 1, 1], [], []>, transpose_lhs_hint = false} : vector<2048x128xf32>, vector<128x32xf32>, vector<2048x32xf32> -> vector<2048x32xf32>
    %broadcast_in_dim3A = arith.constant 0.000000e+00 : f32
    %broadcast_in_dim3A_28 = vector.broadcast %broadcast_in_dim3A : f32 to vector<2048x64xf32>
    %concatenate3A = tpu.concatenate %dot_general3A_22, %dot_general3A_27, %broadcast_in_dim3A_28 in 1 : vector<2048x32xf32>, vector<2048x32xf32>, vector<2048x64xf32> -> vector<2048x128xf32>
    %swap3A_29 = arith.constant 0 : index
    %swap3A_30 = arith.constant 0 : index
    %swap3A_31 = vector.load %arg8[%swap3A_29, %swap3A_30] : memref<2048x128xf32, #tpu.memory_space<vmem>>, vector<2048x128xf32>
    tpu.vector_store %arg8[%swap3A_29, %swap3A_30], %concatenate3A {strides = array<i32>} : memref<2048x128xf32, #tpu.memory_space<vmem>>, vector<2048x128xf32>,
    return
  }
  func.func @transform_0(%arg0: i32) -> (i32, i32) {
    %c0_i32 = arith.constant 0 : i32
    %c0_i32_0 = arith.constant 0 : i32
    return %arg0, %c0_i32 : i32, i32
  }
  func.func @transform_1(%arg0: i32) -> (i32, i32) {
    %c0_i32 = arith.constant 0 : i32
    %c0_i32_0 = arith.constant 0 : i32
    return %arg0, %c0_i32 : i32, i32
  }
  func.func @transform_2(%arg0: i32) -> (i32, i32) {
    %c0_i32 = arith.constant 0 : i32
    %c0_i32_0 = arith.constant 0 : i32
    %c0_i32_1 = arith.constant 0 : i32
    return %c0_i32, %c0_i32_0 : i32, i32
  }
  func.func @transform_3(%arg0: i32) -> (i32, i32) {
    %c0_i32 = arith.constant 0 : i32
    %c0_i32_0 = arith.constant 0 : i32
    %c0_i32_1 = arith.constant 0 : i32
    return %c0_i32, %c0_i32_0 : i32, i32
  }
  func.func @transform_4(%arg0: i32) -> (i32, i32) {
    %c0_i32 = arith.constant 0 : i32
    %c0_i32_0 = arith.constant 0 : i32
    %c0_i32_1 = arith.constant 0 : i32
    return %c0_i32, %c0_i32_0 : i32, i32
  }
  func.func @transform_5(%arg0: i32) -> (i32, i32) {
    %c0_i32 = arith.constant 0 : i32
    %c0_i32_0 = arith.constant 0 : i32
    %c0_i32_1 = arith.constant 0 : i32
    return %c0_i32, %c0_i32_0 : i32, i32
  }
  func.func @transform_6(%arg0: i32) -> (i32, i32) {
    %c0_i32 = arith.constant 0 : i32
    %c0_i32_0 = arith.constant 0 : i32
    return %arg0, %c0_i32 : i32, i32
  }
  func.func @transform_7(%arg0: i32) -> (i32, i32) {
    %c0_i32 = arith.constant 0 : i32
    %c0_i32_0 = arith.constant 0 : i32
    return %arg0, %c0_i32 : i32, i32
  }
}

module attributes {stable_mosaic.version = 14 : i64} {
  func.func @_merge_body(%arg0: i32, %arg1: memref<3200x128xf32, #tpu.memory_space<vmem>>, %arg2: memref<3200x16xf32, #tpu.memory_space<vmem>>, %arg3: memref<16x32xf32, #tpu.memory_space<vmem>>, %arg4: memref<1x32xf32, #tpu.memory_space<vmem>>, %arg5: memref<1x32xf32, #tpu.memory_space<vmem>>, %arg6: memref<1x32xf32, #tpu.memory_space<vmem>>, %arg7: memref<32x16xf32, #tpu.memory_space<vmem>>, %arg8: memref<1x16xf32, #tpu.memory_space<vmem>>, %arg9: memref<3200x16xf32, #tpu.memory_space<vmem>>) attributes {dimension_semantics = [#tpu.dimension_semantics<arbitrary>], iteration_bounds = array<i64: 50>, scalar_prefetch = 0 : i64, scratch_operands = 0 : i64, tpu.core_type = #tpu.core_type<tc>, window_params = [{transform_indices = @transform_0, window_bounds = array<i64: 3200, 128>}, {transform_indices = @transform_1, window_bounds = array<i64: 3200, 16>}, {pipeline_mode = #tpu.pipeline_mode<synchronous>, transform_indices = @transform_2, window_bounds = array<i64: 16, 32>}, {pipeline_mode = #tpu.pipeline_mode<synchronous>, transform_indices = @transform_3, window_bounds = array<i64: 1, 32>}, {pipeline_mode = #tpu.pipeline_mode<synchronous>, transform_indices = @transform_4, window_bounds = array<i64: 1, 32>}, {pipeline_mode = #tpu.pipeline_mode<synchronous>, transform_indices = @transform_5, window_bounds = array<i64: 1, 32>}, {pipeline_mode = #tpu.pipeline_mode<synchronous>, transform_indices = @transform_6, window_bounds = array<i64: 32, 16>}, {pipeline_mode = #tpu.pipeline_mode<synchronous>, transform_indices = @transform_7, window_bounds = array<i64: 1, 16>}, {transform_indices = @transform_8, window_bounds = array<i64: 3200, 16>}]} {
    %get3A = arith.constant 0 : index
    %get3A_0 = arith.constant 0 : index
    %get3A_1 = vector.load %arg1[%get3A, %get3A_0] : memref<3200x128xf32, #tpu.memory_space<vmem>>, vector<3200x128xf32>
    %slice3A = vector.extract_strided_slice %get3A_1 {offsets = [0, 0], sizes = [3200, 32], strides = [1, 1]} : vector<3200x128xf32> to vector<3200x32xf32>
    %slice3A_2 = vector.extract_strided_slice %get3A_1 {offsets = [0, 32], sizes = [3200, 32], strides = [1, 1]} : vector<3200x128xf32> to vector<3200x32xf32>
    %add3A = arith.addf %slice3A, %slice3A_2 : vector<3200x32xf32>
    %get3A_3 = arith.constant 0 : index
    %get3A_4 = arith.constant 0 : index
    %get3A_5 = vector.load %arg2[%get3A_3, %get3A_4] : memref<3200x16xf32, #tpu.memory_space<vmem>>, vector<3200x16xf32>
    %get3A_6 = arith.constant 0 : index
    %get3A_7 = arith.constant 0 : index
    %get3A_8 = vector.load %arg3[%get3A_6, %get3A_7] : memref<16x32xf32, #tpu.memory_space<vmem>>, vector<16x32xf32>
    %dot_general3A = arith.constant dense<0.000000e+00> : vector<3200x32xf32>
    %dot_general3A_9 = tpu.matmul %get3A_5, %get3A_8, %dot_general3A {dimension_numbers = #tpu.dot_dimension_numbers<[1], [0], [0], [1], [0, 0, 1, 1], [], []>, transpose_lhs_hint = false} : vector<3200x16xf32>, vector<16x32xf32>, vector<3200x32xf32> -> vector<3200x32xf32>
    %add3A_10 = arith.addf %add3A, %dot_general3A_9 : vector<3200x32xf32>
    %get3A_11 = arith.constant 0 : index
    %get3A_12 = arith.constant 0 : index
    %get3A_13 = vector.load %arg4[%get3A_11, %get3A_12] : memref<1x32xf32, #tpu.memory_space<vmem>>, vector<1x32xf32>
    %add3A_14 = vector.broadcast %get3A_13 : vector<1x32xf32> to vector<3200x32xf32>
    %add3A_15 = arith.addf %add3A_10, %add3A_14 : vector<3200x32xf32>
    %broadcast_in_dim3A = arith.constant 3.125000e-02 : f32
    %broadcast_in_dim3A_16 = vector.broadcast %broadcast_in_dim3A : f32 to vector<32x32xf32>
    %dot_general3A_17 = arith.constant dense<0.000000e+00> : vector<3200x32xf32>
    %dot_general3A_18 = tpu.matmul %add3A_15, %broadcast_in_dim3A_16, %dot_general3A_17 {dimension_numbers = #tpu.dot_dimension_numbers<[1], [0], [0], [1], [0, 0, 1, 1], [], []>, transpose_lhs_hint = false} : vector<3200x32xf32>, vector<32x32xf32>, vector<3200x32xf32> -> vector<3200x32xf32>
    %mul3A = arith.mulf %add3A_15, %add3A_15 : vector<3200x32xf32>
    %dot_general3A_19 = arith.constant dense<0.000000e+00> : vector<3200x32xf32>
    %dot_general3A_20 = tpu.matmul %mul3A, %broadcast_in_dim3A_16, %dot_general3A_19 {dimension_numbers = #tpu.dot_dimension_numbers<[1], [0], [0], [1], [0, 0, 1, 1], [], []>, transpose_lhs_hint = false} : vector<3200x32xf32>, vector<32x32xf32>, vector<3200x32xf32> -> vector<3200x32xf32>
    %mul3A_21 = arith.mulf %dot_general3A_18, %dot_general3A_18 : vector<3200x32xf32>
    %sub3A = arith.subf %dot_general3A_20, %mul3A_21 : vector<3200x32xf32>
    %max3A = arith.constant 0.000000e+00 : f32
    %max3A_22 = vector.broadcast %max3A : f32 to vector<3200x32xf32>
    %max3A_23 = arith.maximumf %sub3A, %max3A_22 : vector<3200x32xf32>
    %sub3A_24 = arith.subf %add3A_15, %dot_general3A_18 : vector<3200x32xf32>
    %add3A_25 = arith.constant 9.99999997E-7 : f32
    %add3A_26 = vector.broadcast %add3A_25 : f32 to vector<3200x32xf32>
    %add3A_27 = arith.addf %max3A_23, %add3A_26 : vector<3200x32xf32>
    %rsqrt3A = math.rsqrt %add3A_27 : vector<3200x32xf32>
    %mul3A_28 = arith.mulf %sub3A_24, %rsqrt3A : vector<3200x32xf32>
    %get3A_29 = arith.constant 0 : index
    %get3A_30 = arith.constant 0 : index
    %get3A_31 = vector.load %arg5[%get3A_29, %get3A_30] : memref<1x32xf32, #tpu.memory_space<vmem>>, vector<1x32xf32>
    %mul3A_32 = vector.broadcast %get3A_31 : vector<1x32xf32> to vector<3200x32xf32>
    %mul3A_33 = arith.mulf %mul3A_28, %mul3A_32 : vector<3200x32xf32>
    %get3A_34 = arith.constant 0 : index
    %get3A_35 = arith.constant 0 : index
    %get3A_36 = vector.load %arg6[%get3A_34, %get3A_35] : memref<1x32xf32, #tpu.memory_space<vmem>>, vector<1x32xf32>
    %add3A_37 = vector.broadcast %get3A_36 : vector<1x32xf32> to vector<3200x32xf32>
    %add3A_38 = arith.addf %mul3A_33, %add3A_37 : vector<3200x32xf32>
    %logistic3A = arith.negf %add3A_38 : vector<3200x32xf32>
    %logistic3A_39 = math.exp %logistic3A : vector<3200x32xf32>
    %logistic3A_40 = arith.constant 1.000000e+00 : f32
    %logistic3A_41 = vector.broadcast %logistic3A_40 : f32 to vector<3200x32xf32>
    %logistic3A_42 = arith.addf %logistic3A_41, %logistic3A_39 : vector<3200x32xf32>
    %logistic3A_43 = arith.divf %logistic3A_41, %logistic3A_42 : vector<3200x32xf32>
    %mul3A_44 = arith.mulf %add3A_38, %logistic3A_43 : vector<3200x32xf32>
    %get3A_45 = arith.constant 0 : index
    %get3A_46 = arith.constant 0 : index
    %get3A_47 = vector.load %arg7[%get3A_45, %get3A_46] : memref<32x16xf32, #tpu.memory_space<vmem>>, vector<32x16xf32>
    %dot_general3A_48 = arith.constant dense<0.000000e+00> : vector<3200x16xf32>
    %dot_general3A_49 = tpu.matmul %mul3A_44, %get3A_47, %dot_general3A_48 {dimension_numbers = #tpu.dot_dimension_numbers<[1], [0], [0], [1], [0, 0, 1, 1], [], []>, transpose_lhs_hint = false} : vector<3200x32xf32>, vector<32x16xf32>, vector<3200x16xf32> -> vector<3200x16xf32>
    %get3A_50 = arith.constant 0 : index
    %get3A_51 = arith.constant 0 : index
    %get3A_52 = vector.load %arg8[%get3A_50, %get3A_51] : memref<1x16xf32, #tpu.memory_space<vmem>>, vector<1x16xf32>
    %add3A_53 = vector.broadcast %get3A_52 : vector<1x16xf32> to vector<3200x16xf32>
    %add3A_54 = arith.addf %dot_general3A_49, %add3A_53 : vector<3200x16xf32>
    %swap3A = arith.constant 0 : index
    %swap3A_55 = arith.constant 0 : index
    %swap3A_56 = vector.load %arg9[%swap3A, %swap3A_55] : memref<3200x16xf32, #tpu.memory_space<vmem>>, vector<3200x16xf32>
    tpu.vector_store %arg9[%swap3A, %swap3A_55], %add3A_54 {strides = array<i32>} : memref<3200x16xf32, #tpu.memory_space<vmem>>, vector<3200x16xf32>,
    return
  }
  func.func @transform_0(%arg0: i32) -> (i32, i32) {
    %c0_i32 = arith.constant 0 : i32
    %c0_i32_0 = arith.constant 0 : i32
    return %arg0, %c0_i32 : i32, i32
  }
  func.func @transform_1(%arg0: i32) -> (i32, i32) {
    %c0_i32 = arith.constant 0 : i32
    %c0_i32_0 = arith.constant 0 : i32
    return %arg0, %c0_i32 : i32, i32
  }
  func.func @transform_2(%arg0: i32) -> (i32, i32) {
    %c0_i32 = arith.constant 0 : i32
    %c0_i32_0 = arith.constant 0 : i32
    %c0_i32_1 = arith.constant 0 : i32
    return %c0_i32, %c0_i32_0 : i32, i32
  }
  func.func @transform_3(%arg0: i32) -> (i32, i32) {
    %c0_i32 = arith.constant 0 : i32
    %c0_i32_0 = arith.constant 0 : i32
    %c0_i32_1 = arith.constant 0 : i32
    return %c0_i32, %c0_i32_0 : i32, i32
  }
  func.func @transform_4(%arg0: i32) -> (i32, i32) {
    %c0_i32 = arith.constant 0 : i32
    %c0_i32_0 = arith.constant 0 : i32
    %c0_i32_1 = arith.constant 0 : i32
    return %c0_i32, %c0_i32_0 : i32, i32
  }
  func.func @transform_5(%arg0: i32) -> (i32, i32) {
    %c0_i32 = arith.constant 0 : i32
    %c0_i32_0 = arith.constant 0 : i32
    %c0_i32_1 = arith.constant 0 : i32
    return %c0_i32, %c0_i32_0 : i32, i32
  }
  func.func @transform_6(%arg0: i32) -> (i32, i32) {
    %c0_i32 = arith.constant 0 : i32
    %c0_i32_0 = arith.constant 0 : i32
    %c0_i32_1 = arith.constant 0 : i32
    return %c0_i32, %c0_i32_0 : i32, i32
  }
  func.func @transform_7(%arg0: i32) -> (i32, i32) {
    %c0_i32 = arith.constant 0 : i32
    %c0_i32_0 = arith.constant 0 : i32
    %c0_i32_1 = arith.constant 0 : i32
    return %c0_i32, %c0_i32_0 : i32, i32
  }
  func.func @transform_8(%arg0: i32) -> (i32, i32) {
    %c0_i32 = arith.constant 0 : i32
    %c0_i32_0 = arith.constant 0 : i32
    return %arg0, %c0_i32 : i32, i32
  }
}

</mosaic_0001>

<sc_bundles>
// kernel: kernel.10.cloned.1.call-start
scs
__scs_entry_jumppad:
0x0: {  	(pc) =	sbr.rel $0x88, $3  }
0x1: {  	(tag) =	ssettag $0x0;
	lr =	simm.s32 $0x1  }
0x2: {  	[smem:$0x3F8B] =	sst lr;
	_ =	strace $0xD0000000  }
0x3: {  	_ = 	snop  }
0x4: {  	_ = 	snop  }
0x5: {  	_ = 	snop  }
0x6: {  	_ = 	snop  }
0x7: {  	_ = 	snop  }
__scs_overlays_trampoline_lowered:
0x8: {  	[smem:$0x3F9A] =	sst s0  }
0x9: {  	[smem:$0x3F9B] =	sst s1  }
0xa: {  	[smem:$0x3F9C] =	sst s2  }
0xb: {  	[smem:$0x3F9D] =	sst s3  }
0xc: {  	[smem:$0x3F9E] =	sst s4  }
0xd: {  	[smem:$0x3F9F] =	sst s5  }
0xe: {  	[smem:$0x3FA0] =	sst s6  }
0xf: {  	[smem:$0x3FA1] =	sst s7  }
0x10: {  	[smem:$0x3FA2] =	sst s8  }
0x11: {  	[smem:$0x3FA3] =	sst s9;
	s0 =	simm.s32 @!p0 $0x0  }
0x12: {  	s1 =	sld [smem:$0x3F89];
	s0 =	simm.s32 @p0 $0x1  }
0x13: {  	[smem:$0x3FA4] =	sst s0;
	s0 =	simm.s32 @!p1 $0x0  }
0x14: {  	s2 =	sld [smem:$0x3F88];
	s0 =	simm.s32 @p1 $0x1  }
0x15: {  	[smem:$0x3FA5] =	sst s0;
	s0 =	simm.s32 @!p2 $0x0  }
0x16: {  	s3 =	sld [smem:$0x3FDB];
	s0 =	simm.s32 @p2 $0x1  }
0x17: {  	s4 =	simm.s32 $0x1BF5;
	[smem:$0x3FA7] =	sst s0  }
0x18: {  	s0 =	sld [smem:$0x3F8A];
	_ =	swait.ge [sflag:s4], $0x0  }
0x19: {  	s7 =	sld [smem:$0x3F8B]  }
0x1a: {  	s8 =	sadd.s32 $0xFFFFE003, lr  }
0x1b: {  	s9 =	sadd.s32 $0xFFFFFEF7, lr;
	s5 =	simm.s32 $0xFFFFFFFF;
	p2 =	slt.u32 s8, $0xFFFFF086  }
0x1c: {  	p1 =	slt.u32 s9, $0xF7A;
	s5 =	simm.s32 @!p2 $0x0  }
0x1d: {  	s5 =	simm.s32 @p1 $0x1;
	p0 =	seq.s32 s7, s2  }
0x1e: {  	s7 =	smul.u32 @!p0 $0xF7A, s2;
	p2 =	seq.s32 @!p0 s5, $0x0  }
0x1f: {  	s9 =	smul.u32 $0xF7A, s1;
	s8 =	simm.s32 @!p0 $0x1BF5;
	p2 =	por !p2, p0  }
0x20: {  	[sflag:s8] =	ssyncset.s32 @!p0 $0xFFFFF086;
	s6 =	sadd.s32 @!p0 s3, s7;
	s7 =	simm.s32 @!p0 $0x108  }
0x21: {  	s3 =	sadd.s32 s3, s9;
	s6 =	sadd.s32 @!p0 $0x88, s6;
	s7 =	simm.s32 @p2 $0x1082  }
0x22: {  	[simem:s7], [sflag:s8] =	dma.local @!p0 [hbm:s6], $0xF7A  }
0x23: {  	s9 =	sor.u32 $0xD0000000, s2;
	s6 =	simm.s32 $0x108;
	_ =	swait.ge @!p0 [sflag:s8], $0x0  }
0x24: {  	s3 =	sadd.s32 $0x88, s3;
	s6 =	simm.s32 @!p1 $0x1082;
	[sflag:s4] =	ssyncset.s32 $0xFFFFF086  }
0x25: {  	[simem:s6], [sflag:s4] =	dma.local [hbm:s3], $0xF7A  }
0x26: {  	[smem:$0x3F8B] =	sst s1;
	(tag) =	ssettag s2;
	_ =	strace s9  }
0x27: {  	s1 =	sld [smem:$0x3F9B]  }
0x28: {  	s2 =	sld [smem:$0x3F9C]  }
0x29: {  	s4 =	sld [smem:$0x3F9E]  }
0x2a: {  	p0 =	seq.s32 s5, $0x0;
	s5 =	sld [smem:$0x3F9F]  }
0x2b: {  	s6 =	sld [smem:$0x3FA0]  }
0x2c: {  	s7 =	sld [smem:$0x3FA1]  }
0x2d: {  	s3 =	simm.s32 $0x108;
	s8 =	sld [smem:$0x3FA2]  }
0x2e: {  	s3 =	simm.s32 @!p0 $0x1082;
	s9 =	sld [smem:$0x3FA3]  }
0x2f: {  	lr =	sadd.s32 s0, s3;
	s0 =	sld [smem:$0x3F9A]  }
0x30: {  	s3 =	sld [smem:$0x3F9D]  }
0x31: {  	[smem:$0x3FA6] =	sst s10  }
0x32: {  	s10 =	sld [smem:$0x3FA4];
	_ =	sdelay $0x3  }
0x33: {  	p0 =	seq.s32 s10, $0x1;
	s10 =	sld [smem:$0x3FA6];
	_ =	sdelay $0x3  }
0x34: {  	[smem:$0x3FA6] =	sst s10  }
0x35: {  	s10 =	sld [smem:$0x3FA5];
	_ =	sdelay $0x3  }
0x36: {  	p1 =	seq.s32 s10, $0x1;
	s10 =	sld [smem:$0x3FA6];
	_ =	sdelay $0x3  }
0x37: {  	[smem:$0x3FA6] =	sst s10  }
0x38: {  	s10 =	sld [smem:$0x3FA7]  }
0x39: {  	_ = 	snop;
	(pc) =	sbr.ind lr, $3  }
0x3a: {  	_ = 	snop  }
0x3b: {  	_ = 	snop  }
0x3c: {  	p2 =	seq.s32 s10, $0x1;
	s10 =	sld [smem:$0x3FA6]  }
0x3d: {  	_ =	shalt  }
0x3e: {  	_ =	shalt  }
0x3f: {  	_ =	shalt  }
0x40: {  	_ =	shalt  }
0x41: {  	_ =	shalt  }
0x42: {  	_ =	shalt  }
0x43: {  	_ =	shalt  }
0x44: {  	_ =	shalt  }
0x45: {  	_ =	shalt  }
0x46: {  	_ =	shalt  }
0x47: {  	_ =	shalt  }
0x48: {  	_ =	shalt  }
0x49: {  	_ =	shalt  }
0x4a: {  	_ =	shalt  }
0x4b: {  	_ =	shalt  }
0x4c: {  	_ =	shalt  }
0x4d: {  	_ =	shalt  }
0x4e: {  	_ =	shalt  }
0x4f: {  	_ =	shalt  }
0x50: {  	_ =	shalt  }
0x51: {  	_ =	shalt  }
0x52: {  	_ =	shalt  }
0x53: {  	_ =	shalt  }
0x54: {  	_ =	shalt  }
0x55: {  	_ =	shalt  }
0x56: {  	_ =	shalt  }
0x57: {  	_ =	shalt  }
0x58: {  	_ =	shalt  }
0x59: {  	_ =	shalt  }
0x5a: {  	_ =	shalt  }
0x5b: {  	_ =	shalt  }
0x5c: {  	_ =	shalt  }
0x5d: {  	_ =	shalt  }
0x5e: {  	_ =	shalt  }
0x5f: {  	_ =	shalt  }
0x60: {  	_ =	shalt  }
0x61: {  	_ =	shalt  }
0x62: {  	_ =	shalt  }
0x63: {  	_ =	shalt  }
0x64: {  	_ =	shalt  }
0x65: {  	_ =	shalt  }
0x66: {  	_ =	shalt  }
0x67: {  	_ =	shalt  }
0x68: {  	_ =	shalt  }
0x69: {  	_ =	shalt  }
0x6a: {  	_ =	shalt  }
0x6b: {  	_ =	shalt  }
0x6c: {  	_ =	shalt  }
0x6d: {  	_ =	shalt  }
0x6e: {  	_ =	shalt  }
0x6f: {  	_ =	shalt  }
0x70: {  	_ =	shalt  }
0x71: {  	_ =	shalt  }
0x72: {  	_ =	shalt  }
0x73: {  	_ =	shalt  }
0x74: {  	_ =	shalt  }
0x75: {  	_ =	shalt  }
0x76: {  	_ =	shalt  }
0x77: {  	_ =	shalt  }
0x78: {  	_ =	shalt  }
0x79: {  	_ =	shalt  }
0x7a: {  	_ =	shalt  }
0x7b: {  	_ =	shalt  }
0x7c: {  	_ =	shalt  }
0x7d: {  	_ =	shalt  }
0x7e: {  	_ =	shalt  }
0x7f: {  	_ =	shalt  }
0x80: {  	_ =	shalt  }
0x81: {  	_ =	shalt  }
0x82: {  	_ =	shalt  }
0x83: {  	_ =	shalt  }
0x84: {  	_ =	shalt  }
0x85: {  	_ =	shalt  }
0x86: {  	_ =	shalt  }
0x87: {  	_ =	shalt  }
.Lfunc_end0:
.L_simem_size_0:
called_computation_lowered:
.L_overlay_start_0:
0x88: {  	s2 =	sld [smem:$0x3FD9]  }
0x89: {  	s3 =	sld [smem:$0x3FFE];
	_ =	sdelay $0x1  }
0x8a: {  	s1 =	srdreg.scid  }
0x8b: {  	s0 =	sand.u32 $0x1, s1  }
0x8c: {  	s14 =	sshll.u32 s0, $0xA;
	s2 =	sadd.s32 s3, s2  }
0x8d: {  	s2 =	sadd.s32 s2, s14  }
0x8e: {  	[smem:$0x3FB2] =	sst s2  }
0x8f: {  	_ = 	snop  }
0x90: {  	s2 =	sld [smem:$0x3FD0];
	_ =	sdelay $0x2  }
0x91: {  	s15 =	simm.s32 $0xA;
	s4 =	simm.s32 $0x10  }
0x92: {  	[smem:s4], [sflag:s15] =	dma.local [hbm:s2], $0x1  }
0x93: {  	_ =	swait.eq [sflag:s15], $0x1  }
0x94: {  	[sflag:s15] =	ssyncset.done $0x0  }
0x95: {  	s16 =	sld [smem:$0x10];
	[sflag:s15] =	ssyncadd.s32 $0xFFFFFFFF  }
0x96: {  	s17 =	sld [smem:$0x11];
	(tm) =	ssettm $0x1  }
0x97: {  	s18 =	sld [smem:$0x3FFB];
	_ =	sdelay $0x3  }
0x98: {  	_ =	strace s18  }
0x99: {  	s4 =	sld [smem:$0x3FFC];
	_ =	sdelay $0x3  }
0x9a: {  	_ =	strace s4  }
0x9b: {  	s4 =	sld [smem:$0x3FFD];
	_ =	sdelay $0x3  }
0x9c: {  	_ =	strace s4  }
0x9d: {  	_ =	strace $0x8FFFFFFF  }
0x9e: {  	s19 =	sld [smem:$0x3FDB];
	_ =	sdelay $0x1  }
0x9f: {  	s5 =	simm.s32 $_scs_section_size  }
0xa0: {  	s6 =	simm.s32 $_size__tile_overlayer_lowered;
	s7 =	simm.s32 $_tile_overlayer_lowered  }
0xa1: {  	s22 =	simm.s32 $0x1BFF;
	s21 =	sshll.u32 s7, $0x1;
	s4 =	sadd.s32 s5, s19  }
0xa2: {  	s8 =	simm.s32 $0x0;
	s20 =	sshll.u32 s6, $0x1;
	s6 =	sadd.s32 s21, s4  }
0xa3: {  	[timem:s8], [sflag:s22] =	dma.local [hbm:s6], s20  }
0xa4: {  	_ =	swait.ge [sflag:s22], s20  }
0xa5: {  	s5 =	ssub.s32 $0x0, s20;
	[sflag:s22] =	ssyncset.done $0x0  }
0xa6: {  	[sflag:s22] =	ssyncadd.s32 s5;
	_ =	sdelay $0x1  }
0xa7: {  	s23 =	simm.s32 $0x1B8B  }
0xa8: {  	_ =	swait.ge [sflag:s23], $0x1  }
0xa9: {  	[sflag:s23] =	ssyncset.done $0x0  }
0xaa: {  	s25 =	simm.s32 $0x1B8E;
	s24 =	sld [smem:$0x3FFE];
	[sflag:s23] =	ssyncadd.s32 $0xFFFFFFFF  }
0xab: {  	s26 =	simm.s32 $execute0_lowered;
	[smem:$0x3FD2] =	sst s25  }
0xac: {  	s6 =	sshll.u32 s26, $0x1;
	_ =	strace $0x80000046;
	[dreg:$0x1] =	wrdreg $0xFFFFFFFF  }
0xad: {  	s28 =	simm.s32 $_size_execute0_lowered;
	s4 =	sadd.s32 s4, s6;
	[dreg:$0x0] =	wrdreg $0x0  }
0xae: {  	s6 =	sshll.u32 s28, $0x1;
	[dreg:$0x2] =	wrdreg s4  }
0xaf: {  	[dreg:$0x3] =	wrdreg s6  }
0xb0: {  	[dreg:$0x4] =	wrdreg $0xC0  }
0xb1: {  	_ =	task [dreg:s8], $0x5FFFF  }
0xb2: {  	[dreg:$0x1] =	wrdreg $0xFFFFFFFF  }
0xb3: {  	[dreg:$0x0] =	wrdreg $0x60  }
0xb4: {  	[dreg:$0x2] =	wrdreg s16  }
0xb5: {  	[dreg:$0x3] =	wrdreg s17  }
0xb6: {  	[dreg:$0x4] =	wrdreg s24  }
0xb7: {  	[dreg:$0x5] =	wrdreg $0x9  }
0xb8: {  	_ =	task.clear_ibuf [dreg:s8], $0x6FFFF;
	_ =	strace $0x90000046  }
0xb9: {  	s29 =	simm.s32 $0x9;
	_ =	strace $0x80000048  }
0xba: {  	_ =	swait.ge [sflag:s29], $0x1  }
0xbb: {  	[sflag:s29] =	ssyncadd.s32 $0xFFFFFFFF  }
0xbc: {  	_ =	strace $0x90000048  }
0xbd: {  	_ =	sfence  }
0xbe: {  	s30 =	sld [smem:$0x0];
	_ =	sdelay $0x2  }
0xbf: {  	s31 =	sshll.u32 s1, $0xD;
	s1 =	sshrl.u32 s1, $0x2  }
0xc0: {  	s3 =	sand.u32 $0x4000, s31;
	s1 =	sadd.s32 s1, s30  }
0xc1: {  	s0 =	sor.u32 s3, s0;
	s1 =	sshll.u32 s1, $0x11  }
0xc2: {  	s0 =	sor.u32 s1, s0  }
0xc3: {  	s0 =	sadd.s32 $0x8F2B, s0  }
0xc4: {  	[sflag:s0] =	ssyncadd.remote.s32 $0x1  }
0xc5: {  	_ =	sfence.sel $0xFFFF  }
0xc6: {  	[dreg:$0x0] =	wrdreg $0xFFFFFFFF;
	(pc) =	sbr.abs _section_cstart, $3  }
0xc7: {  	[dreg:$0x1] =	wrdreg $0xFFFFFFFF  }
0xc8: {  	_ =	task.clear_ibuf [dreg:s8], $0x2FFFF;
	_ =	strace $0x9FFFFFFF  }
0xc9: {  	(tm) =	ssettm $0x7FFFFFFF  }
tec
execute0_lowered:
.L_overlay_start_1:
0x0: {  	(tag) =	ssettag $0x1  }
0x1: {  	s1 =	rddreg [dreg:$0x0]  }
0x2: {  	s0 =	srdreg.scid;
	s3 =	rddreg [dreg:$0x1]  }
0x3: {  	s2 =	stileid.u32;
	s7 =	rddreg [dreg:$0x2]  }
0x4: {  	s4 =	simm.s32 $0x0;
	s12 =	simm.s32 $0x9;
	s15 =	simm.s32 $0x28  }
0x5: {  	s16 =	simm.s32 $0x3C00;
	s17 =	simm.s32 $0x5000;
	s18 =	simm.s32 $0x6400  }
0x6: {  	s19 =	simm.s32 $0x7800;
	s0 =	sand.u32 $0x1, s0;
	s2 =	sshll.u32 s2, $0x1  }
0x7: {  	s23 =	simm.s32 $0x1;
	s24 =	simm.s32 $0x5;
	s2 =	sor.u32 s0, s2  }
0x8: {  	s28 =	simm.s32 $0x7;
	s29 =	simm.s32 $0x8;
	s5 =	smul.u32 $0x1388, s2  }
0x9: {  	s30 =	simm.s32 $0x2;
	s31 =	simm.s32 $0x3;
	s20 =	simm.s32 $0x0  }
0xa: {  	[smem:$0x7FF] =	sst s4;
	s6 =	sadd.s32 $0x12C00, s7;
	s2 =	sshrl.u32 s5, $0x3  }
0xb: {  	_ =	strace $0x80000047;
	s0 =	ssub.s32 $0x2, s0;
	s2 =	sadd.s32 s2, s7  }
.Ltmp0:
0xc: {  	s8 =	sshrl.u32 s0, $0x1;
	s25 =	sadd.s32 $0x3C00, s2;
	(pc) =	sbr.rel .LBB2_1-.Ltmp0, $4  }
0xd: {  	s0 =	ssub.s32 s0, s8;
	s26 =	sadd.s32 $0x8C00, s2;
	[dreg:$0x4] =	wrdreg s25  }
0xe: {  	s11 =	smax.u32 s0, $0x1;
	s2 =	sadd.s32 $0xDC00, s2;
	[dreg:$0x5] =	wrdreg s26  }
0xf: {  	s0 =	simm.s32 $0x4;
	s7 =	sadd.s32 $0x39E00, s7;
	[dreg:$0x6] =	wrdreg s2  }
0x10: {  	s25 =	simm.s32 $0xB400;
	s2 =	simm.s32 $0xF000;
	s26 =	simm.s32 $0x6  }
.LBB2_18:
0x11: {  	_ =	swait.ge [sflag:s24], $0x1400  }
0x12: {  	[sflag:s24] =	ssyncset.done $0x0  }
0x13: {  	[sflag:s24] =	ssyncadd.s32 $0xFFFFEC00  }
0x14: {  	_ =	swait.ge [sflag:s26], $0x1400  }
0x15: {  	[sflag:s26] =	ssyncset.done $0x0  }
0x16: {  	s20 =	sadd.s32 $0x1, s20;
	[sflag:s26] =	ssyncadd.s32 $0xFFFFEC00  }
0x17: {  	p0 =	sne.s32 s20, s11;
	_ =	swait.ge [sflag:s28], $0x1400  }
.Ltmp1:
0x18: {  	[sflag:s28] =	ssyncset.done $0x0;
	(pc) =	sbr.rel @!p0 .LBB2_19-.Ltmp1, $4  }
0x19: {  	[sflag:s28] =	ssyncadd.s32 $0xFFFFEC00  }
0x1a: {  	_ =	swait.ge [sflag:s29], $0x1400  }
0x1b: {  	[sflag:s29] =	ssyncset.done $0x0  }
0x1c: {  	[sflag:s29] =	ssyncadd.s32 $0xFFFFEC00  }
.LBB2_1:
0x1d: {  	s8 =	rddreg [dreg:$0x4]  }
0x1e: {  	[tilespmem:s4], [sflag:$0x9] =	stream.linear.gather [hbm4b:s8+s4], $0x1388, $0x38;
	[tilespmem:$0x12C00] =	vst v63  }
0x1f: {  	_ =	swait.ge [sflag:s12], $0x1388  }
0x20: {  	[sflag:s12] =	ssyncset.done $0x0  }
0x21: {  	s9 =	simm.s32 $0x1400;
	s21 =	rddreg [dreg:$0x5];
	[sflag:s12] =	ssyncadd.s32 $0xFFFFEC78  }
0x22: {  	[tilespmem:s9], [sflag:$0x9] =	stream.linear.gather [hbm4b:s21+s4], $0x1388, $0x38;
	[tilespmem:$0x12C00] =	vst v63  }
0x23: {  	_ =	swait.ge [sflag:s12], $0x1388  }
0x24: {  	[sflag:s12] =	ssyncset.done $0x0  }
0x25: {  	s10 =	simm.s32 $0x2800;
	s22 =	rddreg [dreg:$0x6];
	[sflag:s12] =	ssyncadd.s32 $0xFFFFEC78  }
0x26: {  	[tilespmem:s10], [sflag:$0x9] =	stream.linear.gather [hbm4b:s22+s4], $0x1388, $0x38;
	[tilespmem:$0x12C00] =	vst v63  }
0x27: {  	_ =	swait.ge [sflag:s12], $0x1388  }
0x28: {  	[sflag:s12] =	ssyncset.done $0x0  }
0x29: {  	[sflag:s12] =	ssyncadd.s32 $0xFFFFEC78  }
0x2a: {  	[tilespmem:s16], [sflag:$0x1] =	stream.indirect.gather [hbm4b:s1+s15], $0x80, s4, s15, $0xb8;
	[tilespmem:$0x12C00] =	vst v63  }
0x2b: {  	_ = 	snop  }
0x2c: {  	[tilespmem:s17], [sflag:$0x1] =	stream.indirect.gather [hbm4b:s3+s15], $0x80, s9, s15, $0xb8;
	[tilespmem:$0x12C00] =	vst v63  }
0x2d: {  	_ = 	snop  }
0x2e: {  	[tilespmem:s18], [sflag:$0x1] =	stream.indirect.gather [hbm4b:s6+s15], $0x80, s10, s15, $0xb8;
	[tilespmem:$0x12C00] =	vst v63  }
0x2f: {  	_ = 	snop  }
0x30: {  	[tilespmem:s19], [sflag:$0x2] =	stream.indirect.gather [hbm4b:s1+s15], $0x80, s15, s15, $0xb8;
	[tilespmem:$0x12C00] =	vst v63  }
0x31: {  	s13 =	simm.s32 $0x1428;
	s14 =	simm.s32 $0x8C00  }
0x32: {  	[tilespmem:s14], [sflag:$0x2] =	stream.indirect.gather [hbm4b:s3+s15], $0x80, s13, s15, $0xb8;
	[tilespmem:$0x12C00] =	vst v63  }
0x33: {  	s21 =	simm.s32 $0x2828;
	s22 =	simm.s32 $0xA000  }
0x34: {  	[tilespmem:s22], [sflag:$0x2] =	stream.indirect.gather [hbm4b:s6+s15], $0x80, s21, s15, $0xb8;
	[tilespmem:$0x12C00] =	vst v63  }
0x35: {  	s10 =	simm.s32 $0x50  }
0x36: {  	[tilespmem:s25], [sflag:$0x3] =	stream.indirect.gather [hbm4b:s1+s15], $0x80, s10, s15, $0xb8;
	[tilespmem:$0x12C00] =	vst v63  }
0x37: {  	s13 =	simm.s32 $0x1450;
	s14 =	simm.s32 $0xC800  }
0x38: {  	[tilespmem:s14], [sflag:$0x3] =	stream.indirect.gather [hbm4b:s3+s15], $0x80, s13, s15, $0xb8;
	[tilespmem:$0x12C00] =	vst v63  }
0x39: {  	s21 =	simm.s32 $0x2850;
	s22 =	simm.s32 $0xDC00  }
0x3a: {  	[tilespmem:s22], [sflag:$0x3] =	stream.indirect.gather [hbm4b:s6+s15], $0x80, s21, s15, $0xb8;
	[tilespmem:$0x12C00] =	vst v63  }
0x3b: {  	s10 =	simm.s32 $0x78  }
0x3c: {  	[tilespmem:s2], [sflag:$0x4] =	stream.indirect.gather [hbm4b:s1+s15], $0x80, s10, s15, $0xb8;
	[tilespmem:$0x12C00] =	vst v63  }
.Ltmp2:
0x3d: {  	s13 =	simm.s32 $0x1478;
	s14 =	simm.s32 $0x10400;
	(pc) =	sbr.rel .LBB2_2-.Ltmp2, $4  }
0x3e: {  	[tilespmem:s14], [sflag:$0x4] =	stream.indirect.gather [hbm4b:s3+s15], $0x80, s13, s15, $0xb8;
	[tilespmem:$0x12C00] =	vst v63  }
0x3f: {  	s21 =	simm.s32 $0x2878;
	s22 =	simm.s32 $0x11800  }
0x40: {  	[tilespmem:s22], [sflag:$0x4] =	stream.indirect.gather [hbm4b:s6+s15], $0x80, s21, s15, $0xb8;
	[tilespmem:$0x12C00] =	vst v63  }
0x41: {  	s21 =	simm.s32 $0x0  }
.LBB2_17:
0x42: {  	s21 =	sadd.s32 $0x1, s21  }
0x43: {  	p0 =	sne.s32 s21, $0x20  }
.Ltmp3:
0x44: {  	_ = 	snop;
	(pc) =	sbr.rel @!p0 .LBB2_18-.Ltmp3, $1  }
0x45: {  	_ =	sdelay $0x3  }
.LBB2_2:
0x46: {  	_ =	swait.ge [sflag:s23], $0x1400  }
0x47: {  	[sflag:s23] =	ssyncset.done $0x0  }
0x48: {  	[sflag:s23] =	ssyncadd.s32 $0xFFFFEC00  }
0x49: {  	_ =	swait.ge [sflag:s23], $0x1400  }
0x4a: {  	[sflag:s23] =	ssyncset.done $0x0  }
0x4b: {  	[sflag:s23] =	ssyncadd.s32 $0xFFFFEC00  }
0x4c: {  	_ =	swait.ge [sflag:s23], $0x1400  }
0x4d: {  	[sflag:s23] =	ssyncset.done $0x0  }
0x4e: {  	s13 =	simm.s32 $0x0;
	[sflag:s23] =	ssyncadd.s32 $0xFFFFEC00  }
0x4f: {  	v5 =	vld [tilespmem:s13+$0x6400]  }
0x50: {  	v4 =	vld [tilespmem:s13+$0x6410]  }
0x51: {  	v3 =	vld [tilespmem:s13+$0x6420]  }
0x52: {  	v2 =	vld [tilespmem:s13+$0x6430]  }
0x53: {  	v1 =	vld [tilespmem:s13+$0x6440]  }
0x54: {  	v0 =	vld [tilespmem:s13+$0x6450]  }
0x55: {  	v12 =	vld [tilespmem:s13+$0x5000]  }
0x56: {  	v17 =	vld [tilespmem:s13+$0x5010]  }
0x57: {  	v11 =	vld [tilespmem:s13+$0x5020]  }
0x58: {  	v10 =	vld [tilespmem:s13+$0x5030]  }
0x59: {  	v9 =	vld [tilespmem:s13+$0x5040]  }
0x5a: {  	v8 =	vld [tilespmem:s13+$0x5050]  }
0x5b: {  	v7 =	vld [tilespmem:s13+$0x5060]  }
0x5c: {  	v6 =	vld [tilespmem:s13+$0x5070]  }
0x5d: {  	v18 =	vld [tilespmem:s13+$0x3C00]  }
0x5e: {  	v19 =	vld [tilespmem:s13+$0x3C10]  }
0x5f: {  	v16 =	vld [tilespmem:s13+$0x3C20]  }
0x60: {  	v15 =	vld [tilespmem:s13+$0x3C30]  }
0x61: {  	v14 =	vld [tilespmem:s13+$0x3C40]  }
0x62: {  	v13 =	vld [tilespmem:s13+$0x3C50];
	v18 =	vadd.f32 v12, v18  }
0x63: {  	s8 =	simm.s32 $0x200;
	v17 =	vadd.f32 v17, v19;
	v12 =	vld [tilespmem:s13+$0x3C60]  }
.LBB2_3:
0x64: {  	p0 =	sne.s32 s8, $0x4E00;
	v5 =	vadd.f32 v5, v18;
	v11 =	vadd.f32 v11, v16;
	v16 =	vld [tilespmem:s13+$0x3C70]  }
0x65: {  	v4 =	vadd.f32 v4, v17;
	v10 =	vadd.f32 v10, v15;
	v15 =	vld [tilespmem:s13+$0x6460]  }
0x66: {  	s9 =	sshra.s32 s8, $0x2;
	[tilespmem:s13+$0x3C00] =	vst v5;
	v3 =	vadd.f32 v3, v11;
	v9 =	vadd.f32 v9, v14;
	v11 =	vld [tilespmem:s13+$0x6470]  }
0x67: {  	v5 =	vld [tilespmem:s9+$0x6400];
	[tilespmem:s13+$0x3C10] =	vst v4;
	v2 =	vadd.f32 v2, v10;
	v8 =	vadd.f32 v8, v13  }
0x68: {  	v4 =	vld [tilespmem:s9+$0x6410];
	[tilespmem:s13+$0x3C20] =	vst v3;
	v1 =	vadd.f32 v1, v9;
	v7 =	vadd.f32 v7, v12  }
0x69: {  	v3 =	vld [tilespmem:s9+$0x6420];
	[tilespmem:s13+$0x3C30] =	vst v2;
	v0 =	vadd.f32 v0, v8;
	v6 =	vadd.f32 v6, v16  }
0x6a: {  	v2 =	vld [tilespmem:s9+$0x6430];
	[tilespmem:s13+$0x3C40] =	vst v1;
	v7 =	vadd.f32 v15, v7  }
0x6b: {  	v1 =	vld [tilespmem:s9+$0x6440];
	[tilespmem:s13+$0x3C50] =	vst v0;
	v6 =	vadd.f32 v11, v6  }
0x6c: {  	v0 =	vld [tilespmem:s9+$0x6450];
	[tilespmem:s13+$0x3C60] =	vst v7  }
0x6d: {  	v12 =	vld [tilespmem:s9+$0x5000];
	[tilespmem:s13+$0x3C70] =	vst v6;
	s13 =	smov.u32 s9  }
0x6e: {  	v17 =	vld [tilespmem:s13+$0x5010]  }
0x6f: {  	v11 =	vld [tilespmem:s13+$0x5020]  }
0x70: {  	v10 =	vld [tilespmem:s13+$0x5030]  }
0x71: {  	v9 =	vld [tilespmem:s13+$0x5040]  }
0x72: {  	v8 =	vld [tilespmem:s13+$0x5050]  }
0x73: {  	v7 =	vld [tilespmem:s13+$0x5060]  }
0x74: {  	v6 =	vld [tilespmem:s13+$0x5070]  }
0x75: {  	v13 =	vld [tilespmem:s13+$0x3C00]  }
0x76: {  	v19 =	vld [tilespmem:s13+$0x3C10]  }
.Ltmp4:
0x77: {  	v16 =	vld [tilespmem:s13+$0x3C20];
	(pc) =	sbr.rel @p0 .LBB2_3-.Ltmp4, $4  }
0x78: {  	v15 =	vld [tilespmem:s13+$0x3C30]  }
0x79: {  	v14 =	vld [tilespmem:s13+$0x3C40]  }
0x7a: {  	v18 =	vadd.f32 v12, v13;
	v13 =	vld [tilespmem:s13+$0x3C50]  }
0x7b: {  	s8 =	sadd.s32 $0x200, s8;
	v17 =	vadd.f32 v17, v19;
	v12 =	vld [tilespmem:s13+$0x3C60]  }
0x7c: {  	v5 =	vadd.f32 v5, v18;
	v55 =	vld [tilespmem:s13+$0x3C70];
	v11 =	vadd.f32 v11, v16  }
0x7d: {  	v56 =	vld [tilespmem:s13+$0x6460];
	v4 =	vadd.f32 v4, v17;
	v10 =	vadd.f32 v10, v15  }
0x7e: {  	v58 =	vld [tilespmem:s13+$0x6470];
	[tilespmem:s13+$0x3C00] =	vst v5;
	v3 =	vadd.f32 v3, v11;
	v57 =	vadd.f32 v9, v14  }
0x7f: {  	[tilespmem:s13+$0x3C10] =	vst v4;
	v2 =	vadd.f32 v2, v10;
	v59 =	vadd.f32 v8, v13  }
0x80: {  	[tilespmem:s13+$0x3C20] =	vst v3;
	v1 =	vadd.f32 v1, v57;
	v60 =	vadd.f32 v7, v12  }
0x81: {  	s22 =	smul.u32 $0xA0, s21;
	p0 =	seq.s32 s21, $0x1F;
	[tilespmem:s13+$0x3C30] =	vst v2;
	v0 =	vadd.f32 v0, v59;
	v61 =	vadd.f32 v6, v55  }
.Ltmp5:
0x82: {  	[tilespmem:s13+$0x3C40] =	vst v1;
	v62 =	vadd.f32 v56, v60;
	(pc) =	sbr.rel @p0 .LBB2_18-.Ltmp5, $4  }
0x83: {  	s8 =	sadd.s32 s5, s22;
	[tilespmem:s13+$0x3C50] =	vst v0;
	v63 =	vadd.f32 v58, v61  }
0x84: {  	s8 =	sshll.u32 s8, $0x4;
	[tilespmem:s13+$0x3C60] =	vst v62  }
0x85: {  	s8 =	sadd.s32 s7, s8;
	[tilespmem:s13+$0x3C70] =	vst v63  }
0x86: {  	[hbm4b:s8+s4] =	stream.linear.scatter [tilespmem:s16], [sflag:$0x5], $0x1400, $0x38;
	[tilespmem:$0x12C00] =	vst v63  }
0x87: {  	_ =	swait.ge [sflag:s24], $0x1400  }
0x88: {  	[sflag:s24] =	ssyncset.done $0x0  }
0x89: {  	s8 =	sadd.s32 $0xA0, s22;
	[sflag:s24] =	ssyncadd.s32 $0xFFFFEC00  }
0x8a: {  	[tilespmem:s16], [sflag:$0x1] =	stream.indirect.gather [hbm4b:s1+s15], $0x80, s8, s15, $0xb8;
	[tilespmem:$0x12C00] =	vst v63  }
0x8b: {  	s13 =	sadd.s32 $0x14A0, s22  }
0x8c: {  	[tilespmem:s17], [sflag:$0x1] =	stream.indirect.gather [hbm4b:s3+s15], $0x80, s13, s15, $0xb8;
	[tilespmem:$0x12C00] =	vst v63  }
0x8d: {  	s14 =	sadd.s32 $0x28A0, s22;
	s13 =	sshll.u32 s21, $0x2  }
0x8e: {  	[tilespmem:s18], [sflag:$0x1] =	stream.indirect.gather [hbm4b:s6+s15], $0x80, s14, s15, $0xb8;
	[tilespmem:$0x12C00] =	vst v63  }
0x8f: {  	s14 =	sor.u32 $0x1, s13  }
0x90: {  	p0 =	sgt.u32 s14, $0x7C  }
.Ltmp6:
0x91: {  	_ = 	snop;
	(pc) =	sbr.rel @p0 .LBB2_9-.Ltmp6, $1  }
0x92: {  	_ =	sdelay $0x3  }
0x93: {  	_ =	swait.ge [sflag:s30], $0x1400  }
0x94: {  	[sflag:s30] =	ssyncset.done $0x0  }
0x95: {  	[sflag:s30] =	ssyncadd.s32 $0xFFFFEC00  }
0x96: {  	_ =	swait.ge [sflag:s30], $0x1400  }
0x97: {  	[sflag:s30] =	ssyncset.done $0x0  }
0x98: {  	[sflag:s30] =	ssyncadd.s32 $0xFFFFEC00  }
0x99: {  	_ =	swait.ge [sflag:s30], $0x1400  }
0x9a: {  	[sflag:s30] =	ssyncset.done $0x0  }
0x9b: {  	s8 =	simm.s32 $0x0;
	[sflag:s30] =	ssyncadd.s32 $0xFFFFEC00  }
0x9c: {  	v5 =	vld [tilespmem:s8+$0xA000]  }
0x9d: {  	v4 =	vld [tilespmem:s8+$0xA010]  }
0x9e: {  	v3 =	vld [tilespmem:s8+$0xA020]  }
0x9f: {  	v2 =	vld [tilespmem:s8+$0xA030]  }
0xa0: {  	v1 =	vld [tilespmem:s8+$0xA040]  }
0xa1: {  	v0 =	vld [tilespmem:s8+$0xA050]  }
0xa2: {  	v12 =	vld [tilespmem:s8+$0x8C00]  }
0xa3: {  	v17 =	vld [tilespmem:s8+$0x8C10]  }
0xa4: {  	v11 =	vld [tilespmem:s8+$0x8C20]  }
0xa5: {  	v10 =	vld [tilespmem:s8+$0x8C30]  }
0xa6: {  	v9 =	vld [tilespmem:s8+$0x8C40]  }
0xa7: {  	v8 =	vld [tilespmem:s8+$0x8C50]  }
0xa8: {  	v7 =	vld [tilespmem:s8+$0x8C60]  }
0xa9: {  	v6 =	vld [tilespmem:s8+$0x8C70]  }
0xaa: {  	v18 =	vld [tilespmem:s8+$0x7800]  }
0xab: {  	v19 =	vld [tilespmem:s8+$0x7810]  }
0xac: {  	v16 =	vld [tilespmem:s8+$0x7820]  }
0xad: {  	v15 =	vld [tilespmem:s8+$0x7830]  }
0xae: {  	v14 =	vld [tilespmem:s8+$0x7840]  }
0xaf: {  	v13 =	vld [tilespmem:s8+$0x7850];
	v18 =	vadd.f32 v12, v18  }
0xb0: {  	s9 =	simm.s32 $0x200;
	v17 =	vadd.f32 v17, v19;
	v12 =	vld [tilespmem:s8+$0x7860]  }
.LBB2_7:
0xb1: {  	p0 =	sne.s32 s9, $0x4E00;
	v5 =	vadd.f32 v5, v18;
	v11 =	vadd.f32 v11, v16;
	v16 =	vld [tilespmem:s8+$0x7870]  }
0xb2: {  	v4 =	vadd.f32 v4, v17;
	v10 =	vadd.f32 v10, v15;
	v15 =	vld [tilespmem:s8+$0xA060]  }
0xb3: {  	s10 =	sshra.s32 s9, $0x2;
	[tilespmem:s8+$0x7800] =	vst v5;
	v3 =	vadd.f32 v3, v11;
	v9 =	vadd.f32 v9, v14;
	v11 =	vld [tilespmem:s8+$0xA070]  }
0xb4: {  	v5 =	vld [tilespmem:s10+$0xA000];
	[tilespmem:s8+$0x7810] =	vst v4;
	v2 =	vadd.f32 v2, v10;
	v8 =	vadd.f32 v8, v13  }
0xb5: {  	v4 =	vld [tilespmem:s10+$0xA010];
	[tilespmem:s8+$0x7820] =	vst v3;
	v1 =	vadd.f32 v1, v9;
	v7 =	vadd.f32 v7, v12  }
0xb6: {  	v3 =	vld [tilespmem:s10+$0xA020];
	[tilespmem:s8+$0x7830] =	vst v2;
	v0 =	vadd.f32 v0, v8;
	v6 =	vadd.f32 v6, v16  }
0xb7: {  	v2 =	vld [tilespmem:s10+$0xA030];
	[tilespmem:s8+$0x7840] =	vst v1;
	v7 =	vadd.f32 v15, v7  }
0xb8: {  	v1 =	vld [tilespmem:s10+$0xA040];
	[tilespmem:s8+$0x7850] =	vst v0;
	v6 =	vadd.f32 v11, v6  }
0xb9: {  	v0 =	vld [tilespmem:s10+$0xA050];
	[tilespmem:s8+$0x7860] =	vst v7  }
0xba: {  	v12 =	vld [tilespmem:s10+$0x8C00];
	[tilespmem:s8+$0x7870] =	vst v6;
	s8 =	smov.u32 s10  }
0xbb: {  	v17 =	vld [tilespmem:s8+$0x8C10]  }
0xbc: {  	v11 =	vld [tilespmem:s8+$0x8C20]  }
0xbd: {  	v10 =	vld [tilespmem:s8+$0x8C30]  }
0xbe: {  	v9 =	vld [tilespmem:s8+$0x8C40]  }
0xbf: {  	v8 =	vld [tilespmem:s8+$0x8C50]  }
0xc0: {  	v7 =	vld [tilespmem:s8+$0x8C60]  }
0xc1: {  	v6 =	vld [tilespmem:s8+$0x8C70]  }
0xc2: {  	v13 =	vld [tilespmem:s8+$0x7800]  }
0xc3: {  	v19 =	vld [tilespmem:s8+$0x7810]  }
.Ltmp7:
0xc4: {  	v16 =	vld [tilespmem:s8+$0x7820];
	(pc) =	sbr.rel @p0 .LBB2_7-.Ltmp7, $4  }
0xc5: {  	v15 =	vld [tilespmem:s8+$0x7830]  }
0xc6: {  	v14 =	vld [tilespmem:s8+$0x7840]  }
0xc7: {  	v18 =	vadd.f32 v12, v13;
	v13 =	vld [tilespmem:s8+$0x7850]  }
0xc8: {  	s9 =	sadd.s32 $0x200, s9;
	v17 =	vadd.f32 v17, v19;
	v12 =	vld [tilespmem:s8+$0x7860]  }
0xc9: {  	v5 =	vadd.f32 v5, v18;
	v55 =	vld [tilespmem:s8+$0x7870];
	v11 =	vadd.f32 v11, v16  }
0xca: {  	v56 =	vld [tilespmem:s8+$0xA060];
	v4 =	vadd.f32 v4, v17;
	v10 =	vadd.f32 v10, v15  }
0xcb: {  	v58 =	vld [tilespmem:s8+$0xA070];
	[tilespmem:s8+$0x7800] =	vst v5;
	v3 =	vadd.f32 v3, v11;
	v57 =	vadd.f32 v9, v14  }
0xcc: {  	[tilespmem:s8+$0x7810] =	vst v4;
	v2 =	vadd.f32 v2, v10;
	v59 =	vadd.f32 v8, v13  }
0xcd: {  	[tilespmem:s8+$0x7820] =	vst v3;
	v1 =	vadd.f32 v1, v57;
	v60 =	vadd.f32 v7, v12  }
0xce: {  	s9 =	smul.u32 $0x28, s14;
	[tilespmem:s8+$0x7830] =	vst v2;
	v0 =	vadd.f32 v0, v59;
	v61 =	vadd.f32 v6, v55  }
0xcf: {  	[tilespmem:s8+$0x7840] =	vst v1;
	v62 =	vadd.f32 v56, v60  }
0xd0: {  	s9 =	sadd.s32 s5, s9;
	[tilespmem:s8+$0x7850] =	vst v0;
	v63 =	vadd.f32 v58, v61  }
0xd1: {  	p0 =	sgt.u32 s21, $0x1D;
	s9 =	sshll.u32 s9, $0x4;
	[tilespmem:s8+$0x7860] =	vst v62  }
0xd2: {  	s14 =	sadd.s32 s7, s9;
	[tilespmem:s8+$0x7870] =	vst v63;
	s8 =	simm.s32 @!p0 $0x6  }
0xd3: {  	[hbm4b:s14+s4] =	stream.linear.scatter [tilespmem:s19], [sflag:$0x6], $0x1400, $0x38;
	[tilespmem:$0x12C00] =	vst v63  }
0xd4: {  	_ =	swait.ge @!p0 [sflag:s8], $0x1400  }
0xd5: {  	s10 =	simm.s32 @!p0 $0x7800;
	[sflag:s8] =	ssyncset.done @!p0 $0x0  }
0xd6: {  	s9 =	simm.s32 @!p0 $0x28;
	[sflag:s8] =	ssyncadd.s32 @!p0 $0xFFFFEC00;
	s8 =	sadd.s32 @!p0 $0xC8, s22  }
0xd7: {  	[tilespmem:s10], [sflag:$0x2] =	stream.indirect.gather @!p0 [hbm4b:s1+s9], $0x80, s8, s9, $0xb8;
	[tilespmem:$0x12C00] =	vst v63  }
0xd8: {  	s8 =	sadd.s32 @!p0 $0x14C8, s22;
	s10 =	simm.s32 @!p0 $0x8C00  }
0xd9: {  	[tilespmem:s10], [sflag:$0x2] =	stream.indirect.gather @!p0 [hbm4b:s3+s9], $0x80, s8, s9, $0xb8;
	[tilespmem:$0x12C00] =	vst v63  }
0xda: {  	s8 =	sadd.s32 @!p0 $0x28C8, s22;
	s10 =	simm.s32 @!p0 $0xA000  }
0xdb: {  	[tilespmem:s10], [sflag:$0x2] =	stream.indirect.gather @!p0 [hbm4b:s6+s9], $0x80, s8, s9, $0xb8;
	[tilespmem:$0x12C00] =	vst v63  }
.LBB2_9:
0xdc: {  	s14 =	sor.u32 $0x2, s13  }
0xdd: {  	p0 =	sgt.u32 s14, $0x7C  }
.Ltmp8:
0xde: {  	_ = 	snop;
	(pc) =	sbr.rel @p0 .LBB2_13-.Ltmp8, $1  }
0xdf: {  	_ =	sdelay $0x3  }
0xe0: {  	_ =	swait.ge [sflag:s31], $0x1400  }
0xe1: {  	[sflag:s31] =	ssyncset.done $0x0  }
0xe2: {  	[sflag:s31] =	ssyncadd.s32 $0xFFFFEC00  }
0xe3: {  	_ =	swait.ge [sflag:s31], $0x1400  }
0xe4: {  	[sflag:s31] =	ssyncset.done $0x0  }
0xe5: {  	[sflag:s31] =	ssyncadd.s32 $0xFFFFEC00  }
0xe6: {  	_ =	swait.ge [sflag:s31], $0x1400  }
0xe7: {  	[sflag:s31] =	ssyncset.done $0x0  }
0xe8: {  	s8 =	simm.s32 $0x0;
	[sflag:s31] =	ssyncadd.s32 $0xFFFFEC00  }
0xe9: {  	v5 =	vld [tilespmem:s8+$0xDC00]  }
0xea: {  	v4 =	vld [tilespmem:s8+$0xDC10]  }
0xeb: {  	v3 =	vld [tilespmem:s8+$0xDC20]  }
0xec: {  	v2 =	vld [tilespmem:s8+$0xDC30]  }
0xed: {  	v1 =	vld [tilespmem:s8+$0xDC40]  }
0xee: {  	v0 =	vld [tilespmem:s8+$0xDC50]  }
0xef: {  	v12 =	vld [tilespmem:s8+$0xC800]  }
0xf0: {  	v17 =	vld [tilespmem:s8+$0xC810]  }
0xf1: {  	v11 =	vld [tilespmem:s8+$0xC820]  }
0xf2: {  	v10 =	vld [tilespmem:s8+$0xC830]  }
0xf3: {  	v9 =	vld [tilespmem:s8+$0xC840]  }
0xf4: {  	v8 =	vld [tilespmem:s8+$0xC850]  }
0xf5: {  	v7 =	vld [tilespmem:s8+$0xC860]  }
0xf6: {  	v6 =	vld [tilespmem:s8+$0xC870]  }
0xf7: {  	v18 =	vld [tilespmem:s8+$0xB400]  }
0xf8: {  	v19 =	vld [tilespmem:s8+$0xB410]  }
0xf9: {  	v16 =	vld [tilespmem:s8+$0xB420]  }
0xfa: {  	v15 =	vld [tilespmem:s8+$0xB430]  }
0xfb: {  	v14 =	vld [tilespmem:s8+$0xB440]  }
0xfc: {  	v13 =	vld [tilespmem:s8+$0xB450];
	v18 =	vadd.f32 v12, v18  }
0xfd: {  	s9 =	simm.s32 $0x200;
	v17 =	vadd.f32 v17, v19;
	v12 =	vld [tilespmem:s8+$0xB460]  }
.LBB2_11:
0xfe: {  	p0 =	sne.s32 s9, $0x4E00;
	v5 =	vadd.f32 v5, v18;
	v11 =	vadd.f32 v11, v16;
	v16 =	vld [tilespmem:s8+$0xB470]  }
0xff: {  	v4 =	vadd.f32 v4, v17;
	v10 =	vadd.f32 v10, v15;
	v15 =	vld [tilespmem:s8+$0xDC60]  }
0x100: {  	s10 =	sshra.s32 s9, $0x2;
	[tilespmem:s8+$0xB400] =	vst v5;
	v3 =	vadd.f32 v3, v11;
	v9 =	vadd.f32 v9, v14;
	v11 =	vld [tilespmem:s8+$0xDC70]  }
0x101: {  	v5 =	vld [tilespmem:s10+$0xDC00];
	[tilespmem:s8+$0xB410] =	vst v4;
	v2 =	vadd.f32 v2, v10;
	v8 =	vadd.f32 v8, v13  }
0x102: {  	v4 =	vld [tilespmem:s10+$0xDC10];
	[tilespmem:s8+$0xB420] =	vst v3;
	v1 =	vadd.f32 v1, v9;
	v7 =	vadd.f32 v7, v12  }
0x103: {  	v3 =	vld [tilespmem:s10+$0xDC20];
	[tilespmem:s8+$0xB430] =	vst v2;
	v0 =	vadd.f32 v0, v8;
	v6 =	vadd.f32 v6, v16  }
0x104: {  	v2 =	vld [tilespmem:s10+$0xDC30];
	[tilespmem:s8+$0xB440] =	vst v1;
	v7 =	vadd.f32 v15, v7  }
0x105: {  	v1 =	vld [tilespmem:s10+$0xDC40];
	[tilespmem:s8+$0xB450] =	vst v0;
	v6 =	vadd.f32 v11, v6  }
0x106: {  	v0 =	vld [tilespmem:s10+$0xDC50];
	[tilespmem:s8+$0xB460] =	vst v7  }
0x107: {  	v12 =	vld [tilespmem:s10+$0xC800];
	[tilespmem:s8+$0xB470] =	vst v6;
	s8 =	smov.u32 s10  }
0x108: {  	v17 =	vld [tilespmem:s8+$0xC810]  }
0x109: {  	v11 =	vld [tilespmem:s8+$0xC820]  }
0x10a: {  	v10 =	vld [tilespmem:s8+$0xC830]  }
0x10b: {  	v9 =	vld [tilespmem:s8+$0xC840]  }
0x10c: {  	v8 =	vld [tilespmem:s8+$0xC850]  }
0x10d: {  	v7 =	vld [tilespmem:s8+$0xC860]  }
0x10e: {  	v6 =	vld [tilespmem:s8+$0xC870]  }
0x10f: {  	v13 =	vld [tilespmem:s8+$0xB400]  }
0x110: {  	v19 =	vld [tilespmem:s8+$0xB410]  }
.Ltmp9:
0x111: {  	v16 =	vld [tilespmem:s8+$0xB420];
	(pc) =	sbr.rel @p0 .LBB2_11-.Ltmp9, $4  }
0x112: {  	v15 =	vld [tilespmem:s8+$0xB430]  }
0x113: {  	v14 =	vld [tilespmem:s8+$0xB440]  }
0x114: {  	v18 =	vadd.f32 v12, v13;
	v13 =	vld [tilespmem:s8+$0xB450]  }
0x115: {  	s9 =	sadd.s32 $0x200, s9;
	v17 =	vadd.f32 v17, v19;
	v12 =	vld [tilespmem:s8+$0xB460]  }
0x116: {  	v5 =	vadd.f32 v5, v18;
	v55 =	vld [tilespmem:s8+$0xB470];
	v11 =	vadd.f32 v11, v16  }
0x117: {  	v56 =	vld [tilespmem:s8+$0xDC60];
	v4 =	vadd.f32 v4, v17;
	v10 =	vadd.f32 v10, v15  }
0x118: {  	v58 =	vld [tilespmem:s8+$0xDC70];
	[tilespmem:s8+$0xB400] =	vst v5;
	v3 =	vadd.f32 v3, v11;
	v57 =	vadd.f32 v9, v14  }
0x119: {  	[tilespmem:s8+$0xB410] =	vst v4;
	v2 =	vadd.f32 v2, v10;
	v59 =	vadd.f32 v8, v13  }
0x11a: {  	[tilespmem:s8+$0xB420] =	vst v3;
	v1 =	vadd.f32 v1, v57;
	v60 =	vadd.f32 v7, v12  }
0x11b: {  	s9 =	smul.u32 $0x28, s14;
	[tilespmem:s8+$0xB430] =	vst v2;
	v0 =	vadd.f32 v0, v59;
	v61 =	vadd.f32 v6, v55  }
0x11c: {  	[tilespmem:s8+$0xB440] =	vst v1;
	v62 =	vadd.f32 v56, v60  }
0x11d: {  	s9 =	sadd.s32 s5, s9;
	[tilespmem:s8+$0xB450] =	vst v0;
	v63 =	vadd.f32 v58, v61  }
0x11e: {  	p0 =	sgt.u32 s21, $0x1D;
	s9 =	sshll.u32 s9, $0x4;
	[tilespmem:s8+$0xB460] =	vst v62  }
0x11f: {  	s14 =	sadd.s32 s7, s9;
	[tilespmem:s8+$0xB470] =	vst v63;
	s8 =	simm.s32 @!p0 $0x7  }
0x120: {  	[hbm4b:s14+s4] =	stream.linear.scatter [tilespmem:s25], [sflag:$0x7], $0x1400, $0x38;
	[tilespmem:$0x12C00] =	vst v63  }
0x121: {  	_ =	swait.ge @!p0 [sflag:s8], $0x1400  }
0x122: {  	s10 =	simm.s32 @!p0 $0xB400;
	[sflag:s8] =	ssyncset.done @!p0 $0x0  }
0x123: {  	s9 =	simm.s32 @!p0 $0x28;
	[sflag:s8] =	ssyncadd.s32 @!p0 $0xFFFFEC00;
	s8 =	sadd.s32 @!p0 $0xF0, s22  }
0x124: {  	[tilespmem:s10], [sflag:$0x3] =	stream.indirect.gather @!p0 [hbm4b:s1+s9], $0x80, s8, s9, $0xb8;
	[tilespmem:$0x12C00] =	vst v63  }
0x125: {  	s8 =	sadd.s32 @!p0 $0x14F0, s22;
	s10 =	simm.s32 @!p0 $0xC800  }
0x126: {  	[tilespmem:s10], [sflag:$0x3] =	stream.indirect.gather @!p0 [hbm4b:s3+s9], $0x80, s8, s9, $0xb8;
	[tilespmem:$0x12C00] =	vst v63  }
0x127: {  	s8 =	sadd.s32 @!p0 $0x28F0, s22;
	s10 =	simm.s32 @!p0 $0xDC00  }
0x128: {  	[tilespmem:s10], [sflag:$0x3] =	stream.indirect.gather @!p0 [hbm4b:s6+s9], $0x80, s8, s9, $0xb8;
	[tilespmem:$0x12C00] =	vst v63  }
.LBB2_13:
0x129: {  	s13 =	sor.u32 $0x3, s13  }
0x12a: {  	p0 =	sgt.u32 s13, $0x7C  }
.Ltmp10:
0x12b: {  	_ = 	snop;
	(pc) =	sbr.rel @p0 .LBB2_17-.Ltmp10, $1  }
0x12c: {  	_ =	sdelay $0x3  }
0x12d: {  	_ =	swait.ge [sflag:s0], $0x1400  }
0x12e: {  	[sflag:s0] =	ssyncset.done $0x0  }
0x12f: {  	[sflag:s0] =	ssyncadd.s32 $0xFFFFEC00  }
0x130: {  	_ =	swait.ge [sflag:s0], $0x1400  }
0x131: {  	[sflag:s0] =	ssyncset.done $0x0  }
0x132: {  	[sflag:s0] =	ssyncadd.s32 $0xFFFFEC00  }
0x133: {  	_ =	swait.ge [sflag:s0], $0x1400  }
0x134: {  	[sflag:s0] =	ssyncset.done $0x0  }
0x135: {  	s8 =	simm.s32 $0x0;
	[sflag:s0] =	ssyncadd.s32 $0xFFFFEC00  }
0x136: {  	v5 =	vld [tilespmem:s8+$0x11800]  }
0x137: {  	v4 =	vld [tilespmem:s8+$0x11810]  }
0x138: {  	v3 =	vld [tilespmem:s8+$0x11820]  }
0x139: {  	v2 =	vld [tilespmem:s8+$0x11830]  }
0x13a: {  	v1 =	vld [tilespmem:s8+$0x11840]  }
0x13b: {  	v0 =	vld [tilespmem:s8+$0x11850]  }
0x13c: {  	v12 =	vld [tilespmem:s8+$0x10400]  }
0x13d: {  	v17 =	vld [tilespmem:s8+$0x10410]  }
0x13e: {  	v11 =	vld [tilespmem:s8+$0x10420]  }
0x13f: {  	v10 =	vld [tilespmem:s8+$0x10430]  }
0x140: {  	v9 =	vld [tilespmem:s8+$0x10440]  }
0x141: {  	v8 =	vld [tilespmem:s8+$0x10450]  }
0x142: {  	v7 =	vld [tilespmem:s8+$0x10460]  }
0x143: {  	v6 =	vld [tilespmem:s8+$0x10470]  }
0x144: {  	v18 =	vld [tilespmem:s8+$0xF000]  }
0x145: {  	v19 =	vld [tilespmem:s8+$0xF010]  }
0x146: {  	v16 =	vld [tilespmem:s8+$0xF020]  }
0x147: {  	v15 =	vld [tilespmem:s8+$0xF030]  }
0x148: {  	v14 =	vld [tilespmem:s8+$0xF040]  }
0x149: {  	v13 =	vld [tilespmem:s8+$0xF050];
	v18 =	vadd.f32 v12, v18  }
0x14a: {  	s9 =	simm.s32 $0x200;
	v17 =	vadd.f32 v17, v19;
	v12 =	vld [tilespmem:s8+$0xF060]  }
.LBB2_15:
0x14b: {  	p0 =	sne.s32 s9, $0x4E00;
	v5 =	vadd.f32 v5, v18;
	v11 =	vadd.f32 v11, v16;
	v16 =	vld [tilespmem:s8+$0xF070]  }
0x14c: {  	v4 =	vadd.f32 v4, v17;
	v10 =	vadd.f32 v10, v15;
	v15 =	vld [tilespmem:s8+$0x11860]  }
0x14d: {  	s10 =	sshra.s32 s9, $0x2;
	[tilespmem:s8+$0xF000] =	vst v5;
	v3 =	vadd.f32 v3, v11;
	v9 =	vadd.f32 v9, v14;
	v11 =	vld [tilespmem:s8+$0x11870]  }
0x14e: {  	v5 =	vld [tilespmem:s10+$0x11800];
	[tilespmem:s8+$0xF010] =	vst v4;
	v2 =	vadd.f32 v2, v10;
	v8 =	vadd.f32 v8, v13  }
0x14f: {  	v4 =	vld [tilespmem:s10+$0x11810];
	[tilespmem:s8+$0xF020] =	vst v3;
	v1 =	vadd.f32 v1, v9;
	v7 =	vadd.f32 v7, v12  }
0x150: {  	v3 =	vld [tilespmem:s10+$0x11820];
	[tilespmem:s8+$0xF030] =	vst v2;
	v0 =	vadd.f32 v0, v8;
	v6 =	vadd.f32 v6, v16  }
0x151: {  	v2 =	vld [tilespmem:s10+$0x11830];
	[tilespmem:s8+$0xF040] =	vst v1;
	v7 =	vadd.f32 v15, v7  }
0x152: {  	v1 =	vld [tilespmem:s10+$0x11840];
	[tilespmem:s8+$0xF050] =	vst v0;
	v6 =	vadd.f32 v11, v6  }
0x153: {  	v0 =	vld [tilespmem:s10+$0x11850];
	[tilespmem:s8+$0xF060] =	vst v7  }
0x154: {  	v12 =	vld [tilespmem:s10+$0x10400];
	[tilespmem:s8+$0xF070] =	vst v6;
	s8 =	smov.u32 s10  }
0x155: {  	v17 =	vld [tilespmem:s8+$0x10410]  }
0x156: {  	v11 =	vld [tilespmem:s8+$0x10420]  }
0x157: {  	v10 =	vld [tilespmem:s8+$0x10430]  }
0x158: {  	v9 =	vld [tilespmem:s8+$0x10440]  }
0x159: {  	v8 =	vld [tilespmem:s8+$0x10450]  }
0x15a: {  	v7 =	vld [tilespmem:s8+$0x10460]  }
0x15b: {  	v6 =	vld [tilespmem:s8+$0x10470]  }
0x15c: {  	v13 =	vld [tilespmem:s8+$0xF000]  }
0x15d: {  	v19 =	vld [tilespmem:s8+$0xF010]  }
.Ltmp11:
0x15e: {  	v16 =	vld [tilespmem:s8+$0xF020];
	(pc) =	sbr.rel @p0 .LBB2_15-.Ltmp11, $4  }
0x15f: {  	v15 =	vld [tilespmem:s8+$0xF030]  }
0x160: {  	v14 =	vld [tilespmem:s8+$0xF040]  }
0x161: {  	v18 =	vadd.f32 v12, v13;
	v13 =	vld [tilespmem:s8+$0xF050]  }
0x162: {  	s9 =	sadd.s32 $0x200, s9;
	v17 =	vadd.f32 v17, v19;
	v12 =	vld [tilespmem:s8+$0xF060]  }
0x163: {  	v5 =	vadd.f32 v5, v18;
	v55 =	vld [tilespmem:s8+$0xF070];
	v11 =	vadd.f32 v11, v16  }
0x164: {  	v56 =	vld [tilespmem:s8+$0x11860];
	v4 =	vadd.f32 v4, v17;
	v10 =	vadd.f32 v10, v15  }
0x165: {  	v58 =	vld [tilespmem:s8+$0x11870];
	[tilespmem:s8+$0xF000] =	vst v5;
	v3 =	vadd.f32 v3, v11;
	v57 =	vadd.f32 v9, v14  }
0x166: {  	[tilespmem:s8+$0xF010] =	vst v4;
	v2 =	vadd.f32 v2, v10;
	v59 =	vadd.f32 v8, v13  }
0x167: {  	[tilespmem:s8+$0xF020] =	vst v3;
	v1 =	vadd.f32 v1, v57;
	v60 =	vadd.f32 v7, v12  }
0x168: {  	s9 =	smul.u32 $0x28, s13;
	[tilespmem:s8+$0xF030] =	vst v2;
	v0 =	vadd.f32 v0, v59;
	v61 =	vadd.f32 v6, v55  }
0x169: {  	[tilespmem:s8+$0xF040] =	vst v1;
	v62 =	vadd.f32 v56, v60  }
0x16a: {  	s9 =	sadd.s32 s5, s9;
	[tilespmem:s8+$0xF050] =	vst v0;
	v63 =	vadd.f32 v58, v61  }
0x16b: {  	p0 =	sgt.u32 s21, $0x1D;
	s9 =	sshll.u32 s9, $0x4;
	[tilespmem:s8+$0xF060] =	vst v62  }
0x16c: {  	s14 =	sadd.s32 s7, s9;
	[tilespmem:s8+$0xF070] =	vst v63;
	s8 =	simm.s32 @!p0 $0x8  }
0x16d: {  	[hbm4b:s14+s4] =	stream.linear.scatter [tilespmem:s2], [sflag:$0x8], $0x1400, $0x38;
	[tilespmem:$0x12C00] =	vst v63  }
0x16e: {  	_ =	swait.ge @!p0 [sflag:s8], $0x1400  }
0x16f: {  	s10 =	simm.s32 @!p0 $0xF000;
	[sflag:s8] =	ssyncset.done @!p0 $0x0  }
0x170: {  	s9 =	simm.s32 @!p0 $0x28;
	[sflag:s8] =	ssyncadd.s32 @!p0 $0xFFFFEC00;
	s8 =	sadd.s32 @!p0 $0x118, s22  }
0x171: {  	[tilespmem:s10], [sflag:$0x4] =	stream.indirect.gather @!p0 [hbm4b:s1+s9], $0x80, s8, s9, $0xb8;
	[tilespmem:$0x12C00] =	vst v63  }
.Ltmp12:
0x172: {  	_ = 	snop;
	(pc) =	sbr.rel .LBB2_17-.Ltmp12, $4  }
0x173: {  	s8 =	sadd.s32 @!p0 $0x1518, s22;
	s10 =	simm.s32 @!p0 $0x10400  }
0x174: {  	[tilespmem:s10], [sflag:$0x4] =	stream.indirect.gather @!p0 [hbm4b:s3+s9], $0x80, s8, s9, $0xb8;
	[tilespmem:$0x12C00] =	vst v63  }
0x175: {  	s8 =	sadd.s32 @!p0 $0x2918, s22;
	s10 =	simm.s32 @!p0 $0x11800  }
0x176: {  	[tilespmem:s10], [sflag:$0x4] =	stream.indirect.gather @!p0 [hbm4b:s6+s9], $0x80, s8, s9, $0xb8;
	[tilespmem:$0x12C00] =	vst v63  }
.LBB2_19:
0x177: {  	_ =	sfence.sel $0x180000  }
0x178: {  	[bflag:$0x0] =	sbarrier.arrive $0xFFFF  }
0x179: {  	_ =	strace $0x90000047  }
0x17a: {  	s0 =	stileid.u32;
	[bflag:$0x2] =	sbarrier.arrive $0xFFFF  }
0x17b: {  	p0 =	sne.s32 s0, $0x0;
	s0 =	rddreg [dreg:$0x3]  }
0x17c: {  	s0 =	sadd.s32 @!p0 $0x100000, s0  }
0x17d: {  	[sflag:s0] =	ssyncadd.tile.s32 @!p0 $0x1;
	_ =	shalt  }
.Lfunc_end2:
_tile_overlayer_lowered:
.L_overlay_start_2:
0x17e: {  	(tag) =	ssettag $0x2  }
0x17f: {  	s0 =	rddreg [dreg:$0x0];
	s2 =	stileid.u32  }
0x180: {  	s1 =	rddreg [dreg:$0x1];
	p0 =	sne.s32 s2, $0x0  }
0x181: {  	s3 =	rddreg [dreg:$0x2];
	[bflag:$0x3] =	sbarrier.arrive $0xFFFF;
	s2 =	simm.s32 @!p0 $0x1C09  }
0x182: {  	[timem:s3], [sflag:s2] =	dma.local @!p0 [hbm:s0], s1  }
0x183: {  	s0 =	simm.s32 @!p0 $0x9  }
0x184: {  	_ =	swait.ge @!p0 [sflag:s0], s1  }
0x185: {  	s1 =	ssub.s32 @!p0 $0x0, s1;
	[sflag:s0] =	ssyncset.done @!p0 $0x0  }
0x186: {  	[sflag:s0] =	ssyncadd.s32 @!p0 s1  }
0x187: {  	[bflag:$0x3] =	sbarrier.arrive $0xFFFF  }
0x188: {  	_ =	shalt  }

// kernel: kernel.13.cloned.1.call-start
scs
__scs_entry_jumppad:
0x0: {  	(pc) =	sbr.rel $0x88, $3  }
0x1: {  	(tag) =	ssettag $0x0;
	lr =	simm.s32 $0x1  }
0x2: {  	[smem:$0x3F8B] =	sst lr;
	_ =	strace $0xD0000000  }
0x3: {  	_ = 	snop  }
0x4: {  	_ = 	snop  }
0x5: {  	_ = 	snop  }
0x6: {  	_ = 	snop  }
0x7: {  	_ = 	snop  }
__scs_overlays_trampoline_lowered:
0x8: {  	[smem:$0x3F9A] =	sst s0  }
0x9: {  	[smem:$0x3F9B] =	sst s1  }
0xa: {  	[smem:$0x3F9C] =	sst s2  }
0xb: {  	[smem:$0x3F9D] =	sst s3  }
0xc: {  	[smem:$0x3F9E] =	sst s4  }
0xd: {  	[smem:$0x3F9F] =	sst s5  }
0xe: {  	[smem:$0x3FA0] =	sst s6  }
0xf: {  	[smem:$0x3FA1] =	sst s7  }
0x10: {  	[smem:$0x3FA2] =	sst s8  }
0x11: {  	[smem:$0x3FA3] =	sst s9;
	s0 =	simm.s32 @!p0 $0x0  }
0x12: {  	s1 =	sld [smem:$0x3F89];
	s0 =	simm.s32 @p0 $0x1  }
0x13: {  	[smem:$0x3FA4] =	sst s0;
	s0 =	simm.s32 @!p1 $0x0  }
0x14: {  	s2 =	sld [smem:$0x3F88];
	s0 =	simm.s32 @p1 $0x1  }
0x15: {  	[smem:$0x3FA5] =	sst s0;
	s0 =	simm.s32 @!p2 $0x0  }
0x16: {  	s3 =	sld [smem:$0x3FDB];
	s0 =	simm.s32 @p2 $0x1  }
0x17: {  	s4 =	simm.s32 $0x1BF5;
	[smem:$0x3FA7] =	sst s0  }
0x18: {  	s0 =	sld [smem:$0x3F8A];
	_ =	swait.ge [sflag:s4], $0x0  }
0x19: {  	s7 =	sld [smem:$0x3F8B]  }
0x1a: {  	s8 =	sadd.s32 $0xFFFFE003, lr  }
0x1b: {  	s9 =	sadd.s32 $0xFFFFFEF7, lr;
	s5 =	simm.s32 $0xFFFFFFFF;
	p2 =	slt.u32 s8, $0xFFFFF086  }
0x1c: {  	p1 =	slt.u32 s9, $0xF7A;
	s5 =	simm.s32 @!p2 $0x0  }
0x1d: {  	s5 =	simm.s32 @p1 $0x1;
	p0 =	seq.s32 s7, s2  }
0x1e: {  	s7 =	smul.u32 @!p0 $0xF7A, s2;
	p2 =	seq.s32 @!p0 s5, $0x0  }
0x1f: {  	s9 =	smul.u32 $0xF7A, s1;
	s8 =	simm.s32 @!p0 $0x1BF5;
	p2 =	por !p2, p0  }
0x20: {  	[sflag:s8] =	ssyncset.s32 @!p0 $0xFFFFF086;
	s6 =	sadd.s32 @!p0 s3, s7;
	s7 =	simm.s32 @!p0 $0x108  }
0x21: {  	s3 =	sadd.s32 s3, s9;
	s6 =	sadd.s32 @!p0 $0x88, s6;
	s7 =	simm.s32 @p2 $0x1082  }
0x22: {  	[simem:s7], [sflag:s8] =	dma.local @!p0 [hbm:s6], $0xF7A  }
0x23: {  	s9 =	sor.u32 $0xD0000000, s2;
	s6 =	simm.s32 $0x108;
	_ =	swait.ge @!p0 [sflag:s8], $0x0  }
0x24: {  	s3 =	sadd.s32 $0x88, s3;
	s6 =	simm.s32 @!p1 $0x1082;
	[sflag:s4] =	ssyncset.s32 $0xFFFFF086  }
0x25: {  	[simem:s6], [sflag:s4] =	dma.local [hbm:s3], $0xF7A  }
0x26: {  	[smem:$0x3F8B] =	sst s1;
	(tag) =	ssettag s2;
	_ =	strace s9  }
0x27: {  	s1 =	sld [smem:$0x3F9B]  }
0x28: {  	s2 =	sld [smem:$0x3F9C]  }
0x29: {  	s4 =	sld [smem:$0x3F9E]  }
0x2a: {  	p0 =	seq.s32 s5, $0x0;
	s5 =	sld [smem:$0x3F9F]  }
0x2b: {  	s6 =	sld [smem:$0x3FA0]  }
0x2c: {  	s7 =	sld [smem:$0x3FA1]  }
0x2d: {  	s3 =	simm.s32 $0x108;
	s8 =	sld [smem:$0x3FA2]  }
0x2e: {  	s3 =	simm.s32 @!p0 $0x1082;
	s9 =	sld [smem:$0x3FA3]  }
0x2f: {  	lr =	sadd.s32 s0, s3;
	s0 =	sld [smem:$0x3F9A]  }
0x30: {  	s3 =	sld [smem:$0x3F9D]  }
0x31: {  	[smem:$0x3FA6] =	sst s10  }
0x32: {  	s10 =	sld [smem:$0x3FA4];
	_ =	sdelay $0x3  }
0x33: {  	p0 =	seq.s32 s10, $0x1;
	s10 =	sld [smem:$0x3FA6];
	_ =	sdelay $0x3  }
0x34: {  	[smem:$0x3FA6] =	sst s10  }
0x35: {  	s10 =	sld [smem:$0x3FA5];
	_ =	sdelay $0x3  }
0x36: {  	p1 =	seq.s32 s10, $0x1;
	s10 =	sld [smem:$0x3FA6];
	_ =	sdelay $0x3  }
0x37: {  	[smem:$0x3FA6] =	sst s10  }
0x38: {  	s10 =	sld [smem:$0x3FA7]  }
0x39: {  	_ = 	snop;
	(pc) =	sbr.ind lr, $3  }
0x3a: {  	_ = 	snop  }
0x3b: {  	_ = 	snop  }
0x3c: {  	p2 =	seq.s32 s10, $0x1;
	s10 =	sld [smem:$0x3FA6]  }
0x3d: {  	_ =	shalt  }
0x3e: {  	_ =	shalt  }
0x3f: {  	_ =	shalt  }
0x40: {  	_ =	shalt  }
0x41: {  	_ =	shalt  }
0x42: {  	_ =	shalt  }
0x43: {  	_ =	shalt  }
0x44: {  	_ =	shalt  }
0x45: {  	_ =	shalt  }
0x46: {  	_ =	shalt  }
0x47: {  	_ =	shalt  }
0x48: {  	_ =	shalt  }
0x49: {  	_ =	shalt  }
0x4a: {  	_ =	shalt  }
0x4b: {  	_ =	shalt  }
0x4c: {  	_ =	shalt  }
0x4d: {  	_ =	shalt  }
0x4e: {  	_ =	shalt  }
0x4f: {  	_ =	shalt  }
0x50: {  	_ =	shalt  }
0x51: {  	_ =	shalt  }
0x52: {  	_ =	shalt  }
0x53: {  	_ =	shalt  }
0x54: {  	_ =	shalt  }
0x55: {  	_ =	shalt  }
0x56: {  	_ =	shalt  }
0x57: {  	_ =	shalt  }
0x58: {  	_ =	shalt  }
0x59: {  	_ =	shalt  }
0x5a: {  	_ =	shalt  }
0x5b: {  	_ =	shalt  }
0x5c: {  	_ =	shalt  }
0x5d: {  	_ =	shalt  }
0x5e: {  	_ =	shalt  }
0x5f: {  	_ =	shalt  }
0x60: {  	_ =	shalt  }
0x61: {  	_ =	shalt  }
0x62: {  	_ =	shalt  }
0x63: {  	_ =	shalt  }
0x64: {  	_ =	shalt  }
0x65: {  	_ =	shalt  }
0x66: {  	_ =	shalt  }
0x67: {  	_ =	shalt  }
0x68: {  	_ =	shalt  }
0x69: {  	_ =	shalt  }
0x6a: {  	_ =	shalt  }
0x6b: {  	_ =	shalt  }
0x6c: {  	_ =	shalt  }
0x6d: {  	_ =	shalt  }
0x6e: {  	_ =	shalt  }
0x6f: {  	_ =	shalt  }
0x70: {  	_ =	shalt  }
0x71: {  	_ =	shalt  }
0x72: {  	_ =	shalt  }
0x73: {  	_ =	shalt  }
0x74: {  	_ =	shalt  }
0x75: {  	_ =	shalt  }
0x76: {  	_ =	shalt  }
0x77: {  	_ =	shalt  }
0x78: {  	_ =	shalt  }
0x79: {  	_ =	shalt  }
0x7a: {  	_ =	shalt  }
0x7b: {  	_ =	shalt  }
0x7c: {  	_ =	shalt  }
0x7d: {  	_ =	shalt  }
0x7e: {  	_ =	shalt  }
0x7f: {  	_ =	shalt  }
0x80: {  	_ =	shalt  }
0x81: {  	_ =	shalt  }
0x82: {  	_ =	shalt  }
0x83: {  	_ =	shalt  }
0x84: {  	_ =	shalt  }
0x85: {  	_ =	shalt  }
0x86: {  	_ =	shalt  }
0x87: {  	_ =	shalt  }
.Lfunc_end0:
.L_simem_size_0:
called_computation.1_lowered:
.L_overlay_start_0:
0x88: {  	s2 =	sld [smem:$0x3FD9]  }
0x89: {  	s3 =	sld [smem:$0x3FFE];
	_ =	sdelay $0x1  }
0x8a: {  	s1 =	srdreg.scid  }
0x8b: {  	s0 =	sand.u32 $0x1, s1  }
0x8c: {  	s14 =	sshll.u32 s0, $0xA;
	s2 =	sadd.s32 s3, s2  }
0x8d: {  	s2 =	sadd.s32 s2, s14  }
0x8e: {  	[smem:$0x3FB2] =	sst s2  }
0x8f: {  	_ = 	snop  }
0x90: {  	s2 =	sld [smem:$0x3FD0];
	_ =	sdelay $0x2  }
0x91: {  	s15 =	simm.s32 $0xA;
	s4 =	simm.s32 $0x10  }
0x92: {  	[smem:s4], [sflag:s15] =	dma.local [hbm:s2], $0x1  }
0x93: {  	_ =	swait.eq [sflag:s15], $0x1  }
0x94: {  	[sflag:s15] =	ssyncset.done $0x0  }
0x95: {  	[sflag:s15] =	ssyncadd.s32 $0xFFFFFFFF  }
0x96: {  	s16 =	sld [smem:$0x11];
	(tm) =	ssettm $0x1  }
0x97: {  	s17 =	sld [smem:$0x3FFB];
	_ =	sdelay $0x3  }
0x98: {  	_ =	strace s17  }
0x99: {  	s3 =	sld [smem:$0x3FFC];
	_ =	sdelay $0x3  }
0x9a: {  	_ =	strace s3  }
0x9b: {  	s3 =	sld [smem:$0x3FFD];
	_ =	sdelay $0x3  }
0x9c: {  	_ =	strace s3  }
0x9d: {  	_ =	strace $0x8FFFFFFF  }
0x9e: {  	s18 =	sld [smem:$0x3FDB];
	_ =	sdelay $0x1  }
0x9f: {  	s19 =	simm.s32 $_scs_section_size  }
0xa0: {  	s5 =	simm.s32 $_size__tile_overlayer_lowered;
	s6 =	simm.s32 $_tile_overlayer_lowered  }
0xa1: {  	s22 =	simm.s32 $0x1BFF;
	s21 =	sshll.u32 s6, $0x1;
	s3 =	sadd.s32 s19, s18  }
0xa2: {  	s7 =	simm.s32 $0x0;
	s20 =	sshll.u32 s5, $0x1;
	s5 =	sadd.s32 s21, s3  }
0xa3: {  	[timem:s7], [sflag:s22] =	dma.local [hbm:s5], s20  }
0xa4: {  	_ =	swait.ge [sflag:s22], s20  }
0xa5: {  	s4 =	ssub.s32 $0x0, s20;
	[sflag:s22] =	ssyncset.done $0x0  }
0xa6: {  	[sflag:s22] =	ssyncadd.s32 s4;
	_ =	sdelay $0x1  }
0xa7: {  	s23 =	simm.s32 $0x1B8B  }
0xa8: {  	_ =	swait.ge [sflag:s23], $0x1  }
0xa9: {  	[sflag:s23] =	ssyncset.done $0x0  }
0xaa: {  	s25 =	simm.s32 $0x1B8E;
	s24 =	sld [smem:$0x3FFE];
	[sflag:s23] =	ssyncadd.s32 $0xFFFFFFFF  }
0xab: {  	s26 =	simm.s32 $execute0_lowered;
	[smem:$0x3FD2] =	sst s25  }
0xac: {  	s5 =	sshll.u32 s26, $0x1;
	_ =	strace $0x80000049;
	[dreg:$0x1] =	wrdreg $0xFFFFFFFF  }
0xad: {  	s28 =	simm.s32 $_size_execute0_lowered;
	s3 =	sadd.s32 s3, s5;
	[dreg:$0x0] =	wrdreg $0x0  }
0xae: {  	s5 =	sshll.u32 s28, $0x1;
	[dreg:$0x2] =	wrdreg s3  }
0xaf: {  	[dreg:$0x3] =	wrdreg s5  }
0xb0: {  	[dreg:$0x4] =	wrdreg $0xC0  }
0xb1: {  	_ =	task [dreg:s7], $0x5FFFF  }
0xb2: {  	[dreg:$0x1] =	wrdreg $0xFFFFFFFF  }
0xb3: {  	[dreg:$0x0] =	wrdreg $0x60  }
0xb4: {  	[dreg:$0x2] =	wrdreg s24  }
0xb5: {  	[dreg:$0x3] =	wrdreg s16  }
0xb6: {  	[dreg:$0x4] =	wrdreg $0x3C000  }
0xb7: {  	[dreg:$0x5] =	wrdreg $0x9  }
0xb8: {  	_ =	task.clear_ibuf [dreg:s7], $0x6FFFF;
	_ =	strace $0x90000049  }
0xb9: {  	s29 =	simm.s32 $0x9;
	_ =	strace $0x8000004B  }
0xba: {  	_ =	swait.ge [sflag:s29], $0x1  }
0xbb: {  	[sflag:s29] =	ssyncadd.s32 $0xFFFFFFFF  }
0xbc: {  	_ =	strace $0x9000004B  }
0xbd: {  	_ =	sfence  }
0xbe: {  	s30 =	sld [smem:$0x0];
	_ =	sdelay $0x2  }
0xbf: {  	s31 =	sshll.u32 s1, $0xD;
	s1 =	sshrl.u32 s1, $0x2  }
0xc0: {  	s3 =	sand.u32 $0x4000, s31;
	s1 =	sadd.s32 s1, s30  }
0xc1: {  	s0 =	sor.u32 s3, s0;
	s1 =	sshll.u32 s1, $0x11  }
0xc2: {  	s0 =	sor.u32 s1, s0  }
0xc3: {  	s0 =	sadd.s32 $0x8F2B, s0  }
0xc4: {  	[sflag:s0] =	ssyncadd.remote.s32 $0x1  }
0xc5: {  	_ =	sfence.sel $0xFFFF  }
0xc6: {  	[dreg:$0x0] =	wrdreg $0xFFFFFFFF;
	(pc) =	sbr.abs _section_cstart, $3  }
0xc7: {  	[dreg:$0x1] =	wrdreg $0xFFFFFFFF  }
0xc8: {  	_ =	task.clear_ibuf [dreg:s7], $0x2FFFF;
	_ =	strace $0x9FFFFFFF  }
0xc9: {  	(tm) =	ssettm $0x7FFFFFFF  }
tec
execute0_lowered:
.L_overlay_start_1:
0x0: {  	(tag) =	ssettag $0x1  }
0x1: {  	s4 =	rddreg [dreg:$0x0]  }
0x2: {  	s5 =	rddreg [dreg:$0x1]  }
0x3: {  	s0 =	srdreg.scid;
	s2 =	rddreg [dreg:$0x2]  }
0x4: {  	s1 =	stileid.u32;
	s3 =	simm.s32 $0x0;
	s15 =	simm.s32 $0x2800  }
0x5: {  	s16 =	simm.s32 $0x1;
	s17 =	simm.s32 $0x28;
	s8 =	smul.u32 $0x1388, s1  }
0x6: {  	s18 =	simm.s32 $0x3;
	s19 =	simm.s32 $0x2;
	s10 =	smul.u32 $0x50000, s1  }
0x7: {  	s20 =	simm.s32 $0x4;
	s21 =	simm.s32 $0x1360;
	s22 =	smul.u32 $0x2800, s1  }
0x8: {  	s6 =	sand.u32 $0x1, s0;
	s0 =	rddreg [dreg:$0x3];
	s14 =	smul.u32 $0x13880, s1  }
0x9: {  	[smem:$0x7FF] =	sst s3;
	s25 =	sadd.s32 $0x9FDE00, s4;
	s7 =	smul.u32 $0x13880, s6  }
0xa: {  	s28 =	sshll.u32 s1, $0x6;
	s11 =	smul.u32 $0x28000, s6;
	s12 =	ssub.s32 $0x2, s6  }
0xb: {  	_ =	strace $0x8000004A;
	s29 =	smul.u32 $0x138800, s6;
	s13 =	sshrl.u32 s12, $0x1  }
0xc: {  	s10 =	sshrl.u32 s10, $0x2;
	s7 =	sadd.s32 s8, s7;
	s11 =	sadd.s32 s11, s4  }
0xd: {  	s12 =	ssub.s32 s12, s13;
	s26 =	sadd.s32 s10, s2;
	s30 =	sadd.s32 s29, s25  }
0xe: {  	s13 =	simm.s32 $0x5;
	s9 =	sshrl.u32 s7, $0x3;
	s7 =	sshll.u32 s7, $0x4  }
0xf: {  	s23 =	sadd.s32 $0xDC00, s11;
	s31 =	sadd.s32 s14, s30;
	s14 =	simm.s32 $0x1400  }
0x10: {  	s9 =	sadd.s32 s9, s4;
	s4 =	sadd.s32 s5, s22;
	s5 =	sor.u32 $0x1C05, s28  }
0x11: {  	s7 =	sadd.s32 s25, s7;
	s11 =	sadd.s32 $0x780, s31;
	s22 =	sadd.s32 s22, s23  }
0x12: {  	s23 =	simm.s32 $0x0;
	s6 =	sadd.s32 $0x8C00, s9;
	s8 =	sadd.s32 $0x280, s7  }
0x13: {  	s9 =	smax.u32 s12, $0x1;
	s10 =	sadd.s32 $0x13600, s7;
	s12 =	sshrl.u32 s26, $0x3  }
.LBB2_1:
0x14: {  	[spmem:s12], [sflag:s5] =	dma.local [hbm:s4], $0x2800  }
0x15: {  	_ =	swait.ge [sflag:s13], $0x2800  }
0x16: {  	[sflag:s13] =	ssyncset.done $0x0  }
0x17: {  	[sflag:s13] =	ssyncadd.s32 $0xFFFFD800  }
0x18: {  	[tilespmem:s3], [sflag:$0x5] =	stream.linear.gather [hbm4b:s6+s3], $0x1388, $0x38;
	[tilespmem:$0x17C00] =	vst v63  }
0x19: {  	_ =	swait.ge [sflag:s13], $0x1388  }
0x1a: {  	[sflag:s13] =	ssyncset.done $0x0  }
0x1b: {  	[sflag:s13] =	ssyncadd.s32 $0xFFFFEC78  }
0x1c: {  	[bflag:$0x0] =	sbarrier.arrive $0xFFFF  }
0x1d: {  	[tilespmem:s14], [sflag:$0x1] =	stream.linear.gather [hbm4b:s7+s3], $0x1400, $0x38;
	[tilespmem:$0x17C00] =	vst v63  }
0x1e: {  	_ = 	snop  }
0x1f: {  	[tilespmem:s15], [sflag:$0x2] =	stream.linear.gather [hbm4b:s8+s3], $0x1400, $0x38;
	[tilespmem:$0x17C00] =	vst v63  }
0x20: {  	_ =	swait.ge [sflag:s16], $0x1400  }
0x21: {  	[sflag:s16] =	ssyncset.done $0x0  }
0x22: {  	s24 =	simm.s32 $0x0;
	[sflag:s16] =	ssyncadd.s32 $0xFFFFEC00  }
0x23: {  	[spmem:s2] =	stream.indirect.scatter.add.f32 [tilespmem:s14], [sflag:$0x3], $0x80, s24, s17, $0xb8;
	[tilespmem:$0x17C00] =	vst v63  }
0x24: {  	_ =	swait.ge [sflag:s18], $0x1400  }
0x25: {  	[sflag:s18] =	ssyncset.done $0x0  }
0x26: {  	s30 =	sadd.s32 $0xFFFFFD80, s11;
	[sflag:s18] =	ssyncadd.s32 $0xFFFFEC00  }
0x27: {  	[tilespmem:s14], [sflag:$0x1] =	stream.linear.gather [hbm4b:s30+s3], $0x1400, $0x38;
	[tilespmem:$0x17C00] =	vst v63  }
0x28: {  	_ =	swait.ge [sflag:s19], $0x1400  }
0x29: {  	[sflag:s19] =	ssyncset.done $0x0  }
0x2a: {  	s31 =	simm.s32 $0x28;
	[sflag:s19] =	ssyncadd.s32 $0xFFFFEC00  }
0x2b: {  	[spmem:s2] =	stream.indirect.scatter.add.f32 [tilespmem:s15], [sflag:$0x4], $0x80, s31, s17, $0xb8;
	[tilespmem:$0x17C00] =	vst v63  }
0x2c: {  	_ =	swait.ge [sflag:s20], $0x1400  }
0x2d: {  	s25 =	sadd.s32 $0x500, s11;
	[sflag:s20] =	ssyncset.done $0x0  }
0x2e: {  	s26 =	smov.u32 s11;
	s24 =	simm.s32 $0x140;
	[sflag:s20] =	ssyncadd.s32 $0xFFFFEC00  }
.LBB2_2:
0x2f: {  	[tilespmem:s15], [sflag:$0x2] =	stream.linear.gather [hbm4b:s26+s3], $0x1400, $0x38;
	[tilespmem:$0x17C00] =	vst v63  }
0x30: {  	s28 =	smov.u32 s24;
	s24 =	sadd.s32 $0x140, s24;
	_ =	swait.ge [sflag:s16], $0x1400  }
0x31: {  	s26 =	smov.u32 s25;
	p0 =	sne.s32 s24, $0x4C40;
	[sflag:s16] =	ssyncset.done $0x0  }
0x32: {  	s28 =	sshra.s32 s28, $0x2;
	[sflag:s16] =	ssyncadd.s32 $0xFFFFEC00  }
0x33: {  	[spmem:s2] =	stream.indirect.scatter.add.f32 [tilespmem:s14], [sflag:$0x3], $0x80, s28, s17, $0xb8;
	[tilespmem:$0x17C00] =	vst v63  }
0x34: {  	_ =	swait.ge [sflag:s18], $0x1400  }
0x35: {  	[sflag:s18] =	ssyncset.done $0x0  }
0x36: {  	s29 =	sadd.s32 $0xFFFFFD80, s25;
	[sflag:s18] =	ssyncadd.s32 $0xFFFFEC00  }
0x37: {  	[tilespmem:s14], [sflag:$0x1] =	stream.linear.gather [hbm4b:s29+s3], $0x1400, $0x38;
	[tilespmem:$0x17C00] =	vst v63  }
0x38: {  	_ =	swait.ge [sflag:s19], $0x1400  }
0x39: {  	[sflag:s19] =	ssyncset.done $0x0  }
.Ltmp0:
0x3a: {  	s28 =	sadd.s32 $0x28, s28;
	[sflag:s19] =	ssyncadd.s32 $0xFFFFEC00;
	(pc) =	sbr.rel @p0 .LBB2_2-.Ltmp0, $4  }
0x3b: {  	[spmem:s2] =	stream.indirect.scatter.add.f32 [tilespmem:s15], [sflag:$0x4], $0x80, s28, s17, $0xb8;
	[tilespmem:$0x17C00] =	vst v63  }
0x3c: {  	_ =	swait.ge [sflag:s20], $0x1400  }
0x3d: {  	[sflag:s20] =	ssyncset.done $0x0  }
0x3e: {  	s25 =	sadd.s32 $0x500, s25;
	[sflag:s20] =	ssyncadd.s32 $0xFFFFEC00  }
0x3f: {  	[tilespmem:s15], [sflag:$0x2] =	stream.linear.gather [hbm4b:s26+s3], $0x1400, $0x38;
	[tilespmem:$0x17C00] =	vst v63  }
0x40: {  	_ =	swait.ge [sflag:s16], $0x1400  }
0x41: {  	[sflag:s16] =	ssyncset.done $0x0  }
0x42: {  	s24 =	sshra.s32 s24, $0x2;
	[sflag:s16] =	ssyncadd.s32 $0xFFFFEC00  }
0x43: {  	[spmem:s2] =	stream.indirect.scatter.add.f32 [tilespmem:s14], [sflag:$0x3], $0x80, s24, s17, $0xb8;
	[tilespmem:$0x17C00] =	vst v63  }
0x44: {  	_ =	swait.ge [sflag:s18], $0x1400  }
0x45: {  	[sflag:s18] =	ssyncset.done $0x0  }
0x46: {  	[sflag:s18] =	ssyncadd.s32 $0xFFFFEC00  }
0x47: {  	[tilespmem:s14], [sflag:$0x1] =	stream.linear.gather [hbm4b:s10+s3], $0x1400, $0x38;
	[tilespmem:$0x17C00] =	vst v63  }
0x48: {  	_ =	swait.ge [sflag:s19], $0x1400  }
0x49: {  	[sflag:s19] =	ssyncset.done $0x0  }
0x4a: {  	s24 =	sadd.s32 $0x28, s24;
	[sflag:s19] =	ssyncadd.s32 $0xFFFFEC00  }
0x4b: {  	[spmem:s2] =	stream.indirect.scatter.add.f32 [tilespmem:s15], [sflag:$0x4], $0x80, s24, s17, $0xb8;
	[tilespmem:$0x17C00] =	vst v63  }
0x4c: {  	_ =	swait.ge [sflag:s16], $0x1400  }
0x4d: {  	[sflag:s16] =	ssyncset.done $0x0  }
0x4e: {  	[sflag:s16] =	ssyncadd.s32 $0xFFFFEC00  }
0x4f: {  	[spmem:s2] =	stream.indirect.scatter.add.f32 [tilespmem:s14], [sflag:$0x3], $0x80, s21, s17, $0xb8;
	[tilespmem:$0x17C00] =	vst v63  }
0x50: {  	_ =	swait.ge [sflag:s18], $0x1400  }
0x51: {  	[sflag:s18] =	ssyncset.done $0x0  }
0x52: {  	[sflag:s18] =	ssyncadd.s32 $0xFFFFEC00  }
0x53: {  	_ =	swait.ge [sflag:s20], $0x1400  }
0x54: {  	s23 =	sadd.s32 $0x1, s23;
	[sflag:s20] =	ssyncset.done $0x0  }
0x55: {  	p0 =	sne.s32 s23, s9;
	[sflag:s20] =	ssyncadd.s32 $0xFFFFEC00  }
.Ltmp1:
0x56: {  	[bflag:$0x0] =	sbarrier.arrive $0xFFFF;
	(pc) =	sbr.rel @p0 .LBB2_1-.Ltmp1, $4  }
0x57: {  	[hbm:s22], [sflag:s5] =	dma.local [spmem:s12], $0x2800  }
0x58: {  	_ =	swait.ge [sflag:s13], $0x2800  }
0x59: {  	[sflag:s13] =	ssyncset.done $0x0  }
0x5a: {  	[sflag:s13] =	ssyncadd.s32 $0xFFFFD800  }
0x5b: {  	_ =	sfence.sel $0x180000  }
0x5c: {  	[bflag:$0x0] =	sbarrier.arrive $0xFFFF  }
0x5d: {  	p0 =	sne.s32 s1, $0x0;
	_ =	strace $0x9000004A  }
0x5e: {  	s0 =	sadd.s32 @!p0 $0x100000, s0;
	[bflag:$0x2] =	sbarrier.arrive $0xFFFF  }
0x5f: {  	[sflag:s0] =	ssyncadd.tile.s32 @!p0 $0x1;
	_ =	shalt  }
.Lfunc_end2:
_tile_overlayer_lowered:
.L_overlay_start_2:
0x60: {  	(tag) =	ssettag $0x2  }
0x61: {  	s0 =	rddreg [dreg:$0x0];
	s2 =	stileid.u32  }
0x62: {  	s1 =	rddreg [dreg:$0x1];
	p0 =	sne.s32 s2, $0x0  }
0x63: {  	s3 =	rddreg [dreg:$0x2];
	[bflag:$0x3] =	sbarrier.arrive $0xFFFF;
	s2 =	simm.s32 @!p0 $0x1C05  }
0x64: {  	[timem:s3], [sflag:s2] =	dma.local @!p0 [hbm:s0], s1  }
0x65: {  	s0 =	simm.s32 @!p0 $0x5  }
0x66: {  	_ =	swait.ge @!p0 [sflag:s0], s1  }
0x67: {  	s1 =	ssub.s32 @!p0 $0x0, s1;
	[sflag:s0] =	ssyncset.done @!p0 $0x0  }
0x68: {  	[sflag:s0] =	ssyncadd.s32 @!p0 s1  }
0x69: {  	[bflag:$0x3] =	sbarrier.arrive $0xFFFF  }
0x6a: {  	_ =	shalt  }

// kernel: kernel.16.cloned.1.call-start
scs
__scs_entry_jumppad:
0x0: {  	(pc) =	sbr.rel $0x88, $3  }
0x1: {  	(tag) =	ssettag $0x0;
	lr =	simm.s32 $0x1  }
0x2: {  	[smem:$0x3F8B] =	sst lr;
	_ =	strace $0xD0000000  }
0x3: {  	_ = 	snop  }
0x4: {  	_ = 	snop  }
0x5: {  	_ = 	snop  }
0x6: {  	_ = 	snop  }
0x7: {  	_ = 	snop  }
__scs_overlays_trampoline_lowered:
0x8: {  	[smem:$0x3F9A] =	sst s0  }
0x9: {  	[smem:$0x3F9B] =	sst s1  }
0xa: {  	[smem:$0x3F9C] =	sst s2  }
0xb: {  	[smem:$0x3F9D] =	sst s3  }
0xc: {  	[smem:$0x3F9E] =	sst s4  }
0xd: {  	[smem:$0x3F9F] =	sst s5  }
0xe: {  	[smem:$0x3FA0] =	sst s6  }
0xf: {  	[smem:$0x3FA1] =	sst s7  }
0x10: {  	[smem:$0x3FA2] =	sst s8  }
0x11: {  	[smem:$0x3FA3] =	sst s9;
	s0 =	simm.s32 @!p0 $0x0  }
0x12: {  	s1 =	sld [smem:$0x3F89];
	s0 =	simm.s32 @p0 $0x1  }
0x13: {  	[smem:$0x3FA4] =	sst s0;
	s0 =	simm.s32 @!p1 $0x0  }
0x14: {  	s2 =	sld [smem:$0x3F88];
	s0 =	simm.s32 @p1 $0x1  }
0x15: {  	[smem:$0x3FA5] =	sst s0;
	s0 =	simm.s32 @!p2 $0x0  }
0x16: {  	s3 =	sld [smem:$0x3FDB];
	s0 =	simm.s32 @p2 $0x1  }
0x17: {  	s4 =	simm.s32 $0x1BF5;
	[smem:$0x3FA7] =	sst s0  }
0x18: {  	s0 =	sld [smem:$0x3F8A];
	_ =	swait.ge [sflag:s4], $0x0  }
0x19: {  	s7 =	sld [smem:$0x3F8B]  }
0x1a: {  	s8 =	sadd.s32 $0xFFFFE003, lr  }
0x1b: {  	s9 =	sadd.s32 $0xFFFFFEF7, lr;
	s5 =	simm.s32 $0xFFFFFFFF;
	p2 =	slt.u32 s8, $0xFFFFF086  }
0x1c: {  	p1 =	slt.u32 s9, $0xF7A;
	s5 =	simm.s32 @!p2 $0x0  }
0x1d: {  	s5 =	simm.s32 @p1 $0x1;
	p0 =	seq.s32 s7, s2  }
0x1e: {  	s7 =	smul.u32 @!p0 $0xF7A, s2;
	p2 =	seq.s32 @!p0 s5, $0x0  }
0x1f: {  	s9 =	smul.u32 $0xF7A, s1;
	s8 =	simm.s32 @!p0 $0x1BF5;
	p2 =	por !p2, p0  }
0x20: {  	[sflag:s8] =	ssyncset.s32 @!p0 $0xFFFFF086;
	s6 =	sadd.s32 @!p0 s3, s7;
	s7 =	simm.s32 @!p0 $0x108  }
0x21: {  	s3 =	sadd.s32 s3, s9;
	s6 =	sadd.s32 @!p0 $0x88, s6;
	s7 =	simm.s32 @p2 $0x1082  }
0x22: {  	[simem:s7], [sflag:s8] =	dma.local @!p0 [hbm:s6], $0xF7A  }
0x23: {  	s9 =	sor.u32 $0xD0000000, s2;
	s6 =	simm.s32 $0x108;
	_ =	swait.ge @!p0 [sflag:s8], $0x0  }
0x24: {  	s3 =	sadd.s32 $0x88, s3;
	s6 =	simm.s32 @!p1 $0x1082;
	[sflag:s4] =	ssyncset.s32 $0xFFFFF086  }
0x25: {  	[simem:s6], [sflag:s4] =	dma.local [hbm:s3], $0xF7A  }
0x26: {  	[smem:$0x3F8B] =	sst s1;
	(tag) =	ssettag s2;
	_ =	strace s9  }
0x27: {  	s1 =	sld [smem:$0x3F9B]  }
0x28: {  	s2 =	sld [smem:$0x3F9C]  }
0x29: {  	s4 =	sld [smem:$0x3F9E]  }
0x2a: {  	p0 =	seq.s32 s5, $0x0;
	s5 =	sld [smem:$0x3F9F]  }
0x2b: {  	s6 =	sld [smem:$0x3FA0]  }
0x2c: {  	s7 =	sld [smem:$0x3FA1]  }
0x2d: {  	s3 =	simm.s32 $0x108;
	s8 =	sld [smem:$0x3FA2]  }
0x2e: {  	s3 =	simm.s32 @!p0 $0x1082;
	s9 =	sld [smem:$0x3FA3]  }
0x2f: {  	lr =	sadd.s32 s0, s3;
	s0 =	sld [smem:$0x3F9A]  }
0x30: {  	s3 =	sld [smem:$0x3F9D]  }
0x31: {  	[smem:$0x3FA6] =	sst s10  }
0x32: {  	s10 =	sld [smem:$0x3FA4];
	_ =	sdelay $0x3  }
0x33: {  	p0 =	seq.s32 s10, $0x1;
	s10 =	sld [smem:$0x3FA6];
	_ =	sdelay $0x3  }
0x34: {  	[smem:$0x3FA6] =	sst s10  }
0x35: {  	s10 =	sld [smem:$0x3FA5];
	_ =	sdelay $0x3  }
0x36: {  	p1 =	seq.s32 s10, $0x1;
	s10 =	sld [smem:$0x3FA6];
	_ =	sdelay $0x3  }
0x37: {  	[smem:$0x3FA6] =	sst s10  }
0x38: {  	s10 =	sld [smem:$0x3FA7]  }
0x39: {  	_ = 	snop;
	(pc) =	sbr.ind lr, $3  }
0x3a: {  	_ = 	snop  }
0x3b: {  	_ = 	snop  }
0x3c: {  	p2 =	seq.s32 s10, $0x1;
	s10 =	sld [smem:$0x3FA6]  }
0x3d: {  	_ =	shalt  }
0x3e: {  	_ =	shalt  }
0x3f: {  	_ =	shalt  }
0x40: {  	_ =	shalt  }
0x41: {  	_ =	shalt  }
0x42: {  	_ =	shalt  }
0x43: {  	_ =	shalt  }
0x44: {  	_ =	shalt  }
0x45: {  	_ =	shalt  }
0x46: {  	_ =	shalt  }
0x47: {  	_ =	shalt  }
0x48: {  	_ =	shalt  }
0x49: {  	_ =	shalt  }
0x4a: {  	_ =	shalt  }
0x4b: {  	_ =	shalt  }
0x4c: {  	_ =	shalt  }
0x4d: {  	_ =	shalt  }
0x4e: {  	_ =	shalt  }
0x4f: {  	_ =	shalt  }
0x50: {  	_ =	shalt  }
0x51: {  	_ =	shalt  }
0x52: {  	_ =	shalt  }
0x53: {  	_ =	shalt  }
0x54: {  	_ =	shalt  }
0x55: {  	_ =	shalt  }
0x56: {  	_ =	shalt  }
0x57: {  	_ =	shalt  }
0x58: {  	_ =	shalt  }
0x59: {  	_ =	shalt  }
0x5a: {  	_ =	shalt  }
0x5b: {  	_ =	shalt  }
0x5c: {  	_ =	shalt  }
0x5d: {  	_ =	shalt  }
0x5e: {  	_ =	shalt  }
0x5f: {  	_ =	shalt  }
0x60: {  	_ =	shalt  }
0x61: {  	_ =	shalt  }
0x62: {  	_ =	shalt  }
0x63: {  	_ =	shalt  }
0x64: {  	_ =	shalt  }
0x65: {  	_ =	shalt  }
0x66: {  	_ =	shalt  }
0x67: {  	_ =	shalt  }
0x68: {  	_ =	shalt  }
0x69: {  	_ =	shalt  }
0x6a: {  	_ =	shalt  }
0x6b: {  	_ =	shalt  }
0x6c: {  	_ =	shalt  }
0x6d: {  	_ =	shalt  }
0x6e: {  	_ =	shalt  }
0x6f: {  	_ =	shalt  }
0x70: {  	_ =	shalt  }
0x71: {  	_ =	shalt  }
0x72: {  	_ =	shalt  }
0x73: {  	_ =	shalt  }
0x74: {  	_ =	shalt  }
0x75: {  	_ =	shalt  }
0x76: {  	_ =	shalt  }
0x77: {  	_ =	shalt  }
0x78: {  	_ =	shalt  }
0x79: {  	_ =	shalt  }
0x7a: {  	_ =	shalt  }
0x7b: {  	_ =	shalt  }
0x7c: {  	_ =	shalt  }
0x7d: {  	_ =	shalt  }
0x7e: {  	_ =	shalt  }
0x7f: {  	_ =	shalt  }
0x80: {  	_ =	shalt  }
0x81: {  	_ =	shalt  }
0x82: {  	_ =	shalt  }
0x83: {  	_ =	shalt  }
0x84: {  	_ =	shalt  }
0x85: {  	_ =	shalt  }
0x86: {  	_ =	shalt  }
0x87: {  	_ =	shalt  }
.Lfunc_end0:
.L_simem_size_0:
called_computation.2_lowered:
.L_overlay_start_0:
0x88: {  	s2 =	sld [smem:$0x3FD9]  }
0x89: {  	s3 =	sld [smem:$0x3FFE];
	_ =	sdelay $0x1  }
0x8a: {  	s1 =	srdreg.scid  }
0x8b: {  	s0 =	sand.u32 $0x1, s1  }
0x8c: {  	s14 =	sshll.u32 s0, $0xA;
	s2 =	sadd.s32 s3, s2  }
0x8d: {  	s2 =	sadd.s32 s2, s14  }
0x8e: {  	[smem:$0x3FB2] =	sst s2  }
0x8f: {  	_ = 	snop  }
0x90: {  	s2 =	sld [smem:$0x3FD0];
	_ =	sdelay $0x2  }
0x91: {  	s15 =	simm.s32 $0xA;
	s4 =	simm.s32 $0x10  }
0x92: {  	[smem:s4], [sflag:s15] =	dma.local [hbm:s2], $0x1  }
0x93: {  	_ =	swait.eq [sflag:s15], $0x1  }
0x94: {  	[sflag:s15] =	ssyncset.done $0x0  }
0x95: {  	[sflag:s15] =	ssyncadd.s32 $0xFFFFFFFF  }
0x96: {  	s16 =	sld [smem:$0x11];
	(tm) =	ssettm $0x1  }
0x97: {  	s17 =	sld [smem:$0x3FFB];
	_ =	sdelay $0x3  }
0x98: {  	_ =	strace s17  }
0x99: {  	s3 =	sld [smem:$0x3FFC];
	_ =	sdelay $0x3  }
0x9a: {  	_ =	strace s3  }
0x9b: {  	s3 =	sld [smem:$0x3FFD];
	_ =	sdelay $0x3  }
0x9c: {  	_ =	strace s3  }
0x9d: {  	_ =	strace $0x8FFFFFFF  }
0x9e: {  	s18 =	sld [smem:$0x3FDB];
	_ =	sdelay $0x1  }
0x9f: {  	s19 =	simm.s32 $_scs_section_size  }
0xa0: {  	s5 =	simm.s32 $_size__tile_overlayer_lowered;
	s6 =	simm.s32 $_tile_overlayer_lowered  }
0xa1: {  	s22 =	simm.s32 $0x1BFF;
	s21 =	sshll.u32 s6, $0x1;
	s3 =	sadd.s32 s19, s18  }
0xa2: {  	s7 =	simm.s32 $0x0;
	s20 =	sshll.u32 s5, $0x1;
	s5 =	sadd.s32 s21, s3  }
0xa3: {  	[timem:s7], [sflag:s22] =	dma.local [hbm:s5], s20  }
0xa4: {  	_ =	swait.ge [sflag:s22], s20  }
0xa5: {  	s4 =	ssub.s32 $0x0, s20;
	[sflag:s22] =	ssyncset.done $0x0  }
0xa6: {  	[sflag:s22] =	ssyncadd.s32 s4;
	_ =	sdelay $0x1  }
0xa7: {  	s23 =	simm.s32 $0x1B8B  }
0xa8: {  	_ =	swait.ge [sflag:s23], $0x1  }
0xa9: {  	[sflag:s23] =	ssyncset.done $0x0  }
0xaa: {  	s25 =	simm.s32 $0x1B8E;
	s24 =	sld [smem:$0x3FFE];
	[sflag:s23] =	ssyncadd.s32 $0xFFFFFFFF  }
0xab: {  	s26 =	simm.s32 $execute0_lowered;
	[smem:$0x3FD2] =	sst s25  }
0xac: {  	s5 =	sshll.u32 s26, $0x1;
	_ =	strace $0x8000004C;
	[dreg:$0x1] =	wrdreg $0xFFFFFFFF  }
0xad: {  	s28 =	simm.s32 $_size_execute0_lowered;
	s3 =	sadd.s32 s3, s5;
	[dreg:$0x0] =	wrdreg $0x0  }
0xae: {  	s5 =	sshll.u32 s28, $0x1;
	[dreg:$0x2] =	wrdreg s3  }
0xaf: {  	[dreg:$0x3] =	wrdreg s5  }
0xb0: {  	[dreg:$0x4] =	wrdreg $0xC0  }
0xb1: {  	_ =	task [dreg:s7], $0x5FFFF  }
0xb2: {  	[dreg:$0x1] =	wrdreg $0xFFFFFFFF  }
0xb3: {  	[dreg:$0x0] =	wrdreg $0x60  }
0xb4: {  	[dreg:$0x2] =	wrdreg s16  }
0xb5: {  	[dreg:$0x3] =	wrdreg s24  }
0xb6: {  	[dreg:$0x4] =	wrdreg $0x9  }
0xb7: {  	_ =	task.clear_ibuf [dreg:s7], $0x5FFFF;
	_ =	strace $0x9000004C  }
0xb8: {  	s29 =	simm.s32 $0x9;
	_ =	strace $0x8000004E  }
0xb9: {  	_ =	swait.ge [sflag:s29], $0x1  }
0xba: {  	[sflag:s29] =	ssyncadd.s32 $0xFFFFFFFF  }
0xbb: {  	_ =	strace $0x9000004E  }
0xbc: {  	_ =	sfence  }
0xbd: {  	s30 =	sld [smem:$0x0];
	_ =	sdelay $0x2  }
0xbe: {  	s31 =	sshll.u32 s1, $0xD;
	s1 =	sshrl.u32 s1, $0x2  }
0xbf: {  	s3 =	sand.u32 $0x4000, s31;
	s1 =	sadd.s32 s1, s30  }
0xc0: {  	s0 =	sor.u32 s3, s0;
	s1 =	sshll.u32 s1, $0x11  }
0xc1: {  	s0 =	sor.u32 s1, s0  }
0xc2: {  	s0 =	sadd.s32 $0x8F2B, s0  }
0xc3: {  	[sflag:s0] =	ssyncadd.remote.s32 $0x1  }
0xc4: {  	_ =	sfence.sel $0xFFFF  }
0xc5: {  	[dreg:$0x0] =	wrdreg $0xFFFFFFFF;
	(pc) =	sbr.abs _section_cstart, $3  }
0xc6: {  	[dreg:$0x1] =	wrdreg $0xFFFFFFFF  }
0xc7: {  	_ =	task.clear_ibuf [dreg:s7], $0x2FFFF;
	_ =	strace $0x9FFFFFFF  }
0xc8: {  	(tm) =	ssettm $0x7FFFFFFF  }
0xc9: {  	_ =	shalt  }
tec
execute0_lowered:
.L_overlay_start_1:
0x0: {  	(tag) =	ssettag $0x1  }
0x1: {  	s1 =	srdreg.scid;
	s2 =	rddreg [dreg:$0x0]  }
0x2: {  	s0 =	stileid.u32;
	s6 =	rddreg [dreg:$0x1];
	s4 =	simm.s32 $0x0  }
0x3: {  	s10 =	simm.s32 $0x1400;
	s11 =	simm.s32 $0xC8;
	s12 =	simm.s32 $0x2800  }
0x4: {  	s13 =	simm.s32 $0x8C00;
	s14 =	simm.s32 $0xF000;
	s15 =	simm.s32 $0x14C8  }
0x5: {  	s16 =	simm.s32 $0x15400;
	s5 =	sand.u32 $0x1, s1;
	s31 =	sshll.u32 s0, $0x1  }
0x6: {  	s17 =	simm.s32 $0x1;
	s18 =	simm.s32 $0x3;
	s1 =	sor.u32 s5, s31  }
0x7: {  	s19 =	simm.s32 $0x4;
	s20 =	simm.s32 $0x2;
	s3 =	smul.u32 $0x1388, s1  }
.Ltmp0:
0x8: {  	s21 =	simm.s32 $0x0;
	[smem:$0x7FF] =	sst s4;
	(pc) =	sbr.rel .LBB2_1-.Ltmp0, $4  }
0x9: {  	s8 =	ssub.s32 $0x2, s5;
	s5 =	sadd.s32 $0xDC00, s6;
	s1 =	rddreg [dreg:$0x2]  }
0xa: {  	_ =	strace $0x8000004D;
	s9 =	sshrl.u32 s8, $0x1;
	s7 =	sshrl.u32 s3, $0x3  }
0xb: {  	s8 =	ssub.s32 s8, s9;
	s9 =	simm.s32 $0x5;
	s7 =	sadd.s32 s7, s6  }
0xc: {  	s8 =	smax.u32 s8, $0x1;
	s6 =	sadd.s32 $0x3C00, s7;
	s7 =	sadd.s32 $0x8C00, s7  }
.LBB2_10:
0xd: {  	s21 =	sadd.s32 $0x1, s21  }
0xe: {  	_ =	swait.ge [sflag:s18], $0x6400;
	p0 =	sne.s32 s21, s8  }
.Ltmp1:
0xf: {  	[sflag:s18] =	ssyncset.done $0x0;
	(pc) =	sbr.rel @!p0 .LBB2_11-.Ltmp1, $4  }
0x10: {  	[sflag:s18] =	ssyncadd.s32 $0xFFFF9C00  }
0x11: {  	_ =	swait.ge [sflag:s19], $0x6400  }
0x12: {  	[sflag:s19] =	ssyncset.done $0x0  }
0x13: {  	[sflag:s19] =	ssyncadd.s32 $0xFFFF9C00  }
.LBB2_1:
0x14: {  	[tilespmem:s4], [sflag:$0x5] =	stream.linear.gather [hbm4b:s6+s4], $0x1388, $0x38;
	[tilespmem:$0x1B800] =	vst v63  }
0x15: {  	_ =	swait.ge [sflag:s9], $0x1388  }
0x16: {  	[sflag:s9] =	ssyncset.done $0x0  }
0x17: {  	[sflag:s9] =	ssyncadd.s32 $0xFFFFEC78  }
0x18: {  	[tilespmem:s10], [sflag:$0x5] =	stream.linear.gather [hbm4b:s7+s4], $0x1388, $0x38;
	[tilespmem:$0x1B800] =	vst v63  }
0x19: {  	_ =	swait.ge [sflag:s9], $0x1388  }
0x1a: {  	[sflag:s9] =	ssyncset.done $0x0  }
0x1b: {  	[sflag:s9] =	ssyncadd.s32 $0xFFFFEC78  }
0x1c: {  	[tilespmem:s12], [sflag:$0x1] =	stream.indirect.gather [hbm4b:s2+s11], $0x80, s4, s11, $0xb8;
	[tilespmem:$0x1B800] =	vst v63  }
0x1d: {  	_ = 	snop  }
0x1e: {  	[tilespmem:s13], [sflag:$0x1] =	stream.indirect.gather [hbm4b:s2+s11], $0x80, s10, s11, $0xb8;
	[tilespmem:$0x1B800] =	vst v63  }
.Ltmp2:
0x1f: {  	_ = 	snop;
	(pc) =	sbr.rel .LBB2_2-.Ltmp2, $4  }
0x20: {  	_ = 	snop  }
0x21: {  	[tilespmem:s14], [sflag:$0x2] =	stream.indirect.gather [hbm4b:s2+s11], $0x80, s11, s11, $0xb8;
	[tilespmem:$0x1B800] =	vst v63  }
0x22: {  	s22 =	simm.s32 $0x0  }
0x23: {  	[tilespmem:s16], [sflag:$0x2] =	stream.indirect.gather [hbm4b:s2+s11], $0x80, s15, s11, $0xb8;
	[tilespmem:$0x1B800] =	vst v63  }
.LBB2_9:
0x24: {  	s22 =	sadd.s32 $0x1, s22  }
0x25: {  	p0 =	sne.s32 s22, $0xD  }
.Ltmp3:
0x26: {  	_ = 	snop;
	(pc) =	sbr.rel @!p0 .LBB2_10-.Ltmp3, $1  }
0x27: {  	_ =	sdelay $0x3  }
.LBB2_2:
0x28: {  	_ =	swait.ge [sflag:s17], $0x6400  }
0x29: {  	[sflag:s17] =	ssyncset.done $0x0  }
0x2a: {  	[sflag:s17] =	ssyncadd.s32 $0xFFFF9C00  }
0x2b: {  	_ =	swait.ge [sflag:s17], $0x6400  }
0x2c: {  	[sflag:s17] =	ssyncset.done $0x0  }
0x2d: {  	s24 =	simm.s32 $0xFFFF9C00;
	[sflag:s17] =	ssyncadd.s32 $0xFFFF9C00  }
0x2e: {  	v0 =	vld [tilespmem:s24+$0xF030]  }
0x2f: {  	s23 =	simm.s32 $0xFFFE7200;
	v1 =	vld [tilespmem:s24+$0xF020]  }
.LBB2_3:
0x30: {  	p0 =	sne.s32 s23, $0xFFFFFE00  }
.Ltmp4:
0x31: {  	_ = 	snop;
	(pc) =	sbr.rel @p0 .LBB2_3-.Ltmp4, $4  }
0x32: {  	_ = 	snop  }
0x33: {  	s25 =	sshra.s32 s23, $0x2;
	s23 =	sadd.s32 $0x200, s23;
	[tilespmem:s24+$0x8C30] =	vst v0  }
0x34: {  	v0 =	vld [tilespmem:s25+$0xF030];
	[tilespmem:s24+$0x8C20] =	vst v1;
	s24 =	smov.u32 s25  }
0x35: {  	v1 =	vld [tilespmem:s24+$0xF020]  }
0x36: {  	s23 =	smul.u32 $0x190, s22;
	p0 =	seq.s32 s22, $0xC  }
.Ltmp5:
0x37: {  	_ = 	snop;
	(pc) =	sbr.rel @p0 .LBB2_10-.Ltmp5, $4  }
0x38: {  	s25 =	sadd.s32 s3, s23  }
0x39: {  	[tilespmem:s24+$0x8C30] =	vst v0;
	s25 =	sshll.u32 s25, $0x4  }
0x3a: {  	[tilespmem:s24+$0x8C20] =	vst v1;
	s31 =	sadd.s32 s5, s25  }
0x3b: {  	[hbm4b:s31+s4] =	stream.linear.scatter [tilespmem:s12], [sflag:$0x3], $0x6400, $0x38;
	[tilespmem:$0x1B800] =	vst v63  }
0x3c: {  	_ =	swait.ge [sflag:s18], $0x6400  }
0x3d: {  	[sflag:s18] =	ssyncset.done $0x0  }
0x3e: {  	s24 =	sadd.s32 $0x190, s23;
	[sflag:s18] =	ssyncadd.s32 $0xFFFF9C00  }
0x3f: {  	[tilespmem:s12], [sflag:$0x1] =	stream.indirect.gather [hbm4b:s2+s11], $0x80, s24, s11, $0xb8;
	[tilespmem:$0x1B800] =	vst v63  }
0x40: {  	s24 =	sshllo.u32 s22, $0x1  }
0x41: {  	p0 =	sgt.u32 s24, $0x18  }
.Ltmp6:
0x42: {  	_ = 	snop;
	(pc) =	sbr.rel @p0 .LBB2_9-.Ltmp6, $3  }
0x43: {  	_ =	sdelay $0x1  }
0x44: {  	s31 =	sadd.s32 $0x1590, s23  }
0x45: {  	[tilespmem:s13], [sflag:$0x1] =	stream.indirect.gather [hbm4b:s2+s11], $0x80, s31, s11, $0xb8;
	[tilespmem:$0x1B800] =	vst v63  }
0x46: {  	_ =	swait.ge [sflag:s20], $0x6400  }
0x47: {  	[sflag:s20] =	ssyncset.done $0x0  }
0x48: {  	[sflag:s20] =	ssyncadd.s32 $0xFFFF9C00  }
0x49: {  	_ =	swait.ge [sflag:s20], $0x6400  }
0x4a: {  	[sflag:s20] =	ssyncset.done $0x0  }
0x4b: {  	s25 =	simm.s32 $0xFFFF9C00;
	[sflag:s20] =	ssyncadd.s32 $0xFFFF9C00  }
0x4c: {  	v0 =	vld [tilespmem:s25+$0x1B830]  }
0x4d: {  	s26 =	simm.s32 $0xFFFE7200;
	v1 =	vld [tilespmem:s25+$0x1B820]  }
.LBB2_7:
0x4e: {  	p0 =	sne.s32 s26, $0xFFFFFE00  }
.Ltmp7:
0x4f: {  	_ = 	snop;
	(pc) =	sbr.rel @p0 .LBB2_7-.Ltmp7, $4  }
0x50: {  	_ = 	snop  }
0x51: {  	s28 =	sshra.s32 s26, $0x2;
	s26 =	sadd.s32 $0x200, s26;
	[tilespmem:s25+$0x15430] =	vst v0  }
0x52: {  	v0 =	vld [tilespmem:s28+$0x1B830];
	[tilespmem:s25+$0x15420] =	vst v1;
	s25 =	smov.u32 s28  }
0x53: {  	v1 =	vld [tilespmem:s25+$0x1B820]  }
0x54: {  	s24 =	smul.u32 $0xC8, s24;
	_ =	sdelay $0x1  }
0x55: {  	s24 =	sadd.s32 s3, s24  }
0x56: {  	[tilespmem:s25+$0x15430] =	vst v0;
	s24 =	sshll.u32 s24, $0x4  }
0x57: {  	p0 =	sgt.u32 s22, $0xA;
	[tilespmem:s25+$0x15420] =	vst v1;
	s24 =	sadd.s32 s5, s24  }
0x58: {  	[hbm4b:s24+s4] =	stream.linear.scatter [tilespmem:s14], [sflag:$0x4], $0x6400, $0x38;
	[tilespmem:$0x1B800] =	vst v63  }
0x59: {  	s24 =	simm.s32 @!p0 $0x4  }
0x5a: {  	_ =	swait.ge @!p0 [sflag:s24], $0x6400  }
.Ltmp8:
0x5b: {  	s26 =	simm.s32 @!p0 $0xF000;
	[sflag:s24] =	ssyncset.done @!p0 $0x0;
	(pc) =	sbr.rel .LBB2_9-.Ltmp8, $4  }
0x5c: {  	s25 =	simm.s32 @!p0 $0xC8;
	[sflag:s24] =	ssyncadd.s32 @!p0 $0xFFFF9C00;
	s24 =	sadd.s32 @!p0 $0x258, s23  }
0x5d: {  	[tilespmem:s26], [sflag:$0x2] =	stream.indirect.gather @!p0 [hbm4b:s2+s25], $0x80, s24, s25, $0xb8;
	[tilespmem:$0x1B800] =	vst v63  }
0x5e: {  	s23 =	sadd.s32 @!p0 $0x1658, s23;
	s24 =	simm.s32 @!p0 $0x15400  }
0x5f: {  	[tilespmem:s24], [sflag:$0x2] =	stream.indirect.gather @!p0 [hbm4b:s2+s25], $0x80, s23, s25, $0xb8;
	[tilespmem:$0x1B800] =	vst v63  }
.LBB2_11:
0x60: {  	_ =	sfence.sel $0x180000  }
0x61: {  	[bflag:$0x0] =	sbarrier.arrive $0xFFFF  }
0x62: {  	p0 =	sne.s32 s0, $0x0;
	_ =	strace $0x9000004D  }
0x63: {  	s0 =	sadd.s32 @!p0 $0x100000, s1;
	[bflag:$0x2] =	sbarrier.arrive $0xFFFF  }
0x64: {  	[sflag:s0] =	ssyncadd.tile.s32 @!p0 $0x1;
	_ =	shalt  }
.Lfunc_end2:
_tile_overlayer_lowered:
.L_overlay_start_2:
0x65: {  	(tag) =	ssettag $0x2  }
0x66: {  	s0 =	rddreg [dreg:$0x0];
	s2 =	stileid.u32  }
0x67: {  	s1 =	rddreg [dreg:$0x1];
	p0 =	sne.s32 s2, $0x0  }
0x68: {  	s3 =	rddreg [dreg:$0x2];
	[bflag:$0x3] =	sbarrier.arrive $0xFFFF;
	s2 =	simm.s32 @!p0 $0x1C05  }
0x69: {  	[timem:s3], [sflag:s2] =	dma.local @!p0 [hbm:s0], s1  }
0x6a: {  	s0 =	simm.s32 @!p0 $0x5  }
0x6b: {  	_ =	swait.ge @!p0 [sflag:s0], s1  }
0x6c: {  	s1 =	ssub.s32 @!p0 $0x0, s1;
	[sflag:s0] =	ssyncset.done @!p0 $0x0  }
0x6d: {  	[sflag:s0] =	ssyncadd.s32 @!p0 s1  }
0x6e: {  	[bflag:$0x3] =	sbarrier.arrive $0xFFFF  }
0x6f: {  	_ =	shalt  }

</sc_bundles>
